<compile_context>
chip_gen: v7x
topology: tpu7x:2x2x1
jax: 0.10.2.dev20260603
libtpu: 0.0.44.dev20260713+nightly
codegen_flags: <defaults>
</compile_context>

<pallas_src>
import functools

import numpy as np

import jax
import jax.numpy as jnp
from jax import lax
from jax.experimental import pallas as pl
from jax.experimental.pallas import tpu as pltpu
from jax.experimental.pallas import tpu_sc as plsc

S = 2048
D = 1024
E = 8
K = 2
NC, NS, L = 2, 16, 16
NW = NC * NS
TW = S // NW

NEG = -3.0e38


def _lane():
    return lax.broadcasted_iota(jnp.int32, (L,), 0)


def _prefix_total(x, buf):
    acc = x
    for k in (1, 2, 4, 8):
        buf[pl.ds(L, L)] = acc
        acc = acc + buf[pl.ds(L - k, L)]
    suf = x
    for k in (1, 2, 4, 8):
        buf[pl.ds(L, L)] = suf
        suf = suf + buf[pl.ds(L + k, L)]
    return acc, acc + suf - x


def _sc_routing_body(rs_hbm, ms_hbm, cnt_hbm,
                     rs_v, ms_v, cnt_v, sbuf):
    wid = lax.axis_index("s") * NC + lax.axis_index("c")
    base = wid * TW
    pltpu.sync_copy(rs_hbm.at[wid], rs_v)
    lane = _lane()
    zero = jnp.zeros((L,), jnp.int32)
    sbuf[pl.ds(0, L)] = zero
    sbuf[pl.ds(2 * L, L)] = zero
    cnt_acc = zero
    for c in range(TW // L):
        sl = pl.ds(c * L, L)
        v0 = rs_v[0, sl]
        i0 = jnp.zeros((L,), jnp.int32)
        for e in range(1, E):
            cand = rs_v[e, sl]
            m = cand > v0
            v0 = jnp.where(m, cand, v0)
            i0 = jnp.where(m, e, i0)
        v1 = jnp.full((L,), NEG, jnp.float32)
        i1 = jnp.zeros((L,), jnp.int32)
        for e in range(E):
            cand = rs_v[e, sl]
            m = (cand > v1) & (i0 != e)
            v1 = jnp.where(m, cand, v1)
            i1 = jnp.where(m, e, i1)
        sc = 1.0 / (v0 + v1 + 1e-08)
        wa = v0 * sc
        wb = v1 * sc
        for e in range(E):
            mi = jnp.where(i0 == e, 1, 0) + jnp.where(i1 == e, 1, 0)
            _, tot = _prefix_total(mi, sbuf)
            cnt_acc += jnp.where(lane == e, tot, 0)
            ms_v[e, sl] = (jnp.where(i0 == e, wa, 0.0)
                           + jnp.where(i1 == e, wb, 0.0))
    cnt_v[...] = cnt_acc
    for e in range(E):
        pltpu.sync_copy(ms_v.at[e], ms_hbm.at[e, pl.ds(base, TW)])
    pltpu.sync_copy(cnt_v, cnt_hbm.at[wid])


_sc_mesh = plsc.VectorSubcoreMesh(
    core_axis_name="c", subcore_axis_name="s", num_cores=NC, num_subcores=NS)

_routing = pl.kernel(
    _sc_routing_body,
    out_type=[
        jax.ShapeDtypeStruct((E, S), jnp.float32),
        jax.ShapeDtypeStruct((NW, L), jnp.int32),
    ],
    mesh=_sc_mesh,
    scratch_types=[
        pltpu.VMEM((E, TW), jnp.float32),
        pltpu.VMEM((E, TW), jnp.float32),
        pltpu.VMEM((L,), jnp.int32),
        pltpu.VMEM((3 * L,), jnp.int32),
    ],
)


def _tc_moe_body(ms_ref, x_ref, w_ref, b_ref, out_ref):
    e = pl.program_id(0)
    x = x_ref[...]
    y = jnp.dot(x, w_ref[0], preferred_element_type=jnp.float32)
    ms = ms_ref[...]
    lane = lax.broadcasted_iota(jnp.int32, ms.shape, 1)
    col = jnp.sum(jnp.where(lane == e, ms, 0.0), axis=1, keepdims=True)
    contrib = col * (y + b_ref[0])

    @pl.when(e == 0)
    def _init():
        out_ref[...] = contrib

    @pl.when(e != 0)
    def _acc():
        out_ref[...] += contrib


@jax.jit
def kernel(x, routing_scores, expert_w, expert_b):
    B = x.shape[0]
    x2 = x.reshape(S, D)
    rs_w = routing_scores.reshape(NW, TW, E).transpose(0, 2, 1)

    ms_t, cnt_all = _routing(rs_w)
    counts = jnp.sum(cnt_all, axis=0)[:E].astype(jnp.int32)
    ms = ms_t.T

    out = pl.pallas_call(
        _tc_moe_body,
        grid=(E,),
        in_specs=[
            pl.BlockSpec((S, E), lambda e: (0, 0)),
            pl.BlockSpec((S, D), lambda e: (0, 0)),
            pl.BlockSpec((1, D, D), lambda e: (e, 0, 0)),
            pl.BlockSpec((1, 1, D), lambda e: (e, 0, 0)),
        ],
        out_specs=pl.BlockSpec((S, D), lambda e: (0, 0)),
        out_shape=jax.ShapeDtypeStruct((S, D), jnp.float32),
        compiler_params=pltpu.CompilerParams(
            dimension_semantics=("arbitrary",),
        ),
    )(ms, x2, expert_w, expert_b.reshape(E, 1, D))

    return out.reshape(B, S, D), counts

# --- scband reference (transcript-rebuilt; emitter-appended) ---
"""Pipeline reference for scband-ffnglobal-context-expert-fusion-49469433315518 (READ-ONLY COPY).

The authoritative reference and input builder live on the scoring server;
editing this copy changes nothing except your own understanding.
"""

import jax, jax.numpy as jnp
import numpy as np

K = 2

def setup_inputs(seed: int = 0) -> dict:
    key = jax.random.key(seed)
    k1, k2, k3, k4 = jax.random.split(key, 4)
    x = jax.random.normal(k1, (1, 2048, 1024), dtype=jnp.float32)
    routing_scores = jax.random.normal(k2, (1, 2048, 8), dtype=jnp.float32)
    expert_w = jax.random.normal(k3, (8, 1024, 1024), dtype=jnp.float32) * 0.02
    expert_b = jax.random.normal(k4, (8, 1024), dtype=jnp.float32) * 0.02
    return {"x": x, "routing_scores": routing_scores, "expert_w": expert_w, "expert_b": expert_b}

def reference(x, routing_scores, expert_w, expert_b):
    # top_k_mask: topk over experts, boolean scatter mask, scale = 1/(sum topk values + eps)
    num_experts = routing_scores.shape[-1]
    values, indices = jax.lax.top_k(routing_scores, K)
    mask = jnp.any(jax.nn.one_hot(indices, num_experts, dtype=bool), axis=-2)  # scatter True at topk indices
    scale = 1.0 / (jnp.sum(values, axis=-1, keepdims=True) + 1e-08)
    masked_scores = scale * routing_scores * mask.astype(x.dtype)  # (B, S, E)
    # Each expert i is a Linear(D, D): expert_output_i = x @ W_i + b_i, computed over ALL tokens
    # (faithful to the torch loop which calls experts[i](x) on the full input).
    expert_out = jnp.einsum('bsd,edo->beso', x, expert_w) + expert_b[None, :, None, :]
    # Weighted accumulation of active tokens: mask is already folded into masked_scores.
    final_output = jnp.einsum('bse,beso->bso', masked_scores, expert_out)
    expert_counts = jnp.sum(mask, axis=(0, 1)).astype(jnp.int32)  # binary_mask.sum(0).sum(0)
    return (final_output, expert_counts)

if __name__ == "__main__":
    import jax
    _d = setup_inputs()
    print(jax.jit(kernel)(*tuple(_d.values())))

</pallas_src>

<mosaic_0001>
#map = affine_map<(d0, d1) -> (0, 0, 0)>
#map1 = affine_map<(d0, d1) -> (0, 0)>
module attributes {stable_mosaic.version = 14 : i64} {
  func.func @_sc_routing_body(%arg0: i32, %arg1: i32, %arg2: memref<32x8x64xf32, #tpu.memory_space<hbm>>, %arg3: memref<8x2048xf32, #tpu.memory_space<hbm>>, %arg4: memref<32x16xi32, #tpu.memory_space<hbm>>, %arg5: memref<8x64xf32, #tpu.memory_space<vmem>>, %arg6: memref<8x64xf32, #tpu.memory_space<vmem>>, %arg7: memref<16xi32, #tpu.memory_space<vmem>>, %arg8: memref<48xi32, #tpu.memory_space<vmem>>) attributes {dimension_semantics = [#tpu.dimension_semantics<core_parallel>, #tpu.dimension_semantics<subcore_parallel>], iteration_bounds = array<i64: 2, 16>, scalar_prefetch = 0 : i64, scratch_operands = 4 : i64, tpu.core_type = #tpu.core_type<sc_vector_subcore>, window_params = [{transform_indices = #map}, {transform_indices = #map1}, {transform_indices = #map1}]} {
    %mul3A = arith.constant 2 : i32
    %mul3A_0 = arith.muli %arg1, %mul3A : i32
    %add3A = arith.addi %mul3A_0, %arg0 : i32
    %mul3A_1 = arith.constant 64 : i32
    %mul3A_2 = arith.muli %add3A, %mul3A_1 : i32
    "tpu.region"() ({
      %run_scoped3A_4317 = tpu.sem_alloc : memref<!tpu.dma_semaphore, #tpu.memory_space<semaphore_mem>>
      %dma_start3A = arith.constant 0 : i32
      %dma_start3A_4318 = arith.constant 0 : i32
      %dma_start3A_4319 = tpu.memref_slice %arg2[%add3A, %dma_start3A, %dma_start3A_4318] : memref<32x8x64xf32, #tpu.memory_space<hbm>> -> memref<1x8x64xf32, #tpu.memory_space<hbm>>
      %dma_start3A_4320 = tpu.memref_squeeze %dma_start3A_4319 : memref<1x8x64xf32, #tpu.memory_space<hbm>> -> memref<8x64xf32, #tpu.memory_space<hbm>>
      %dma_start3A_4321 = arith.constant 0 : i32
      %dma_start3A_4322 = arith.constant 0 : i32
      %dma_start3A_4323 = tpu.memref_slice %arg2[%add3A, %dma_start3A_4321, %dma_start3A_4322] : memref<32x8x64xf32, #tpu.memory_space<hbm>> -> memref<1x8x64xf32, #tpu.memory_space<hbm>>
      %dma_start3A_4324 = tpu.memref_squeeze %dma_start3A_4323 : memref<1x8x64xf32, #tpu.memory_space<hbm>> -> memref<8x64xf32, #tpu.memory_space<hbm>>
      tpu.enqueue_dma source(%dma_start3A_4324 : memref<8x64xf32, #tpu.memory_space<hbm>>) target(%arg5 : memref<8x64xf32, #tpu.memory_space<vmem>>) target_semaphore(%run_scoped3A_4317 : memref<!tpu.dma_semaphore, #tpu.memory_space<semaphore_mem>>)
      %dma_wait3A = arith.constant 0 : i32
      %dma_wait3A_4325 = arith.constant 0 : i32
      %dma_wait3A_4326 = tpu.memref_slice %arg2[%add3A, %dma_wait3A, %dma_wait3A_4325] : memref<32x8x64xf32, #tpu.memory_space<hbm>> -> memref<1x8x64xf32, #tpu.memory_space<hbm>>
      %dma_wait3A_4327 = tpu.memref_squeeze %dma_wait3A_4326 : memref<1x8x64xf32, #tpu.memory_space<hbm>> -> memref<8x64xf32, #tpu.memory_space<hbm>>
      %dma_wait3A_4328 = arith.constant 0 : i32
      %dma_wait3A_4329 = arith.constant 0 : i32
      %dma_wait3A_4330 = tpu.memref_slice %arg2[%add3A, %dma_wait3A_4328, %dma_wait3A_4329] : memref<32x8x64xf32, #tpu.memory_space<hbm>> -> memref<1x8x64xf32, #tpu.memory_space<hbm>>
      %dma_wait3A_4331 = tpu.memref_squeeze %dma_wait3A_4330 : memref<1x8x64xf32, #tpu.memory_space<hbm>> -> memref<8x64xf32, #tpu.memory_space<hbm>>
      tpu.wait_dma2 semaphore(%run_scoped3A_4317 : memref<!tpu.dma_semaphore, #tpu.memory_space<semaphore_mem>>) src(%dma_wait3A_4331 : memref<8x64xf32, #tpu.memory_space<hbm>>) dst(%arg5 : memref<8x64xf32, #tpu.memory_space<vmem>>)
      tpu.yield
    }) : () -> ()
    %iota3A = tpu.iota {dimensions = array<i32: 0>} : vector<16xi32>
    %broadcast_in_dim3A = arith.constant 0 : i32
    %broadcast_in_dim3A_3 = vector.broadcast %broadcast_in_dim3A : i32 to vector<16xi32>
    %swap3A = arith.constant 0 : index
    %swap3A_4 = tpu.vector_load %arg8[%swap3A] {strides = array<i32>} : memref<48xi32, #tpu.memory_space<vmem>>, vector<16xi32>,
    %swap3A_5 = vector.shape_cast %swap3A_4 : vector<16xi32> to vector<16xi32>
    %swap3A_6 = vector.shape_cast %broadcast_in_dim3A_3 : vector<16xi32> to vector<16xi32>
    tpu.vector_store %arg8[%swap3A], %swap3A_6 {strides = array<i32>} : memref<48xi32, #tpu.memory_space<vmem>>, vector<16xi32>,
    %swap3A_7 = arith.constant 32 : index
    %swap3A_8 = tpu.vector_load %arg8[%swap3A_7] {strides = array<i32>} : memref<48xi32, #tpu.memory_space<vmem>>, vector<16xi32>,
    %swap3A_9 = vector.shape_cast %swap3A_8 : vector<16xi32> to vector<16xi32>
    %swap3A_10 = vector.shape_cast %broadcast_in_dim3A_3 : vector<16xi32> to vector<16xi32>
    tpu.vector_store %arg8[%swap3A_7], %swap3A_10 {strides = array<i32>} : memref<48xi32, #tpu.memory_space<vmem>>, vector<16xi32>,
    %get3A = arith.constant 0 : i32
    %get3A_11 = arith.index_cast %get3A : i32 to index
    %get3A_12 = arith.constant 0 : index
    %get3A_13 = tpu.vector_load %arg5[%get3A_11, %get3A_12] {strides = array<i32>} : memref<8x64xf32, #tpu.memory_space<vmem>>, vector<1x16xf32>,
    %get3A_14 = vector.shape_cast %get3A_13 : vector<1x16xf32> to vector<16xf32>
    %broadcast_in_dim3A_15 = arith.constant 0 : i32
    %broadcast_in_dim3A_16 = vector.broadcast %broadcast_in_dim3A_15 : i32 to vector<16xi32>
    %get3A_17 = arith.constant 1 : i32
    %get3A_18 = arith.index_cast %get3A_17 : i32 to index
    %get3A_19 = arith.constant 0 : index
    %get3A_20 = tpu.vector_load %arg5[%get3A_18, %get3A_19] {strides = array<i32>} : memref<8x64xf32, #tpu.memory_space<vmem>>, vector<1x16xf32>,
    %get3A_21 = vector.shape_cast %get3A_20 : vector<1x16xf32> to vector<16xf32>
    %gt3A = arith.cmpf ogt, %get3A_21, %get3A_14 : vector<16xf32>
    %select_n3A = arith.select %gt3A, %get3A_21, %get3A_14 : vector<16xi1>, vector<16xf32>
    %jit3A = arith.constant 1 : i32
    %broadcast_in_dim3A_22 = vector.broadcast %jit3A : i32 to vector<16xi32>
    %select_n3A_23 = arith.select %gt3A, %broadcast_in_dim3A_22, %broadcast_in_dim3A_16 : vector<16xi1>, vector<16xi32>
    %get3A_24 = arith.constant 2 : i32
    %get3A_25 = arith.index_cast %get3A_24 : i32 to index
    %get3A_26 = arith.constant 0 : index
    %get3A_27 = tpu.vector_load %arg5[%get3A_25, %get3A_26] {strides = array<i32>} : memref<8x64xf32, #tpu.memory_space<vmem>>, vector<1x16xf32>,
    %get3A_28 = vector.shape_cast %get3A_27 : vector<1x16xf32> to vector<16xf32>
    %gt3A_29 = arith.cmpf ogt, %get3A_28, %select_n3A : vector<16xf32>
    %select_n3A_30 = arith.select %gt3A_29, %get3A_28, %select_n3A : vector<16xi1>, vector<16xf32>
    %jit3A_31 = arith.constant 2 : i32
    %broadcast_in_dim3A_32 = vector.broadcast %jit3A_31 : i32 to vector<16xi32>
    %select_n3A_33 = arith.select %gt3A_29, %broadcast_in_dim3A_32, %select_n3A_23 : vector<16xi1>, vector<16xi32>
    %get3A_34 = arith.constant 3 : i32
    %get3A_35 = arith.index_cast %get3A_34 : i32 to index
    %get3A_36 = arith.constant 0 : index
    %get3A_37 = tpu.vector_load %arg5[%get3A_35, %get3A_36] {strides = array<i32>} : memref<8x64xf32, #tpu.memory_space<vmem>>, vector<1x16xf32>,
    %get3A_38 = vector.shape_cast %get3A_37 : vector<1x16xf32> to vector<16xf32>
    %gt3A_39 = arith.cmpf ogt, %get3A_38, %select_n3A_30 : vector<16xf32>
    %select_n3A_40 = arith.select %gt3A_39, %get3A_38, %select_n3A_30 : vector<16xi1>, vector<16xf32>
    %jit3A_41 = arith.constant 3 : i32
    %broadcast_in_dim3A_42 = vector.broadcast %jit3A_41 : i32 to vector<16xi32>
    %select_n3A_43 = arith.select %gt3A_39, %broadcast_in_dim3A_42, %select_n3A_33 : vector<16xi1>, vector<16xi32>
    %get3A_44 = arith.constant 4 : i32
    %get3A_45 = arith.index_cast %get3A_44 : i32 to index
    %get3A_46 = arith.constant 0 : index
    %get3A_47 = tpu.vector_load %arg5[%get3A_45, %get3A_46] {strides = array<i32>} : memref<8x64xf32, #tpu.memory_space<vmem>>, vector<1x16xf32>,
    %get3A_48 = vector.shape_cast %get3A_47 : vector<1x16xf32> to vector<16xf32>
    %gt3A_49 = arith.cmpf ogt, %get3A_48, %select_n3A_40 : vector<16xf32>
    %select_n3A_50 = arith.select %gt3A_49, %get3A_48, %select_n3A_40 : vector<16xi1>, vector<16xf32>
    %jit3A_51 = arith.constant 4 : i32
    %broadcast_in_dim3A_52 = vector.broadcast %jit3A_51 : i32 to vector<16xi32>
    %select_n3A_53 = arith.select %gt3A_49, %broadcast_in_dim3A_52, %select_n3A_43 : vector<16xi1>, vector<16xi32>
    %get3A_54 = arith.constant 5 : i32
    %get3A_55 = arith.index_cast %get3A_54 : i32 to index
    %get3A_56 = arith.constant 0 : index
    %get3A_57 = tpu.vector_load %arg5[%get3A_55, %get3A_56] {strides = array<i32>} : memref<8x64xf32, #tpu.memory_space<vmem>>, vector<1x16xf32>,
    %get3A_58 = vector.shape_cast %get3A_57 : vector<1x16xf32> to vector<16xf32>
    %gt3A_59 = arith.cmpf ogt, %get3A_58, %select_n3A_50 : vector<16xf32>
    %select_n3A_60 = arith.select %gt3A_59, %get3A_58, %select_n3A_50 : vector<16xi1>, vector<16xf32>
    %jit3A_61 = arith.constant 5 : i32
    %broadcast_in_dim3A_62 = vector.broadcast %jit3A_61 : i32 to vector<16xi32>
    %select_n3A_63 = arith.select %gt3A_59, %broadcast_in_dim3A_62, %select_n3A_53 : vector<16xi1>, vector<16xi32>
    %get3A_64 = arith.constant 6 : i32
    %get3A_65 = arith.index_cast %get3A_64 : i32 to index
    %get3A_66 = arith.constant 0 : index
    %get3A_67 = tpu.vector_load %arg5[%get3A_65, %get3A_66] {strides = array<i32>} : memref<8x64xf32, #tpu.memory_space<vmem>>, vector<1x16xf32>,
    %get3A_68 = vector.shape_cast %get3A_67 : vector<1x16xf32> to vector<16xf32>
    %gt3A_69 = arith.cmpf ogt, %get3A_68, %select_n3A_60 : vector<16xf32>
    %select_n3A_70 = arith.select %gt3A_69, %get3A_68, %select_n3A_60 : vector<16xi1>, vector<16xf32>
    %jit3A_71 = arith.constant 6 : i32
    %broadcast_in_dim3A_72 = vector.broadcast %jit3A_71 : i32 to vector<16xi32>
    %select_n3A_73 = arith.select %gt3A_69, %broadcast_in_dim3A_72, %select_n3A_63 : vector<16xi1>, vector<16xi32>
    %get3A_74 = arith.constant 7 : i32
    %get3A_75 = arith.index_cast %get3A_74 : i32 to index
    %get3A_76 = arith.constant 0 : index
    %get3A_77 = tpu.vector_load %arg5[%get3A_75, %get3A_76] {strides = array<i32>} : memref<8x64xf32, #tpu.memory_space<vmem>>, vector<1x16xf32>,
    %get3A_78 = vector.shape_cast %get3A_77 : vector<1x16xf32> to vector<16xf32>
    %gt3A_79 = arith.cmpf ogt, %get3A_78, %select_n3A_70 : vector<16xf32>
    %select_n3A_80 = arith.select %gt3A_79, %get3A_78, %select_n3A_70 : vector<16xi1>, vector<16xf32>
    %jit3A_81 = arith.constant 7 : i32
    %broadcast_in_dim3A_82 = vector.broadcast %jit3A_81 : i32 to vector<16xi32>
    %select_n3A_83 = arith.select %gt3A_79, %broadcast_in_dim3A_82, %select_n3A_73 : vector<16xi1>, vector<16xi32>
    %broadcast_in_dim3A_84 = arith.constant -3.000000e+38 : f32
    %broadcast_in_dim3A_85 = vector.broadcast %broadcast_in_dim3A_84 : f32 to vector<16xf32>
    %broadcast_in_dim3A_86 = arith.constant 0 : i32
    %broadcast_in_dim3A_87 = vector.broadcast %broadcast_in_dim3A_86 : i32 to vector<16xi32>
    %get3A_88 = arith.constant 0 : i32
    %get3A_89 = arith.index_cast %get3A_88 : i32 to index
    %get3A_90 = arith.constant 0 : index
    %get3A_91 = tpu.vector_load %arg5[%get3A_89, %get3A_90] {strides = array<i32>} : memref<8x64xf32, #tpu.memory_space<vmem>>, vector<1x16xf32>,
    %get3A_92 = vector.shape_cast %get3A_91 : vector<1x16xf32> to vector<16xf32>
    %gt3A_93 = arith.cmpf ogt, %get3A_92, %broadcast_in_dim3A_85 : vector<16xf32>
    %ne3A = arith.constant 0 : i32
    %ne3A_94 = vector.broadcast %ne3A : i32 to vector<16xi32>
    %ne3A_95 = arith.cmpi ne, %select_n3A_83, %ne3A_94 : vector<16xi32>
    %and3A = arith.andi %gt3A_93, %ne3A_95 : vector<16xi1>
    %select_n3A_96 = arith.select %and3A, %get3A_92, %broadcast_in_dim3A_85 : vector<16xi1>, vector<16xf32>
    %jit3A_97 = arith.constant 0 : i32
    %broadcast_in_dim3A_98 = vector.broadcast %jit3A_97 : i32 to vector<16xi32>
    %select_n3A_99 = arith.select %and3A, %broadcast_in_dim3A_98, %broadcast_in_dim3A_87 : vector<16xi1>, vector<16xi32>
    %get3A_100 = arith.constant 1 : i32
    %get3A_101 = arith.index_cast %get3A_100 : i32 to index
    %get3A_102 = arith.constant 0 : index
    %get3A_103 = tpu.vector_load %arg5[%get3A_101, %get3A_102] {strides = array<i32>} : memref<8x64xf32, #tpu.memory_space<vmem>>, vector<1x16xf32>,
    %get3A_104 = vector.shape_cast %get3A_103 : vector<1x16xf32> to vector<16xf32>
    %gt3A_105 = arith.cmpf ogt, %get3A_104, %select_n3A_96 : vector<16xf32>
    %ne3A_106 = arith.constant 1 : i32
    %ne3A_107 = vector.broadcast %ne3A_106 : i32 to vector<16xi32>
    %ne3A_108 = arith.cmpi ne, %select_n3A_83, %ne3A_107 : vector<16xi32>
    %and3A_109 = arith.andi %gt3A_105, %ne3A_108 : vector<16xi1>
    %select_n3A_110 = arith.select %and3A_109, %get3A_104, %select_n3A_96 : vector<16xi1>, vector<16xf32>
    %jit3A_111 = arith.constant 1 : i32
    %broadcast_in_dim3A_112 = vector.broadcast %jit3A_111 : i32 to vector<16xi32>
    %select_n3A_113 = arith.select %and3A_109, %broadcast_in_dim3A_112, %select_n3A_99 : vector<16xi1>, vector<16xi32>
    %get3A_114 = arith.constant 2 : i32
    %get3A_115 = arith.index_cast %get3A_114 : i32 to index
    %get3A_116 = arith.constant 0 : index
    %get3A_117 = tpu.vector_load %arg5[%get3A_115, %get3A_116] {strides = array<i32>} : memref<8x64xf32, #tpu.memory_space<vmem>>, vector<1x16xf32>,
    %get3A_118 = vector.shape_cast %get3A_117 : vector<1x16xf32> to vector<16xf32>
    %gt3A_119 = arith.cmpf ogt, %get3A_118, %select_n3A_110 : vector<16xf32>
    %ne3A_120 = arith.constant 2 : i32
    %ne3A_121 = vector.broadcast %ne3A_120 : i32 to vector<16xi32>
    %ne3A_122 = arith.cmpi ne, %select_n3A_83, %ne3A_121 : vector<16xi32>
    %and3A_123 = arith.andi %gt3A_119, %ne3A_122 : vector<16xi1>
    %select_n3A_124 = arith.select %and3A_123, %get3A_118, %select_n3A_110 : vector<16xi1>, vector<16xf32>
    %jit3A_125 = arith.constant 2 : i32
    %broadcast_in_dim3A_126 = vector.broadcast %jit3A_125 : i32 to vector<16xi32>
    %select_n3A_127 = arith.select %and3A_123, %broadcast_in_dim3A_126, %select_n3A_113 : vector<16xi1>, vector<16xi32>
    %get3A_128 = arith.constant 3 : i32
    %get3A_129 = arith.index_cast %get3A_128 : i32 to index
    %get3A_130 = arith.constant 0 : index
    %get3A_131 = tpu.vector_load %arg5[%get3A_129, %get3A_130] {strides = array<i32>} : memref<8x64xf32, #tpu.memory_space<vmem>>, vector<1x16xf32>,
    %get3A_132 = vector.shape_cast %get3A_131 : vector<1x16xf32> to vector<16xf32>
    %gt3A_133 = arith.cmpf ogt, %get3A_132, %select_n3A_124 : vector<16xf32>
    %ne3A_134 = arith.constant 3 : i32
    %ne3A_135 = vector.broadcast %ne3A_134 : i32 to vector<16xi32>
    %ne3A_136 = arith.cmpi ne, %select_n3A_83, %ne3A_135 : vector<16xi32>
    %and3A_137 = arith.andi %gt3A_133, %ne3A_136 : vector<16xi1>
    %select_n3A_138 = arith.select %and3A_137, %get3A_132, %select_n3A_124 : vector<16xi1>, vector<16xf32>
    %jit3A_139 = arith.constant 3 : i32
    %broadcast_in_dim3A_140 = vector.broadcast %jit3A_139 : i32 to vector<16xi32>
    %select_n3A_141 = arith.select %and3A_137, %broadcast_in_dim3A_140, %select_n3A_127 : vector<16xi1>, vector<16xi32>
    %get3A_142 = arith.constant 4 : i32
    %get3A_143 = arith.index_cast %get3A_142 : i32 to index
    %get3A_144 = arith.constant 0 : index
    %get3A_145 = tpu.vector_load %arg5[%get3A_143, %get3A_144] {strides = array<i32>} : memref<8x64xf32, #tpu.memory_space<vmem>>, vector<1x16xf32>,
    %get3A_146 = vector.shape_cast %get3A_145 : vector<1x16xf32> to vector<16xf32>
    %gt3A_147 = arith.cmpf ogt, %get3A_146, %select_n3A_138 : vector<16xf32>
    %ne3A_148 = arith.constant 4 : i32
    %ne3A_149 = vector.broadcast %ne3A_148 : i32 to vector<16xi32>
    %ne3A_150 = arith.cmpi ne, %select_n3A_83, %ne3A_149 : vector<16xi32>
    %and3A_151 = arith.andi %gt3A_147, %ne3A_150 : vector<16xi1>
    %select_n3A_152 = arith.select %and3A_151, %get3A_146, %select_n3A_138 : vector<16xi1>, vector<16xf32>
    %jit3A_153 = arith.constant 4 : i32
    %broadcast_in_dim3A_154 = vector.broadcast %jit3A_153 : i32 to vector<16xi32>
    %select_n3A_155 = arith.select %and3A_151, %broadcast_in_dim3A_154, %select_n3A_141 : vector<16xi1>, vector<16xi32>
    %get3A_156 = arith.constant 5 : i32
    %get3A_157 = arith.index_cast %get3A_156 : i32 to index
    %get3A_158 = arith.constant 0 : index
    %get3A_159 = tpu.vector_load %arg5[%get3A_157, %get3A_158] {strides = array<i32>} : memref<8x64xf32, #tpu.memory_space<vmem>>, vector<1x16xf32>,
    %get3A_160 = vector.shape_cast %get3A_159 : vector<1x16xf32> to vector<16xf32>
    %gt3A_161 = arith.cmpf ogt, %get3A_160, %select_n3A_152 : vector<16xf32>
    %ne3A_162 = arith.constant 5 : i32
    %ne3A_163 = vector.broadcast %ne3A_162 : i32 to vector<16xi32>
    %ne3A_164 = arith.cmpi ne, %select_n3A_83, %ne3A_163 : vector<16xi32>
    %and3A_165 = arith.andi %gt3A_161, %ne3A_164 : vector<16xi1>
    %select_n3A_166 = arith.select %and3A_165, %get3A_160, %select_n3A_152 : vector<16xi1>, vector<16xf32>
    %jit3A_167 = arith.constant 5 : i32
    %broadcast_in_dim3A_168 = vector.broadcast %jit3A_167 : i32 to vector<16xi32>
    %select_n3A_169 = arith.select %and3A_165, %broadcast_in_dim3A_168, %select_n3A_155 : vector<16xi1>, vector<16xi32>
    %get3A_170 = arith.constant 6 : i32
    %get3A_171 = arith.index_cast %get3A_170 : i32 to index
    %get3A_172 = arith.constant 0 : index
    %get3A_173 = tpu.vector_load %arg5[%get3A_171, %get3A_172] {strides = array<i32>} : memref<8x64xf32, #tpu.memory_space<vmem>>, vector<1x16xf32>,
    %get3A_174 = vector.shape_cast %get3A_173 : vector<1x16xf32> to vector<16xf32>
    %gt3A_175 = arith.cmpf ogt, %get3A_174, %select_n3A_166 : vector<16xf32>
    %ne3A_176 = arith.constant 6 : i32
    %ne3A_177 = vector.broadcast %ne3A_176 : i32 to vector<16xi32>
    %ne3A_178 = arith.cmpi ne, %select_n3A_83, %ne3A_177 : vector<16xi32>
    %and3A_179 = arith.andi %gt3A_175, %ne3A_178 : vector<16xi1>
    %select_n3A_180 = arith.select %and3A_179, %get3A_174, %select_n3A_166 : vector<16xi1>, vector<16xf32>
    %jit3A_181 = arith.constant 6 : i32
    %broadcast_in_dim3A_182 = vector.broadcast %jit3A_181 : i32 to vector<16xi32>
    %select_n3A_183 = arith.select %and3A_179, %broadcast_in_dim3A_182, %select_n3A_169 : vector<16xi1>, vector<16xi32>
    %get3A_184 = arith.constant 7 : i32
    %get3A_185 = arith.index_cast %get3A_184 : i32 to index
    %get3A_186 = arith.constant 0 : index
    %get3A_187 = tpu.vector_load %arg5[%get3A_185, %get3A_186] {strides = array<i32>} : memref<8x64xf32, #tpu.memory_space<vmem>>, vector<1x16xf32>,
    %get3A_188 = vector.shape_cast %get3A_187 : vector<1x16xf32> to vector<16xf32>
    %gt3A_189 = arith.cmpf ogt, %get3A_188, %select_n3A_180 : vector<16xf32>
    %ne3A_190 = arith.constant 7 : i32
    %ne3A_191 = vector.broadcast %ne3A_190 : i32 to vector<16xi32>
    %ne3A_192 = arith.cmpi ne, %select_n3A_83, %ne3A_191 : vector<16xi32>
    %and3A_193 = arith.andi %gt3A_189, %ne3A_192 : vector<16xi1>
    %select_n3A_194 = arith.select %and3A_193, %get3A_188, %select_n3A_180 : vector<16xi1>, vector<16xf32>
    %jit3A_195 = arith.constant 7 : i32
    %broadcast_in_dim3A_196 = vector.broadcast %jit3A_195 : i32 to vector<16xi32>
    %select_n3A_197 = arith.select %and3A_193, %broadcast_in_dim3A_196, %select_n3A_183 : vector<16xi1>, vector<16xi32>
    %add3A_198 = arith.addf %select_n3A_80, %select_n3A_194 : vector<16xf32>
    %add3A_199 = arith.constant 9.99999993E-9 : f32
    %add3A_200 = vector.broadcast %add3A_199 : f32 to vector<16xf32>
    %add3A_201 = arith.addf %add3A_198, %add3A_200 : vector<16xf32>
    %div3A = arith.constant 1.000000e+00 : f32
    %div3A_202 = vector.broadcast %div3A : f32 to vector<16xf32>
    %div3A_203 = arith.divf %div3A_202, %add3A_201 : vector<16xf32>
    %mul3A_204 = arith.mulf %select_n3A_80, %div3A_203 : vector<16xf32>
    %mul3A_205 = arith.mulf %select_n3A_194, %div3A_203 : vector<16xf32>
    %eq3A = arith.constant 0 : i32
    %eq3A_206 = vector.broadcast %eq3A : i32 to vector<16xi32>
    %eq3A_207 = arith.cmpi eq, %select_n3A_83, %eq3A_206 : vector<16xi32>
    %jit3A_208 = arith.constant 1 : i32
    %jit3A_209 = arith.constant 0 : i32
    %broadcast_in_dim3A_210 = vector.broadcast %jit3A_208 : i32 to vector<16xi32>
    %broadcast_in_dim3A_211 = vector.broadcast %jit3A_209 : i32 to vector<16xi32>
    %select_n3A_212 = arith.select %eq3A_207, %broadcast_in_dim3A_210, %broadcast_in_dim3A_211 : vector<16xi1>, vector<16xi32>
    %eq3A_213 = arith.constant 0 : i32
    %eq3A_214 = vector.broadcast %eq3A_213 : i32 to vector<16xi32>
    %eq3A_215 = arith.cmpi eq, %select_n3A_197, %eq3A_214 : vector<16xi32>
    %jit3A_216 = arith.constant 1 : i32
    %jit3A_217 = arith.constant 0 : i32
    %broadcast_in_dim3A_218 = vector.broadcast %jit3A_216 : i32 to vector<16xi32>
    %broadcast_in_dim3A_219 = vector.broadcast %jit3A_217 : i32 to vector<16xi32>
    %select_n3A_220 = arith.select %eq3A_215, %broadcast_in_dim3A_218, %broadcast_in_dim3A_219 : vector<16xi1>, vector<16xi32>
    %add3A_221 = arith.addi %select_n3A_212, %select_n3A_220 : vector<16xi32>
    %swap3A_222 = arith.constant 16 : index
    %swap3A_223 = tpu.vector_load %arg8[%swap3A_222] {strides = array<i32>} : memref<48xi32, #tpu.memory_space<vmem>>, vector<16xi32>,
    %swap3A_224 = vector.shape_cast %swap3A_223 : vector<16xi32> to vector<16xi32>
    %swap3A_225 = vector.shape_cast %add3A_221 : vector<16xi32> to vector<16xi32>
    tpu.vector_store %arg8[%swap3A_222], %swap3A_225 {strides = array<i32>} : memref<48xi32, #tpu.memory_space<vmem>>, vector<16xi32>,
    %get3A_226 = arith.constant 15 : index
    %get3A_227 = tpu.vector_load %arg8[%get3A_226] {strides = array<i32>} : memref<48xi32, #tpu.memory_space<vmem>>, vector<16xi32>,
    %get3A_228 = vector.shape_cast %get3A_227 : vector<16xi32> to vector<16xi32>
    %add3A_229 = arith.addi %add3A_221, %get3A_228 : vector<16xi32>
    %swap3A_230 = arith.constant 16 : index
    %swap3A_231 = tpu.vector_load %arg8[%swap3A_230] {strides = array<i32>} : memref<48xi32, #tpu.memory_space<vmem>>, vector<16xi32>,
    %swap3A_232 = vector.shape_cast %swap3A_231 : vector<16xi32> to vector<16xi32>
    %swap3A_233 = vector.shape_cast %add3A_229 : vector<16xi32> to vector<16xi32>
    tpu.vector_store %arg8[%swap3A_230], %swap3A_233 {strides = array<i32>} : memref<48xi32, #tpu.memory_space<vmem>>, vector<16xi32>,
    %get3A_234 = arith.constant 14 : index
    %get3A_235 = tpu.vector_load %arg8[%get3A_234] {strides = array<i32>} : memref<48xi32, #tpu.memory_space<vmem>>, vector<16xi32>,
    %get3A_236 = vector.shape_cast %get3A_235 : vector<16xi32> to vector<16xi32>
    %add3A_237 = arith.addi %add3A_229, %get3A_236 : vector<16xi32>
    %swap3A_238 = arith.constant 16 : index
    %swap3A_239 = tpu.vector_load %arg8[%swap3A_238] {strides = array<i32>} : memref<48xi32, #tpu.memory_space<vmem>>, vector<16xi32>,
    %swap3A_240 = vector.shape_cast %swap3A_239 : vector<16xi32> to vector<16xi32>
    %swap3A_241 = vector.shape_cast %add3A_237 : vector<16xi32> to vector<16xi32>
    tpu.vector_store %arg8[%swap3A_238], %swap3A_241 {strides = array<i32>} : memref<48xi32, #tpu.memory_space<vmem>>, vector<16xi32>,
    %get3A_242 = arith.constant 12 : index
    %get3A_243 = tpu.vector_load %arg8[%get3A_242] {strides = array<i32>} : memref<48xi32, #tpu.memory_space<vmem>>, vector<16xi32>,
    %get3A_244 = vector.shape_cast %get3A_243 : vector<16xi32> to vector<16xi32>
    %add3A_245 = arith.addi %add3A_237, %get3A_244 : vector<16xi32>
    %swap3A_246 = arith.constant 16 : index
    %swap3A_247 = tpu.vector_load %arg8[%swap3A_246] {strides = array<i32>} : memref<48xi32, #tpu.memory_space<vmem>>, vector<16xi32>,
    %swap3A_248 = vector.shape_cast %swap3A_247 : vector<16xi32> to vector<16xi32>
    %swap3A_249 = vector.shape_cast %add3A_245 : vector<16xi32> to vector<16xi32>
    tpu.vector_store %arg8[%swap3A_246], %swap3A_249 {strides = array<i32>} : memref<48xi32, #tpu.memory_space<vmem>>, vector<16xi32>,
    %get3A_250 = arith.constant 8 : index
    %get3A_251 = tpu.vector_load %arg8[%get3A_250] {strides = array<i32>} : memref<48xi32, #tpu.memory_space<vmem>>, vector<16xi32>,
    %get3A_252 = vector.shape_cast %get3A_251 : vector<16xi32> to vector<16xi32>
    %add3A_253 = arith.addi %add3A_245, %get3A_252 : vector<16xi32>
    %swap3A_254 = arith.constant 16 : index
    %swap3A_255 = tpu.vector_load %arg8[%swap3A_254] {strides = array<i32>} : memref<48xi32, #tpu.memory_space<vmem>>, vector<16xi32>,
    %swap3A_256 = vector.shape_cast %swap3A_255 : vector<16xi32> to vector<16xi32>
    %swap3A_257 = vector.shape_cast %add3A_221 : vector<16xi32> to vector<16xi32>
    tpu.vector_store %arg8[%swap3A_254], %swap3A_257 {strides = array<i32>} : memref<48xi32, #tpu.memory_space<vmem>>, vector<16xi32>,
    %get3A_258 = arith.constant 17 : index
    %get3A_259 = tpu.vector_load %arg8[%get3A_258] {strides = array<i32>} : memref<48xi32, #tpu.memory_space<vmem>>, vector<16xi32>,
    %get3A_260 = vector.shape_cast %get3A_259 : vector<16xi32> to vector<16xi32>
    %add3A_261 = arith.addi %add3A_221, %get3A_260 : vector<16xi32>
    %swap3A_262 = arith.constant 16 : index
    %swap3A_263 = tpu.vector_load %arg8[%swap3A_262] {strides = array<i32>} : memref<48xi32, #tpu.memory_space<vmem>>, vector<16xi32>,
    %swap3A_264 = vector.shape_cast %swap3A_263 : vector<16xi32> to vector<16xi32>
    %swap3A_265 = vector.shape_cast %add3A_261 : vector<16xi32> to vector<16xi32>
    tpu.vector_store %arg8[%swap3A_262], %swap3A_265 {strides = array<i32>} : memref<48xi32, #tpu.memory_space<vmem>>, vector<16xi32>,
    %get3A_266 = arith.constant 18 : index
    %get3A_267 = tpu.vector_load %arg8[%get3A_266] {strides = array<i32>} : memref<48xi32, #tpu.memory_space<vmem>>, vector<16xi32>,
    %get3A_268 = vector.shape_cast %get3A_267 : vector<16xi32> to vector<16xi32>
    %add3A_269 = arith.addi %add3A_261, %get3A_268 : vector<16xi32>
    %swap3A_270 = arith.constant 16 : index
    %swap3A_271 = tpu.vector_load %arg8[%swap3A_270] {strides = array<i32>} : memref<48xi32, #tpu.memory_space<vmem>>, vector<16xi32>,
    %swap3A_272 = vector.shape_cast %swap3A_271 : vector<16xi32> to vector<16xi32>
    %swap3A_273 = vector.shape_cast %add3A_269 : vector<16xi32> to vector<16xi32>
    tpu.vector_store %arg8[%swap3A_270], %swap3A_273 {strides = array<i32>} : memref<48xi32, #tpu.memory_space<vmem>>, vector<16xi32>,
    %get3A_274 = arith.constant 20 : index
    %get3A_275 = tpu.vector_load %arg8[%get3A_274] {strides = array<i32>} : memref<48xi32, #tpu.memory_space<vmem>>, vector<16xi32>,
    %get3A_276 = vector.shape_cast %get3A_275 : vector<16xi32> to vector<16xi32>
    %add3A_277 = arith.addi %add3A_269, %get3A_276 : vector<16xi32>
    %swap3A_278 = arith.constant 16 : index
    %swap3A_279 = tpu.vector_load %arg8[%swap3A_278] {strides = array<i32>} : memref<48xi32, #tpu.memory_space<vmem>>, vector<16xi32>,
    %swap3A_280 = vector.shape_cast %swap3A_279 : vector<16xi32> to vector<16xi32>
    %swap3A_281 = vector.shape_cast %add3A_277 : vector<16xi32> to vector<16xi32>
    tpu.vector_store %arg8[%swap3A_278], %swap3A_281 {strides = array<i32>} : memref<48xi32, #tpu.memory_space<vmem>>, vector<16xi32>,
    %get3A_282 = arith.constant 24 : index
    %get3A_283 = tpu.vector_load %arg8[%get3A_282] {strides = array<i32>} : memref<48xi32, #tpu.memory_space<vmem>>, vector<16xi32>,
    %get3A_284 = vector.shape_cast %get3A_283 : vector<16xi32> to vector<16xi32>
    %add3A_285 = arith.addi %add3A_277, %get3A_284 : vector<16xi32>
    %add3A_286 = arith.addi %add3A_253, %add3A_285 : vector<16xi32>
    %sub3A = arith.subi %add3A_286, %add3A_221 : vector<16xi32>
    %eq3A_287 = arith.constant 0 : i32
    %eq3A_288 = vector.broadcast %eq3A_287 : i32 to vector<16xi32>
    %eq3A_289 = arith.cmpi eq, %iota3A, %eq3A_288 : vector<16xi32>
    %jit3A_290 = arith.constant 0 : i32
    %broadcast_in_dim3A_291 = vector.broadcast %jit3A_290 : i32 to vector<16xi32>
    %select_n3A_292 = arith.select %eq3A_289, %sub3A, %broadcast_in_dim3A_291 : vector<16xi1>, vector<16xi32>
    %add3A_293 = arith.addi %broadcast_in_dim3A_3, %select_n3A_292 : vector<16xi32>
    %eq3A_294 = arith.constant 0 : i32
    %eq3A_295 = vector.broadcast %eq3A_294 : i32 to vector<16xi32>
    %eq3A_296 = arith.cmpi eq, %select_n3A_83, %eq3A_295 : vector<16xi32>
    %jit3A_297 = arith.constant 0.000000e+00 : f32
    %broadcast_in_dim3A_298 = vector.broadcast %jit3A_297 : f32 to vector<16xf32>
    %select_n3A_299 = arith.select %eq3A_296, %mul3A_204, %broadcast_in_dim3A_298 : vector<16xi1>, vector<16xf32>
    %eq3A_300 = arith.constant 0 : i32
    %eq3A_301 = vector.broadcast %eq3A_300 : i32 to vector<16xi32>
    %eq3A_302 = arith.cmpi eq, %select_n3A_197, %eq3A_301 : vector<16xi32>
    %jit3A_303 = arith.constant 0.000000e+00 : f32
    %broadcast_in_dim3A_304 = vector.broadcast %jit3A_303 : f32 to vector<16xf32>
    %select_n3A_305 = arith.select %eq3A_302, %mul3A_205, %broadcast_in_dim3A_304 : vector<16xi1>, vector<16xf32>
    %add3A_306 = arith.addf %select_n3A_299, %select_n3A_305 : vector<16xf32>
    %swap3A_307 = arith.constant 0 : i32
    %swap3A_308 = arith.index_cast %swap3A_307 : i32 to index
    %swap3A_309 = arith.constant 0 : index
    %swap3A_310 = tpu.vector_load %arg6[%swap3A_308, %swap3A_309] {strides = array<i32>} : memref<8x64xf32, #tpu.memory_space<vmem>>, vector<1x16xf32>,
    %swap3A_311 = vector.shape_cast %swap3A_310 : vector<1x16xf32> to vector<16xf32>
    %swap3A_312 = vector.shape_cast %add3A_306 : vector<16xf32> to vector<1x16xf32>
    tpu.vector_store %arg6[%swap3A_308, %swap3A_309], %swap3A_312 {strides = array<i32>} : memref<8x64xf32, #tpu.memory_space<vmem>>, vector<1x16xf32>,
    %eq3A_313 = arith.constant 1 : i32
    %eq3A_314 = vector.broadcast %eq3A_313 : i32 to vector<16xi32>
    %eq3A_315 = arith.cmpi eq, %select_n3A_83, %eq3A_314 : vector<16xi32>
    %jit3A_316 = arith.constant 1 : i32
    %jit3A_317 = arith.constant 0 : i32
    %broadcast_in_dim3A_318 = vector.broadcast %jit3A_316 : i32 to vector<16xi32>
    %broadcast_in_dim3A_319 = vector.broadcast %jit3A_317 : i32 to vector<16xi32>
    %select_n3A_320 = arith.select %eq3A_315, %broadcast_in_dim3A_318, %broadcast_in_dim3A_319 : vector<16xi1>, vector<16xi32>
    %eq3A_321 = arith.constant 1 : i32
    %eq3A_322 = vector.broadcast %eq3A_321 : i32 to vector<16xi32>
    %eq3A_323 = arith.cmpi eq, %select_n3A_197, %eq3A_322 : vector<16xi32>
    %jit3A_324 = arith.constant 1 : i32
    %jit3A_325 = arith.constant 0 : i32
    %broadcast_in_dim3A_326 = vector.broadcast %jit3A_324 : i32 to vector<16xi32>
    %broadcast_in_dim3A_327 = vector.broadcast %jit3A_325 : i32 to vector<16xi32>
    %select_n3A_328 = arith.select %eq3A_323, %broadcast_in_dim3A_326, %broadcast_in_dim3A_327 : vector<16xi1>, vector<16xi32>
    %add3A_329 = arith.addi %select_n3A_320, %select_n3A_328 : vector<16xi32>
    %swap3A_330 = arith.constant 16 : index
    %swap3A_331 = tpu.vector_load %arg8[%swap3A_330] {strides = array<i32>} : memref<48xi32, #tpu.memory_space<vmem>>, vector<16xi32>,
    %swap3A_332 = vector.shape_cast %swap3A_331 : vector<16xi32> to vector<16xi32>
    %swap3A_333 = vector.shape_cast %add3A_329 : vector<16xi32> to vector<16xi32>
    tpu.vector_store %arg8[%swap3A_330], %swap3A_333 {strides = array<i32>} : memref<48xi32, #tpu.memory_space<vmem>>, vector<16xi32>,
    %get3A_334 = arith.constant 15 : index
    %get3A_335 = tpu.vector_load %arg8[%get3A_334] {strides = array<i32>} : memref<48xi32, #tpu.memory_space<vmem>>, vector<16xi32>,
    %get3A_336 = vector.shape_cast %get3A_335 : vector<16xi32> to vector<16xi32>
    %add3A_337 = arith.addi %add3A_329, %get3A_336 : vector<16xi32>
    %swap3A_338 = arith.constant 16 : index
    %swap3A_339 = tpu.vector_load %arg8[%swap3A_338] {strides = array<i32>} : memref<48xi32, #tpu.memory_space<vmem>>, vector<16xi32>,
    %swap3A_340 = vector.shape_cast %swap3A_339 : vector<16xi32> to vector<16xi32>
    %swap3A_341 = vector.shape_cast %add3A_337 : vector<16xi32> to vector<16xi32>
    tpu.vector_store %arg8[%swap3A_338], %swap3A_341 {strides = array<i32>} : memref<48xi32, #tpu.memory_space<vmem>>, vector<16xi32>,
    %get3A_342 = arith.constant 14 : index
    %get3A_343 = tpu.vector_load %arg8[%get3A_342] {strides = array<i32>} : memref<48xi32, #tpu.memory_space<vmem>>, vector<16xi32>,
    %get3A_344 = vector.shape_cast %get3A_343 : vector<16xi32> to vector<16xi32>
    %add3A_345 = arith.addi %add3A_337, %get3A_344 : vector<16xi32>
    %swap3A_346 = arith.constant 16 : index
    %swap3A_347 = tpu.vector_load %arg8[%swap3A_346] {strides = array<i32>} : memref<48xi32, #tpu.memory_space<vmem>>, vector<16xi32>,
    %swap3A_348 = vector.shape_cast %swap3A_347 : vector<16xi32> to vector<16xi32>
    %swap3A_349 = vector.shape_cast %add3A_345 : vector<16xi32> to vector<16xi32>
    tpu.vector_store %arg8[%swap3A_346], %swap3A_349 {strides = array<i32>} : memref<48xi32, #tpu.memory_space<vmem>>, vector<16xi32>,
    %get3A_350 = arith.constant 12 : index
    %get3A_351 = tpu.vector_load %arg8[%get3A_350] {strides = array<i32>} : memref<48xi32, #tpu.memory_space<vmem>>, vector<16xi32>,
    %get3A_352 = vector.shape_cast %get3A_351 : vector<16xi32> to vector<16xi32>
    %add3A_353 = arith.addi %add3A_345, %get3A_352 : vector<16xi32>
    %swap3A_354 = arith.constant 16 : index
    %swap3A_355 = tpu.vector_load %arg8[%swap3A_354] {strides = array<i32>} : memref<48xi32, #tpu.memory_space<vmem>>, vector<16xi32>,
    %swap3A_356 = vector.shape_cast %swap3A_355 : vector<16xi32> to vector<16xi32>
    %swap3A_357 = vector.shape_cast %add3A_353 : vector<16xi32> to vector<16xi32>
    tpu.vector_store %arg8[%swap3A_354], %swap3A_357 {strides = array<i32>} : memref<48xi32, #tpu.memory_space<vmem>>, vector<16xi32>,
    %get3A_358 = arith.constant 8 : index
    %get3A_359 = tpu.vector_load %arg8[%get3A_358] {strides = array<i32>} : memref<48xi32, #tpu.memory_space<vmem>>, vector<16xi32>,
    %get3A_360 = vector.shape_cast %get3A_359 : vector<16xi32> to vector<16xi32>
    %add3A_361 = arith.addi %add3A_353, %get3A_360 : vector<16xi32>
    %swap3A_362 = arith.constant 16 : index
    %swap3A_363 = tpu.vector_load %arg8[%swap3A_362] {strides = array<i32>} : memref<48xi32, #tpu.memory_space<vmem>>, vector<16xi32>,
    %swap3A_364 = vector.shape_cast %swap3A_363 : vector<16xi32> to vector<16xi32>
    %swap3A_365 = vector.shape_cast %add3A_329 : vector<16xi32> to vector<16xi32>
    tpu.vector_store %arg8[%swap3A_362], %swap3A_365 {strides = array<i32>} : memref<48xi32, #tpu.memory_space<vmem>>, vector<16xi32>,
    %get3A_366 = arith.constant 17 : index
    %get3A_367 = tpu.vector_load %arg8[%get3A_366] {strides = array<i32>} : memref<48xi32, #tpu.memory_space<vmem>>, vector<16xi32>,
    %get3A_368 = vector.shape_cast %get3A_367 : vector<16xi32> to vector<16xi32>
    %add3A_369 = arith.addi %add3A_329, %get3A_368 : vector<16xi32>
    %swap3A_370 = arith.constant 16 : index
    %swap3A_371 = tpu.vector_load %arg8[%swap3A_370] {strides = array<i32>} : memref<48xi32, #tpu.memory_space<vmem>>, vector<16xi32>,
    %swap3A_372 = vector.shape_cast %swap3A_371 : vector<16xi32> to vector<16xi32>
    %swap3A_373 = vector.shape_cast %add3A_369 : vector<16xi32> to vector<16xi32>
    tpu.vector_store %arg8[%swap3A_370], %swap3A_373 {strides = array<i32>} : memref<48xi32, #tpu.memory_space<vmem>>, vector<16xi32>,
    %get3A_374 = arith.constant 18 : index
    %get3A_375 = tpu.vector_load %arg8[%get3A_374] {strides = array<i32>} : memref<48xi32, #tpu.memory_space<vmem>>, vector<16xi32>,
    %get3A_376 = vector.shape_cast %get3A_375 : vector<16xi32> to vector<16xi32>
    %add3A_377 = arith.addi %add3A_369, %get3A_376 : vector<16xi32>
    %swap3A_378 = arith.constant 16 : index
    %swap3A_379 = tpu.vector_load %arg8[%swap3A_378] {strides = array<i32>} : memref<48xi32, #tpu.memory_space<vmem>>, vector<16xi32>,
    %swap3A_380 = vector.shape_cast %swap3A_379 : vector<16xi32> to vector<16xi32>
    %swap3A_381 = vector.shape_cast %add3A_377 : vector<16xi32> to vector<16xi32>
    tpu.vector_store %arg8[%swap3A_378], %swap3A_381 {strides = array<i32>} : memref<48xi32, #tpu.memory_space<vmem>>, vector<16xi32>,
    %get3A_382 = arith.constant 20 : index
    %get3A_383 = tpu.vector_load %arg8[%get3A_382] {strides = array<i32>} : memref<48xi32, #tpu.memory_space<vmem>>, vector<16xi32>,
    %get3A_384 = vector.shape_cast %get3A_383 : vector<16xi32> to vector<16xi32>
    %add3A_385 = arith.addi %add3A_377, %get3A_384 : vector<16xi32>
    %swap3A_386 = arith.constant 16 : index
    %swap3A_387 = tpu.vector_load %arg8[%swap3A_386] {strides = array<i32>} : memref<48xi32, #tpu.memory_space<vmem>>, vector<16xi32>,
    %swap3A_388 = vector.shape_cast %swap3A_387 : vector<16xi32> to vector<16xi32>
    %swap3A_389 = vector.shape_cast %add3A_385 : vector<16xi32> to vector<16xi32>
    tpu.vector_store %arg8[%swap3A_386], %swap3A_389 {strides = array<i32>} : memref<48xi32, #tpu.memory_space<vmem>>, vector<16xi32>,
    %get3A_390 = arith.constant 24 : index
    %get3A_391 = tpu.vector_load %arg8[%get3A_390] {strides = array<i32>} : memref<48xi32, #tpu.memory_space<vmem>>, vector<16xi32>,
    %get3A_392 = vector.shape_cast %get3A_391 : vector<16xi32> to vector<16xi32>
    %add3A_393 = arith.addi %add3A_385, %get3A_392 : vector<16xi32>
    %add3A_394 = arith.addi %add3A_361, %add3A_393 : vector<16xi32>
    %sub3A_395 = arith.subi %add3A_394, %add3A_329 : vector<16xi32>
    %eq3A_396 = arith.constant 1 : i32
    %eq3A_397 = vector.broadcast %eq3A_396 : i32 to vector<16xi32>
    %eq3A_398 = arith.cmpi eq, %iota3A, %eq3A_397 : vector<16xi32>
    %jit3A_399 = arith.constant 0 : i32
    %broadcast_in_dim3A_400 = vector.broadcast %jit3A_399 : i32 to vector<16xi32>
    %select_n3A_401 = arith.select %eq3A_398, %sub3A_395, %broadcast_in_dim3A_400 : vector<16xi1>, vector<16xi32>
    %add3A_402 = arith.addi %add3A_293, %select_n3A_401 : vector<16xi32>
    %eq3A_403 = arith.constant 1 : i32
    %eq3A_404 = vector.broadcast %eq3A_403 : i32 to vector<16xi32>
    %eq3A_405 = arith.cmpi eq, %select_n3A_83, %eq3A_404 : vector<16xi32>
    %jit3A_406 = arith.constant 0.000000e+00 : f32
    %broadcast_in_dim3A_407 = vector.broadcast %jit3A_406 : f32 to vector<16xf32>
    %select_n3A_408 = arith.select %eq3A_405, %mul3A_204, %broadcast_in_dim3A_407 : vector<16xi1>, vector<16xf32>
    %eq3A_409 = arith.constant 1 : i32
    %eq3A_410 = vector.broadcast %eq3A_409 : i32 to vector<16xi32>
    %eq3A_411 = arith.cmpi eq, %select_n3A_197, %eq3A_410 : vector<16xi32>
    %jit3A_412 = arith.constant 0.000000e+00 : f32
    %broadcast_in_dim3A_413 = vector.broadcast %jit3A_412 : f32 to vector<16xf32>
    %select_n3A_414 = arith.select %eq3A_411, %mul3A_205, %broadcast_in_dim3A_413 : vector<16xi1>, vector<16xf32>
    %add3A_415 = arith.addf %select_n3A_408, %select_n3A_414 : vector<16xf32>
    %swap3A_416 = arith.constant 1 : i32
    %swap3A_417 = arith.index_cast %swap3A_416 : i32 to index
    %swap3A_418 = arith.constant 0 : index
    %swap3A_419 = tpu.vector_load %arg6[%swap3A_417, %swap3A_418] {strides = array<i32>} : memref<8x64xf32, #tpu.memory_space<vmem>>, vector<1x16xf32>,
    %swap3A_420 = vector.shape_cast %swap3A_419 : vector<1x16xf32> to vector<16xf32>
    %swap3A_421 = vector.shape_cast %add3A_415 : vector<16xf32> to vector<1x16xf32>
    tpu.vector_store %arg6[%swap3A_417, %swap3A_418], %swap3A_421 {strides = array<i32>} : memref<8x64xf32, #tpu.memory_space<vmem>>, vector<1x16xf32>,
    %eq3A_422 = arith.constant 2 : i32
    %eq3A_423 = vector.broadcast %eq3A_422 : i32 to vector<16xi32>
    %eq3A_424 = arith.cmpi eq, %select_n3A_83, %eq3A_423 : vector<16xi32>
    %jit3A_425 = arith.constant 1 : i32
    %jit3A_426 = arith.constant 0 : i32
    %broadcast_in_dim3A_427 = vector.broadcast %jit3A_425 : i32 to vector<16xi32>
    %broadcast_in_dim3A_428 = vector.broadcast %jit3A_426 : i32 to vector<16xi32>
    %select_n3A_429 = arith.select %eq3A_424, %broadcast_in_dim3A_427, %broadcast_in_dim3A_428 : vector<16xi1>, vector<16xi32>
    %eq3A_430 = arith.constant 2 : i32
    %eq3A_431 = vector.broadcast %eq3A_430 : i32 to vector<16xi32>
    %eq3A_432 = arith.cmpi eq, %select_n3A_197, %eq3A_431 : vector<16xi32>
    %jit3A_433 = arith.constant 1 : i32
    %jit3A_434 = arith.constant 0 : i32
    %broadcast_in_dim3A_435 = vector.broadcast %jit3A_433 : i32 to vector<16xi32>
    %broadcast_in_dim3A_436 = vector.broadcast %jit3A_434 : i32 to vector<16xi32>
    %select_n3A_437 = arith.select %eq3A_432, %broadcast_in_dim3A_435, %broadcast_in_dim3A_436 : vector<16xi1>, vector<16xi32>
    %add3A_438 = arith.addi %select_n3A_429, %select_n3A_437 : vector<16xi32>
    %swap3A_439 = arith.constant 16 : index
    %swap3A_440 = tpu.vector_load %arg8[%swap3A_439] {strides = array<i32>} : memref<48xi32, #tpu.memory_space<vmem>>, vector<16xi32>,
    %swap3A_441 = vector.shape_cast %swap3A_440 : vector<16xi32> to vector<16xi32>
    %swap3A_442 = vector.shape_cast %add3A_438 : vector<16xi32> to vector<16xi32>
    tpu.vector_store %arg8[%swap3A_439], %swap3A_442 {strides = array<i32>} : memref<48xi32, #tpu.memory_space<vmem>>, vector<16xi32>,
    %get3A_443 = arith.constant 15 : index
    %get3A_444 = tpu.vector_load %arg8[%get3A_443] {strides = array<i32>} : memref<48xi32, #tpu.memory_space<vmem>>, vector<16xi32>,
    %get3A_445 = vector.shape_cast %get3A_444 : vector<16xi32> to vector<16xi32>
    %add3A_446 = arith.addi %add3A_438, %get3A_445 : vector<16xi32>
    %swap3A_447 = arith.constant 16 : index
    %swap3A_448 = tpu.vector_load %arg8[%swap3A_447] {strides = array<i32>} : memref<48xi32, #tpu.memory_space<vmem>>, vector<16xi32>,
    %swap3A_449 = vector.shape_cast %swap3A_448 : vector<16xi32> to vector<16xi32>
    %swap3A_450 = vector.shape_cast %add3A_446 : vector<16xi32> to vector<16xi32>
    tpu.vector_store %arg8[%swap3A_447], %swap3A_450 {strides = array<i32>} : memref<48xi32, #tpu.memory_space<vmem>>, vector<16xi32>,
    %get3A_451 = arith.constant 14 : index
    %get3A_452 = tpu.vector_load %arg8[%get3A_451] {strides = array<i32>} : memref<48xi32, #tpu.memory_space<vmem>>, vector<16xi32>,
    %get3A_453 = vector.shape_cast %get3A_452 : vector<16xi32> to vector<16xi32>
    %add3A_454 = arith.addi %add3A_446, %get3A_453 : vector<16xi32>
    %swap3A_455 = arith.constant 16 : index
    %swap3A_456 = tpu.vector_load %arg8[%swap3A_455] {strides = array<i32>} : memref<48xi32, #tpu.memory_space<vmem>>, vector<16xi32>,
    %swap3A_457 = vector.shape_cast %swap3A_456 : vector<16xi32> to vector<16xi32>
    %swap3A_458 = vector.shape_cast %add3A_454 : vector<16xi32> to vector<16xi32>
    tpu.vector_store %arg8[%swap3A_455], %swap3A_458 {strides = array<i32>} : memref<48xi32, #tpu.memory_space<vmem>>, vector<16xi32>,
    %get3A_459 = arith.constant 12 : index
    %get3A_460 = tpu.vector_load %arg8[%get3A_459] {strides = array<i32>} : memref<48xi32, #tpu.memory_space<vmem>>, vector<16xi32>,
    %get3A_461 = vector.shape_cast %get3A_460 : vector<16xi32> to vector<16xi32>
    %add3A_462 = arith.addi %add3A_454, %get3A_461 : vector<16xi32>
    %swap3A_463 = arith.constant 16 : index
    %swap3A_464 = tpu.vector_load %arg8[%swap3A_463] {strides = array<i32>} : memref<48xi32, #tpu.memory_space<vmem>>, vector<16xi32>,
    %swap3A_465 = vector.shape_cast %swap3A_464 : vector<16xi32> to vector<16xi32>
    %swap3A_466 = vector.shape_cast %add3A_462 : vector<16xi32> to vector<16xi32>
    tpu.vector_store %arg8[%swap3A_463], %swap3A_466 {strides = array<i32>} : memref<48xi32, #tpu.memory_space<vmem>>, vector<16xi32>,
    %get3A_467 = arith.constant 8 : index
    %get3A_468 = tpu.vector_load %arg8[%get3A_467] {strides = array<i32>} : memref<48xi32, #tpu.memory_space<vmem>>, vector<16xi32>,
    %get3A_469 = vector.shape_cast %get3A_468 : vector<16xi32> to vector<16xi32>
    %add3A_470 = arith.addi %add3A_462, %get3A_469 : vector<16xi32>
    %swap3A_471 = arith.constant 16 : index
    %swap3A_472 = tpu.vector_load %arg8[%swap3A_471] {strides = array<i32>} : memref<48xi32, #tpu.memory_space<vmem>>, vector<16xi32>,
    %swap3A_473 = vector.shape_cast %swap3A_472 : vector<16xi32> to vector<16xi32>
    %swap3A_474 = vector.shape_cast %add3A_438 : vector<16xi32> to vector<16xi32>
    tpu.vector_store %arg8[%swap3A_471], %swap3A_474 {strides = array<i32>} : memref<48xi32, #tpu.memory_space<vmem>>, vector<16xi32>,
    %get3A_475 = arith.constant 17 : index
    %get3A_476 = tpu.vector_load %arg8[%get3A_475] {strides = array<i32>} : memref<48xi32, #tpu.memory_space<vmem>>, vector<16xi32>,
    %get3A_477 = vector.shape_cast %get3A_476 : vector<16xi32> to vector<16xi32>
    %add3A_478 = arith.addi %add3A_438, %get3A_477 : vector<16xi32>
    %swap3A_479 = arith.constant 16 : index
    %swap3A_480 = tpu.vector_load %arg8[%swap3A_479] {strides = array<i32>} : memref<48xi32, #tpu.memory_space<vmem>>, vector<16xi32>,
    %swap3A_481 = vector.shape_cast %swap3A_480 : vector<16xi32> to vector<16xi32>
    %swap3A_482 = vector.shape_cast %add3A_478 : vector<16xi32> to vector<16xi32>
    tpu.vector_store %arg8[%swap3A_479], %swap3A_482 {strides = array<i32>} : memref<48xi32, #tpu.memory_space<vmem>>, vector<16xi32>,
    %get3A_483 = arith.constant 18 : index
    %get3A_484 = tpu.vector_load %arg8[%get3A_483] {strides = array<i32>} : memref<48xi32, #tpu.memory_space<vmem>>, vector<16xi32>,
    %get3A_485 = vector.shape_cast %get3A_484 : vector<16xi32> to vector<16xi32>
    %add3A_486 = arith.addi %add3A_478, %get3A_485 : vector<16xi32>
    %swap3A_487 = arith.constant 16 : index
    %swap3A_488 = tpu.vector_load %arg8[%swap3A_487] {strides = array<i32>} : memref<48xi32, #tpu.memory_space<vmem>>, vector<16xi32>,
    %swap3A_489 = vector.shape_cast %swap3A_488 : vector<16xi32> to vector<16xi32>
    %swap3A_490 = vector.shape_cast %add3A_486 : vector<16xi32> to vector<16xi32>
    tpu.vector_store %arg8[%swap3A_487], %swap3A_490 {strides = array<i32>} : memref<48xi32, #tpu.memory_space<vmem>>, vector<16xi32>,
    %get3A_491 = arith.constant 20 : index
    %get3A_492 = tpu.vector_load %arg8[%get3A_491] {strides = array<i32>} : memref<48xi32, #tpu.memory_space<vmem>>, vector<16xi32>,
    %get3A_493 = vector.shape_cast %get3A_492 : vector<16xi32> to vector<16xi32>
    %add3A_494 = arith.addi %add3A_486, %get3A_493 : vector<16xi32>
    %swap3A_495 = arith.constant 16 : index
    %swap3A_496 = tpu.vector_load %arg8[%swap3A_495] {strides = array<i32>} : memref<48xi32, #tpu.memory_space<vmem>>, vector<16xi32>,
    %swap3A_497 = vector.shape_cast %swap3A_496 : vector<16xi32> to vector<16xi32>
    %swap3A_498 = vector.shape_cast %add3A_494 : vector<16xi32> to vector<16xi32>
    tpu.vector_store %arg8[%swap3A_495], %swap3A_498 {strides = array<i32>} : memref<48xi32, #tpu.memory_space<vmem>>, vector<16xi32>,
    %get3A_499 = arith.constant 24 : index
    %get3A_500 = tpu.vector_load %arg8[%get3A_499] {strides = array<i32>} : memref<48xi32, #tpu.memory_space<vmem>>, vector<16xi32>,
    %get3A_501 = vector.shape_cast %get3A_500 : vector<16xi32> to vector<16xi32>
    %add3A_502 = arith.addi %add3A_494, %get3A_501 : vector<16xi32>
    %add3A_503 = arith.addi %add3A_470, %add3A_502 : vector<16xi32>
    %sub3A_504 = arith.subi %add3A_503, %add3A_438 : vector<16xi32>
    %eq3A_505 = arith.constant 2 : i32
    %eq3A_506 = vector.broadcast %eq3A_505 : i32 to vector<16xi32>
    %eq3A_507 = arith.cmpi eq, %iota3A, %eq3A_506 : vector<16xi32>
    %jit3A_508 = arith.constant 0 : i32
    %broadcast_in_dim3A_509 = vector.broadcast %jit3A_508 : i32 to vector<16xi32>
    %select_n3A_510 = arith.select %eq3A_507, %sub3A_504, %broadcast_in_dim3A_509 : vector<16xi1>, vector<16xi32>
    %add3A_511 = arith.addi %add3A_402, %select_n3A_510 : vector<16xi32>
    %eq3A_512 = arith.constant 2 : i32
    %eq3A_513 = vector.broadcast %eq3A_512 : i32 to vector<16xi32>
    %eq3A_514 = arith.cmpi eq, %select_n3A_83, %eq3A_513 : vector<16xi32>
    %jit3A_515 = arith.constant 0.000000e+00 : f32
    %broadcast_in_dim3A_516 = vector.broadcast %jit3A_515 : f32 to vector<16xf32>
    %select_n3A_517 = arith.select %eq3A_514, %mul3A_204, %broadcast_in_dim3A_516 : vector<16xi1>, vector<16xf32>
    %eq3A_518 = arith.constant 2 : i32
    %eq3A_519 = vector.broadcast %eq3A_518 : i32 to vector<16xi32>
    %eq3A_520 = arith.cmpi eq, %select_n3A_197, %eq3A_519 : vector<16xi32>
    %jit3A_521 = arith.constant 0.000000e+00 : f32
    %broadcast_in_dim3A_522 = vector.broadcast %jit3A_521 : f32 to vector<16xf32>
    %select_n3A_523 = arith.select %eq3A_520, %mul3A_205, %broadcast_in_dim3A_522 : vector<16xi1>, vector<16xf32>
    %add3A_524 = arith.addf %select_n3A_517, %select_n3A_523 : vector<16xf32>
    %swap3A_525 = arith.constant 2 : i32
    %swap3A_526 = arith.index_cast %swap3A_525 : i32 to index
    %swap3A_527 = arith.constant 0 : index
    %swap3A_528 = tpu.vector_load %arg6[%swap3A_526, %swap3A_527] {strides = array<i32>} : memref<8x64xf32, #tpu.memory_space<vmem>>, vector<1x16xf32>,
    %swap3A_529 = vector.shape_cast %swap3A_528 : vector<1x16xf32> to vector<16xf32>
    %swap3A_530 = vector.shape_cast %add3A_524 : vector<16xf32> to vector<1x16xf32>
    tpu.vector_store %arg6[%swap3A_526, %swap3A_527], %swap3A_530 {strides = array<i32>} : memref<8x64xf32, #tpu.memory_space<vmem>>, vector<1x16xf32>,
    %eq3A_531 = arith.constant 3 : i32
    %eq3A_532 = vector.broadcast %eq3A_531 : i32 to vector<16xi32>
    %eq3A_533 = arith.cmpi eq, %select_n3A_83, %eq3A_532 : vector<16xi32>
    %jit3A_534 = arith.constant 1 : i32
    %jit3A_535 = arith.constant 0 : i32
    %broadcast_in_dim3A_536 = vector.broadcast %jit3A_534 : i32 to vector<16xi32>
    %broadcast_in_dim3A_537 = vector.broadcast %jit3A_535 : i32 to vector<16xi32>
    %select_n3A_538 = arith.select %eq3A_533, %broadcast_in_dim3A_536, %broadcast_in_dim3A_537 : vector<16xi1>, vector<16xi32>
    %eq3A_539 = arith.constant 3 : i32
    %eq3A_540 = vector.broadcast %eq3A_539 : i32 to vector<16xi32>
    %eq3A_541 = arith.cmpi eq, %select_n3A_197, %eq3A_540 : vector<16xi32>
    %jit3A_542 = arith.constant 1 : i32
    %jit3A_543 = arith.constant 0 : i32
    %broadcast_in_dim3A_544 = vector.broadcast %jit3A_542 : i32 to vector<16xi32>
    %broadcast_in_dim3A_545 = vector.broadcast %jit3A_543 : i32 to vector<16xi32>
    %select_n3A_546 = arith.select %eq3A_541, %broadcast_in_dim3A_544, %broadcast_in_dim3A_545 : vector<16xi1>, vector<16xi32>
    %add3A_547 = arith.addi %select_n3A_538, %select_n3A_546 : vector<16xi32>
    %swap3A_548 = arith.constant 16 : index
    %swap3A_549 = tpu.vector_load %arg8[%swap3A_548] {strides = array<i32>} : memref<48xi32, #tpu.memory_space<vmem>>, vector<16xi32>,
    %swap3A_550 = vector.shape_cast %swap3A_549 : vector<16xi32> to vector<16xi32>
    %swap3A_551 = vector.shape_cast %add3A_547 : vector<16xi32> to vector<16xi32>
    tpu.vector_store %arg8[%swap3A_548], %swap3A_551 {strides = array<i32>} : memref<48xi32, #tpu.memory_space<vmem>>, vector<16xi32>,
    %get3A_552 = arith.constant 15 : index
    %get3A_553 = tpu.vector_load %arg8[%get3A_552] {strides = array<i32>} : memref<48xi32, #tpu.memory_space<vmem>>, vector<16xi32>,
    %get3A_554 = vector.shape_cast %get3A_553 : vector<16xi32> to vector<16xi32>
    %add3A_555 = arith.addi %add3A_547, %get3A_554 : vector<16xi32>
    %swap3A_556 = arith.constant 16 : index
    %swap3A_557 = tpu.vector_load %arg8[%swap3A_556] {strides = array<i32>} : memref<48xi32, #tpu.memory_space<vmem>>, vector<16xi32>,
    %swap3A_558 = vector.shape_cast %swap3A_557 : vector<16xi32> to vector<16xi32>
    %swap3A_559 = vector.shape_cast %add3A_555 : vector<16xi32> to vector<16xi32>
    tpu.vector_store %arg8[%swap3A_556], %swap3A_559 {strides = array<i32>} : memref<48xi32, #tpu.memory_space<vmem>>, vector<16xi32>,
    %get3A_560 = arith.constant 14 : index
    %get3A_561 = tpu.vector_load %arg8[%get3A_560] {strides = array<i32>} : memref<48xi32, #tpu.memory_space<vmem>>, vector<16xi32>,
    %get3A_562 = vector.shape_cast %get3A_561 : vector<16xi32> to vector<16xi32>
    %add3A_563 = arith.addi %add3A_555, %get3A_562 : vector<16xi32>
    %swap3A_564 = arith.constant 16 : index
    %swap3A_565 = tpu.vector_load %arg8[%swap3A_564] {strides = array<i32>} : memref<48xi32, #tpu.memory_space<vmem>>, vector<16xi32>,
    %swap3A_566 = vector.shape_cast %swap3A_565 : vector<16xi32> to vector<16xi32>
    %swap3A_567 = vector.shape_cast %add3A_563 : vector<16xi32> to vector<16xi32>
    tpu.vector_store %arg8[%swap3A_564], %swap3A_567 {strides = array<i32>} : memref<48xi32, #tpu.memory_space<vmem>>, vector<16xi32>,
    %get3A_568 = arith.constant 12 : index
    %get3A_569 = tpu.vector_load %arg8[%get3A_568] {strides = array<i32>} : memref<48xi32, #tpu.memory_space<vmem>>, vector<16xi32>,
    %get3A_570 = vector.shape_cast %get3A_569 : vector<16xi32> to vector<16xi32>
    %add3A_571 = arith.addi %add3A_563, %get3A_570 : vector<16xi32>
    %swap3A_572 = arith.constant 16 : index
    %swap3A_573 = tpu.vector_load %arg8[%swap3A_572] {strides = array<i32>} : memref<48xi32, #tpu.memory_space<vmem>>, vector<16xi32>,
    %swap3A_574 = vector.shape_cast %swap3A_573 : vector<16xi32> to vector<16xi32>
    %swap3A_575 = vector.shape_cast %add3A_571 : vector<16xi32> to vector<16xi32>
    tpu.vector_store %arg8[%swap3A_572], %swap3A_575 {strides = array<i32>} : memref<48xi32, #tpu.memory_space<vmem>>, vector<16xi32>,
    %get3A_576 = arith.constant 8 : index
    %get3A_577 = tpu.vector_load %arg8[%get3A_576] {strides = array<i32>} : memref<48xi32, #tpu.memory_space<vmem>>, vector<16xi32>,
    %get3A_578 = vector.shape_cast %get3A_577 : vector<16xi32> to vector<16xi32>
    %add3A_579 = arith.addi %add3A_571, %get3A_578 : vector<16xi32>
    %swap3A_580 = arith.constant 16 : index
    %swap3A_581 = tpu.vector_load %arg8[%swap3A_580] {strides = array<i32>} : memref<48xi32, #tpu.memory_space<vmem>>, vector<16xi32>,
    %swap3A_582 = vector.shape_cast %swap3A_581 : vector<16xi32> to vector<16xi32>
    %swap3A_583 = vector.shape_cast %add3A_547 : vector<16xi32> to vector<16xi32>
    tpu.vector_store %arg8[%swap3A_580], %swap3A_583 {strides = array<i32>} : memref<48xi32, #tpu.memory_space<vmem>>, vector<16xi32>,
    %get3A_584 = arith.constant 17 : index
    %get3A_585 = tpu.vector_load %arg8[%get3A_584] {strides = array<i32>} : memref<48xi32, #tpu.memory_space<vmem>>, vector<16xi32>,
    %get3A_586 = vector.shape_cast %get3A_585 : vector<16xi32> to vector<16xi32>
    %add3A_587 = arith.addi %add3A_547, %get3A_586 : vector<16xi32>
    %swap3A_588 = arith.constant 16 : index
    %swap3A_589 = tpu.vector_load %arg8[%swap3A_588] {strides = array<i32>} : memref<48xi32, #tpu.memory_space<vmem>>, vector<16xi32>,
    %swap3A_590 = vector.shape_cast %swap3A_589 : vector<16xi32> to vector<16xi32>
    %swap3A_591 = vector.shape_cast %add3A_587 : vector<16xi32> to vector<16xi32>
    tpu.vector_store %arg8[%swap3A_588], %swap3A_591 {strides = array<i32>} : memref<48xi32, #tpu.memory_space<vmem>>, vector<16xi32>,
    %get3A_592 = arith.constant 18 : index
    %get3A_593 = tpu.vector_load %arg8[%get3A_592] {strides = array<i32>} : memref<48xi32, #tpu.memory_space<vmem>>, vector<16xi32>,
    %get3A_594 = vector.shape_cast %get3A_593 : vector<16xi32> to vector<16xi32>
    %add3A_595 = arith.addi %add3A_587, %get3A_594 : vector<16xi32>
    %swap3A_596 = arith.constant 16 : index
    %swap3A_597 = tpu.vector_load %arg8[%swap3A_596] {strides = array<i32>} : memref<48xi32, #tpu.memory_space<vmem>>, vector<16xi32>,
    %swap3A_598 = vector.shape_cast %swap3A_597 : vector<16xi32> to vector<16xi32>
    %swap3A_599 = vector.shape_cast %add3A_595 : vector<16xi32> to vector<16xi32>
    tpu.vector_store %arg8[%swap3A_596], %swap3A_599 {strides = array<i32>} : memref<48xi32, #tpu.memory_space<vmem>>, vector<16xi32>,
    %get3A_600 = arith.constant 20 : index
    %get3A_601 = tpu.vector_load %arg8[%get3A_600] {strides = array<i32>} : memref<48xi32, #tpu.memory_space<vmem>>, vector<16xi32>,
    %get3A_602 = vector.shape_cast %get3A_601 : vector<16xi32> to vector<16xi32>
    %add3A_603 = arith.addi %add3A_595, %get3A_602 : vector<16xi32>
    %swap3A_604 = arith.constant 16 : index
    %swap3A_605 = tpu.vector_load %arg8[%swap3A_604] {strides = array<i32>} : memref<48xi32, #tpu.memory_space<vmem>>, vector<16xi32>,
    %swap3A_606 = vector.shape_cast %swap3A_605 : vector<16xi32> to vector<16xi32>
    %swap3A_607 = vector.shape_cast %add3A_603 : vector<16xi32> to vector<16xi32>
    tpu.vector_store %arg8[%swap3A_604], %swap3A_607 {strides = array<i32>} : memref<48xi32, #tpu.memory_space<vmem>>, vector<16xi32>,
    %get3A_608 = arith.constant 24 : index
    %get3A_609 = tpu.vector_load %arg8[%get3A_608] {strides = array<i32>} : memref<48xi32, #tpu.memory_space<vmem>>, vector<16xi32>,
    %get3A_610 = vector.shape_cast %get3A_609 : vector<16xi32> to vector<16xi32>
    %add3A_611 = arith.addi %add3A_603, %get3A_610 : vector<16xi32>
    %add3A_612 = arith.addi %add3A_579, %add3A_611 : vector<16xi32>
    %sub3A_613 = arith.subi %add3A_612, %add3A_547 : vector<16xi32>
    %eq3A_614 = arith.constant 3 : i32
    %eq3A_615 = vector.broadcast %eq3A_614 : i32 to vector<16xi32>
    %eq3A_616 = arith.cmpi eq, %iota3A, %eq3A_615 : vector<16xi32>
    %jit3A_617 = arith.constant 0 : i32
    %broadcast_in_dim3A_618 = vector.broadcast %jit3A_617 : i32 to vector<16xi32>
    %select_n3A_619 = arith.select %eq3A_616, %sub3A_613, %broadcast_in_dim3A_618 : vector<16xi1>, vector<16xi32>
    %add3A_620 = arith.addi %add3A_511, %select_n3A_619 : vector<16xi32>
    %eq3A_621 = arith.constant 3 : i32
    %eq3A_622 = vector.broadcast %eq3A_621 : i32 to vector<16xi32>
    %eq3A_623 = arith.cmpi eq, %select_n3A_83, %eq3A_622 : vector<16xi32>
    %jit3A_624 = arith.constant 0.000000e+00 : f32
    %broadcast_in_dim3A_625 = vector.broadcast %jit3A_624 : f32 to vector<16xf32>
    %select_n3A_626 = arith.select %eq3A_623, %mul3A_204, %broadcast_in_dim3A_625 : vector<16xi1>, vector<16xf32>
    %eq3A_627 = arith.constant 3 : i32
    %eq3A_628 = vector.broadcast %eq3A_627 : i32 to vector<16xi32>
    %eq3A_629 = arith.cmpi eq, %select_n3A_197, %eq3A_628 : vector<16xi32>
    %jit3A_630 = arith.constant 0.000000e+00 : f32
    %broadcast_in_dim3A_631 = vector.broadcast %jit3A_630 : f32 to vector<16xf32>
    %select_n3A_632 = arith.select %eq3A_629, %mul3A_205, %broadcast_in_dim3A_631 : vector<16xi1>, vector<16xf32>
    %add3A_633 = arith.addf %select_n3A_626, %select_n3A_632 : vector<16xf32>
    %swap3A_634 = arith.constant 3 : i32
    %swap3A_635 = arith.index_cast %swap3A_634 : i32 to index
    %swap3A_636 = arith.constant 0 : index
    %swap3A_637 = tpu.vector_load %arg6[%swap3A_635, %swap3A_636] {strides = array<i32>} : memref<8x64xf32, #tpu.memory_space<vmem>>, vector<1x16xf32>,
    %swap3A_638 = vector.shape_cast %swap3A_637 : vector<1x16xf32> to vector<16xf32>
    %swap3A_639 = vector.shape_cast %add3A_633 : vector<16xf32> to vector<1x16xf32>
    tpu.vector_store %arg6[%swap3A_635, %swap3A_636], %swap3A_639 {strides = array<i32>} : memref<8x64xf32, #tpu.memory_space<vmem>>, vector<1x16xf32>,
    %eq3A_640 = arith.constant 4 : i32
    %eq3A_641 = vector.broadcast %eq3A_640 : i32 to vector<16xi32>
    %eq3A_642 = arith.cmpi eq, %select_n3A_83, %eq3A_641 : vector<16xi32>
    %jit3A_643 = arith.constant 1 : i32
    %jit3A_644 = arith.constant 0 : i32
    %broadcast_in_dim3A_645 = vector.broadcast %jit3A_643 : i32 to vector<16xi32>
    %broadcast_in_dim3A_646 = vector.broadcast %jit3A_644 : i32 to vector<16xi32>
    %select_n3A_647 = arith.select %eq3A_642, %broadcast_in_dim3A_645, %broadcast_in_dim3A_646 : vector<16xi1>, vector<16xi32>
    %eq3A_648 = arith.constant 4 : i32
    %eq3A_649 = vector.broadcast %eq3A_648 : i32 to vector<16xi32>
    %eq3A_650 = arith.cmpi eq, %select_n3A_197, %eq3A_649 : vector<16xi32>
    %jit3A_651 = arith.constant 1 : i32
    %jit3A_652 = arith.constant 0 : i32
    %broadcast_in_dim3A_653 = vector.broadcast %jit3A_651 : i32 to vector<16xi32>
    %broadcast_in_dim3A_654 = vector.broadcast %jit3A_652 : i32 to vector<16xi32>
    %select_n3A_655 = arith.select %eq3A_650, %broadcast_in_dim3A_653, %broadcast_in_dim3A_654 : vector<16xi1>, vector<16xi32>
    %add3A_656 = arith.addi %select_n3A_647, %select_n3A_655 : vector<16xi32>
    %swap3A_657 = arith.constant 16 : index
    %swap3A_658 = tpu.vector_load %arg8[%swap3A_657] {strides = array<i32>} : memref<48xi32, #tpu.memory_space<vmem>>, vector<16xi32>,
    %swap3A_659 = vector.shape_cast %swap3A_658 : vector<16xi32> to vector<16xi32>
    %swap3A_660 = vector.shape_cast %add3A_656 : vector<16xi32> to vector<16xi32>
    tpu.vector_store %arg8[%swap3A_657], %swap3A_660 {strides = array<i32>} : memref<48xi32, #tpu.memory_space<vmem>>, vector<16xi32>,
    %get3A_661 = arith.constant 15 : index
    %get3A_662 = tpu.vector_load %arg8[%get3A_661] {strides = array<i32>} : memref<48xi32, #tpu.memory_space<vmem>>, vector<16xi32>,
    %get3A_663 = vector.shape_cast %get3A_662 : vector<16xi32> to vector<16xi32>
    %add3A_664 = arith.addi %add3A_656, %get3A_663 : vector<16xi32>
    %swap3A_665 = arith.constant 16 : index
    %swap3A_666 = tpu.vector_load %arg8[%swap3A_665] {strides = array<i32>} : memref<48xi32, #tpu.memory_space<vmem>>, vector<16xi32>,
    %swap3A_667 = vector.shape_cast %swap3A_666 : vector<16xi32> to vector<16xi32>
    %swap3A_668 = vector.shape_cast %add3A_664 : vector<16xi32> to vector<16xi32>
    tpu.vector_store %arg8[%swap3A_665], %swap3A_668 {strides = array<i32>} : memref<48xi32, #tpu.memory_space<vmem>>, vector<16xi32>,
    %get3A_669 = arith.constant 14 : index
    %get3A_670 = tpu.vector_load %arg8[%get3A_669] {strides = array<i32>} : memref<48xi32, #tpu.memory_space<vmem>>, vector<16xi32>,
    %get3A_671 = vector.shape_cast %get3A_670 : vector<16xi32> to vector<16xi32>
    %add3A_672 = arith.addi %add3A_664, %get3A_671 : vector<16xi32>
    %swap3A_673 = arith.constant 16 : index
    %swap3A_674 = tpu.vector_load %arg8[%swap3A_673] {strides = array<i32>} : memref<48xi32, #tpu.memory_space<vmem>>, vector<16xi32>,
    %swap3A_675 = vector.shape_cast %swap3A_674 : vector<16xi32> to vector<16xi32>
    %swap3A_676 = vector.shape_cast %add3A_672 : vector<16xi32> to vector<16xi32>
    tpu.vector_store %arg8[%swap3A_673], %swap3A_676 {strides = array<i32>} : memref<48xi32, #tpu.memory_space<vmem>>, vector<16xi32>,
    %get3A_677 = arith.constant 12 : index
    %get3A_678 = tpu.vector_load %arg8[%get3A_677] {strides = array<i32>} : memref<48xi32, #tpu.memory_space<vmem>>, vector<16xi32>,
    %get3A_679 = vector.shape_cast %get3A_678 : vector<16xi32> to vector<16xi32>
    %add3A_680 = arith.addi %add3A_672, %get3A_679 : vector<16xi32>
    %swap3A_681 = arith.constant 16 : index
    %swap3A_682 = tpu.vector_load %arg8[%swap3A_681] {strides = array<i32>} : memref<48xi32, #tpu.memory_space<vmem>>, vector<16xi32>,
    %swap3A_683 = vector.shape_cast %swap3A_682 : vector<16xi32> to vector<16xi32>
    %swap3A_684 = vector.shape_cast %add3A_680 : vector<16xi32> to vector<16xi32>
    tpu.vector_store %arg8[%swap3A_681], %swap3A_684 {strides = array<i32>} : memref<48xi32, #tpu.memory_space<vmem>>, vector<16xi32>,
    %get3A_685 = arith.constant 8 : index
    %get3A_686 = tpu.vector_load %arg8[%get3A_685] {strides = array<i32>} : memref<48xi32, #tpu.memory_space<vmem>>, vector<16xi32>,
    %get3A_687 = vector.shape_cast %get3A_686 : vector<16xi32> to vector<16xi32>
    %add3A_688 = arith.addi %add3A_680, %get3A_687 : vector<16xi32>
    %swap3A_689 = arith.constant 16 : index
    %swap3A_690 = tpu.vector_load %arg8[%swap3A_689] {strides = array<i32>} : memref<48xi32, #tpu.memory_space<vmem>>, vector<16xi32>,
    %swap3A_691 = vector.shape_cast %swap3A_690 : vector<16xi32> to vector<16xi32>
    %swap3A_692 = vector.shape_cast %add3A_656 : vector<16xi32> to vector<16xi32>
    tpu.vector_store %arg8[%swap3A_689], %swap3A_692 {strides = array<i32>} : memref<48xi32, #tpu.memory_space<vmem>>, vector<16xi32>,
    %get3A_693 = arith.constant 17 : index
    %get3A_694 = tpu.vector_load %arg8[%get3A_693] {strides = array<i32>} : memref<48xi32, #tpu.memory_space<vmem>>, vector<16xi32>,
    %get3A_695 = vector.shape_cast %get3A_694 : vector<16xi32> to vector<16xi32>
    %add3A_696 = arith.addi %add3A_656, %get3A_695 : vector<16xi32>
    %swap3A_697 = arith.constant 16 : index
    %swap3A_698 = tpu.vector_load %arg8[%swap3A_697] {strides = array<i32>} : memref<48xi32, #tpu.memory_space<vmem>>, vector<16xi32>,
    %swap3A_699 = vector.shape_cast %swap3A_698 : vector<16xi32> to vector<16xi32>
    %swap3A_700 = vector.shape_cast %add3A_696 : vector<16xi32> to vector<16xi32>
    tpu.vector_store %arg8[%swap3A_697], %swap3A_700 {strides = array<i32>} : memref<48xi32, #tpu.memory_space<vmem>>, vector<16xi32>,
    %get3A_701 = arith.constant 18 : index
    %get3A_702 = tpu.vector_load %arg8[%get3A_701] {strides = array<i32>} : memref<48xi32, #tpu.memory_space<vmem>>, vector<16xi32>,
    %get3A_703 = vector.shape_cast %get3A_702 : vector<16xi32> to vector<16xi32>
    %add3A_704 = arith.addi %add3A_696, %get3A_703 : vector<16xi32>
    %swap3A_705 = arith.constant 16 : index
    %swap3A_706 = tpu.vector_load %arg8[%swap3A_705] {strides = array<i32>} : memref<48xi32, #tpu.memory_space<vmem>>, vector<16xi32>,
    %swap3A_707 = vector.shape_cast %swap3A_706 : vector<16xi32> to vector<16xi32>
    %swap3A_708 = vector.shape_cast %add3A_704 : vector<16xi32> to vector<16xi32>
    tpu.vector_store %arg8[%swap3A_705], %swap3A_708 {strides = array<i32>} : memref<48xi32, #tpu.memory_space<vmem>>, vector<16xi32>,
    %get3A_709 = arith.constant 20 : index
    %get3A_710 = tpu.vector_load %arg8[%get3A_709] {strides = array<i32>} : memref<48xi32, #tpu.memory_space<vmem>>, vector<16xi32>,
    %get3A_711 = vector.shape_cast %get3A_710 : vector<16xi32> to vector<16xi32>
    %add3A_712 = arith.addi %add3A_704, %get3A_711 : vector<16xi32>
    %swap3A_713 = arith.constant 16 : index
    %swap3A_714 = tpu.vector_load %arg8[%swap3A_713] {strides = array<i32>} : memref<48xi32, #tpu.memory_space<vmem>>, vector<16xi32>,
    %swap3A_715 = vector.shape_cast %swap3A_714 : vector<16xi32> to vector<16xi32>
    %swap3A_716 = vector.shape_cast %add3A_712 : vector<16xi32> to vector<16xi32>
    tpu.vector_store %arg8[%swap3A_713], %swap3A_716 {strides = array<i32>} : memref<48xi32, #tpu.memory_space<vmem>>, vector<16xi32>,
    %get3A_717 = arith.constant 24 : index
    %get3A_718 = tpu.vector_load %arg8[%get3A_717] {strides = array<i32>} : memref<48xi32, #tpu.memory_space<vmem>>, vector<16xi32>,
    %get3A_719 = vector.shape_cast %get3A_718 : vector<16xi32> to vector<16xi32>
    %add3A_720 = arith.addi %add3A_712, %get3A_719 : vector<16xi32>
    %add3A_721 = arith.addi %add3A_688, %add3A_720 : vector<16xi32>
    %sub3A_722 = arith.subi %add3A_721, %add3A_656 : vector<16xi32>
    %eq3A_723 = arith.constant 4 : i32
    %eq3A_724 = vector.broadcast %eq3A_723 : i32 to vector<16xi32>
    %eq3A_725 = arith.cmpi eq, %iota3A, %eq3A_724 : vector<16xi32>
    %jit3A_726 = arith.constant 0 : i32
    %broadcast_in_dim3A_727 = vector.broadcast %jit3A_726 : i32 to vector<16xi32>
    %select_n3A_728 = arith.select %eq3A_725, %sub3A_722, %broadcast_in_dim3A_727 : vector<16xi1>, vector<16xi32>
    %add3A_729 = arith.addi %add3A_620, %select_n3A_728 : vector<16xi32>
    %eq3A_730 = arith.constant 4 : i32
    %eq3A_731 = vector.broadcast %eq3A_730 : i32 to vector<16xi32>
    %eq3A_732 = arith.cmpi eq, %select_n3A_83, %eq3A_731 : vector<16xi32>
    %jit3A_733 = arith.constant 0.000000e+00 : f32
    %broadcast_in_dim3A_734 = vector.broadcast %jit3A_733 : f32 to vector<16xf32>
    %select_n3A_735 = arith.select %eq3A_732, %mul3A_204, %broadcast_in_dim3A_734 : vector<16xi1>, vector<16xf32>
    %eq3A_736 = arith.constant 4 : i32
    %eq3A_737 = vector.broadcast %eq3A_736 : i32 to vector<16xi32>
    %eq3A_738 = arith.cmpi eq, %select_n3A_197, %eq3A_737 : vector<16xi32>
    %jit3A_739 = arith.constant 0.000000e+00 : f32
    %broadcast_in_dim3A_740 = vector.broadcast %jit3A_739 : f32 to vector<16xf32>
    %select_n3A_741 = arith.select %eq3A_738, %mul3A_205, %broadcast_in_dim3A_740 : vector<16xi1>, vector<16xf32>
    %add3A_742 = arith.addf %select_n3A_735, %select_n3A_741 : vector<16xf32>
    %swap3A_743 = arith.constant 4 : i32
    %swap3A_744 = arith.index_cast %swap3A_743 : i32 to index
    %swap3A_745 = arith.constant 0 : index
    %swap3A_746 = tpu.vector_load %arg6[%swap3A_744, %swap3A_745] {strides = array<i32>} : memref<8x64xf32, #tpu.memory_space<vmem>>, vector<1x16xf32>,
    %swap3A_747 = vector.shape_cast %swap3A_746 : vector<1x16xf32> to vector<16xf32>
    %swap3A_748 = vector.shape_cast %add3A_742 : vector<16xf32> to vector<1x16xf32>
    tpu.vector_store %arg6[%swap3A_744, %swap3A_745], %swap3A_748 {strides = array<i32>} : memref<8x64xf32, #tpu.memory_space<vmem>>, vector<1x16xf32>,
    %eq3A_749 = arith.constant 5 : i32
    %eq3A_750 = vector.broadcast %eq3A_749 : i32 to vector<16xi32>
    %eq3A_751 = arith.cmpi eq, %select_n3A_83, %eq3A_750 : vector<16xi32>
    %jit3A_752 = arith.constant 1 : i32
    %jit3A_753 = arith.constant 0 : i32
    %broadcast_in_dim3A_754 = vector.broadcast %jit3A_752 : i32 to vector<16xi32>
    %broadcast_in_dim3A_755 = vector.broadcast %jit3A_753 : i32 to vector<16xi32>
    %select_n3A_756 = arith.select %eq3A_751, %broadcast_in_dim3A_754, %broadcast_in_dim3A_755 : vector<16xi1>, vector<16xi32>
    %eq3A_757 = arith.constant 5 : i32
    %eq3A_758 = vector.broadcast %eq3A_757 : i32 to vector<16xi32>
    %eq3A_759 = arith.cmpi eq, %select_n3A_197, %eq3A_758 : vector<16xi32>
    %jit3A_760 = arith.constant 1 : i32
    %jit3A_761 = arith.constant 0 : i32
    %broadcast_in_dim3A_762 = vector.broadcast %jit3A_760 : i32 to vector<16xi32>
    %broadcast_in_dim3A_763 = vector.broadcast %jit3A_761 : i32 to vector<16xi32>
    %select_n3A_764 = arith.select %eq3A_759, %broadcast_in_dim3A_762, %broadcast_in_dim3A_763 : vector<16xi1>, vector<16xi32>
    %add3A_765 = arith.addi %select_n3A_756, %select_n3A_764 : vector<16xi32>
    %swap3A_766 = arith.constant 16 : index
    %swap3A_767 = tpu.vector_load %arg8[%swap3A_766] {strides = array<i32>} : memref<48xi32, #tpu.memory_space<vmem>>, vector<16xi32>,
    %swap3A_768 = vector.shape_cast %swap3A_767 : vector<16xi32> to vector<16xi32>
    %swap3A_769 = vector.shape_cast %add3A_765 : vector<16xi32> to vector<16xi32>
    tpu.vector_store %arg8[%swap3A_766], %swap3A_769 {strides = array<i32>} : memref<48xi32, #tpu.memory_space<vmem>>, vector<16xi32>,
    %get3A_770 = arith.constant 15 : index
    %get3A_771 = tpu.vector_load %arg8[%get3A_770] {strides = array<i32>} : memref<48xi32, #tpu.memory_space<vmem>>, vector<16xi32>,
    %get3A_772 = vector.shape_cast %get3A_771 : vector<16xi32> to vector<16xi32>
    %add3A_773 = arith.addi %add3A_765, %get3A_772 : vector<16xi32>
    %swap3A_774 = arith.constant 16 : index
    %swap3A_775 = tpu.vector_load %arg8[%swap3A_774] {strides = array<i32>} : memref<48xi32, #tpu.memory_space<vmem>>, vector<16xi32>,
    %swap3A_776 = vector.shape_cast %swap3A_775 : vector<16xi32> to vector<16xi32>
    %swap3A_777 = vector.shape_cast %add3A_773 : vector<16xi32> to vector<16xi32>
    tpu.vector_store %arg8[%swap3A_774], %swap3A_777 {strides = array<i32>} : memref<48xi32, #tpu.memory_space<vmem>>, vector<16xi32>,
    %get3A_778 = arith.constant 14 : index
    %get3A_779 = tpu.vector_load %arg8[%get3A_778] {strides = array<i32>} : memref<48xi32, #tpu.memory_space<vmem>>, vector<16xi32>,
    %get3A_780 = vector.shape_cast %get3A_779 : vector<16xi32> to vector<16xi32>
    %add3A_781 = arith.addi %add3A_773, %get3A_780 : vector<16xi32>
    %swap3A_782 = arith.constant 16 : index
    %swap3A_783 = tpu.vector_load %arg8[%swap3A_782] {strides = array<i32>} : memref<48xi32, #tpu.memory_space<vmem>>, vector<16xi32>,
    %swap3A_784 = vector.shape_cast %swap3A_783 : vector<16xi32> to vector<16xi32>
    %swap3A_785 = vector.shape_cast %add3A_781 : vector<16xi32> to vector<16xi32>
    tpu.vector_store %arg8[%swap3A_782], %swap3A_785 {strides = array<i32>} : memref<48xi32, #tpu.memory_space<vmem>>, vector<16xi32>,
    %get3A_786 = arith.constant 12 : index
    %get3A_787 = tpu.vector_load %arg8[%get3A_786] {strides = array<i32>} : memref<48xi32, #tpu.memory_space<vmem>>, vector<16xi32>,
    %get3A_788 = vector.shape_cast %get3A_787 : vector<16xi32> to vector<16xi32>
    %add3A_789 = arith.addi %add3A_781, %get3A_788 : vector<16xi32>
    %swap3A_790 = arith.constant 16 : index
    %swap3A_791 = tpu.vector_load %arg8[%swap3A_790] {strides = array<i32>} : memref<48xi32, #tpu.memory_space<vmem>>, vector<16xi32>,
    %swap3A_792 = vector.shape_cast %swap3A_791 : vector<16xi32> to vector<16xi32>
    %swap3A_793 = vector.shape_cast %add3A_789 : vector<16xi32> to vector<16xi32>
    tpu.vector_store %arg8[%swap3A_790], %swap3A_793 {strides = array<i32>} : memref<48xi32, #tpu.memory_space<vmem>>, vector<16xi32>,
    %get3A_794 = arith.constant 8 : index
    %get3A_795 = tpu.vector_load %arg8[%get3A_794] {strides = array<i32>} : memref<48xi32, #tpu.memory_space<vmem>>, vector<16xi32>,
    %get3A_796 = vector.shape_cast %get3A_795 : vector<16xi32> to vector<16xi32>
    %add3A_797 = arith.addi %add3A_789, %get3A_796 : vector<16xi32>
    %swap3A_798 = arith.constant 16 : index
    %swap3A_799 = tpu.vector_load %arg8[%swap3A_798] {strides = array<i32>} : memref<48xi32, #tpu.memory_space<vmem>>, vector<16xi32>,
    %swap3A_800 = vector.shape_cast %swap3A_799 : vector<16xi32> to vector<16xi32>
    %swap3A_801 = vector.shape_cast %add3A_765 : vector<16xi32> to vector<16xi32>
    tpu.vector_store %arg8[%swap3A_798], %swap3A_801 {strides = array<i32>} : memref<48xi32, #tpu.memory_space<vmem>>, vector<16xi32>,
    %get3A_802 = arith.constant 17 : index
    %get3A_803 = tpu.vector_load %arg8[%get3A_802] {strides = array<i32>} : memref<48xi32, #tpu.memory_space<vmem>>, vector<16xi32>,
    %get3A_804 = vector.shape_cast %get3A_803 : vector<16xi32> to vector<16xi32>
    %add3A_805 = arith.addi %add3A_765, %get3A_804 : vector<16xi32>
    %swap3A_806 = arith.constant 16 : index
    %swap3A_807 = tpu.vector_load %arg8[%swap3A_806] {strides = array<i32>} : memref<48xi32, #tpu.memory_space<vmem>>, vector<16xi32>,
    %swap3A_808 = vector.shape_cast %swap3A_807 : vector<16xi32> to vector<16xi32>
    %swap3A_809 = vector.shape_cast %add3A_805 : vector<16xi32> to vector<16xi32>
    tpu.vector_store %arg8[%swap3A_806], %swap3A_809 {strides = array<i32>} : memref<48xi32, #tpu.memory_space<vmem>>, vector<16xi32>,
    %get3A_810 = arith.constant 18 : index
    %get3A_811 = tpu.vector_load %arg8[%get3A_810] {strides = array<i32>} : memref<48xi32, #tpu.memory_space<vmem>>, vector<16xi32>,
    %get3A_812 = vector.shape_cast %get3A_811 : vector<16xi32> to vector<16xi32>
    %add3A_813 = arith.addi %add3A_805, %get3A_812 : vector<16xi32>
    %swap3A_814 = arith.constant 16 : index
    %swap3A_815 = tpu.vector_load %arg8[%swap3A_814] {strides = array<i32>} : memref<48xi32, #tpu.memory_space<vmem>>, vector<16xi32>,
    %swap3A_816 = vector.shape_cast %swap3A_815 : vector<16xi32> to vector<16xi32>
    %swap3A_817 = vector.shape_cast %add3A_813 : vector<16xi32> to vector<16xi32>
    tpu.vector_store %arg8[%swap3A_814], %swap3A_817 {strides = array<i32>} : memref<48xi32, #tpu.memory_space<vmem>>, vector<16xi32>,
    %get3A_818 = arith.constant 20 : index
    %get3A_819 = tpu.vector_load %arg8[%get3A_818] {strides = array<i32>} : memref<48xi32, #tpu.memory_space<vmem>>, vector<16xi32>,
    %get3A_820 = vector.shape_cast %get3A_819 : vector<16xi32> to vector<16xi32>
    %add3A_821 = arith.addi %add3A_813, %get3A_820 : vector<16xi32>
    %swap3A_822 = arith.constant 16 : index
    %swap3A_823 = tpu.vector_load %arg8[%swap3A_822] {strides = array<i32>} : memref<48xi32, #tpu.memory_space<vmem>>, vector<16xi32>,
    %swap3A_824 = vector.shape_cast %swap3A_823 : vector<16xi32> to vector<16xi32>
    %swap3A_825 = vector.shape_cast %add3A_821 : vector<16xi32> to vector<16xi32>
    tpu.vector_store %arg8[%swap3A_822], %swap3A_825 {strides = array<i32>} : memref<48xi32, #tpu.memory_space<vmem>>, vector<16xi32>,
    %get3A_826 = arith.constant 24 : index
    %get3A_827 = tpu.vector_load %arg8[%get3A_826] {strides = array<i32>} : memref<48xi32, #tpu.memory_space<vmem>>, vector<16xi32>,
    %get3A_828 = vector.shape_cast %get3A_827 : vector<16xi32> to vector<16xi32>
    %add3A_829 = arith.addi %add3A_821, %get3A_828 : vector<16xi32>
    %add3A_830 = arith.addi %add3A_797, %add3A_829 : vector<16xi32>
    %sub3A_831 = arith.subi %add3A_830, %add3A_765 : vector<16xi32>
    %eq3A_832 = arith.constant 5 : i32
    %eq3A_833 = vector.broadcast %eq3A_832 : i32 to vector<16xi32>
    %eq3A_834 = arith.cmpi eq, %iota3A, %eq3A_833 : vector<16xi32>
    %jit3A_835 = arith.constant 0 : i32
    %broadcast_in_dim3A_836 = vector.broadcast %jit3A_835 : i32 to vector<16xi32>
    %select_n3A_837 = arith.select %eq3A_834, %sub3A_831, %broadcast_in_dim3A_836 : vector<16xi1>, vector<16xi32>
    %add3A_838 = arith.addi %add3A_729, %select_n3A_837 : vector<16xi32>
    %eq3A_839 = arith.constant 5 : i32
    %eq3A_840 = vector.broadcast %eq3A_839 : i32 to vector<16xi32>
    %eq3A_841 = arith.cmpi eq, %select_n3A_83, %eq3A_840 : vector<16xi32>
    %jit3A_842 = arith.constant 0.000000e+00 : f32
    %broadcast_in_dim3A_843 = vector.broadcast %jit3A_842 : f32 to vector<16xf32>
    %select_n3A_844 = arith.select %eq3A_841, %mul3A_204, %broadcast_in_dim3A_843 : vector<16xi1>, vector<16xf32>
    %eq3A_845 = arith.constant 5 : i32
    %eq3A_846 = vector.broadcast %eq3A_845 : i32 to vector<16xi32>
    %eq3A_847 = arith.cmpi eq, %select_n3A_197, %eq3A_846 : vector<16xi32>
    %jit3A_848 = arith.constant 0.000000e+00 : f32
    %broadcast_in_dim3A_849 = vector.broadcast %jit3A_848 : f32 to vector<16xf32>
    %select_n3A_850 = arith.select %eq3A_847, %mul3A_205, %broadcast_in_dim3A_849 : vector<16xi1>, vector<16xf32>
    %add3A_851 = arith.addf %select_n3A_844, %select_n3A_850 : vector<16xf32>
    %swap3A_852 = arith.constant 5 : i32
    %swap3A_853 = arith.index_cast %swap3A_852 : i32 to index
    %swap3A_854 = arith.constant 0 : index
    %swap3A_855 = tpu.vector_load %arg6[%swap3A_853, %swap3A_854] {strides = array<i32>} : memref<8x64xf32, #tpu.memory_space<vmem>>, vector<1x16xf32>,
    %swap3A_856 = vector.shape_cast %swap3A_855 : vector<1x16xf32> to vector<16xf32>
    %swap3A_857 = vector.shape_cast %add3A_851 : vector<16xf32> to vector<1x16xf32>
    tpu.vector_store %arg6[%swap3A_853, %swap3A_854], %swap3A_857 {strides = array<i32>} : memref<8x64xf32, #tpu.memory_space<vmem>>, vector<1x16xf32>,
    %eq3A_858 = arith.constant 6 : i32
    %eq3A_859 = vector.broadcast %eq3A_858 : i32 to vector<16xi32>
    %eq3A_860 = arith.cmpi eq, %select_n3A_83, %eq3A_859 : vector<16xi32>
    %jit3A_861 = arith.constant 1 : i32
    %jit3A_862 = arith.constant 0 : i32
    %broadcast_in_dim3A_863 = vector.broadcast %jit3A_861 : i32 to vector<16xi32>
    %broadcast_in_dim3A_864 = vector.broadcast %jit3A_862 : i32 to vector<16xi32>
    %select_n3A_865 = arith.select %eq3A_860, %broadcast_in_dim3A_863, %broadcast_in_dim3A_864 : vector<16xi1>, vector<16xi32>
    %eq3A_866 = arith.constant 6 : i32
    %eq3A_867 = vector.broadcast %eq3A_866 : i32 to vector<16xi32>
    %eq3A_868 = arith.cmpi eq, %select_n3A_197, %eq3A_867 : vector<16xi32>
    %jit3A_869 = arith.constant 1 : i32
    %jit3A_870 = arith.constant 0 : i32
    %broadcast_in_dim3A_871 = vector.broadcast %jit3A_869 : i32 to vector<16xi32>
    %broadcast_in_dim3A_872 = vector.broadcast %jit3A_870 : i32 to vector<16xi32>
    %select_n3A_873 = arith.select %eq3A_868, %broadcast_in_dim3A_871, %broadcast_in_dim3A_872 : vector<16xi1>, vector<16xi32>
    %add3A_874 = arith.addi %select_n3A_865, %select_n3A_873 : vector<16xi32>
    %swap3A_875 = arith.constant 16 : index
    %swap3A_876 = tpu.vector_load %arg8[%swap3A_875] {strides = array<i32>} : memref<48xi32, #tpu.memory_space<vmem>>, vector<16xi32>,
    %swap3A_877 = vector.shape_cast %swap3A_876 : vector<16xi32> to vector<16xi32>
    %swap3A_878 = vector.shape_cast %add3A_874 : vector<16xi32> to vector<16xi32>
    tpu.vector_store %arg8[%swap3A_875], %swap3A_878 {strides = array<i32>} : memref<48xi32, #tpu.memory_space<vmem>>, vector<16xi32>,
    %get3A_879 = arith.constant 15 : index
    %get3A_880 = tpu.vector_load %arg8[%get3A_879] {strides = array<i32>} : memref<48xi32, #tpu.memory_space<vmem>>, vector<16xi32>,
    %get3A_881 = vector.shape_cast %get3A_880 : vector<16xi32> to vector<16xi32>
    %add3A_882 = arith.addi %add3A_874, %get3A_881 : vector<16xi32>
    %swap3A_883 = arith.constant 16 : index
    %swap3A_884 = tpu.vector_load %arg8[%swap3A_883] {strides = array<i32>} : memref<48xi32, #tpu.memory_space<vmem>>, vector<16xi32>,
    %swap3A_885 = vector.shape_cast %swap3A_884 : vector<16xi32> to vector<16xi32>
    %swap3A_886 = vector.shape_cast %add3A_882 : vector<16xi32> to vector<16xi32>
    tpu.vector_store %arg8[%swap3A_883], %swap3A_886 {strides = array<i32>} : memref<48xi32, #tpu.memory_space<vmem>>, vector<16xi32>,
    %get3A_887 = arith.constant 14 : index
    %get3A_888 = tpu.vector_load %arg8[%get3A_887] {strides = array<i32>} : memref<48xi32, #tpu.memory_space<vmem>>, vector<16xi32>,
    %get3A_889 = vector.shape_cast %get3A_888 : vector<16xi32> to vector<16xi32>
    %add3A_890 = arith.addi %add3A_882, %get3A_889 : vector<16xi32>
    %swap3A_891 = arith.constant 16 : index
    %swap3A_892 = tpu.vector_load %arg8[%swap3A_891] {strides = array<i32>} : memref<48xi32, #tpu.memory_space<vmem>>, vector<16xi32>,
    %swap3A_893 = vector.shape_cast %swap3A_892 : vector<16xi32> to vector<16xi32>
    %swap3A_894 = vector.shape_cast %add3A_890 : vector<16xi32> to vector<16xi32>
    tpu.vector_store %arg8[%swap3A_891], %swap3A_894 {strides = array<i32>} : memref<48xi32, #tpu.memory_space<vmem>>, vector<16xi32>,
    %get3A_895 = arith.constant 12 : index
    %get3A_896 = tpu.vector_load %arg8[%get3A_895] {strides = array<i32>} : memref<48xi32, #tpu.memory_space<vmem>>, vector<16xi32>,
    %get3A_897 = vector.shape_cast %get3A_896 : vector<16xi32> to vector<16xi32>
    %add3A_898 = arith.addi %add3A_890, %get3A_897 : vector<16xi32>
    %swap3A_899 = arith.constant 16 : index
    %swap3A_900 = tpu.vector_load %arg8[%swap3A_899] {strides = array<i32>} : memref<48xi32, #tpu.memory_space<vmem>>, vector<16xi32>,
    %swap3A_901 = vector.shape_cast %swap3A_900 : vector<16xi32> to vector<16xi32>
    %swap3A_902 = vector.shape_cast %add3A_898 : vector<16xi32> to vector<16xi32>
    tpu.vector_store %arg8[%swap3A_899], %swap3A_902 {strides = array<i32>} : memref<48xi32, #tpu.memory_space<vmem>>, vector<16xi32>,
    %get3A_903 = arith.constant 8 : index
    %get3A_904 = tpu.vector_load %arg8[%get3A_903] {strides = array<i32>} : memref<48xi32, #tpu.memory_space<vmem>>, vector<16xi32>,
    %get3A_905 = vector.shape_cast %get3A_904 : vector<16xi32> to vector<16xi32>
    %add3A_906 = arith.addi %add3A_898, %get3A_905 : vector<16xi32>
    %swap3A_907 = arith.constant 16 : index
    %swap3A_908 = tpu.vector_load %arg8[%swap3A_907] {strides = array<i32>} : memref<48xi32, #tpu.memory_space<vmem>>, vector<16xi32>,
    %swap3A_909 = vector.shape_cast %swap3A_908 : vector<16xi32> to vector<16xi32>
    %swap3A_910 = vector.shape_cast %add3A_874 : vector<16xi32> to vector<16xi32>
    tpu.vector_store %arg8[%swap3A_907], %swap3A_910 {strides = array<i32>} : memref<48xi32, #tpu.memory_space<vmem>>, vector<16xi32>,
    %get3A_911 = arith.constant 17 : index
    %get3A_912 = tpu.vector_load %arg8[%get3A_911] {strides = array<i32>} : memref<48xi32, #tpu.memory_space<vmem>>, vector<16xi32>,
    %get3A_913 = vector.shape_cast %get3A_912 : vector<16xi32> to vector<16xi32>
    %add3A_914 = arith.addi %add3A_874, %get3A_913 : vector<16xi32>
    %swap3A_915 = arith.constant 16 : index
    %swap3A_916 = tpu.vector_load %arg8[%swap3A_915] {strides = array<i32>} : memref<48xi32, #tpu.memory_space<vmem>>, vector<16xi32>,
    %swap3A_917 = vector.shape_cast %swap3A_916 : vector<16xi32> to vector<16xi32>
    %swap3A_918 = vector.shape_cast %add3A_914 : vector<16xi32> to vector<16xi32>
    tpu.vector_store %arg8[%swap3A_915], %swap3A_918 {strides = array<i32>} : memref<48xi32, #tpu.memory_space<vmem>>, vector<16xi32>,
    %get3A_919 = arith.constant 18 : index
    %get3A_920 = tpu.vector_load %arg8[%get3A_919] {strides = array<i32>} : memref<48xi32, #tpu.memory_space<vmem>>, vector<16xi32>,
    %get3A_921 = vector.shape_cast %get3A_920 : vector<16xi32> to vector<16xi32>
    %add3A_922 = arith.addi %add3A_914, %get3A_921 : vector<16xi32>
    %swap3A_923 = arith.constant 16 : index
    %swap3A_924 = tpu.vector_load %arg8[%swap3A_923] {strides = array<i32>} : memref<48xi32, #tpu.memory_space<vmem>>, vector<16xi32>,
    %swap3A_925 = vector.shape_cast %swap3A_924 : vector<16xi32> to vector<16xi32>
    %swap3A_926 = vector.shape_cast %add3A_922 : vector<16xi32> to vector<16xi32>
    tpu.vector_store %arg8[%swap3A_923], %swap3A_926 {strides = array<i32>} : memref<48xi32, #tpu.memory_space<vmem>>, vector<16xi32>,
    %get3A_927 = arith.constant 20 : index
    %get3A_928 = tpu.vector_load %arg8[%get3A_927] {strides = array<i32>} : memref<48xi32, #tpu.memory_space<vmem>>, vector<16xi32>,
    %get3A_929 = vector.shape_cast %get3A_928 : vector<16xi32> to vector<16xi32>
    %add3A_930 = arith.addi %add3A_922, %get3A_929 : vector<16xi32>
    %swap3A_931 = arith.constant 16 : index
    %swap3A_932 = tpu.vector_load %arg8[%swap3A_931] {strides = array<i32>} : memref<48xi32, #tpu.memory_space<vmem>>, vector<16xi32>,
    %swap3A_933 = vector.shape_cast %swap3A_932 : vector<16xi32> to vector<16xi32>
    %swap3A_934 = vector.shape_cast %add3A_930 : vector<16xi32> to vector<16xi32>
    tpu.vector_store %arg8[%swap3A_931], %swap3A_934 {strides = array<i32>} : memref<48xi32, #tpu.memory_space<vmem>>, vector<16xi32>,
    %get3A_935 = arith.constant 24 : index
    %get3A_936 = tpu.vector_load %arg8[%get3A_935] {strides = array<i32>} : memref<48xi32, #tpu.memory_space<vmem>>, vector<16xi32>,
    %get3A_937 = vector.shape_cast %get3A_936 : vector<16xi32> to vector<16xi32>
    %add3A_938 = arith.addi %add3A_930, %get3A_937 : vector<16xi32>
    %add3A_939 = arith.addi %add3A_906, %add3A_938 : vector<16xi32>
    %sub3A_940 = arith.subi %add3A_939, %add3A_874 : vector<16xi32>
    %eq3A_941 = arith.constant 6 : i32
    %eq3A_942 = vector.broadcast %eq3A_941 : i32 to vector<16xi32>
    %eq3A_943 = arith.cmpi eq, %iota3A, %eq3A_942 : vector<16xi32>
    %jit3A_944 = arith.constant 0 : i32
    %broadcast_in_dim3A_945 = vector.broadcast %jit3A_944 : i32 to vector<16xi32>
    %select_n3A_946 = arith.select %eq3A_943, %sub3A_940, %broadcast_in_dim3A_945 : vector<16xi1>, vector<16xi32>
    %add3A_947 = arith.addi %add3A_838, %select_n3A_946 : vector<16xi32>
    %eq3A_948 = arith.constant 6 : i32
    %eq3A_949 = vector.broadcast %eq3A_948 : i32 to vector<16xi32>
    %eq3A_950 = arith.cmpi eq, %select_n3A_83, %eq3A_949 : vector<16xi32>
    %jit3A_951 = arith.constant 0.000000e+00 : f32
    %broadcast_in_dim3A_952 = vector.broadcast %jit3A_951 : f32 to vector<16xf32>
    %select_n3A_953 = arith.select %eq3A_950, %mul3A_204, %broadcast_in_dim3A_952 : vector<16xi1>, vector<16xf32>
    %eq3A_954 = arith.constant 6 : i32
    %eq3A_955 = vector.broadcast %eq3A_954 : i32 to vector<16xi32>
    %eq3A_956 = arith.cmpi eq, %select_n3A_197, %eq3A_955 : vector<16xi32>
    %jit3A_957 = arith.constant 0.000000e+00 : f32
    %broadcast_in_dim3A_958 = vector.broadcast %jit3A_957 : f32 to vector<16xf32>
    %select_n3A_959 = arith.select %eq3A_956, %mul3A_205, %broadcast_in_dim3A_958 : vector<16xi1>, vector<16xf32>
    %add3A_960 = arith.addf %select_n3A_953, %select_n3A_959 : vector<16xf32>
    %swap3A_961 = arith.constant 6 : i32
    %swap3A_962 = arith.index_cast %swap3A_961 : i32 to index
    %swap3A_963 = arith.constant 0 : index
    %swap3A_964 = tpu.vector_load %arg6[%swap3A_962, %swap3A_963] {strides = array<i32>} : memref<8x64xf32, #tpu.memory_space<vmem>>, vector<1x16xf32>,
    %swap3A_965 = vector.shape_cast %swap3A_964 : vector<1x16xf32> to vector<16xf32>
    %swap3A_966 = vector.shape_cast %add3A_960 : vector<16xf32> to vector<1x16xf32>
    tpu.vector_store %arg6[%swap3A_962, %swap3A_963], %swap3A_966 {strides = array<i32>} : memref<8x64xf32, #tpu.memory_space<vmem>>, vector<1x16xf32>,
    %eq3A_967 = arith.constant 7 : i32
    %eq3A_968 = vector.broadcast %eq3A_967 : i32 to vector<16xi32>
    %eq3A_969 = arith.cmpi eq, %select_n3A_83, %eq3A_968 : vector<16xi32>
    %jit3A_970 = arith.constant 1 : i32
    %jit3A_971 = arith.constant 0 : i32
    %broadcast_in_dim3A_972 = vector.broadcast %jit3A_970 : i32 to vector<16xi32>
    %broadcast_in_dim3A_973 = vector.broadcast %jit3A_971 : i32 to vector<16xi32>
    %select_n3A_974 = arith.select %eq3A_969, %broadcast_in_dim3A_972, %broadcast_in_dim3A_973 : vector<16xi1>, vector<16xi32>
    %eq3A_975 = arith.constant 7 : i32
    %eq3A_976 = vector.broadcast %eq3A_975 : i32 to vector<16xi32>
    %eq3A_977 = arith.cmpi eq, %select_n3A_197, %eq3A_976 : vector<16xi32>
    %jit3A_978 = arith.constant 1 : i32
    %jit3A_979 = arith.constant 0 : i32
    %broadcast_in_dim3A_980 = vector.broadcast %jit3A_978 : i32 to vector<16xi32>
    %broadcast_in_dim3A_981 = vector.broadcast %jit3A_979 : i32 to vector<16xi32>
    %select_n3A_982 = arith.select %eq3A_977, %broadcast_in_dim3A_980, %broadcast_in_dim3A_981 : vector<16xi1>, vector<16xi32>
    %add3A_983 = arith.addi %select_n3A_974, %select_n3A_982 : vector<16xi32>
    %swap3A_984 = arith.constant 16 : index
    %swap3A_985 = tpu.vector_load %arg8[%swap3A_984] {strides = array<i32>} : memref<48xi32, #tpu.memory_space<vmem>>, vector<16xi32>,
    %swap3A_986 = vector.shape_cast %swap3A_985 : vector<16xi32> to vector<16xi32>
    %swap3A_987 = vector.shape_cast %add3A_983 : vector<16xi32> to vector<16xi32>
    tpu.vector_store %arg8[%swap3A_984], %swap3A_987 {strides = array<i32>} : memref<48xi32, #tpu.memory_space<vmem>>, vector<16xi32>,
    %get3A_988 = arith.constant 15 : index
    %get3A_989 = tpu.vector_load %arg8[%get3A_988] {strides = array<i32>} : memref<48xi32, #tpu.memory_space<vmem>>, vector<16xi32>,
    %get3A_990 = vector.shape_cast %get3A_989 : vector<16xi32> to vector<16xi32>
    %add3A_991 = arith.addi %add3A_983, %get3A_990 : vector<16xi32>
    %swap3A_992 = arith.constant 16 : index
    %swap3A_993 = tpu.vector_load %arg8[%swap3A_992] {strides = array<i32>} : memref<48xi32, #tpu.memory_space<vmem>>, vector<16xi32>,
    %swap3A_994 = vector.shape_cast %swap3A_993 : vector<16xi32> to vector<16xi32>
    %swap3A_995 = vector.shape_cast %add3A_991 : vector<16xi32> to vector<16xi32>
    tpu.vector_store %arg8[%swap3A_992], %swap3A_995 {strides = array<i32>} : memref<48xi32, #tpu.memory_space<vmem>>, vector<16xi32>,
    %get3A_996 = arith.constant 14 : index
    %get3A_997 = tpu.vector_load %arg8[%get3A_996] {strides = array<i32>} : memref<48xi32, #tpu.memory_space<vmem>>, vector<16xi32>,
    %get3A_998 = vector.shape_cast %get3A_997 : vector<16xi32> to vector<16xi32>
    %add3A_999 = arith.addi %add3A_991, %get3A_998 : vector<16xi32>
    %swap3A_1000 = arith.constant 16 : index
    %swap3A_1001 = tpu.vector_load %arg8[%swap3A_1000] {strides = array<i32>} : memref<48xi32, #tpu.memory_space<vmem>>, vector<16xi32>,
    %swap3A_1002 = vector.shape_cast %swap3A_1001 : vector<16xi32> to vector<16xi32>
    %swap3A_1003 = vector.shape_cast %add3A_999 : vector<16xi32> to vector<16xi32>
    tpu.vector_store %arg8[%swap3A_1000], %swap3A_1003 {strides = array<i32>} : memref<48xi32, #tpu.memory_space<vmem>>, vector<16xi32>,
    %get3A_1004 = arith.constant 12 : index
    %get3A_1005 = tpu.vector_load %arg8[%get3A_1004] {strides = array<i32>} : memref<48xi32, #tpu.memory_space<vmem>>, vector<16xi32>,
    %get3A_1006 = vector.shape_cast %get3A_1005 : vector<16xi32> to vector<16xi32>
    %add3A_1007 = arith.addi %add3A_999, %get3A_1006 : vector<16xi32>
    %swap3A_1008 = arith.constant 16 : index
    %swap3A_1009 = tpu.vector_load %arg8[%swap3A_1008] {strides = array<i32>} : memref<48xi32, #tpu.memory_space<vmem>>, vector<16xi32>,
    %swap3A_1010 = vector.shape_cast %swap3A_1009 : vector<16xi32> to vector<16xi32>
    %swap3A_1011 = vector.shape_cast %add3A_1007 : vector<16xi32> to vector<16xi32>
    tpu.vector_store %arg8[%swap3A_1008], %swap3A_1011 {strides = array<i32>} : memref<48xi32, #tpu.memory_space<vmem>>, vector<16xi32>,
    %get3A_1012 = arith.constant 8 : index
    %get3A_1013 = tpu.vector_load %arg8[%get3A_1012] {strides = array<i32>} : memref<48xi32, #tpu.memory_space<vmem>>, vector<16xi32>,
    %get3A_1014 = vector.shape_cast %get3A_1013 : vector<16xi32> to vector<16xi32>
    %add3A_1015 = arith.addi %add3A_1007, %get3A_1014 : vector<16xi32>
    %swap3A_1016 = arith.constant 16 : index
    %swap3A_1017 = tpu.vector_load %arg8[%swap3A_1016] {strides = array<i32>} : memref<48xi32, #tpu.memory_space<vmem>>, vector<16xi32>,
    %swap3A_1018 = vector.shape_cast %swap3A_1017 : vector<16xi32> to vector<16xi32>
    %swap3A_1019 = vector.shape_cast %add3A_983 : vector<16xi32> to vector<16xi32>
    tpu.vector_store %arg8[%swap3A_1016], %swap3A_1019 {strides = array<i32>} : memref<48xi32, #tpu.memory_space<vmem>>, vector<16xi32>,
    %get3A_1020 = arith.constant 17 : index
    %get3A_1021 = tpu.vector_load %arg8[%get3A_1020] {strides = array<i32>} : memref<48xi32, #tpu.memory_space<vmem>>, vector<16xi32>,
    %get3A_1022 = vector.shape_cast %get3A_1021 : vector<16xi32> to vector<16xi32>
    %add3A_1023 = arith.addi %add3A_983, %get3A_1022 : vector<16xi32>
    %swap3A_1024 = arith.constant 16 : index
    %swap3A_1025 = tpu.vector_load %arg8[%swap3A_1024] {strides = array<i32>} : memref<48xi32, #tpu.memory_space<vmem>>, vector<16xi32>,
    %swap3A_1026 = vector.shape_cast %swap3A_1025 : vector<16xi32> to vector<16xi32>
    %swap3A_1027 = vector.shape_cast %add3A_1023 : vector<16xi32> to vector<16xi32>
    tpu.vector_store %arg8[%swap3A_1024], %swap3A_1027 {strides = array<i32>} : memref<48xi32, #tpu.memory_space<vmem>>, vector<16xi32>,
    %get3A_1028 = arith.constant 18 : index
    %get3A_1029 = tpu.vector_load %arg8[%get3A_1028] {strides = array<i32>} : memref<48xi32, #tpu.memory_space<vmem>>, vector<16xi32>,
    %get3A_1030 = vector.shape_cast %get3A_1029 : vector<16xi32> to vector<16xi32>
    %add3A_1031 = arith.addi %add3A_1023, %get3A_1030 : vector<16xi32>
    %swap3A_1032 = arith.constant 16 : index
    %swap3A_1033 = tpu.vector_load %arg8[%swap3A_1032] {strides = array<i32>} : memref<48xi32, #tpu.memory_space<vmem>>, vector<16xi32>,
    %swap3A_1034 = vector.shape_cast %swap3A_1033 : vector<16xi32> to vector<16xi32>
    %swap3A_1035 = vector.shape_cast %add3A_1031 : vector<16xi32> to vector<16xi32>
    tpu.vector_store %arg8[%swap3A_1032], %swap3A_1035 {strides = array<i32>} : memref<48xi32, #tpu.memory_space<vmem>>, vector<16xi32>,
    %get3A_1036 = arith.constant 20 : index
    %get3A_1037 = tpu.vector_load %arg8[%get3A_1036] {strides = array<i32>} : memref<48xi32, #tpu.memory_space<vmem>>, vector<16xi32>,
    %get3A_1038 = vector.shape_cast %get3A_1037 : vector<16xi32> to vector<16xi32>
    %add3A_1039 = arith.addi %add3A_1031, %get3A_1038 : vector<16xi32>
    %swap3A_1040 = arith.constant 16 : index
    %swap3A_1041 = tpu.vector_load %arg8[%swap3A_1040] {strides = array<i32>} : memref<48xi32, #tpu.memory_space<vmem>>, vector<16xi32>,
    %swap3A_1042 = vector.shape_cast %swap3A_1041 : vector<16xi32> to vector<16xi32>
    %swap3A_1043 = vector.shape_cast %add3A_1039 : vector<16xi32> to vector<16xi32>
    tpu.vector_store %arg8[%swap3A_1040], %swap3A_1043 {strides = array<i32>} : memref<48xi32, #tpu.memory_space<vmem>>, vector<16xi32>,
    %get3A_1044 = arith.constant 24 : index
    %get3A_1045 = tpu.vector_load %arg8[%get3A_1044] {strides = array<i32>} : memref<48xi32, #tpu.memory_space<vmem>>, vector<16xi32>,
    %get3A_1046 = vector.shape_cast %get3A_1045 : vector<16xi32> to vector<16xi32>
    %add3A_1047 = arith.addi %add3A_1039, %get3A_1046 : vector<16xi32>
    %add3A_1048 = arith.addi %add3A_1015, %add3A_1047 : vector<16xi32>
    %sub3A_1049 = arith.subi %add3A_1048, %add3A_983 : vector<16xi32>
    %eq3A_1050 = arith.constant 7 : i32
    %eq3A_1051 = vector.broadcast %eq3A_1050 : i32 to vector<16xi32>
    %eq3A_1052 = arith.cmpi eq, %iota3A, %eq3A_1051 : vector<16xi32>
    %jit3A_1053 = arith.constant 0 : i32
    %broadcast_in_dim3A_1054 = vector.broadcast %jit3A_1053 : i32 to vector<16xi32>
    %select_n3A_1055 = arith.select %eq3A_1052, %sub3A_1049, %broadcast_in_dim3A_1054 : vector<16xi1>, vector<16xi32>
    %add3A_1056 = arith.addi %add3A_947, %select_n3A_1055 : vector<16xi32>
    %eq3A_1057 = arith.constant 7 : i32
    %eq3A_1058 = vector.broadcast %eq3A_1057 : i32 to vector<16xi32>
    %eq3A_1059 = arith.cmpi eq, %select_n3A_83, %eq3A_1058 : vector<16xi32>
    %jit3A_1060 = arith.constant 0.000000e+00 : f32
    %broadcast_in_dim3A_1061 = vector.broadcast %jit3A_1060 : f32 to vector<16xf32>
    %select_n3A_1062 = arith.select %eq3A_1059, %mul3A_204, %broadcast_in_dim3A_1061 : vector<16xi1>, vector<16xf32>
    %eq3A_1063 = arith.constant 7 : i32
    %eq3A_1064 = vector.broadcast %eq3A_1063 : i32 to vector<16xi32>
    %eq3A_1065 = arith.cmpi eq, %select_n3A_197, %eq3A_1064 : vector<16xi32>
    %jit3A_1066 = arith.constant 0.000000e+00 : f32
    %broadcast_in_dim3A_1067 = vector.broadcast %jit3A_1066 : f32 to vector<16xf32>
    %select_n3A_1068 = arith.select %eq3A_1065, %mul3A_205, %broadcast_in_dim3A_1067 : vector<16xi1>, vector<16xf32>
    %add3A_1069 = arith.addf %select_n3A_1062, %select_n3A_1068 : vector<16xf32>
    %swap3A_1070 = arith.constant 7 : i32
    %swap3A_1071 = arith.index_cast %swap3A_1070 : i32 to index
    %swap3A_1072 = arith.constant 0 : index
    %swap3A_1073 = tpu.vector_load %arg6[%swap3A_1071, %swap3A_1072] {strides = array<i32>} : memref<8x64xf32, #tpu.memory_space<vmem>>, vector<1x16xf32>,
    %swap3A_1074 = vector.shape_cast %swap3A_1073 : vector<1x16xf32> to vector<16xf32>
    %swap3A_1075 = vector.shape_cast %add3A_1069 : vector<16xf32> to vector<1x16xf32>
    tpu.vector_store %arg6[%swap3A_1071, %swap3A_1072], %swap3A_1075 {strides = array<i32>} : memref<8x64xf32, #tpu.memory_space<vmem>>, vector<1x16xf32>,
    %get3A_1076 = arith.constant 0 : i32
    %get3A_1077 = arith.index_cast %get3A_1076 : i32 to index
    %get3A_1078 = arith.constant 16 : index
    %get3A_1079 = tpu.vector_load %arg5[%get3A_1077, %get3A_1078] {strides = array<i32>} : memref<8x64xf32, #tpu.memory_space<vmem>>, vector<1x16xf32>,
    %get3A_1080 = vector.shape_cast %get3A_1079 : vector<1x16xf32> to vector<16xf32>
    %broadcast_in_dim3A_1081 = arith.constant 0 : i32
    %broadcast_in_dim3A_1082 = vector.broadcast %broadcast_in_dim3A_1081 : i32 to vector<16xi32>
    %get3A_1083 = arith.constant 1 : i32
    %get3A_1084 = arith.index_cast %get3A_1083 : i32 to index
    %get3A_1085 = arith.constant 16 : index
    %get3A_1086 = tpu.vector_load %arg5[%get3A_1084, %get3A_1085] {strides = array<i32>} : memref<8x64xf32, #tpu.memory_space<vmem>>, vector<1x16xf32>,
    %get3A_1087 = vector.shape_cast %get3A_1086 : vector<1x16xf32> to vector<16xf32>
    %gt3A_1088 = arith.cmpf ogt, %get3A_1087, %get3A_1080 : vector<16xf32>
    %select_n3A_1089 = arith.select %gt3A_1088, %get3A_1087, %get3A_1080 : vector<16xi1>, vector<16xf32>
    %jit3A_1090 = arith.constant 1 : i32
    %broadcast_in_dim3A_1091 = vector.broadcast %jit3A_1090 : i32 to vector<16xi32>
    %select_n3A_1092 = arith.select %gt3A_1088, %broadcast_in_dim3A_1091, %broadcast_in_dim3A_1082 : vector<16xi1>, vector<16xi32>
    %get3A_1093 = arith.constant 2 : i32
    %get3A_1094 = arith.index_cast %get3A_1093 : i32 to index
    %get3A_1095 = arith.constant 16 : index
    %get3A_1096 = tpu.vector_load %arg5[%get3A_1094, %get3A_1095] {strides = array<i32>} : memref<8x64xf32, #tpu.memory_space<vmem>>, vector<1x16xf32>,
    %get3A_1097 = vector.shape_cast %get3A_1096 : vector<1x16xf32> to vector<16xf32>
    %gt3A_1098 = arith.cmpf ogt, %get3A_1097, %select_n3A_1089 : vector<16xf32>
    %select_n3A_1099 = arith.select %gt3A_1098, %get3A_1097, %select_n3A_1089 : vector<16xi1>, vector<16xf32>
    %jit3A_1100 = arith.constant 2 : i32
    %broadcast_in_dim3A_1101 = vector.broadcast %jit3A_1100 : i32 to vector<16xi32>
    %select_n3A_1102 = arith.select %gt3A_1098, %broadcast_in_dim3A_1101, %select_n3A_1092 : vector<16xi1>, vector<16xi32>
    %get3A_1103 = arith.constant 3 : i32
    %get3A_1104 = arith.index_cast %get3A_1103 : i32 to index
    %get3A_1105 = arith.constant 16 : index
    %get3A_1106 = tpu.vector_load %arg5[%get3A_1104, %get3A_1105] {strides = array<i32>} : memref<8x64xf32, #tpu.memory_space<vmem>>, vector<1x16xf32>,
    %get3A_1107 = vector.shape_cast %get3A_1106 : vector<1x16xf32> to vector<16xf32>
    %gt3A_1108 = arith.cmpf ogt, %get3A_1107, %select_n3A_1099 : vector<16xf32>
    %select_n3A_1109 = arith.select %gt3A_1108, %get3A_1107, %select_n3A_1099 : vector<16xi1>, vector<16xf32>
    %jit3A_1110 = arith.constant 3 : i32
    %broadcast_in_dim3A_1111 = vector.broadcast %jit3A_1110 : i32 to vector<16xi32>
    %select_n3A_1112 = arith.select %gt3A_1108, %broadcast_in_dim3A_1111, %select_n3A_1102 : vector<16xi1>, vector<16xi32>
    %get3A_1113 = arith.constant 4 : i32
    %get3A_1114 = arith.index_cast %get3A_1113 : i32 to index
    %get3A_1115 = arith.constant 16 : index
    %get3A_1116 = tpu.vector_load %arg5[%get3A_1114, %get3A_1115] {strides = array<i32>} : memref<8x64xf32, #tpu.memory_space<vmem>>, vector<1x16xf32>,
    %get3A_1117 = vector.shape_cast %get3A_1116 : vector<1x16xf32> to vector<16xf32>
    %gt3A_1118 = arith.cmpf ogt, %get3A_1117, %select_n3A_1109 : vector<16xf32>
    %select_n3A_1119 = arith.select %gt3A_1118, %get3A_1117, %select_n3A_1109 : vector<16xi1>, vector<16xf32>
    %jit3A_1120 = arith.constant 4 : i32
    %broadcast_in_dim3A_1121 = vector.broadcast %jit3A_1120 : i32 to vector<16xi32>
    %select_n3A_1122 = arith.select %gt3A_1118, %broadcast_in_dim3A_1121, %select_n3A_1112 : vector<16xi1>, vector<16xi32>
    %get3A_1123 = arith.constant 5 : i32
    %get3A_1124 = arith.index_cast %get3A_1123 : i32 to index
    %get3A_1125 = arith.constant 16 : index
    %get3A_1126 = tpu.vector_load %arg5[%get3A_1124, %get3A_1125] {strides = array<i32>} : memref<8x64xf32, #tpu.memory_space<vmem>>, vector<1x16xf32>,
    %get3A_1127 = vector.shape_cast %get3A_1126 : vector<1x16xf32> to vector<16xf32>
    %gt3A_1128 = arith.cmpf ogt, %get3A_1127, %select_n3A_1119 : vector<16xf32>
    %select_n3A_1129 = arith.select %gt3A_1128, %get3A_1127, %select_n3A_1119 : vector<16xi1>, vector<16xf32>
    %jit3A_1130 = arith.constant 5 : i32
    %broadcast_in_dim3A_1131 = vector.broadcast %jit3A_1130 : i32 to vector<16xi32>
    %select_n3A_1132 = arith.select %gt3A_1128, %broadcast_in_dim3A_1131, %select_n3A_1122 : vector<16xi1>, vector<16xi32>
    %get3A_1133 = arith.constant 6 : i32
    %get3A_1134 = arith.index_cast %get3A_1133 : i32 to index
    %get3A_1135 = arith.constant 16 : index
    %get3A_1136 = tpu.vector_load %arg5[%get3A_1134, %get3A_1135] {strides = array<i32>} : memref<8x64xf32, #tpu.memory_space<vmem>>, vector<1x16xf32>,
    %get3A_1137 = vector.shape_cast %get3A_1136 : vector<1x16xf32> to vector<16xf32>
    %gt3A_1138 = arith.cmpf ogt, %get3A_1137, %select_n3A_1129 : vector<16xf32>
    %select_n3A_1139 = arith.select %gt3A_1138, %get3A_1137, %select_n3A_1129 : vector<16xi1>, vector<16xf32>
    %jit3A_1140 = arith.constant 6 : i32
    %broadcast_in_dim3A_1141 = vector.broadcast %jit3A_1140 : i32 to vector<16xi32>
    %select_n3A_1142 = arith.select %gt3A_1138, %broadcast_in_dim3A_1141, %select_n3A_1132 : vector<16xi1>, vector<16xi32>
    %get3A_1143 = arith.constant 7 : i32
    %get3A_1144 = arith.index_cast %get3A_1143 : i32 to index
    %get3A_1145 = arith.constant 16 : index
    %get3A_1146 = tpu.vector_load %arg5[%get3A_1144, %get3A_1145] {strides = array<i32>} : memref<8x64xf32, #tpu.memory_space<vmem>>, vector<1x16xf32>,
    %get3A_1147 = vector.shape_cast %get3A_1146 : vector<1x16xf32> to vector<16xf32>
    %gt3A_1148 = arith.cmpf ogt, %get3A_1147, %select_n3A_1139 : vector<16xf32>
    %select_n3A_1149 = arith.select %gt3A_1148, %get3A_1147, %select_n3A_1139 : vector<16xi1>, vector<16xf32>
    %jit3A_1150 = arith.constant 7 : i32
    %broadcast_in_dim3A_1151 = vector.broadcast %jit3A_1150 : i32 to vector<16xi32>
    %select_n3A_1152 = arith.select %gt3A_1148, %broadcast_in_dim3A_1151, %select_n3A_1142 : vector<16xi1>, vector<16xi32>
    %broadcast_in_dim3A_1153 = arith.constant -3.000000e+38 : f32
    %broadcast_in_dim3A_1154 = vector.broadcast %broadcast_in_dim3A_1153 : f32 to vector<16xf32>
    %broadcast_in_dim3A_1155 = arith.constant 0 : i32
    %broadcast_in_dim3A_1156 = vector.broadcast %broadcast_in_dim3A_1155 : i32 to vector<16xi32>
    %get3A_1157 = arith.constant 0 : i32
    %get3A_1158 = arith.index_cast %get3A_1157 : i32 to index
    %get3A_1159 = arith.constant 16 : index
    %get3A_1160 = tpu.vector_load %arg5[%get3A_1158, %get3A_1159] {strides = array<i32>} : memref<8x64xf32, #tpu.memory_space<vmem>>, vector<1x16xf32>,
    %get3A_1161 = vector.shape_cast %get3A_1160 : vector<1x16xf32> to vector<16xf32>
    %gt3A_1162 = arith.cmpf ogt, %get3A_1161, %broadcast_in_dim3A_1154 : vector<16xf32>
    %ne3A_1163 = arith.constant 0 : i32
    %ne3A_1164 = vector.broadcast %ne3A_1163 : i32 to vector<16xi32>
    %ne3A_1165 = arith.cmpi ne, %select_n3A_1152, %ne3A_1164 : vector<16xi32>
    %and3A_1166 = arith.andi %gt3A_1162, %ne3A_1165 : vector<16xi1>
    %select_n3A_1167 = arith.select %and3A_1166, %get3A_1161, %broadcast_in_dim3A_1154 : vector<16xi1>, vector<16xf32>
    %jit3A_1168 = arith.constant 0 : i32
    %broadcast_in_dim3A_1169 = vector.broadcast %jit3A_1168 : i32 to vector<16xi32>
    %select_n3A_1170 = arith.select %and3A_1166, %broadcast_in_dim3A_1169, %broadcast_in_dim3A_1156 : vector<16xi1>, vector<16xi32>
    %get3A_1171 = arith.constant 1 : i32
    %get3A_1172 = arith.index_cast %get3A_1171 : i32 to index
    %get3A_1173 = arith.constant 16 : index
    %get3A_1174 = tpu.vector_load %arg5[%get3A_1172, %get3A_1173] {strides = array<i32>} : memref<8x64xf32, #tpu.memory_space<vmem>>, vector<1x16xf32>,
    %get3A_1175 = vector.shape_cast %get3A_1174 : vector<1x16xf32> to vector<16xf32>
    %gt3A_1176 = arith.cmpf ogt, %get3A_1175, %select_n3A_1167 : vector<16xf32>
    %ne3A_1177 = arith.constant 1 : i32
    %ne3A_1178 = vector.broadcast %ne3A_1177 : i32 to vector<16xi32>
    %ne3A_1179 = arith.cmpi ne, %select_n3A_1152, %ne3A_1178 : vector<16xi32>
    %and3A_1180 = arith.andi %gt3A_1176, %ne3A_1179 : vector<16xi1>
    %select_n3A_1181 = arith.select %and3A_1180, %get3A_1175, %select_n3A_1167 : vector<16xi1>, vector<16xf32>
    %jit3A_1182 = arith.constant 1 : i32
    %broadcast_in_dim3A_1183 = vector.broadcast %jit3A_1182 : i32 to vector<16xi32>
    %select_n3A_1184 = arith.select %and3A_1180, %broadcast_in_dim3A_1183, %select_n3A_1170 : vector<16xi1>, vector<16xi32>
    %get3A_1185 = arith.constant 2 : i32
    %get3A_1186 = arith.index_cast %get3A_1185 : i32 to index
    %get3A_1187 = arith.constant 16 : index
    %get3A_1188 = tpu.vector_load %arg5[%get3A_1186, %get3A_1187] {strides = array<i32>} : memref<8x64xf32, #tpu.memory_space<vmem>>, vector<1x16xf32>,
    %get3A_1189 = vector.shape_cast %get3A_1188 : vector<1x16xf32> to vector<16xf32>
    %gt3A_1190 = arith.cmpf ogt, %get3A_1189, %select_n3A_1181 : vector<16xf32>
    %ne3A_1191 = arith.constant 2 : i32
    %ne3A_1192 = vector.broadcast %ne3A_1191 : i32 to vector<16xi32>
    %ne3A_1193 = arith.cmpi ne, %select_n3A_1152, %ne3A_1192 : vector<16xi32>
    %and3A_1194 = arith.andi %gt3A_1190, %ne3A_1193 : vector<16xi1>
    %select_n3A_1195 = arith.select %and3A_1194, %get3A_1189, %select_n3A_1181 : vector<16xi1>, vector<16xf32>
    %jit3A_1196 = arith.constant 2 : i32
    %broadcast_in_dim3A_1197 = vector.broadcast %jit3A_1196 : i32 to vector<16xi32>
    %select_n3A_1198 = arith.select %and3A_1194, %broadcast_in_dim3A_1197, %select_n3A_1184 : vector<16xi1>, vector<16xi32>
    %get3A_1199 = arith.constant 3 : i32
    %get3A_1200 = arith.index_cast %get3A_1199 : i32 to index
    %get3A_1201 = arith.constant 16 : index
    %get3A_1202 = tpu.vector_load %arg5[%get3A_1200, %get3A_1201] {strides = array<i32>} : memref<8x64xf32, #tpu.memory_space<vmem>>, vector<1x16xf32>,
    %get3A_1203 = vector.shape_cast %get3A_1202 : vector<1x16xf32> to vector<16xf32>
    %gt3A_1204 = arith.cmpf ogt, %get3A_1203, %select_n3A_1195 : vector<16xf32>
    %ne3A_1205 = arith.constant 3 : i32
    %ne3A_1206 = vector.broadcast %ne3A_1205 : i32 to vector<16xi32>
    %ne3A_1207 = arith.cmpi ne, %select_n3A_1152, %ne3A_1206 : vector<16xi32>
    %and3A_1208 = arith.andi %gt3A_1204, %ne3A_1207 : vector<16xi1>
    %select_n3A_1209 = arith.select %and3A_1208, %get3A_1203, %select_n3A_1195 : vector<16xi1>, vector<16xf32>
    %jit3A_1210 = arith.constant 3 : i32
    %broadcast_in_dim3A_1211 = vector.broadcast %jit3A_1210 : i32 to vector<16xi32>
    %select_n3A_1212 = arith.select %and3A_1208, %broadcast_in_dim3A_1211, %select_n3A_1198 : vector<16xi1>, vector<16xi32>
    %get3A_1213 = arith.constant 4 : i32
    %get3A_1214 = arith.index_cast %get3A_1213 : i32 to index
    %get3A_1215 = arith.constant 16 : index
    %get3A_1216 = tpu.vector_load %arg5[%get3A_1214, %get3A_1215] {strides = array<i32>} : memref<8x64xf32, #tpu.memory_space<vmem>>, vector<1x16xf32>,
    %get3A_1217 = vector.shape_cast %get3A_1216 : vector<1x16xf32> to vector<16xf32>
    %gt3A_1218 = arith.cmpf ogt, %get3A_1217, %select_n3A_1209 : vector<16xf32>
    %ne3A_1219 = arith.constant 4 : i32
    %ne3A_1220 = vector.broadcast %ne3A_1219 : i32 to vector<16xi32>
    %ne3A_1221 = arith.cmpi ne, %select_n3A_1152, %ne3A_1220 : vector<16xi32>
    %and3A_1222 = arith.andi %gt3A_1218, %ne3A_1221 : vector<16xi1>
    %select_n3A_1223 = arith.select %and3A_1222, %get3A_1217, %select_n3A_1209 : vector<16xi1>, vector<16xf32>
    %jit3A_1224 = arith.constant 4 : i32
    %broadcast_in_dim3A_1225 = vector.broadcast %jit3A_1224 : i32 to vector<16xi32>
    %select_n3A_1226 = arith.select %and3A_1222, %broadcast_in_dim3A_1225, %select_n3A_1212 : vector<16xi1>, vector<16xi32>
    %get3A_1227 = arith.constant 5 : i32
    %get3A_1228 = arith.index_cast %get3A_1227 : i32 to index
    %get3A_1229 = arith.constant 16 : index
    %get3A_1230 = tpu.vector_load %arg5[%get3A_1228, %get3A_1229] {strides = array<i32>} : memref<8x64xf32, #tpu.memory_space<vmem>>, vector<1x16xf32>,
    %get3A_1231 = vector.shape_cast %get3A_1230 : vector<1x16xf32> to vector<16xf32>
    %gt3A_1232 = arith.cmpf ogt, %get3A_1231, %select_n3A_1223 : vector<16xf32>
    %ne3A_1233 = arith.constant 5 : i32
    %ne3A_1234 = vector.broadcast %ne3A_1233 : i32 to vector<16xi32>
    %ne3A_1235 = arith.cmpi ne, %select_n3A_1152, %ne3A_1234 : vector<16xi32>
    %and3A_1236 = arith.andi %gt3A_1232, %ne3A_1235 : vector<16xi1>
    %select_n3A_1237 = arith.select %and3A_1236, %get3A_1231, %select_n3A_1223 : vector<16xi1>, vector<16xf32>
    %jit3A_1238 = arith.constant 5 : i32
    %broadcast_in_dim3A_1239 = vector.broadcast %jit3A_1238 : i32 to vector<16xi32>
    %select_n3A_1240 = arith.select %and3A_1236, %broadcast_in_dim3A_1239, %select_n3A_1226 : vector<16xi1>, vector<16xi32>
    %get3A_1241 = arith.constant 6 : i32
    %get3A_1242 = arith.index_cast %get3A_1241 : i32 to index
    %get3A_1243 = arith.constant 16 : index
    %get3A_1244 = tpu.vector_load %arg5[%get3A_1242, %get3A_1243] {strides = array<i32>} : memref<8x64xf32, #tpu.memory_space<vmem>>, vector<1x16xf32>,
    %get3A_1245 = vector.shape_cast %get3A_1244 : vector<1x16xf32> to vector<16xf32>
    %gt3A_1246 = arith.cmpf ogt, %get3A_1245, %select_n3A_1237 : vector<16xf32>
    %ne3A_1247 = arith.constant 6 : i32
    %ne3A_1248 = vector.broadcast %ne3A_1247 : i32 to vector<16xi32>
    %ne3A_1249 = arith.cmpi ne, %select_n3A_1152, %ne3A_1248 : vector<16xi32>
    %and3A_1250 = arith.andi %gt3A_1246, %ne3A_1249 : vector<16xi1>
    %select_n3A_1251 = arith.select %and3A_1250, %get3A_1245, %select_n3A_1237 : vector<16xi1>, vector<16xf32>
    %jit3A_1252 = arith.constant 6 : i32
    %broadcast_in_dim3A_1253 = vector.broadcast %jit3A_1252 : i32 to vector<16xi32>
    %select_n3A_1254 = arith.select %and3A_1250, %broadcast_in_dim3A_1253, %select_n3A_1240 : vector<16xi1>, vector<16xi32>
    %get3A_1255 = arith.constant 7 : i32
    %get3A_1256 = arith.index_cast %get3A_1255 : i32 to index
    %get3A_1257 = arith.constant 16 : index
    %get3A_1258 = tpu.vector_load %arg5[%get3A_1256, %get3A_1257] {strides = array<i32>} : memref<8x64xf32, #tpu.memory_space<vmem>>, vector<1x16xf32>,
    %get3A_1259 = vector.shape_cast %get3A_1258 : vector<1x16xf32> to vector<16xf32>
    %gt3A_1260 = arith.cmpf ogt, %get3A_1259, %select_n3A_1251 : vector<16xf32>
    %ne3A_1261 = arith.constant 7 : i32
    %ne3A_1262 = vector.broadcast %ne3A_1261 : i32 to vector<16xi32>
    %ne3A_1263 = arith.cmpi ne, %select_n3A_1152, %ne3A_1262 : vector<16xi32>
    %and3A_1264 = arith.andi %gt3A_1260, %ne3A_1263 : vector<16xi1>
    %select_n3A_1265 = arith.select %and3A_1264, %get3A_1259, %select_n3A_1251 : vector<16xi1>, vector<16xf32>
    %jit3A_1266 = arith.constant 7 : i32
    %broadcast_in_dim3A_1267 = vector.broadcast %jit3A_1266 : i32 to vector<16xi32>
    %select_n3A_1268 = arith.select %and3A_1264, %broadcast_in_dim3A_1267, %select_n3A_1254 : vector<16xi1>, vector<16xi32>
    %add3A_1269 = arith.addf %select_n3A_1149, %select_n3A_1265 : vector<16xf32>
    %add3A_1270 = arith.constant 9.99999993E-9 : f32
    %add3A_1271 = vector.broadcast %add3A_1270 : f32 to vector<16xf32>
    %add3A_1272 = arith.addf %add3A_1269, %add3A_1271 : vector<16xf32>
    %div3A_1273 = arith.constant 1.000000e+00 : f32
    %div3A_1274 = vector.broadcast %div3A_1273 : f32 to vector<16xf32>
    %div3A_1275 = arith.divf %div3A_1274, %add3A_1272 : vector<16xf32>
    %mul3A_1276 = arith.mulf %select_n3A_1149, %div3A_1275 : vector<16xf32>
    %mul3A_1277 = arith.mulf %select_n3A_1265, %div3A_1275 : vector<16xf32>
    %eq3A_1278 = arith.constant 0 : i32
    %eq3A_1279 = vector.broadcast %eq3A_1278 : i32 to vector<16xi32>
    %eq3A_1280 = arith.cmpi eq, %select_n3A_1152, %eq3A_1279 : vector<16xi32>
    %jit3A_1281 = arith.constant 1 : i32
    %jit3A_1282 = arith.constant 0 : i32
    %broadcast_in_dim3A_1283 = vector.broadcast %jit3A_1281 : i32 to vector<16xi32>
    %broadcast_in_dim3A_1284 = vector.broadcast %jit3A_1282 : i32 to vector<16xi32>
    %select_n3A_1285 = arith.select %eq3A_1280, %broadcast_in_dim3A_1283, %broadcast_in_dim3A_1284 : vector<16xi1>, vector<16xi32>
    %eq3A_1286 = arith.constant 0 : i32
    %eq3A_1287 = vector.broadcast %eq3A_1286 : i32 to vector<16xi32>
    %eq3A_1288 = arith.cmpi eq, %select_n3A_1268, %eq3A_1287 : vector<16xi32>
    %jit3A_1289 = arith.constant 1 : i32
    %jit3A_1290 = arith.constant 0 : i32
    %broadcast_in_dim3A_1291 = vector.broadcast %jit3A_1289 : i32 to vector<16xi32>
    %broadcast_in_dim3A_1292 = vector.broadcast %jit3A_1290 : i32 to vector<16xi32>
    %select_n3A_1293 = arith.select %eq3A_1288, %broadcast_in_dim3A_1291, %broadcast_in_dim3A_1292 : vector<16xi1>, vector<16xi32>
    %add3A_1294 = arith.addi %select_n3A_1285, %select_n3A_1293 : vector<16xi32>
    %swap3A_1295 = arith.constant 16 : index
    %swap3A_1296 = tpu.vector_load %arg8[%swap3A_1295] {strides = array<i32>} : memref<48xi32, #tpu.memory_space<vmem>>, vector<16xi32>,
    %swap3A_1297 = vector.shape_cast %swap3A_1296 : vector<16xi32> to vector<16xi32>
    %swap3A_1298 = vector.shape_cast %add3A_1294 : vector<16xi32> to vector<16xi32>
    tpu.vector_store %arg8[%swap3A_1295], %swap3A_1298 {strides = array<i32>} : memref<48xi32, #tpu.memory_space<vmem>>, vector<16xi32>,
    %get3A_1299 = arith.constant 15 : index
    %get3A_1300 = tpu.vector_load %arg8[%get3A_1299] {strides = array<i32>} : memref<48xi32, #tpu.memory_space<vmem>>, vector<16xi32>,
    %get3A_1301 = vector.shape_cast %get3A_1300 : vector<16xi32> to vector<16xi32>
    %add3A_1302 = arith.addi %add3A_1294, %get3A_1301 : vector<16xi32>
    %swap3A_1303 = arith.constant 16 : index
    %swap3A_1304 = tpu.vector_load %arg8[%swap3A_1303] {strides = array<i32>} : memref<48xi32, #tpu.memory_space<vmem>>, vector<16xi32>,
    %swap3A_1305 = vector.shape_cast %swap3A_1304 : vector<16xi32> to vector<16xi32>
    %swap3A_1306 = vector.shape_cast %add3A_1302 : vector<16xi32> to vector<16xi32>
    tpu.vector_store %arg8[%swap3A_1303], %swap3A_1306 {strides = array<i32>} : memref<48xi32, #tpu.memory_space<vmem>>, vector<16xi32>,
    %get3A_1307 = arith.constant 14 : index
    %get3A_1308 = tpu.vector_load %arg8[%get3A_1307] {strides = array<i32>} : memref<48xi32, #tpu.memory_space<vmem>>, vector<16xi32>,
    %get3A_1309 = vector.shape_cast %get3A_1308 : vector<16xi32> to vector<16xi32>
    %add3A_1310 = arith.addi %add3A_1302, %get3A_1309 : vector<16xi32>
    %swap3A_1311 = arith.constant 16 : index
    %swap3A_1312 = tpu.vector_load %arg8[%swap3A_1311] {strides = array<i32>} : memref<48xi32, #tpu.memory_space<vmem>>, vector<16xi32>,
    %swap3A_1313 = vector.shape_cast %swap3A_1312 : vector<16xi32> to vector<16xi32>
    %swap3A_1314 = vector.shape_cast %add3A_1310 : vector<16xi32> to vector<16xi32>
    tpu.vector_store %arg8[%swap3A_1311], %swap3A_1314 {strides = array<i32>} : memref<48xi32, #tpu.memory_space<vmem>>, vector<16xi32>,
    %get3A_1315 = arith.constant 12 : index
    %get3A_1316 = tpu.vector_load %arg8[%get3A_1315] {strides = array<i32>} : memref<48xi32, #tpu.memory_space<vmem>>, vector<16xi32>,
    %get3A_1317 = vector.shape_cast %get3A_1316 : vector<16xi32> to vector<16xi32>
    %add3A_1318 = arith.addi %add3A_1310, %get3A_1317 : vector<16xi32>
    %swap3A_1319 = arith.constant 16 : index
    %swap3A_1320 = tpu.vector_load %arg8[%swap3A_1319] {strides = array<i32>} : memref<48xi32, #tpu.memory_space<vmem>>, vector<16xi32>,
    %swap3A_1321 = vector.shape_cast %swap3A_1320 : vector<16xi32> to vector<16xi32>
    %swap3A_1322 = vector.shape_cast %add3A_1318 : vector<16xi32> to vector<16xi32>
    tpu.vector_store %arg8[%swap3A_1319], %swap3A_1322 {strides = array<i32>} : memref<48xi32, #tpu.memory_space<vmem>>, vector<16xi32>,
    %get3A_1323 = arith.constant 8 : index
    %get3A_1324 = tpu.vector_load %arg8[%get3A_1323] {strides = array<i32>} : memref<48xi32, #tpu.memory_space<vmem>>, vector<16xi32>,
    %get3A_1325 = vector.shape_cast %get3A_1324 : vector<16xi32> to vector<16xi32>
    %add3A_1326 = arith.addi %add3A_1318, %get3A_1325 : vector<16xi32>
    %swap3A_1327 = arith.constant 16 : index
    %swap3A_1328 = tpu.vector_load %arg8[%swap3A_1327] {strides = array<i32>} : memref<48xi32, #tpu.memory_space<vmem>>, vector<16xi32>,
    %swap3A_1329 = vector.shape_cast %swap3A_1328 : vector<16xi32> to vector<16xi32>
    %swap3A_1330 = vector.shape_cast %add3A_1294 : vector<16xi32> to vector<16xi32>
    tpu.vector_store %arg8[%swap3A_1327], %swap3A_1330 {strides = array<i32>} : memref<48xi32, #tpu.memory_space<vmem>>, vector<16xi32>,
    %get3A_1331 = arith.constant 17 : index
    %get3A_1332 = tpu.vector_load %arg8[%get3A_1331] {strides = array<i32>} : memref<48xi32, #tpu.memory_space<vmem>>, vector<16xi32>,
    %get3A_1333 = vector.shape_cast %get3A_1332 : vector<16xi32> to vector<16xi32>
    %add3A_1334 = arith.addi %add3A_1294, %get3A_1333 : vector<16xi32>
    %swap3A_1335 = arith.constant 16 : index
    %swap3A_1336 = tpu.vector_load %arg8[%swap3A_1335] {strides = array<i32>} : memref<48xi32, #tpu.memory_space<vmem>>, vector<16xi32>,
    %swap3A_1337 = vector.shape_cast %swap3A_1336 : vector<16xi32> to vector<16xi32>
    %swap3A_1338 = vector.shape_cast %add3A_1334 : vector<16xi32> to vector<16xi32>
    tpu.vector_store %arg8[%swap3A_1335], %swap3A_1338 {strides = array<i32>} : memref<48xi32, #tpu.memory_space<vmem>>, vector<16xi32>,
    %get3A_1339 = arith.constant 18 : index
    %get3A_1340 = tpu.vector_load %arg8[%get3A_1339] {strides = array<i32>} : memref<48xi32, #tpu.memory_space<vmem>>, vector<16xi32>,
    %get3A_1341 = vector.shape_cast %get3A_1340 : vector<16xi32> to vector<16xi32>
    %add3A_1342 = arith.addi %add3A_1334, %get3A_1341 : vector<16xi32>
    %swap3A_1343 = arith.constant 16 : index
    %swap3A_1344 = tpu.vector_load %arg8[%swap3A_1343] {strides = array<i32>} : memref<48xi32, #tpu.memory_space<vmem>>, vector<16xi32>,
    %swap3A_1345 = vector.shape_cast %swap3A_1344 : vector<16xi32> to vector<16xi32>
    %swap3A_1346 = vector.shape_cast %add3A_1342 : vector<16xi32> to vector<16xi32>
    tpu.vector_store %arg8[%swap3A_1343], %swap3A_1346 {strides = array<i32>} : memref<48xi32, #tpu.memory_space<vmem>>, vector<16xi32>,
    %get3A_1347 = arith.constant 20 : index
    %get3A_1348 = tpu.vector_load %arg8[%get3A_1347] {strides = array<i32>} : memref<48xi32, #tpu.memory_space<vmem>>, vector<16xi32>,
    %get3A_1349 = vector.shape_cast %get3A_1348 : vector<16xi32> to vector<16xi32>
    %add3A_1350 = arith.addi %add3A_1342, %get3A_1349 : vector<16xi32>
    %swap3A_1351 = arith.constant 16 : index
    %swap3A_1352 = tpu.vector_load %arg8[%swap3A_1351] {strides = array<i32>} : memref<48xi32, #tpu.memory_space<vmem>>, vector<16xi32>,
    %swap3A_1353 = vector.shape_cast %swap3A_1352 : vector<16xi32> to vector<16xi32>
    %swap3A_1354 = vector.shape_cast %add3A_1350 : vector<16xi32> to vector<16xi32>
    tpu.vector_store %arg8[%swap3A_1351], %swap3A_1354 {strides = array<i32>} : memref<48xi32, #tpu.memory_space<vmem>>, vector<16xi32>,
    %get3A_1355 = arith.constant 24 : index
    %get3A_1356 = tpu.vector_load %arg8[%get3A_1355] {strides = array<i32>} : memref<48xi32, #tpu.memory_space<vmem>>, vector<16xi32>,
    %get3A_1357 = vector.shape_cast %get3A_1356 : vector<16xi32> to vector<16xi32>
    %add3A_1358 = arith.addi %add3A_1350, %get3A_1357 : vector<16xi32>
    %add3A_1359 = arith.addi %add3A_1326, %add3A_1358 : vector<16xi32>
    %sub3A_1360 = arith.subi %add3A_1359, %add3A_1294 : vector<16xi32>
    %eq3A_1361 = arith.constant 0 : i32
    %eq3A_1362 = vector.broadcast %eq3A_1361 : i32 to vector<16xi32>
    %eq3A_1363 = arith.cmpi eq, %iota3A, %eq3A_1362 : vector<16xi32>
    %jit3A_1364 = arith.constant 0 : i32
    %broadcast_in_dim3A_1365 = vector.broadcast %jit3A_1364 : i32 to vector<16xi32>
    %select_n3A_1366 = arith.select %eq3A_1363, %sub3A_1360, %broadcast_in_dim3A_1365 : vector<16xi1>, vector<16xi32>
    %add3A_1367 = arith.addi %add3A_1056, %select_n3A_1366 : vector<16xi32>
    %eq3A_1368 = arith.constant 0 : i32
    %eq3A_1369 = vector.broadcast %eq3A_1368 : i32 to vector<16xi32>
    %eq3A_1370 = arith.cmpi eq, %select_n3A_1152, %eq3A_1369 : vector<16xi32>
    %jit3A_1371 = arith.constant 0.000000e+00 : f32
    %broadcast_in_dim3A_1372 = vector.broadcast %jit3A_1371 : f32 to vector<16xf32>
    %select_n3A_1373 = arith.select %eq3A_1370, %mul3A_1276, %broadcast_in_dim3A_1372 : vector<16xi1>, vector<16xf32>
    %eq3A_1374 = arith.constant 0 : i32
    %eq3A_1375 = vector.broadcast %eq3A_1374 : i32 to vector<16xi32>
    %eq3A_1376 = arith.cmpi eq, %select_n3A_1268, %eq3A_1375 : vector<16xi32>
    %jit3A_1377 = arith.constant 0.000000e+00 : f32
    %broadcast_in_dim3A_1378 = vector.broadcast %jit3A_1377 : f32 to vector<16xf32>
    %select_n3A_1379 = arith.select %eq3A_1376, %mul3A_1277, %broadcast_in_dim3A_1378 : vector<16xi1>, vector<16xf32>
    %add3A_1380 = arith.addf %select_n3A_1373, %select_n3A_1379 : vector<16xf32>
    %swap3A_1381 = arith.constant 0 : i32
    %swap3A_1382 = arith.index_cast %swap3A_1381 : i32 to index
    %swap3A_1383 = arith.constant 16 : index
    %swap3A_1384 = tpu.vector_load %arg6[%swap3A_1382, %swap3A_1383] {strides = array<i32>} : memref<8x64xf32, #tpu.memory_space<vmem>>, vector<1x16xf32>,
    %swap3A_1385 = vector.shape_cast %swap3A_1384 : vector<1x16xf32> to vector<16xf32>
    %swap3A_1386 = vector.shape_cast %add3A_1380 : vector<16xf32> to vector<1x16xf32>
    tpu.vector_store %arg6[%swap3A_1382, %swap3A_1383], %swap3A_1386 {strides = array<i32>} : memref<8x64xf32, #tpu.memory_space<vmem>>, vector<1x16xf32>,
    %eq3A_1387 = arith.constant 1 : i32
    %eq3A_1388 = vector.broadcast %eq3A_1387 : i32 to vector<16xi32>
    %eq3A_1389 = arith.cmpi eq, %select_n3A_1152, %eq3A_1388 : vector<16xi32>
    %jit3A_1390 = arith.constant 1 : i32
    %jit3A_1391 = arith.constant 0 : i32
    %broadcast_in_dim3A_1392 = vector.broadcast %jit3A_1390 : i32 to vector<16xi32>
    %broadcast_in_dim3A_1393 = vector.broadcast %jit3A_1391 : i32 to vector<16xi32>
    %select_n3A_1394 = arith.select %eq3A_1389, %broadcast_in_dim3A_1392, %broadcast_in_dim3A_1393 : vector<16xi1>, vector<16xi32>
    %eq3A_1395 = arith.constant 1 : i32
    %eq3A_1396 = vector.broadcast %eq3A_1395 : i32 to vector<16xi32>
    %eq3A_1397 = arith.cmpi eq, %select_n3A_1268, %eq3A_1396 : vector<16xi32>
    %jit3A_1398 = arith.constant 1 : i32
    %jit3A_1399 = arith.constant 0 : i32
    %broadcast_in_dim3A_1400 = vector.broadcast %jit3A_1398 : i32 to vector<16xi32>
    %broadcast_in_dim3A_1401 = vector.broadcast %jit3A_1399 : i32 to vector<16xi32>
    %select_n3A_1402 = arith.select %eq3A_1397, %broadcast_in_dim3A_1400, %broadcast_in_dim3A_1401 : vector<16xi1>, vector<16xi32>
    %add3A_1403 = arith.addi %select_n3A_1394, %select_n3A_1402 : vector<16xi32>
    %swap3A_1404 = arith.constant 16 : index
    %swap3A_1405 = tpu.vector_load %arg8[%swap3A_1404] {strides = array<i32>} : memref<48xi32, #tpu.memory_space<vmem>>, vector<16xi32>,
    %swap3A_1406 = vector.shape_cast %swap3A_1405 : vector<16xi32> to vector<16xi32>
    %swap3A_1407 = vector.shape_cast %add3A_1403 : vector<16xi32> to vector<16xi32>
    tpu.vector_store %arg8[%swap3A_1404], %swap3A_1407 {strides = array<i32>} : memref<48xi32, #tpu.memory_space<vmem>>, vector<16xi32>,
    %get3A_1408 = arith.constant 15 : index
    %get3A_1409 = tpu.vector_load %arg8[%get3A_1408] {strides = array<i32>} : memref<48xi32, #tpu.memory_space<vmem>>, vector<16xi32>,
    %get3A_1410 = vector.shape_cast %get3A_1409 : vector<16xi32> to vector<16xi32>
    %add3A_1411 = arith.addi %add3A_1403, %get3A_1410 : vector<16xi32>
    %swap3A_1412 = arith.constant 16 : index
    %swap3A_1413 = tpu.vector_load %arg8[%swap3A_1412] {strides = array<i32>} : memref<48xi32, #tpu.memory_space<vmem>>, vector<16xi32>,
    %swap3A_1414 = vector.shape_cast %swap3A_1413 : vector<16xi32> to vector<16xi32>
    %swap3A_1415 = vector.shape_cast %add3A_1411 : vector<16xi32> to vector<16xi32>
    tpu.vector_store %arg8[%swap3A_1412], %swap3A_1415 {strides = array<i32>} : memref<48xi32, #tpu.memory_space<vmem>>, vector<16xi32>,
    %get3A_1416 = arith.constant 14 : index
    %get3A_1417 = tpu.vector_load %arg8[%get3A_1416] {strides = array<i32>} : memref<48xi32, #tpu.memory_space<vmem>>, vector<16xi32>,
    %get3A_1418 = vector.shape_cast %get3A_1417 : vector<16xi32> to vector<16xi32>
    %add3A_1419 = arith.addi %add3A_1411, %get3A_1418 : vector<16xi32>
    %swap3A_1420 = arith.constant 16 : index
    %swap3A_1421 = tpu.vector_load %arg8[%swap3A_1420] {strides = array<i32>} : memref<48xi32, #tpu.memory_space<vmem>>, vector<16xi32>,
    %swap3A_1422 = vector.shape_cast %swap3A_1421 : vector<16xi32> to vector<16xi32>
    %swap3A_1423 = vector.shape_cast %add3A_1419 : vector<16xi32> to vector<16xi32>
    tpu.vector_store %arg8[%swap3A_1420], %swap3A_1423 {strides = array<i32>} : memref<48xi32, #tpu.memory_space<vmem>>, vector<16xi32>,
    %get3A_1424 = arith.constant 12 : index
    %get3A_1425 = tpu.vector_load %arg8[%get3A_1424] {strides = array<i32>} : memref<48xi32, #tpu.memory_space<vmem>>, vector<16xi32>,
    %get3A_1426 = vector.shape_cast %get3A_1425 : vector<16xi32> to vector<16xi32>
    %add3A_1427 = arith.addi %add3A_1419, %get3A_1426 : vector<16xi32>
    %swap3A_1428 = arith.constant 16 : index
    %swap3A_1429 = tpu.vector_load %arg8[%swap3A_1428] {strides = array<i32>} : memref<48xi32, #tpu.memory_space<vmem>>, vector<16xi32>,
    %swap3A_1430 = vector.shape_cast %swap3A_1429 : vector<16xi32> to vector<16xi32>
    %swap3A_1431 = vector.shape_cast %add3A_1427 : vector<16xi32> to vector<16xi32>
    tpu.vector_store %arg8[%swap3A_1428], %swap3A_1431 {strides = array<i32>} : memref<48xi32, #tpu.memory_space<vmem>>, vector<16xi32>,
    %get3A_1432 = arith.constant 8 : index
    %get3A_1433 = tpu.vector_load %arg8[%get3A_1432] {strides = array<i32>} : memref<48xi32, #tpu.memory_space<vmem>>, vector<16xi32>,
    %get3A_1434 = vector.shape_cast %get3A_1433 : vector<16xi32> to vector<16xi32>
    %add3A_1435 = arith.addi %add3A_1427, %get3A_1434 : vector<16xi32>
    %swap3A_1436 = arith.constant 16 : index
    %swap3A_1437 = tpu.vector_load %arg8[%swap3A_1436] {strides = array<i32>} : memref<48xi32, #tpu.memory_space<vmem>>, vector<16xi32>,
    %swap3A_1438 = vector.shape_cast %swap3A_1437 : vector<16xi32> to vector<16xi32>
    %swap3A_1439 = vector.shape_cast %add3A_1403 : vector<16xi32> to vector<16xi32>
    tpu.vector_store %arg8[%swap3A_1436], %swap3A_1439 {strides = array<i32>} : memref<48xi32, #tpu.memory_space<vmem>>, vector<16xi32>,
    %get3A_1440 = arith.constant 17 : index
    %get3A_1441 = tpu.vector_load %arg8[%get3A_1440] {strides = array<i32>} : memref<48xi32, #tpu.memory_space<vmem>>, vector<16xi32>,
    %get3A_1442 = vector.shape_cast %get3A_1441 : vector<16xi32> to vector<16xi32>
    %add3A_1443 = arith.addi %add3A_1403, %get3A_1442 : vector<16xi32>
    %swap3A_1444 = arith.constant 16 : index
    %swap3A_1445 = tpu.vector_load %arg8[%swap3A_1444] {strides = array<i32>} : memref<48xi32, #tpu.memory_space<vmem>>, vector<16xi32>,
    %swap3A_1446 = vector.shape_cast %swap3A_1445 : vector<16xi32> to vector<16xi32>
    %swap3A_1447 = vector.shape_cast %add3A_1443 : vector<16xi32> to vector<16xi32>
    tpu.vector_store %arg8[%swap3A_1444], %swap3A_1447 {strides = array<i32>} : memref<48xi32, #tpu.memory_space<vmem>>, vector<16xi32>,
    %get3A_1448 = arith.constant 18 : index
    %get3A_1449 = tpu.vector_load %arg8[%get3A_1448] {strides = array<i32>} : memref<48xi32, #tpu.memory_space<vmem>>, vector<16xi32>,
    %get3A_1450 = vector.shape_cast %get3A_1449 : vector<16xi32> to vector<16xi32>
    %add3A_1451 = arith.addi %add3A_1443, %get3A_1450 : vector<16xi32>
    %swap3A_1452 = arith.constant 16 : index
    %swap3A_1453 = tpu.vector_load %arg8[%swap3A_1452] {strides = array<i32>} : memref<48xi32, #tpu.memory_space<vmem>>, vector<16xi32>,
    %swap3A_1454 = vector.shape_cast %swap3A_1453 : vector<16xi32> to vector<16xi32>
    %swap3A_1455 = vector.shape_cast %add3A_1451 : vector<16xi32> to vector<16xi32>
    tpu.vector_store %arg8[%swap3A_1452], %swap3A_1455 {strides = array<i32>} : memref<48xi32, #tpu.memory_space<vmem>>, vector<16xi32>,
    %get3A_1456 = arith.constant 20 : index
    %get3A_1457 = tpu.vector_load %arg8[%get3A_1456] {strides = array<i32>} : memref<48xi32, #tpu.memory_space<vmem>>, vector<16xi32>,
    %get3A_1458 = vector.shape_cast %get3A_1457 : vector<16xi32> to vector<16xi32>
    %add3A_1459 = arith.addi %add3A_1451, %get3A_1458 : vector<16xi32>
    %swap3A_1460 = arith.constant 16 : index
    %swap3A_1461 = tpu.vector_load %arg8[%swap3A_1460] {strides = array<i32>} : memref<48xi32, #tpu.memory_space<vmem>>, vector<16xi32>,
    %swap3A_1462 = vector.shape_cast %swap3A_1461 : vector<16xi32> to vector<16xi32>
    %swap3A_1463 = vector.shape_cast %add3A_1459 : vector<16xi32> to vector<16xi32>
    tpu.vector_store %arg8[%swap3A_1460], %swap3A_1463 {strides = array<i32>} : memref<48xi32, #tpu.memory_space<vmem>>, vector<16xi32>,
    %get3A_1464 = arith.constant 24 : index
    %get3A_1465 = tpu.vector_load %arg8[%get3A_1464] {strides = array<i32>} : memref<48xi32, #tpu.memory_space<vmem>>, vector<16xi32>,
    %get3A_1466 = vector.shape_cast %get3A_1465 : vector<16xi32> to vector<16xi32>
    %add3A_1467 = arith.addi %add3A_1459, %get3A_1466 : vector<16xi32>
    %add3A_1468 = arith.addi %add3A_1435, %add3A_1467 : vector<16xi32>
    %sub3A_1469 = arith.subi %add3A_1468, %add3A_1403 : vector<16xi32>
    %eq3A_1470 = arith.constant 1 : i32
    %eq3A_1471 = vector.broadcast %eq3A_1470 : i32 to vector<16xi32>
    %eq3A_1472 = arith.cmpi eq, %iota3A, %eq3A_1471 : vector<16xi32>
    %jit3A_1473 = arith.constant 0 : i32
    %broadcast_in_dim3A_1474 = vector.broadcast %jit3A_1473 : i32 to vector<16xi32>
    %select_n3A_1475 = arith.select %eq3A_1472, %sub3A_1469, %broadcast_in_dim3A_1474 : vector<16xi1>, vector<16xi32>
    %add3A_1476 = arith.addi %add3A_1367, %select_n3A_1475 : vector<16xi32>
    %eq3A_1477 = arith.constant 1 : i32
    %eq3A_1478 = vector.broadcast %eq3A_1477 : i32 to vector<16xi32>
    %eq3A_1479 = arith.cmpi eq, %select_n3A_1152, %eq3A_1478 : vector<16xi32>
    %jit3A_1480 = arith.constant 0.000000e+00 : f32
    %broadcast_in_dim3A_1481 = vector.broadcast %jit3A_1480 : f32 to vector<16xf32>
    %select_n3A_1482 = arith.select %eq3A_1479, %mul3A_1276, %broadcast_in_dim3A_1481 : vector<16xi1>, vector<16xf32>
    %eq3A_1483 = arith.constant 1 : i32
    %eq3A_1484 = vector.broadcast %eq3A_1483 : i32 to vector<16xi32>
    %eq3A_1485 = arith.cmpi eq, %select_n3A_1268, %eq3A_1484 : vector<16xi32>
    %jit3A_1486 = arith.constant 0.000000e+00 : f32
    %broadcast_in_dim3A_1487 = vector.broadcast %jit3A_1486 : f32 to vector<16xf32>
    %select_n3A_1488 = arith.select %eq3A_1485, %mul3A_1277, %broadcast_in_dim3A_1487 : vector<16xi1>, vector<16xf32>
    %add3A_1489 = arith.addf %select_n3A_1482, %select_n3A_1488 : vector<16xf32>
    %swap3A_1490 = arith.constant 1 : i32
    %swap3A_1491 = arith.index_cast %swap3A_1490 : i32 to index
    %swap3A_1492 = arith.constant 16 : index
    %swap3A_1493 = tpu.vector_load %arg6[%swap3A_1491, %swap3A_1492] {strides = array<i32>} : memref<8x64xf32, #tpu.memory_space<vmem>>, vector<1x16xf32>,
    %swap3A_1494 = vector.shape_cast %swap3A_1493 : vector<1x16xf32> to vector<16xf32>
    %swap3A_1495 = vector.shape_cast %add3A_1489 : vector<16xf32> to vector<1x16xf32>
    tpu.vector_store %arg6[%swap3A_1491, %swap3A_1492], %swap3A_1495 {strides = array<i32>} : memref<8x64xf32, #tpu.memory_space<vmem>>, vector<1x16xf32>,
    %eq3A_1496 = arith.constant 2 : i32
    %eq3A_1497 = vector.broadcast %eq3A_1496 : i32 to vector<16xi32>
    %eq3A_1498 = arith.cmpi eq, %select_n3A_1152, %eq3A_1497 : vector<16xi32>
    %jit3A_1499 = arith.constant 1 : i32
    %jit3A_1500 = arith.constant 0 : i32
    %broadcast_in_dim3A_1501 = vector.broadcast %jit3A_1499 : i32 to vector<16xi32>
    %broadcast_in_dim3A_1502 = vector.broadcast %jit3A_1500 : i32 to vector<16xi32>
    %select_n3A_1503 = arith.select %eq3A_1498, %broadcast_in_dim3A_1501, %broadcast_in_dim3A_1502 : vector<16xi1>, vector<16xi32>
    %eq3A_1504 = arith.constant 2 : i32
    %eq3A_1505 = vector.broadcast %eq3A_1504 : i32 to vector<16xi32>
    %eq3A_1506 = arith.cmpi eq, %select_n3A_1268, %eq3A_1505 : vector<16xi32>
    %jit3A_1507 = arith.constant 1 : i32
    %jit3A_1508 = arith.constant 0 : i32
    %broadcast_in_dim3A_1509 = vector.broadcast %jit3A_1507 : i32 to vector<16xi32>
    %broadcast_in_dim3A_1510 = vector.broadcast %jit3A_1508 : i32 to vector<16xi32>
    %select_n3A_1511 = arith.select %eq3A_1506, %broadcast_in_dim3A_1509, %broadcast_in_dim3A_1510 : vector<16xi1>, vector<16xi32>
    %add3A_1512 = arith.addi %select_n3A_1503, %select_n3A_1511 : vector<16xi32>
    %swap3A_1513 = arith.constant 16 : index
    %swap3A_1514 = tpu.vector_load %arg8[%swap3A_1513] {strides = array<i32>} : memref<48xi32, #tpu.memory_space<vmem>>, vector<16xi32>,
    %swap3A_1515 = vector.shape_cast %swap3A_1514 : vector<16xi32> to vector<16xi32>
    %swap3A_1516 = vector.shape_cast %add3A_1512 : vector<16xi32> to vector<16xi32>
    tpu.vector_store %arg8[%swap3A_1513], %swap3A_1516 {strides = array<i32>} : memref<48xi32, #tpu.memory_space<vmem>>, vector<16xi32>,
    %get3A_1517 = arith.constant 15 : index
    %get3A_1518 = tpu.vector_load %arg8[%get3A_1517] {strides = array<i32>} : memref<48xi32, #tpu.memory_space<vmem>>, vector<16xi32>,
    %get3A_1519 = vector.shape_cast %get3A_1518 : vector<16xi32> to vector<16xi32>
    %add3A_1520 = arith.addi %add3A_1512, %get3A_1519 : vector<16xi32>
    %swap3A_1521 = arith.constant 16 : index
    %swap3A_1522 = tpu.vector_load %arg8[%swap3A_1521] {strides = array<i32>} : memref<48xi32, #tpu.memory_space<vmem>>, vector<16xi32>,
    %swap3A_1523 = vector.shape_cast %swap3A_1522 : vector<16xi32> to vector<16xi32>
    %swap3A_1524 = vector.shape_cast %add3A_1520 : vector<16xi32> to vector<16xi32>
    tpu.vector_store %arg8[%swap3A_1521], %swap3A_1524 {strides = array<i32>} : memref<48xi32, #tpu.memory_space<vmem>>, vector<16xi32>,
    %get3A_1525 = arith.constant 14 : index
    %get3A_1526 = tpu.vector_load %arg8[%get3A_1525] {strides = array<i32>} : memref<48xi32, #tpu.memory_space<vmem>>, vector<16xi32>,
    %get3A_1527 = vector.shape_cast %get3A_1526 : vector<16xi32> to vector<16xi32>
    %add3A_1528 = arith.addi %add3A_1520, %get3A_1527 : vector<16xi32>
    %swap3A_1529 = arith.constant 16 : index
    %swap3A_1530 = tpu.vector_load %arg8[%swap3A_1529] {strides = array<i32>} : memref<48xi32, #tpu.memory_space<vmem>>, vector<16xi32>,
    %swap3A_1531 = vector.shape_cast %swap3A_1530 : vector<16xi32> to vector<16xi32>
    %swap3A_1532 = vector.shape_cast %add3A_1528 : vector<16xi32> to vector<16xi32>
    tpu.vector_store %arg8[%swap3A_1529], %swap3A_1532 {strides = array<i32>} : memref<48xi32, #tpu.memory_space<vmem>>, vector<16xi32>,
    %get3A_1533 = arith.constant 12 : index
    %get3A_1534 = tpu.vector_load %arg8[%get3A_1533] {strides = array<i32>} : memref<48xi32, #tpu.memory_space<vmem>>, vector<16xi32>,
    %get3A_1535 = vector.shape_cast %get3A_1534 : vector<16xi32> to vector<16xi32>
    %add3A_1536 = arith.addi %add3A_1528, %get3A_1535 : vector<16xi32>
    %swap3A_1537 = arith.constant 16 : index
    %swap3A_1538 = tpu.vector_load %arg8[%swap3A_1537] {strides = array<i32>} : memref<48xi32, #tpu.memory_space<vmem>>, vector<16xi32>,
    %swap3A_1539 = vector.shape_cast %swap3A_1538 : vector<16xi32> to vector<16xi32>
    %swap3A_1540 = vector.shape_cast %add3A_1536 : vector<16xi32> to vector<16xi32>
    tpu.vector_store %arg8[%swap3A_1537], %swap3A_1540 {strides = array<i32>} : memref<48xi32, #tpu.memory_space<vmem>>, vector<16xi32>,
    %get3A_1541 = arith.constant 8 : index
    %get3A_1542 = tpu.vector_load %arg8[%get3A_1541] {strides = array<i32>} : memref<48xi32, #tpu.memory_space<vmem>>, vector<16xi32>,
    %get3A_1543 = vector.shape_cast %get3A_1542 : vector<16xi32> to vector<16xi32>
    %add3A_1544 = arith.addi %add3A_1536, %get3A_1543 : vector<16xi32>
    %swap3A_1545 = arith.constant 16 : index
    %swap3A_1546 = tpu.vector_load %arg8[%swap3A_1545] {strides = array<i32>} : memref<48xi32, #tpu.memory_space<vmem>>, vector<16xi32>,
    %swap3A_1547 = vector.shape_cast %swap3A_1546 : vector<16xi32> to vector<16xi32>
    %swap3A_1548 = vector.shape_cast %add3A_1512 : vector<16xi32> to vector<16xi32>
    tpu.vector_store %arg8[%swap3A_1545], %swap3A_1548 {strides = array<i32>} : memref<48xi32, #tpu.memory_space<vmem>>, vector<16xi32>,
    %get3A_1549 = arith.constant 17 : index
    %get3A_1550 = tpu.vector_load %arg8[%get3A_1549] {strides = array<i32>} : memref<48xi32, #tpu.memory_space<vmem>>, vector<16xi32>,
    %get3A_1551 = vector.shape_cast %get3A_1550 : vector<16xi32> to vector<16xi32>
    %add3A_1552 = arith.addi %add3A_1512, %get3A_1551 : vector<16xi32>
    %swap3A_1553 = arith.constant 16 : index
    %swap3A_1554 = tpu.vector_load %arg8[%swap3A_1553] {strides = array<i32>} : memref<48xi32, #tpu.memory_space<vmem>>, vector<16xi32>,
    %swap3A_1555 = vector.shape_cast %swap3A_1554 : vector<16xi32> to vector<16xi32>
    %swap3A_1556 = vector.shape_cast %add3A_1552 : vector<16xi32> to vector<16xi32>
    tpu.vector_store %arg8[%swap3A_1553], %swap3A_1556 {strides = array<i32>} : memref<48xi32, #tpu.memory_space<vmem>>, vector<16xi32>,
    %get3A_1557 = arith.constant 18 : index
    %get3A_1558 = tpu.vector_load %arg8[%get3A_1557] {strides = array<i32>} : memref<48xi32, #tpu.memory_space<vmem>>, vector<16xi32>,
    %get3A_1559 = vector.shape_cast %get3A_1558 : vector<16xi32> to vector<16xi32>
    %add3A_1560 = arith.addi %add3A_1552, %get3A_1559 : vector<16xi32>
    %swap3A_1561 = arith.constant 16 : index
    %swap3A_1562 = tpu.vector_load %arg8[%swap3A_1561] {strides = array<i32>} : memref<48xi32, #tpu.memory_space<vmem>>, vector<16xi32>,
    %swap3A_1563 = vector.shape_cast %swap3A_1562 : vector<16xi32> to vector<16xi32>
    %swap3A_1564 = vector.shape_cast %add3A_1560 : vector<16xi32> to vector<16xi32>
    tpu.vector_store %arg8[%swap3A_1561], %swap3A_1564 {strides = array<i32>} : memref<48xi32, #tpu.memory_space<vmem>>, vector<16xi32>,
    %get3A_1565 = arith.constant 20 : index
    %get3A_1566 = tpu.vector_load %arg8[%get3A_1565] {strides = array<i32>} : memref<48xi32, #tpu.memory_space<vmem>>, vector<16xi32>,
    %get3A_1567 = vector.shape_cast %get3A_1566 : vector<16xi32> to vector<16xi32>
    %add3A_1568 = arith.addi %add3A_1560, %get3A_1567 : vector<16xi32>
    %swap3A_1569 = arith.constant 16 : index
    %swap3A_1570 = tpu.vector_load %arg8[%swap3A_1569] {strides = array<i32>} : memref<48xi32, #tpu.memory_space<vmem>>, vector<16xi32>,
    %swap3A_1571 = vector.shape_cast %swap3A_1570 : vector<16xi32> to vector<16xi32>
    %swap3A_1572 = vector.shape_cast %add3A_1568 : vector<16xi32> to vector<16xi32>
    tpu.vector_store %arg8[%swap3A_1569], %swap3A_1572 {strides = array<i32>} : memref<48xi32, #tpu.memory_space<vmem>>, vector<16xi32>,
    %get3A_1573 = arith.constant 24 : index
    %get3A_1574 = tpu.vector_load %arg8[%get3A_1573] {strides = array<i32>} : memref<48xi32, #tpu.memory_space<vmem>>, vector<16xi32>,
    %get3A_1575 = vector.shape_cast %get3A_1574 : vector<16xi32> to vector<16xi32>
    %add3A_1576 = arith.addi %add3A_1568, %get3A_1575 : vector<16xi32>
    %add3A_1577 = arith.addi %add3A_1544, %add3A_1576 : vector<16xi32>
    %sub3A_1578 = arith.subi %add3A_1577, %add3A_1512 : vector<16xi32>
    %eq3A_1579 = arith.constant 2 : i32
    %eq3A_1580 = vector.broadcast %eq3A_1579 : i32 to vector<16xi32>
    %eq3A_1581 = arith.cmpi eq, %iota3A, %eq3A_1580 : vector<16xi32>
    %jit3A_1582 = arith.constant 0 : i32
    %broadcast_in_dim3A_1583 = vector.broadcast %jit3A_1582 : i32 to vector<16xi32>
    %select_n3A_1584 = arith.select %eq3A_1581, %sub3A_1578, %broadcast_in_dim3A_1583 : vector<16xi1>, vector<16xi32>
    %add3A_1585 = arith.addi %add3A_1476, %select_n3A_1584 : vector<16xi32>
    %eq3A_1586 = arith.constant 2 : i32
    %eq3A_1587 = vector.broadcast %eq3A_1586 : i32 to vector<16xi32>
    %eq3A_1588 = arith.cmpi eq, %select_n3A_1152, %eq3A_1587 : vector<16xi32>
    %jit3A_1589 = arith.constant 0.000000e+00 : f32
    %broadcast_in_dim3A_1590 = vector.broadcast %jit3A_1589 : f32 to vector<16xf32>
    %select_n3A_1591 = arith.select %eq3A_1588, %mul3A_1276, %broadcast_in_dim3A_1590 : vector<16xi1>, vector<16xf32>
    %eq3A_1592 = arith.constant 2 : i32
    %eq3A_1593 = vector.broadcast %eq3A_1592 : i32 to vector<16xi32>
    %eq3A_1594 = arith.cmpi eq, %select_n3A_1268, %eq3A_1593 : vector<16xi32>
    %jit3A_1595 = arith.constant 0.000000e+00 : f32
    %broadcast_in_dim3A_1596 = vector.broadcast %jit3A_1595 : f32 to vector<16xf32>
    %select_n3A_1597 = arith.select %eq3A_1594, %mul3A_1277, %broadcast_in_dim3A_1596 : vector<16xi1>, vector<16xf32>
    %add3A_1598 = arith.addf %select_n3A_1591, %select_n3A_1597 : vector<16xf32>
    %swap3A_1599 = arith.constant 2 : i32
    %swap3A_1600 = arith.index_cast %swap3A_1599 : i32 to index
    %swap3A_1601 = arith.constant 16 : index
    %swap3A_1602 = tpu.vector_load %arg6[%swap3A_1600, %swap3A_1601] {strides = array<i32>} : memref<8x64xf32, #tpu.memory_space<vmem>>, vector<1x16xf32>,
    %swap3A_1603 = vector.shape_cast %swap3A_1602 : vector<1x16xf32> to vector<16xf32>
    %swap3A_1604 = vector.shape_cast %add3A_1598 : vector<16xf32> to vector<1x16xf32>
    tpu.vector_store %arg6[%swap3A_1600, %swap3A_1601], %swap3A_1604 {strides = array<i32>} : memref<8x64xf32, #tpu.memory_space<vmem>>, vector<1x16xf32>,
    %eq3A_1605 = arith.constant 3 : i32
    %eq3A_1606 = vector.broadcast %eq3A_1605 : i32 to vector<16xi32>
    %eq3A_1607 = arith.cmpi eq, %select_n3A_1152, %eq3A_1606 : vector<16xi32>
    %jit3A_1608 = arith.constant 1 : i32
    %jit3A_1609 = arith.constant 0 : i32
    %broadcast_in_dim3A_1610 = vector.broadcast %jit3A_1608 : i32 to vector<16xi32>
    %broadcast_in_dim3A_1611 = vector.broadcast %jit3A_1609 : i32 to vector<16xi32>
    %select_n3A_1612 = arith.select %eq3A_1607, %broadcast_in_dim3A_1610, %broadcast_in_dim3A_1611 : vector<16xi1>, vector<16xi32>
    %eq3A_1613 = arith.constant 3 : i32
    %eq3A_1614 = vector.broadcast %eq3A_1613 : i32 to vector<16xi32>
    %eq3A_1615 = arith.cmpi eq, %select_n3A_1268, %eq3A_1614 : vector<16xi32>
    %jit3A_1616 = arith.constant 1 : i32
    %jit3A_1617 = arith.constant 0 : i32
    %broadcast_in_dim3A_1618 = vector.broadcast %jit3A_1616 : i32 to vector<16xi32>
    %broadcast_in_dim3A_1619 = vector.broadcast %jit3A_1617 : i32 to vector<16xi32>
    %select_n3A_1620 = arith.select %eq3A_1615, %broadcast_in_dim3A_1618, %broadcast_in_dim3A_1619 : vector<16xi1>, vector<16xi32>
    %add3A_1621 = arith.addi %select_n3A_1612, %select_n3A_1620 : vector<16xi32>
    %swap3A_1622 = arith.constant 16 : index
    %swap3A_1623 = tpu.vector_load %arg8[%swap3A_1622] {strides = array<i32>} : memref<48xi32, #tpu.memory_space<vmem>>, vector<16xi32>,
    %swap3A_1624 = vector.shape_cast %swap3A_1623 : vector<16xi32> to vector<16xi32>
    %swap3A_1625 = vector.shape_cast %add3A_1621 : vector<16xi32> to vector<16xi32>
    tpu.vector_store %arg8[%swap3A_1622], %swap3A_1625 {strides = array<i32>} : memref<48xi32, #tpu.memory_space<vmem>>, vector<16xi32>,
    %get3A_1626 = arith.constant 15 : index
    %get3A_1627 = tpu.vector_load %arg8[%get3A_1626] {strides = array<i32>} : memref<48xi32, #tpu.memory_space<vmem>>, vector<16xi32>,
    %get3A_1628 = vector.shape_cast %get3A_1627 : vector<16xi32> to vector<16xi32>
    %add3A_1629 = arith.addi %add3A_1621, %get3A_1628 : vector<16xi32>
    %swap3A_1630 = arith.constant 16 : index
    %swap3A_1631 = tpu.vector_load %arg8[%swap3A_1630] {strides = array<i32>} : memref<48xi32, #tpu.memory_space<vmem>>, vector<16xi32>,
    %swap3A_1632 = vector.shape_cast %swap3A_1631 : vector<16xi32> to vector<16xi32>
    %swap3A_1633 = vector.shape_cast %add3A_1629 : vector<16xi32> to vector<16xi32>
    tpu.vector_store %arg8[%swap3A_1630], %swap3A_1633 {strides = array<i32>} : memref<48xi32, #tpu.memory_space<vmem>>, vector<16xi32>,
    %get3A_1634 = arith.constant 14 : index
    %get3A_1635 = tpu.vector_load %arg8[%get3A_1634] {strides = array<i32>} : memref<48xi32, #tpu.memory_space<vmem>>, vector<16xi32>,
    %get3A_1636 = vector.shape_cast %get3A_1635 : vector<16xi32> to vector<16xi32>
    %add3A_1637 = arith.addi %add3A_1629, %get3A_1636 : vector<16xi32>
    %swap3A_1638 = arith.constant 16 : index
    %swap3A_1639 = tpu.vector_load %arg8[%swap3A_1638] {strides = array<i32>} : memref<48xi32, #tpu.memory_space<vmem>>, vector<16xi32>,
    %swap3A_1640 = vector.shape_cast %swap3A_1639 : vector<16xi32> to vector<16xi32>
    %swap3A_1641 = vector.shape_cast %add3A_1637 : vector<16xi32> to vector<16xi32>
    tpu.vector_store %arg8[%swap3A_1638], %swap3A_1641 {strides = array<i32>} : memref<48xi32, #tpu.memory_space<vmem>>, vector<16xi32>,
    %get3A_1642 = arith.constant 12 : index
    %get3A_1643 = tpu.vector_load %arg8[%get3A_1642] {strides = array<i32>} : memref<48xi32, #tpu.memory_space<vmem>>, vector<16xi32>,
    %get3A_1644 = vector.shape_cast %get3A_1643 : vector<16xi32> to vector<16xi32>
    %add3A_1645 = arith.addi %add3A_1637, %get3A_1644 : vector<16xi32>
    %swap3A_1646 = arith.constant 16 : index
    %swap3A_1647 = tpu.vector_load %arg8[%swap3A_1646] {strides = array<i32>} : memref<48xi32, #tpu.memory_space<vmem>>, vector<16xi32>,
    %swap3A_1648 = vector.shape_cast %swap3A_1647 : vector<16xi32> to vector<16xi32>
    %swap3A_1649 = vector.shape_cast %add3A_1645 : vector<16xi32> to vector<16xi32>
    tpu.vector_store %arg8[%swap3A_1646], %swap3A_1649 {strides = array<i32>} : memref<48xi32, #tpu.memory_space<vmem>>, vector<16xi32>,
    %get3A_1650 = arith.constant 8 : index
    %get3A_1651 = tpu.vector_load %arg8[%get3A_1650] {strides = array<i32>} : memref<48xi32, #tpu.memory_space<vmem>>, vector<16xi32>,
    %get3A_1652 = vector.shape_cast %get3A_1651 : vector<16xi32> to vector<16xi32>
    %add3A_1653 = arith.addi %add3A_1645, %get3A_1652 : vector<16xi32>
    %swap3A_1654 = arith.constant 16 : index
    %swap3A_1655 = tpu.vector_load %arg8[%swap3A_1654] {strides = array<i32>} : memref<48xi32, #tpu.memory_space<vmem>>, vector<16xi32>,
    %swap3A_1656 = vector.shape_cast %swap3A_1655 : vector<16xi32> to vector<16xi32>
    %swap3A_1657 = vector.shape_cast %add3A_1621 : vector<16xi32> to vector<16xi32>
    tpu.vector_store %arg8[%swap3A_1654], %swap3A_1657 {strides = array<i32>} : memref<48xi32, #tpu.memory_space<vmem>>, vector<16xi32>,
    %get3A_1658 = arith.constant 17 : index
    %get3A_1659 = tpu.vector_load %arg8[%get3A_1658] {strides = array<i32>} : memref<48xi32, #tpu.memory_space<vmem>>, vector<16xi32>,
    %get3A_1660 = vector.shape_cast %get3A_1659 : vector<16xi32> to vector<16xi32>
    %add3A_1661 = arith.addi %add3A_1621, %get3A_1660 : vector<16xi32>
    %swap3A_1662 = arith.constant 16 : index
    %swap3A_1663 = tpu.vector_load %arg8[%swap3A_1662] {strides = array<i32>} : memref<48xi32, #tpu.memory_space<vmem>>, vector<16xi32>,
    %swap3A_1664 = vector.shape_cast %swap3A_1663 : vector<16xi32> to vector<16xi32>
    %swap3A_1665 = vector.shape_cast %add3A_1661 : vector<16xi32> to vector<16xi32>
    tpu.vector_store %arg8[%swap3A_1662], %swap3A_1665 {strides = array<i32>} : memref<48xi32, #tpu.memory_space<vmem>>, vector<16xi32>,
    %get3A_1666 = arith.constant 18 : index
    %get3A_1667 = tpu.vector_load %arg8[%get3A_1666] {strides = array<i32>} : memref<48xi32, #tpu.memory_space<vmem>>, vector<16xi32>,
    %get3A_1668 = vector.shape_cast %get3A_1667 : vector<16xi32> to vector<16xi32>
    %add3A_1669 = arith.addi %add3A_1661, %get3A_1668 : vector<16xi32>
    %swap3A_1670 = arith.constant 16 : index
    %swap3A_1671 = tpu.vector_load %arg8[%swap3A_1670] {strides = array<i32>} : memref<48xi32, #tpu.memory_space<vmem>>, vector<16xi32>,
    %swap3A_1672 = vector.shape_cast %swap3A_1671 : vector<16xi32> to vector<16xi32>
    %swap3A_1673 = vector.shape_cast %add3A_1669 : vector<16xi32> to vector<16xi32>
    tpu.vector_store %arg8[%swap3A_1670], %swap3A_1673 {strides = array<i32>} : memref<48xi32, #tpu.memory_space<vmem>>, vector<16xi32>,
    %get3A_1674 = arith.constant 20 : index
    %get3A_1675 = tpu.vector_load %arg8[%get3A_1674] {strides = array<i32>} : memref<48xi32, #tpu.memory_space<vmem>>, vector<16xi32>,
    %get3A_1676 = vector.shape_cast %get3A_1675 : vector<16xi32> to vector<16xi32>
    %add3A_1677 = arith.addi %add3A_1669, %get3A_1676 : vector<16xi32>
    %swap3A_1678 = arith.constant 16 : index
    %swap3A_1679 = tpu.vector_load %arg8[%swap3A_1678] {strides = array<i32>} : memref<48xi32, #tpu.memory_space<vmem>>, vector<16xi32>,
    %swap3A_1680 = vector.shape_cast %swap3A_1679 : vector<16xi32> to vector<16xi32>
    %swap3A_1681 = vector.shape_cast %add3A_1677 : vector<16xi32> to vector<16xi32>
    tpu.vector_store %arg8[%swap3A_1678], %swap3A_1681 {strides = array<i32>} : memref<48xi32, #tpu.memory_space<vmem>>, vector<16xi32>,
    %get3A_1682 = arith.constant 24 : index
    %get3A_1683 = tpu.vector_load %arg8[%get3A_1682] {strides = array<i32>} : memref<48xi32, #tpu.memory_space<vmem>>, vector<16xi32>,
    %get3A_1684 = vector.shape_cast %get3A_1683 : vector<16xi32> to vector<16xi32>
    %add3A_1685 = arith.addi %add3A_1677, %get3A_1684 : vector<16xi32>
    %add3A_1686 = arith.addi %add3A_1653, %add3A_1685 : vector<16xi32>
    %sub3A_1687 = arith.subi %add3A_1686, %add3A_1621 : vector<16xi32>
    %eq3A_1688 = arith.constant 3 : i32
    %eq3A_1689 = vector.broadcast %eq3A_1688 : i32 to vector<16xi32>
    %eq3A_1690 = arith.cmpi eq, %iota3A, %eq3A_1689 : vector<16xi32>
    %jit3A_1691 = arith.constant 0 : i32
    %broadcast_in_dim3A_1692 = vector.broadcast %jit3A_1691 : i32 to vector<16xi32>
    %select_n3A_1693 = arith.select %eq3A_1690, %sub3A_1687, %broadcast_in_dim3A_1692 : vector<16xi1>, vector<16xi32>
    %add3A_1694 = arith.addi %add3A_1585, %select_n3A_1693 : vector<16xi32>
    %eq3A_1695 = arith.constant 3 : i32
    %eq3A_1696 = vector.broadcast %eq3A_1695 : i32 to vector<16xi32>
    %eq3A_1697 = arith.cmpi eq, %select_n3A_1152, %eq3A_1696 : vector<16xi32>
    %jit3A_1698 = arith.constant 0.000000e+00 : f32
    %broadcast_in_dim3A_1699 = vector.broadcast %jit3A_1698 : f32 to vector<16xf32>
    %select_n3A_1700 = arith.select %eq3A_1697, %mul3A_1276, %broadcast_in_dim3A_1699 : vector<16xi1>, vector<16xf32>
    %eq3A_1701 = arith.constant 3 : i32
    %eq3A_1702 = vector.broadcast %eq3A_1701 : i32 to vector<16xi32>
    %eq3A_1703 = arith.cmpi eq, %select_n3A_1268, %eq3A_1702 : vector<16xi32>
    %jit3A_1704 = arith.constant 0.000000e+00 : f32
    %broadcast_in_dim3A_1705 = vector.broadcast %jit3A_1704 : f32 to vector<16xf32>
    %select_n3A_1706 = arith.select %eq3A_1703, %mul3A_1277, %broadcast_in_dim3A_1705 : vector<16xi1>, vector<16xf32>
    %add3A_1707 = arith.addf %select_n3A_1700, %select_n3A_1706 : vector<16xf32>
    %swap3A_1708 = arith.constant 3 : i32
    %swap3A_1709 = arith.index_cast %swap3A_1708 : i32 to index
    %swap3A_1710 = arith.constant 16 : index
    %swap3A_1711 = tpu.vector_load %arg6[%swap3A_1709, %swap3A_1710] {strides = array<i32>} : memref<8x64xf32, #tpu.memory_space<vmem>>, vector<1x16xf32>,
    %swap3A_1712 = vector.shape_cast %swap3A_1711 : vector<1x16xf32> to vector<16xf32>
    %swap3A_1713 = vector.shape_cast %add3A_1707 : vector<16xf32> to vector<1x16xf32>
    tpu.vector_store %arg6[%swap3A_1709, %swap3A_1710], %swap3A_1713 {strides = array<i32>} : memref<8x64xf32, #tpu.memory_space<vmem>>, vector<1x16xf32>,
    %eq3A_1714 = arith.constant 4 : i32
    %eq3A_1715 = vector.broadcast %eq3A_1714 : i32 to vector<16xi32>
    %eq3A_1716 = arith.cmpi eq, %select_n3A_1152, %eq3A_1715 : vector<16xi32>
    %jit3A_1717 = arith.constant 1 : i32
    %jit3A_1718 = arith.constant 0 : i32
    %broadcast_in_dim3A_1719 = vector.broadcast %jit3A_1717 : i32 to vector<16xi32>
    %broadcast_in_dim3A_1720 = vector.broadcast %jit3A_1718 : i32 to vector<16xi32>
    %select_n3A_1721 = arith.select %eq3A_1716, %broadcast_in_dim3A_1719, %broadcast_in_dim3A_1720 : vector<16xi1>, vector<16xi32>
    %eq3A_1722 = arith.constant 4 : i32
    %eq3A_1723 = vector.broadcast %eq3A_1722 : i32 to vector<16xi32>
    %eq3A_1724 = arith.cmpi eq, %select_n3A_1268, %eq3A_1723 : vector<16xi32>
    %jit3A_1725 = arith.constant 1 : i32
    %jit3A_1726 = arith.constant 0 : i32
    %broadcast_in_dim3A_1727 = vector.broadcast %jit3A_1725 : i32 to vector<16xi32>
    %broadcast_in_dim3A_1728 = vector.broadcast %jit3A_1726 : i32 to vector<16xi32>
    %select_n3A_1729 = arith.select %eq3A_1724, %broadcast_in_dim3A_1727, %broadcast_in_dim3A_1728 : vector<16xi1>, vector<16xi32>
    %add3A_1730 = arith.addi %select_n3A_1721, %select_n3A_1729 : vector<16xi32>
    %swap3A_1731 = arith.constant 16 : index
    %swap3A_1732 = tpu.vector_load %arg8[%swap3A_1731] {strides = array<i32>} : memref<48xi32, #tpu.memory_space<vmem>>, vector<16xi32>,
    %swap3A_1733 = vector.shape_cast %swap3A_1732 : vector<16xi32> to vector<16xi32>
    %swap3A_1734 = vector.shape_cast %add3A_1730 : vector<16xi32> to vector<16xi32>
    tpu.vector_store %arg8[%swap3A_1731], %swap3A_1734 {strides = array<i32>} : memref<48xi32, #tpu.memory_space<vmem>>, vector<16xi32>,
    %get3A_1735 = arith.constant 15 : index
    %get3A_1736 = tpu.vector_load %arg8[%get3A_1735] {strides = array<i32>} : memref<48xi32, #tpu.memory_space<vmem>>, vector<16xi32>,
    %get3A_1737 = vector.shape_cast %get3A_1736 : vector<16xi32> to vector<16xi32>
    %add3A_1738 = arith.addi %add3A_1730, %get3A_1737 : vector<16xi32>
    %swap3A_1739 = arith.constant 16 : index
    %swap3A_1740 = tpu.vector_load %arg8[%swap3A_1739] {strides = array<i32>} : memref<48xi32, #tpu.memory_space<vmem>>, vector<16xi32>,
    %swap3A_1741 = vector.shape_cast %swap3A_1740 : vector<16xi32> to vector<16xi32>
    %swap3A_1742 = vector.shape_cast %add3A_1738 : vector<16xi32> to vector<16xi32>
    tpu.vector_store %arg8[%swap3A_1739], %swap3A_1742 {strides = array<i32>} : memref<48xi32, #tpu.memory_space<vmem>>, vector<16xi32>,
    %get3A_1743 = arith.constant 14 : index
    %get3A_1744 = tpu.vector_load %arg8[%get3A_1743] {strides = array<i32>} : memref<48xi32, #tpu.memory_space<vmem>>, vector<16xi32>,
    %get3A_1745 = vector.shape_cast %get3A_1744 : vector<16xi32> to vector<16xi32>
    %add3A_1746 = arith.addi %add3A_1738, %get3A_1745 : vector<16xi32>
    %swap3A_1747 = arith.constant 16 : index
    %swap3A_1748 = tpu.vector_load %arg8[%swap3A_1747] {strides = array<i32>} : memref<48xi32, #tpu.memory_space<vmem>>, vector<16xi32>,
    %swap3A_1749 = vector.shape_cast %swap3A_1748 : vector<16xi32> to vector<16xi32>
    %swap3A_1750 = vector.shape_cast %add3A_1746 : vector<16xi32> to vector<16xi32>
    tpu.vector_store %arg8[%swap3A_1747], %swap3A_1750 {strides = array<i32>} : memref<48xi32, #tpu.memory_space<vmem>>, vector<16xi32>,
    %get3A_1751 = arith.constant 12 : index
    %get3A_1752 = tpu.vector_load %arg8[%get3A_1751] {strides = array<i32>} : memref<48xi32, #tpu.memory_space<vmem>>, vector<16xi32>,
    %get3A_1753 = vector.shape_cast %get3A_1752 : vector<16xi32> to vector<16xi32>
    %add3A_1754 = arith.addi %add3A_1746, %get3A_1753 : vector<16xi32>
    %swap3A_1755 = arith.constant 16 : index
    %swap3A_1756 = tpu.vector_load %arg8[%swap3A_1755] {strides = array<i32>} : memref<48xi32, #tpu.memory_space<vmem>>, vector<16xi32>,
    %swap3A_1757 = vector.shape_cast %swap3A_1756 : vector<16xi32> to vector<16xi32>
    %swap3A_1758 = vector.shape_cast %add3A_1754 : vector<16xi32> to vector<16xi32>
    tpu.vector_store %arg8[%swap3A_1755], %swap3A_1758 {strides = array<i32>} : memref<48xi32, #tpu.memory_space<vmem>>, vector<16xi32>,
    %get3A_1759 = arith.constant 8 : index
    %get3A_1760 = tpu.vector_load %arg8[%get3A_1759] {strides = array<i32>} : memref<48xi32, #tpu.memory_space<vmem>>, vector<16xi32>,
    %get3A_1761 = vector.shape_cast %get3A_1760 : vector<16xi32> to vector<16xi32>
    %add3A_1762 = arith.addi %add3A_1754, %get3A_1761 : vector<16xi32>
    %swap3A_1763 = arith.constant 16 : index
    %swap3A_1764 = tpu.vector_load %arg8[%swap3A_1763] {strides = array<i32>} : memref<48xi32, #tpu.memory_space<vmem>>, vector<16xi32>,
    %swap3A_1765 = vector.shape_cast %swap3A_1764 : vector<16xi32> to vector<16xi32>
    %swap3A_1766 = vector.shape_cast %add3A_1730 : vector<16xi32> to vector<16xi32>
    tpu.vector_store %arg8[%swap3A_1763], %swap3A_1766 {strides = array<i32>} : memref<48xi32, #tpu.memory_space<vmem>>, vector<16xi32>,
    %get3A_1767 = arith.constant 17 : index
    %get3A_1768 = tpu.vector_load %arg8[%get3A_1767] {strides = array<i32>} : memref<48xi32, #tpu.memory_space<vmem>>, vector<16xi32>,
    %get3A_1769 = vector.shape_cast %get3A_1768 : vector<16xi32> to vector<16xi32>
    %add3A_1770 = arith.addi %add3A_1730, %get3A_1769 : vector<16xi32>
    %swap3A_1771 = arith.constant 16 : index
    %swap3A_1772 = tpu.vector_load %arg8[%swap3A_1771] {strides = array<i32>} : memref<48xi32, #tpu.memory_space<vmem>>, vector<16xi32>,
    %swap3A_1773 = vector.shape_cast %swap3A_1772 : vector<16xi32> to vector<16xi32>
    %swap3A_1774 = vector.shape_cast %add3A_1770 : vector<16xi32> to vector<16xi32>
    tpu.vector_store %arg8[%swap3A_1771], %swap3A_1774 {strides = array<i32>} : memref<48xi32, #tpu.memory_space<vmem>>, vector<16xi32>,
    %get3A_1775 = arith.constant 18 : index
    %get3A_1776 = tpu.vector_load %arg8[%get3A_1775] {strides = array<i32>} : memref<48xi32, #tpu.memory_space<vmem>>, vector<16xi32>,
    %get3A_1777 = vector.shape_cast %get3A_1776 : vector<16xi32> to vector<16xi32>
    %add3A_1778 = arith.addi %add3A_1770, %get3A_1777 : vector<16xi32>
    %swap3A_1779 = arith.constant 16 : index
    %swap3A_1780 = tpu.vector_load %arg8[%swap3A_1779] {strides = array<i32>} : memref<48xi32, #tpu.memory_space<vmem>>, vector<16xi32>,
    %swap3A_1781 = vector.shape_cast %swap3A_1780 : vector<16xi32> to vector<16xi32>
    %swap3A_1782 = vector.shape_cast %add3A_1778 : vector<16xi32> to vector<16xi32>
    tpu.vector_store %arg8[%swap3A_1779], %swap3A_1782 {strides = array<i32>} : memref<48xi32, #tpu.memory_space<vmem>>, vector<16xi32>,
    %get3A_1783 = arith.constant 20 : index
    %get3A_1784 = tpu.vector_load %arg8[%get3A_1783] {strides = array<i32>} : memref<48xi32, #tpu.memory_space<vmem>>, vector<16xi32>,
    %get3A_1785 = vector.shape_cast %get3A_1784 : vector<16xi32> to vector<16xi32>
    %add3A_1786 = arith.addi %add3A_1778, %get3A_1785 : vector<16xi32>
    %swap3A_1787 = arith.constant 16 : index
    %swap3A_1788 = tpu.vector_load %arg8[%swap3A_1787] {strides = array<i32>} : memref<48xi32, #tpu.memory_space<vmem>>, vector<16xi32>,
    %swap3A_1789 = vector.shape_cast %swap3A_1788 : vector<16xi32> to vector<16xi32>
    %swap3A_1790 = vector.shape_cast %add3A_1786 : vector<16xi32> to vector<16xi32>
    tpu.vector_store %arg8[%swap3A_1787], %swap3A_1790 {strides = array<i32>} : memref<48xi32, #tpu.memory_space<vmem>>, vector<16xi32>,
    %get3A_1791 = arith.constant 24 : index
    %get3A_1792 = tpu.vector_load %arg8[%get3A_1791] {strides = array<i32>} : memref<48xi32, #tpu.memory_space<vmem>>, vector<16xi32>,
    %get3A_1793 = vector.shape_cast %get3A_1792 : vector<16xi32> to vector<16xi32>
    %add3A_1794 = arith.addi %add3A_1786, %get3A_1793 : vector<16xi32>
    %add3A_1795 = arith.addi %add3A_1762, %add3A_1794 : vector<16xi32>
    %sub3A_1796 = arith.subi %add3A_1795, %add3A_1730 : vector<16xi32>
    %eq3A_1797 = arith.constant 4 : i32
    %eq3A_1798 = vector.broadcast %eq3A_1797 : i32 to vector<16xi32>
    %eq3A_1799 = arith.cmpi eq, %iota3A, %eq3A_1798 : vector<16xi32>
    %jit3A_1800 = arith.constant 0 : i32
    %broadcast_in_dim3A_1801 = vector.broadcast %jit3A_1800 : i32 to vector<16xi32>
    %select_n3A_1802 = arith.select %eq3A_1799, %sub3A_1796, %broadcast_in_dim3A_1801 : vector<16xi1>, vector<16xi32>
    %add3A_1803 = arith.addi %add3A_1694, %select_n3A_1802 : vector<16xi32>
    %eq3A_1804 = arith.constant 4 : i32
    %eq3A_1805 = vector.broadcast %eq3A_1804 : i32 to vector<16xi32>
    %eq3A_1806 = arith.cmpi eq, %select_n3A_1152, %eq3A_1805 : vector<16xi32>
    %jit3A_1807 = arith.constant 0.000000e+00 : f32
    %broadcast_in_dim3A_1808 = vector.broadcast %jit3A_1807 : f32 to vector<16xf32>
    %select_n3A_1809 = arith.select %eq3A_1806, %mul3A_1276, %broadcast_in_dim3A_1808 : vector<16xi1>, vector<16xf32>
    %eq3A_1810 = arith.constant 4 : i32
    %eq3A_1811 = vector.broadcast %eq3A_1810 : i32 to vector<16xi32>
    %eq3A_1812 = arith.cmpi eq, %select_n3A_1268, %eq3A_1811 : vector<16xi32>
    %jit3A_1813 = arith.constant 0.000000e+00 : f32
    %broadcast_in_dim3A_1814 = vector.broadcast %jit3A_1813 : f32 to vector<16xf32>
    %select_n3A_1815 = arith.select %eq3A_1812, %mul3A_1277, %broadcast_in_dim3A_1814 : vector<16xi1>, vector<16xf32>
    %add3A_1816 = arith.addf %select_n3A_1809, %select_n3A_1815 : vector<16xf32>
    %swap3A_1817 = arith.constant 4 : i32
    %swap3A_1818 = arith.index_cast %swap3A_1817 : i32 to index
    %swap3A_1819 = arith.constant 16 : index
    %swap3A_1820 = tpu.vector_load %arg6[%swap3A_1818, %swap3A_1819] {strides = array<i32>} : memref<8x64xf32, #tpu.memory_space<vmem>>, vector<1x16xf32>,
    %swap3A_1821 = vector.shape_cast %swap3A_1820 : vector<1x16xf32> to vector<16xf32>
    %swap3A_1822 = vector.shape_cast %add3A_1816 : vector<16xf32> to vector<1x16xf32>
    tpu.vector_store %arg6[%swap3A_1818, %swap3A_1819], %swap3A_1822 {strides = array<i32>} : memref<8x64xf32, #tpu.memory_space<vmem>>, vector<1x16xf32>,
    %eq3A_1823 = arith.constant 5 : i32
    %eq3A_1824 = vector.broadcast %eq3A_1823 : i32 to vector<16xi32>
    %eq3A_1825 = arith.cmpi eq, %select_n3A_1152, %eq3A_1824 : vector<16xi32>
    %jit3A_1826 = arith.constant 1 : i32
    %jit3A_1827 = arith.constant 0 : i32
    %broadcast_in_dim3A_1828 = vector.broadcast %jit3A_1826 : i32 to vector<16xi32>
    %broadcast_in_dim3A_1829 = vector.broadcast %jit3A_1827 : i32 to vector<16xi32>
    %select_n3A_1830 = arith.select %eq3A_1825, %broadcast_in_dim3A_1828, %broadcast_in_dim3A_1829 : vector<16xi1>, vector<16xi32>
    %eq3A_1831 = arith.constant 5 : i32
    %eq3A_1832 = vector.broadcast %eq3A_1831 : i32 to vector<16xi32>
    %eq3A_1833 = arith.cmpi eq, %select_n3A_1268, %eq3A_1832 : vector<16xi32>
    %jit3A_1834 = arith.constant 1 : i32
    %jit3A_1835 = arith.constant 0 : i32
    %broadcast_in_dim3A_1836 = vector.broadcast %jit3A_1834 : i32 to vector<16xi32>
    %broadcast_in_dim3A_1837 = vector.broadcast %jit3A_1835 : i32 to vector<16xi32>
    %select_n3A_1838 = arith.select %eq3A_1833, %broadcast_in_dim3A_1836, %broadcast_in_dim3A_1837 : vector<16xi1>, vector<16xi32>
    %add3A_1839 = arith.addi %select_n3A_1830, %select_n3A_1838 : vector<16xi32>
    %swap3A_1840 = arith.constant 16 : index
    %swap3A_1841 = tpu.vector_load %arg8[%swap3A_1840] {strides = array<i32>} : memref<48xi32, #tpu.memory_space<vmem>>, vector<16xi32>,
    %swap3A_1842 = vector.shape_cast %swap3A_1841 : vector<16xi32> to vector<16xi32>
    %swap3A_1843 = vector.shape_cast %add3A_1839 : vector<16xi32> to vector<16xi32>
    tpu.vector_store %arg8[%swap3A_1840], %swap3A_1843 {strides = array<i32>} : memref<48xi32, #tpu.memory_space<vmem>>, vector<16xi32>,
    %get3A_1844 = arith.constant 15 : index
    %get3A_1845 = tpu.vector_load %arg8[%get3A_1844] {strides = array<i32>} : memref<48xi32, #tpu.memory_space<vmem>>, vector<16xi32>,
    %get3A_1846 = vector.shape_cast %get3A_1845 : vector<16xi32> to vector<16xi32>
    %add3A_1847 = arith.addi %add3A_1839, %get3A_1846 : vector<16xi32>
    %swap3A_1848 = arith.constant 16 : index
    %swap3A_1849 = tpu.vector_load %arg8[%swap3A_1848] {strides = array<i32>} : memref<48xi32, #tpu.memory_space<vmem>>, vector<16xi32>,
    %swap3A_1850 = vector.shape_cast %swap3A_1849 : vector<16xi32> to vector<16xi32>
    %swap3A_1851 = vector.shape_cast %add3A_1847 : vector<16xi32> to vector<16xi32>
    tpu.vector_store %arg8[%swap3A_1848], %swap3A_1851 {strides = array<i32>} : memref<48xi32, #tpu.memory_space<vmem>>, vector<16xi32>,
    %get3A_1852 = arith.constant 14 : index
    %get3A_1853 = tpu.vector_load %arg8[%get3A_1852] {strides = array<i32>} : memref<48xi32, #tpu.memory_space<vmem>>, vector<16xi32>,
    %get3A_1854 = vector.shape_cast %get3A_1853 : vector<16xi32> to vector<16xi32>
    %add3A_1855 = arith.addi %add3A_1847, %get3A_1854 : vector<16xi32>
    %swap3A_1856 = arith.constant 16 : index
    %swap3A_1857 = tpu.vector_load %arg8[%swap3A_1856] {strides = array<i32>} : memref<48xi32, #tpu.memory_space<vmem>>, vector<16xi32>,
    %swap3A_1858 = vector.shape_cast %swap3A_1857 : vector<16xi32> to vector<16xi32>
    %swap3A_1859 = vector.shape_cast %add3A_1855 : vector<16xi32> to vector<16xi32>
    tpu.vector_store %arg8[%swap3A_1856], %swap3A_1859 {strides = array<i32>} : memref<48xi32, #tpu.memory_space<vmem>>, vector<16xi32>,
    %get3A_1860 = arith.constant 12 : index
    %get3A_1861 = tpu.vector_load %arg8[%get3A_1860] {strides = array<i32>} : memref<48xi32, #tpu.memory_space<vmem>>, vector<16xi32>,
    %get3A_1862 = vector.shape_cast %get3A_1861 : vector<16xi32> to vector<16xi32>
    %add3A_1863 = arith.addi %add3A_1855, %get3A_1862 : vector<16xi32>
    %swap3A_1864 = arith.constant 16 : index
    %swap3A_1865 = tpu.vector_load %arg8[%swap3A_1864] {strides = array<i32>} : memref<48xi32, #tpu.memory_space<vmem>>, vector<16xi32>,
    %swap3A_1866 = vector.shape_cast %swap3A_1865 : vector<16xi32> to vector<16xi32>
    %swap3A_1867 = vector.shape_cast %add3A_1863 : vector<16xi32> to vector<16xi32>
    tpu.vector_store %arg8[%swap3A_1864], %swap3A_1867 {strides = array<i32>} : memref<48xi32, #tpu.memory_space<vmem>>, vector<16xi32>,
    %get3A_1868 = arith.constant 8 : index
    %get3A_1869 = tpu.vector_load %arg8[%get3A_1868] {strides = array<i32>} : memref<48xi32, #tpu.memory_space<vmem>>, vector<16xi32>,
    %get3A_1870 = vector.shape_cast %get3A_1869 : vector<16xi32> to vector<16xi32>
    %add3A_1871 = arith.addi %add3A_1863, %get3A_1870 : vector<16xi32>
    %swap3A_1872 = arith.constant 16 : index
    %swap3A_1873 = tpu.vector_load %arg8[%swap3A_1872] {strides = array<i32>} : memref<48xi32, #tpu.memory_space<vmem>>, vector<16xi32>,
    %swap3A_1874 = vector.shape_cast %swap3A_1873 : vector<16xi32> to vector<16xi32>
    %swap3A_1875 = vector.shape_cast %add3A_1839 : vector<16xi32> to vector<16xi32>
    tpu.vector_store %arg8[%swap3A_1872], %swap3A_1875 {strides = array<i32>} : memref<48xi32, #tpu.memory_space<vmem>>, vector<16xi32>,
    %get3A_1876 = arith.constant 17 : index
    %get3A_1877 = tpu.vector_load %arg8[%get3A_1876] {strides = array<i32>} : memref<48xi32, #tpu.memory_space<vmem>>, vector<16xi32>,
    %get3A_1878 = vector.shape_cast %get3A_1877 : vector<16xi32> to vector<16xi32>
    %add3A_1879 = arith.addi %add3A_1839, %get3A_1878 : vector<16xi32>
    %swap3A_1880 = arith.constant 16 : index
    %swap3A_1881 = tpu.vector_load %arg8[%swap3A_1880] {strides = array<i32>} : memref<48xi32, #tpu.memory_space<vmem>>, vector<16xi32>,
    %swap3A_1882 = vector.shape_cast %swap3A_1881 : vector<16xi32> to vector<16xi32>
    %swap3A_1883 = vector.shape_cast %add3A_1879 : vector<16xi32> to vector<16xi32>
    tpu.vector_store %arg8[%swap3A_1880], %swap3A_1883 {strides = array<i32>} : memref<48xi32, #tpu.memory_space<vmem>>, vector<16xi32>,
    %get3A_1884 = arith.constant 18 : index
    %get3A_1885 = tpu.vector_load %arg8[%get3A_1884] {strides = array<i32>} : memref<48xi32, #tpu.memory_space<vmem>>, vector<16xi32>,
    %get3A_1886 = vector.shape_cast %get3A_1885 : vector<16xi32> to vector<16xi32>
    %add3A_1887 = arith.addi %add3A_1879, %get3A_1886 : vector<16xi32>
    %swap3A_1888 = arith.constant 16 : index
    %swap3A_1889 = tpu.vector_load %arg8[%swap3A_1888] {strides = array<i32>} : memref<48xi32, #tpu.memory_space<vmem>>, vector<16xi32>,
    %swap3A_1890 = vector.shape_cast %swap3A_1889 : vector<16xi32> to vector<16xi32>
    %swap3A_1891 = vector.shape_cast %add3A_1887 : vector<16xi32> to vector<16xi32>
    tpu.vector_store %arg8[%swap3A_1888], %swap3A_1891 {strides = array<i32>} : memref<48xi32, #tpu.memory_space<vmem>>, vector<16xi32>,
    %get3A_1892 = arith.constant 20 : index
    %get3A_1893 = tpu.vector_load %arg8[%get3A_1892] {strides = array<i32>} : memref<48xi32, #tpu.memory_space<vmem>>, vector<16xi32>,
    %get3A_1894 = vector.shape_cast %get3A_1893 : vector<16xi32> to vector<16xi32>
    %add3A_1895 = arith.addi %add3A_1887, %get3A_1894 : vector<16xi32>
    %swap3A_1896 = arith.constant 16 : index
    %swap3A_1897 = tpu.vector_load %arg8[%swap3A_1896] {strides = array<i32>} : memref<48xi32, #tpu.memory_space<vmem>>, vector<16xi32>,
    %swap3A_1898 = vector.shape_cast %swap3A_1897 : vector<16xi32> to vector<16xi32>
    %swap3A_1899 = vector.shape_cast %add3A_1895 : vector<16xi32> to vector<16xi32>
    tpu.vector_store %arg8[%swap3A_1896], %swap3A_1899 {strides = array<i32>} : memref<48xi32, #tpu.memory_space<vmem>>, vector<16xi32>,
    %get3A_1900 = arith.constant 24 : index
    %get3A_1901 = tpu.vector_load %arg8[%get3A_1900] {strides = array<i32>} : memref<48xi32, #tpu.memory_space<vmem>>, vector<16xi32>,
    %get3A_1902 = vector.shape_cast %get3A_1901 : vector<16xi32> to vector<16xi32>
    %add3A_1903 = arith.addi %add3A_1895, %get3A_1902 : vector<16xi32>
    %add3A_1904 = arith.addi %add3A_1871, %add3A_1903 : vector<16xi32>
    %sub3A_1905 = arith.subi %add3A_1904, %add3A_1839 : vector<16xi32>
    %eq3A_1906 = arith.constant 5 : i32
    %eq3A_1907 = vector.broadcast %eq3A_1906 : i32 to vector<16xi32>
    %eq3A_1908 = arith.cmpi eq, %iota3A, %eq3A_1907 : vector<16xi32>
    %jit3A_1909 = arith.constant 0 : i32
    %broadcast_in_dim3A_1910 = vector.broadcast %jit3A_1909 : i32 to vector<16xi32>
    %select_n3A_1911 = arith.select %eq3A_1908, %sub3A_1905, %broadcast_in_dim3A_1910 : vector<16xi1>, vector<16xi32>
    %add3A_1912 = arith.addi %add3A_1803, %select_n3A_1911 : vector<16xi32>
    %eq3A_1913 = arith.constant 5 : i32
    %eq3A_1914 = vector.broadcast %eq3A_1913 : i32 to vector<16xi32>
    %eq3A_1915 = arith.cmpi eq, %select_n3A_1152, %eq3A_1914 : vector<16xi32>
    %jit3A_1916 = arith.constant 0.000000e+00 : f32
    %broadcast_in_dim3A_1917 = vector.broadcast %jit3A_1916 : f32 to vector<16xf32>
    %select_n3A_1918 = arith.select %eq3A_1915, %mul3A_1276, %broadcast_in_dim3A_1917 : vector<16xi1>, vector<16xf32>
    %eq3A_1919 = arith.constant 5 : i32
    %eq3A_1920 = vector.broadcast %eq3A_1919 : i32 to vector<16xi32>
    %eq3A_1921 = arith.cmpi eq, %select_n3A_1268, %eq3A_1920 : vector<16xi32>
    %jit3A_1922 = arith.constant 0.000000e+00 : f32
    %broadcast_in_dim3A_1923 = vector.broadcast %jit3A_1922 : f32 to vector<16xf32>
    %select_n3A_1924 = arith.select %eq3A_1921, %mul3A_1277, %broadcast_in_dim3A_1923 : vector<16xi1>, vector<16xf32>
    %add3A_1925 = arith.addf %select_n3A_1918, %select_n3A_1924 : vector<16xf32>
    %swap3A_1926 = arith.constant 5 : i32
    %swap3A_1927 = arith.index_cast %swap3A_1926 : i32 to index
    %swap3A_1928 = arith.constant 16 : index
    %swap3A_1929 = tpu.vector_load %arg6[%swap3A_1927, %swap3A_1928] {strides = array<i32>} : memref<8x64xf32, #tpu.memory_space<vmem>>, vector<1x16xf32>,
    %swap3A_1930 = vector.shape_cast %swap3A_1929 : vector<1x16xf32> to vector<16xf32>
    %swap3A_1931 = vector.shape_cast %add3A_1925 : vector<16xf32> to vector<1x16xf32>
    tpu.vector_store %arg6[%swap3A_1927, %swap3A_1928], %swap3A_1931 {strides = array<i32>} : memref<8x64xf32, #tpu.memory_space<vmem>>, vector<1x16xf32>,
    %eq3A_1932 = arith.constant 6 : i32
    %eq3A_1933 = vector.broadcast %eq3A_1932 : i32 to vector<16xi32>
    %eq3A_1934 = arith.cmpi eq, %select_n3A_1152, %eq3A_1933 : vector<16xi32>
    %jit3A_1935 = arith.constant 1 : i32
    %jit3A_1936 = arith.constant 0 : i32
    %broadcast_in_dim3A_1937 = vector.broadcast %jit3A_1935 : i32 to vector<16xi32>
    %broadcast_in_dim3A_1938 = vector.broadcast %jit3A_1936 : i32 to vector<16xi32>
    %select_n3A_1939 = arith.select %eq3A_1934, %broadcast_in_dim3A_1937, %broadcast_in_dim3A_1938 : vector<16xi1>, vector<16xi32>
    %eq3A_1940 = arith.constant 6 : i32
    %eq3A_1941 = vector.broadcast %eq3A_1940 : i32 to vector<16xi32>
    %eq3A_1942 = arith.cmpi eq, %select_n3A_1268, %eq3A_1941 : vector<16xi32>
    %jit3A_1943 = arith.constant 1 : i32
    %jit3A_1944 = arith.constant 0 : i32
    %broadcast_in_dim3A_1945 = vector.broadcast %jit3A_1943 : i32 to vector<16xi32>
    %broadcast_in_dim3A_1946 = vector.broadcast %jit3A_1944 : i32 to vector<16xi32>
    %select_n3A_1947 = arith.select %eq3A_1942, %broadcast_in_dim3A_1945, %broadcast_in_dim3A_1946 : vector<16xi1>, vector<16xi32>
    %add3A_1948 = arith.addi %select_n3A_1939, %select_n3A_1947 : vector<16xi32>
    %swap3A_1949 = arith.constant 16 : index
    %swap3A_1950 = tpu.vector_load %arg8[%swap3A_1949] {strides = array<i32>} : memref<48xi32, #tpu.memory_space<vmem>>, vector<16xi32>,
    %swap3A_1951 = vector.shape_cast %swap3A_1950 : vector<16xi32> to vector<16xi32>
    %swap3A_1952 = vector.shape_cast %add3A_1948 : vector<16xi32> to vector<16xi32>
    tpu.vector_store %arg8[%swap3A_1949], %swap3A_1952 {strides = array<i32>} : memref<48xi32, #tpu.memory_space<vmem>>, vector<16xi32>,
    %get3A_1953 = arith.constant 15 : index
    %get3A_1954 = tpu.vector_load %arg8[%get3A_1953] {strides = array<i32>} : memref<48xi32, #tpu.memory_space<vmem>>, vector<16xi32>,
    %get3A_1955 = vector.shape_cast %get3A_1954 : vector<16xi32> to vector<16xi32>
    %add3A_1956 = arith.addi %add3A_1948, %get3A_1955 : vector<16xi32>
    %swap3A_1957 = arith.constant 16 : index
    %swap3A_1958 = tpu.vector_load %arg8[%swap3A_1957] {strides = array<i32>} : memref<48xi32, #tpu.memory_space<vmem>>, vector<16xi32>,
    %swap3A_1959 = vector.shape_cast %swap3A_1958 : vector<16xi32> to vector<16xi32>
    %swap3A_1960 = vector.shape_cast %add3A_1956 : vector<16xi32> to vector<16xi32>
    tpu.vector_store %arg8[%swap3A_1957], %swap3A_1960 {strides = array<i32>} : memref<48xi32, #tpu.memory_space<vmem>>, vector<16xi32>,
    %get3A_1961 = arith.constant 14 : index
    %get3A_1962 = tpu.vector_load %arg8[%get3A_1961] {strides = array<i32>} : memref<48xi32, #tpu.memory_space<vmem>>, vector<16xi32>,
    %get3A_1963 = vector.shape_cast %get3A_1962 : vector<16xi32> to vector<16xi32>
    %add3A_1964 = arith.addi %add3A_1956, %get3A_1963 : vector<16xi32>
    %swap3A_1965 = arith.constant 16 : index
    %swap3A_1966 = tpu.vector_load %arg8[%swap3A_1965] {strides = array<i32>} : memref<48xi32, #tpu.memory_space<vmem>>, vector<16xi32>,
    %swap3A_1967 = vector.shape_cast %swap3A_1966 : vector<16xi32> to vector<16xi32>
    %swap3A_1968 = vector.shape_cast %add3A_1964 : vector<16xi32> to vector<16xi32>
    tpu.vector_store %arg8[%swap3A_1965], %swap3A_1968 {strides = array<i32>} : memref<48xi32, #tpu.memory_space<vmem>>, vector<16xi32>,
    %get3A_1969 = arith.constant 12 : index
    %get3A_1970 = tpu.vector_load %arg8[%get3A_1969] {strides = array<i32>} : memref<48xi32, #tpu.memory_space<vmem>>, vector<16xi32>,
    %get3A_1971 = vector.shape_cast %get3A_1970 : vector<16xi32> to vector<16xi32>
    %add3A_1972 = arith.addi %add3A_1964, %get3A_1971 : vector<16xi32>
    %swap3A_1973 = arith.constant 16 : index
    %swap3A_1974 = tpu.vector_load %arg8[%swap3A_1973] {strides = array<i32>} : memref<48xi32, #tpu.memory_space<vmem>>, vector<16xi32>,
    %swap3A_1975 = vector.shape_cast %swap3A_1974 : vector<16xi32> to vector<16xi32>
    %swap3A_1976 = vector.shape_cast %add3A_1972 : vector<16xi32> to vector<16xi32>
    tpu.vector_store %arg8[%swap3A_1973], %swap3A_1976 {strides = array<i32>} : memref<48xi32, #tpu.memory_space<vmem>>, vector<16xi32>,
    %get3A_1977 = arith.constant 8 : index
    %get3A_1978 = tpu.vector_load %arg8[%get3A_1977] {strides = array<i32>} : memref<48xi32, #tpu.memory_space<vmem>>, vector<16xi32>,
    %get3A_1979 = vector.shape_cast %get3A_1978 : vector<16xi32> to vector<16xi32>
    %add3A_1980 = arith.addi %add3A_1972, %get3A_1979 : vector<16xi32>
    %swap3A_1981 = arith.constant 16 : index
    %swap3A_1982 = tpu.vector_load %arg8[%swap3A_1981] {strides = array<i32>} : memref<48xi32, #tpu.memory_space<vmem>>, vector<16xi32>,
    %swap3A_1983 = vector.shape_cast %swap3A_1982 : vector<16xi32> to vector<16xi32>
    %swap3A_1984 = vector.shape_cast %add3A_1948 : vector<16xi32> to vector<16xi32>
    tpu.vector_store %arg8[%swap3A_1981], %swap3A_1984 {strides = array<i32>} : memref<48xi32, #tpu.memory_space<vmem>>, vector<16xi32>,
    %get3A_1985 = arith.constant 17 : index
    %get3A_1986 = tpu.vector_load %arg8[%get3A_1985] {strides = array<i32>} : memref<48xi32, #tpu.memory_space<vmem>>, vector<16xi32>,
    %get3A_1987 = vector.shape_cast %get3A_1986 : vector<16xi32> to vector<16xi32>
    %add3A_1988 = arith.addi %add3A_1948, %get3A_1987 : vector<16xi32>
    %swap3A_1989 = arith.constant 16 : index
    %swap3A_1990 = tpu.vector_load %arg8[%swap3A_1989] {strides = array<i32>} : memref<48xi32, #tpu.memory_space<vmem>>, vector<16xi32>,
    %swap3A_1991 = vector.shape_cast %swap3A_1990 : vector<16xi32> to vector<16xi32>
    %swap3A_1992 = vector.shape_cast %add3A_1988 : vector<16xi32> to vector<16xi32>
    tpu.vector_store %arg8[%swap3A_1989], %swap3A_1992 {strides = array<i32>} : memref<48xi32, #tpu.memory_space<vmem>>, vector<16xi32>,
    %get3A_1993 = arith.constant 18 : index
    %get3A_1994 = tpu.vector_load %arg8[%get3A_1993] {strides = array<i32>} : memref<48xi32, #tpu.memory_space<vmem>>, vector<16xi32>,
    %get3A_1995 = vector.shape_cast %get3A_1994 : vector<16xi32> to vector<16xi32>
    %add3A_1996 = arith.addi %add3A_1988, %get3A_1995 : vector<16xi32>
    %swap3A_1997 = arith.constant 16 : index
    %swap3A_1998 = tpu.vector_load %arg8[%swap3A_1997] {strides = array<i32>} : memref<48xi32, #tpu.memory_space<vmem>>, vector<16xi32>,
    %swap3A_1999 = vector.shape_cast %swap3A_1998 : vector<16xi32> to vector<16xi32>
    %swap3A_2000 = vector.shape_cast %add3A_1996 : vector<16xi32> to vector<16xi32>
    tpu.vector_store %arg8[%swap3A_1997], %swap3A_2000 {strides = array<i32>} : memref<48xi32, #tpu.memory_space<vmem>>, vector<16xi32>,
    %get3A_2001 = arith.constant 20 : index
    %get3A_2002 = tpu.vector_load %arg8[%get3A_2001] {strides = array<i32>} : memref<48xi32, #tpu.memory_space<vmem>>, vector<16xi32>,
    %get3A_2003 = vector.shape_cast %get3A_2002 : vector<16xi32> to vector<16xi32>
    %add3A_2004 = arith.addi %add3A_1996, %get3A_2003 : vector<16xi32>
    %swap3A_2005 = arith.constant 16 : index
    %swap3A_2006 = tpu.vector_load %arg8[%swap3A_2005] {strides = array<i32>} : memref<48xi32, #tpu.memory_space<vmem>>, vector<16xi32>,
    %swap3A_2007 = vector.shape_cast %swap3A_2006 : vector<16xi32> to vector<16xi32>
    %swap3A_2008 = vector.shape_cast %add3A_2004 : vector<16xi32> to vector<16xi32>
    tpu.vector_store %arg8[%swap3A_2005], %swap3A_2008 {strides = array<i32>} : memref<48xi32, #tpu.memory_space<vmem>>, vector<16xi32>,
    %get3A_2009 = arith.constant 24 : index
    %get3A_2010 = tpu.vector_load %arg8[%get3A_2009] {strides = array<i32>} : memref<48xi32, #tpu.memory_space<vmem>>, vector<16xi32>,
    %get3A_2011 = vector.shape_cast %get3A_2010 : vector<16xi32> to vector<16xi32>
    %add3A_2012 = arith.addi %add3A_2004, %get3A_2011 : vector<16xi32>
    %add3A_2013 = arith.addi %add3A_1980, %add3A_2012 : vector<16xi32>
    %sub3A_2014 = arith.subi %add3A_2013, %add3A_1948 : vector<16xi32>
    %eq3A_2015 = arith.constant 6 : i32
    %eq3A_2016 = vector.broadcast %eq3A_2015 : i32 to vector<16xi32>
    %eq3A_2017 = arith.cmpi eq, %iota3A, %eq3A_2016 : vector<16xi32>
    %jit3A_2018 = arith.constant 0 : i32
    %broadcast_in_dim3A_2019 = vector.broadcast %jit3A_2018 : i32 to vector<16xi32>
    %select_n3A_2020 = arith.select %eq3A_2017, %sub3A_2014, %broadcast_in_dim3A_2019 : vector<16xi1>, vector<16xi32>
    %add3A_2021 = arith.addi %add3A_1912, %select_n3A_2020 : vector<16xi32>
    %eq3A_2022 = arith.constant 6 : i32
    %eq3A_2023 = vector.broadcast %eq3A_2022 : i32 to vector<16xi32>
    %eq3A_2024 = arith.cmpi eq, %select_n3A_1152, %eq3A_2023 : vector<16xi32>
    %jit3A_2025 = arith.constant 0.000000e+00 : f32
    %broadcast_in_dim3A_2026 = vector.broadcast %jit3A_2025 : f32 to vector<16xf32>
    %select_n3A_2027 = arith.select %eq3A_2024, %mul3A_1276, %broadcast_in_dim3A_2026 : vector<16xi1>, vector<16xf32>
    %eq3A_2028 = arith.constant 6 : i32
    %eq3A_2029 = vector.broadcast %eq3A_2028 : i32 to vector<16xi32>
    %eq3A_2030 = arith.cmpi eq, %select_n3A_1268, %eq3A_2029 : vector<16xi32>
    %jit3A_2031 = arith.constant 0.000000e+00 : f32
    %broadcast_in_dim3A_2032 = vector.broadcast %jit3A_2031 : f32 to vector<16xf32>
    %select_n3A_2033 = arith.select %eq3A_2030, %mul3A_1277, %broadcast_in_dim3A_2032 : vector<16xi1>, vector<16xf32>
    %add3A_2034 = arith.addf %select_n3A_2027, %select_n3A_2033 : vector<16xf32>
    %swap3A_2035 = arith.constant 6 : i32
    %swap3A_2036 = arith.index_cast %swap3A_2035 : i32 to index
    %swap3A_2037 = arith.constant 16 : index
    %swap3A_2038 = tpu.vector_load %arg6[%swap3A_2036, %swap3A_2037] {strides = array<i32>} : memref<8x64xf32, #tpu.memory_space<vmem>>, vector<1x16xf32>,
    %swap3A_2039 = vector.shape_cast %swap3A_2038 : vector<1x16xf32> to vector<16xf32>
    %swap3A_2040 = vector.shape_cast %add3A_2034 : vector<16xf32> to vector<1x16xf32>
    tpu.vector_store %arg6[%swap3A_2036, %swap3A_2037], %swap3A_2040 {strides = array<i32>} : memref<8x64xf32, #tpu.memory_space<vmem>>, vector<1x16xf32>,
    %eq3A_2041 = arith.constant 7 : i32
    %eq3A_2042 = vector.broadcast %eq3A_2041 : i32 to vector<16xi32>
    %eq3A_2043 = arith.cmpi eq, %select_n3A_1152, %eq3A_2042 : vector<16xi32>
    %jit3A_2044 = arith.constant 1 : i32
    %jit3A_2045 = arith.constant 0 : i32
    %broadcast_in_dim3A_2046 = vector.broadcast %jit3A_2044 : i32 to vector<16xi32>
    %broadcast_in_dim3A_2047 = vector.broadcast %jit3A_2045 : i32 to vector<16xi32>
    %select_n3A_2048 = arith.select %eq3A_2043, %broadcast_in_dim3A_2046, %broadcast_in_dim3A_2047 : vector<16xi1>, vector<16xi32>
    %eq3A_2049 = arith.constant 7 : i32
    %eq3A_2050 = vector.broadcast %eq3A_2049 : i32 to vector<16xi32>
    %eq3A_2051 = arith.cmpi eq, %select_n3A_1268, %eq3A_2050 : vector<16xi32>
    %jit3A_2052 = arith.constant 1 : i32
    %jit3A_2053 = arith.constant 0 : i32
    %broadcast_in_dim3A_2054 = vector.broadcast %jit3A_2052 : i32 to vector<16xi32>
    %broadcast_in_dim3A_2055 = vector.broadcast %jit3A_2053 : i32 to vector<16xi32>
    %select_n3A_2056 = arith.select %eq3A_2051, %broadcast_in_dim3A_2054, %broadcast_in_dim3A_2055 : vector<16xi1>, vector<16xi32>
    %add3A_2057 = arith.addi %select_n3A_2048, %select_n3A_2056 : vector<16xi32>
    %swap3A_2058 = arith.constant 16 : index
    %swap3A_2059 = tpu.vector_load %arg8[%swap3A_2058] {strides = array<i32>} : memref<48xi32, #tpu.memory_space<vmem>>, vector<16xi32>,
    %swap3A_2060 = vector.shape_cast %swap3A_2059 : vector<16xi32> to vector<16xi32>
    %swap3A_2061 = vector.shape_cast %add3A_2057 : vector<16xi32> to vector<16xi32>
    tpu.vector_store %arg8[%swap3A_2058], %swap3A_2061 {strides = array<i32>} : memref<48xi32, #tpu.memory_space<vmem>>, vector<16xi32>,
    %get3A_2062 = arith.constant 15 : index
    %get3A_2063 = tpu.vector_load %arg8[%get3A_2062] {strides = array<i32>} : memref<48xi32, #tpu.memory_space<vmem>>, vector<16xi32>,
    %get3A_2064 = vector.shape_cast %get3A_2063 : vector<16xi32> to vector<16xi32>
    %add3A_2065 = arith.addi %add3A_2057, %get3A_2064 : vector<16xi32>
    %swap3A_2066 = arith.constant 16 : index
    %swap3A_2067 = tpu.vector_load %arg8[%swap3A_2066] {strides = array<i32>} : memref<48xi32, #tpu.memory_space<vmem>>, vector<16xi32>,
    %swap3A_2068 = vector.shape_cast %swap3A_2067 : vector<16xi32> to vector<16xi32>
    %swap3A_2069 = vector.shape_cast %add3A_2065 : vector<16xi32> to vector<16xi32>
    tpu.vector_store %arg8[%swap3A_2066], %swap3A_2069 {strides = array<i32>} : memref<48xi32, #tpu.memory_space<vmem>>, vector<16xi32>,
    %get3A_2070 = arith.constant 14 : index
    %get3A_2071 = tpu.vector_load %arg8[%get3A_2070] {strides = array<i32>} : memref<48xi32, #tpu.memory_space<vmem>>, vector<16xi32>,
    %get3A_2072 = vector.shape_cast %get3A_2071 : vector<16xi32> to vector<16xi32>
    %add3A_2073 = arith.addi %add3A_2065, %get3A_2072 : vector<16xi32>
    %swap3A_2074 = arith.constant 16 : index
    %swap3A_2075 = tpu.vector_load %arg8[%swap3A_2074] {strides = array<i32>} : memref<48xi32, #tpu.memory_space<vmem>>, vector<16xi32>,
    %swap3A_2076 = vector.shape_cast %swap3A_2075 : vector<16xi32> to vector<16xi32>
    %swap3A_2077 = vector.shape_cast %add3A_2073 : vector<16xi32> to vector<16xi32>
    tpu.vector_store %arg8[%swap3A_2074], %swap3A_2077 {strides = array<i32>} : memref<48xi32, #tpu.memory_space<vmem>>, vector<16xi32>,
    %get3A_2078 = arith.constant 12 : index
    %get3A_2079 = tpu.vector_load %arg8[%get3A_2078] {strides = array<i32>} : memref<48xi32, #tpu.memory_space<vmem>>, vector<16xi32>,
    %get3A_2080 = vector.shape_cast %get3A_2079 : vector<16xi32> to vector<16xi32>
    %add3A_2081 = arith.addi %add3A_2073, %get3A_2080 : vector<16xi32>
    %swap3A_2082 = arith.constant 16 : index
    %swap3A_2083 = tpu.vector_load %arg8[%swap3A_2082] {strides = array<i32>} : memref<48xi32, #tpu.memory_space<vmem>>, vector<16xi32>,
    %swap3A_2084 = vector.shape_cast %swap3A_2083 : vector<16xi32> to vector<16xi32>
    %swap3A_2085 = vector.shape_cast %add3A_2081 : vector<16xi32> to vector<16xi32>
    tpu.vector_store %arg8[%swap3A_2082], %swap3A_2085 {strides = array<i32>} : memref<48xi32, #tpu.memory_space<vmem>>, vector<16xi32>,
    %get3A_2086 = arith.constant 8 : index
    %get3A_2087 = tpu.vector_load %arg8[%get3A_2086] {strides = array<i32>} : memref<48xi32, #tpu.memory_space<vmem>>, vector<16xi32>,
    %get3A_2088 = vector.shape_cast %get3A_2087 : vector<16xi32> to vector<16xi32>
    %add3A_2089 = arith.addi %add3A_2081, %get3A_2088 : vector<16xi32>
    %swap3A_2090 = arith.constant 16 : index
    %swap3A_2091 = tpu.vector_load %arg8[%swap3A_2090] {strides = array<i32>} : memref<48xi32, #tpu.memory_space<vmem>>, vector<16xi32>,
    %swap3A_2092 = vector.shape_cast %swap3A_2091 : vector<16xi32> to vector<16xi32>
    %swap3A_2093 = vector.shape_cast %add3A_2057 : vector<16xi32> to vector<16xi32>
    tpu.vector_store %arg8[%swap3A_2090], %swap3A_2093 {strides = array<i32>} : memref<48xi32, #tpu.memory_space<vmem>>, vector<16xi32>,
    %get3A_2094 = arith.constant 17 : index
    %get3A_2095 = tpu.vector_load %arg8[%get3A_2094] {strides = array<i32>} : memref<48xi32, #tpu.memory_space<vmem>>, vector<16xi32>,
    %get3A_2096 = vector.shape_cast %get3A_2095 : vector<16xi32> to vector<16xi32>
    %add3A_2097 = arith.addi %add3A_2057, %get3A_2096 : vector<16xi32>
    %swap3A_2098 = arith.constant 16 : index
    %swap3A_2099 = tpu.vector_load %arg8[%swap3A_2098] {strides = array<i32>} : memref<48xi32, #tpu.memory_space<vmem>>, vector<16xi32>,
    %swap3A_2100 = vector.shape_cast %swap3A_2099 : vector<16xi32> to vector<16xi32>
    %swap3A_2101 = vector.shape_cast %add3A_2097 : vector<16xi32> to vector<16xi32>
    tpu.vector_store %arg8[%swap3A_2098], %swap3A_2101 {strides = array<i32>} : memref<48xi32, #tpu.memory_space<vmem>>, vector<16xi32>,
    %get3A_2102 = arith.constant 18 : index
    %get3A_2103 = tpu.vector_load %arg8[%get3A_2102] {strides = array<i32>} : memref<48xi32, #tpu.memory_space<vmem>>, vector<16xi32>,
    %get3A_2104 = vector.shape_cast %get3A_2103 : vector<16xi32> to vector<16xi32>
    %add3A_2105 = arith.addi %add3A_2097, %get3A_2104 : vector<16xi32>
    %swap3A_2106 = arith.constant 16 : index
    %swap3A_2107 = tpu.vector_load %arg8[%swap3A_2106] {strides = array<i32>} : memref<48xi32, #tpu.memory_space<vmem>>, vector<16xi32>,
    %swap3A_2108 = vector.shape_cast %swap3A_2107 : vector<16xi32> to vector<16xi32>
    %swap3A_2109 = vector.shape_cast %add3A_2105 : vector<16xi32> to vector<16xi32>
    tpu.vector_store %arg8[%swap3A_2106], %swap3A_2109 {strides = array<i32>} : memref<48xi32, #tpu.memory_space<vmem>>, vector<16xi32>,
    %get3A_2110 = arith.constant 20 : index
    %get3A_2111 = tpu.vector_load %arg8[%get3A_2110] {strides = array<i32>} : memref<48xi32, #tpu.memory_space<vmem>>, vector<16xi32>,
    %get3A_2112 = vector.shape_cast %get3A_2111 : vector<16xi32> to vector<16xi32>
    %add3A_2113 = arith.addi %add3A_2105, %get3A_2112 : vector<16xi32>
    %swap3A_2114 = arith.constant 16 : index
    %swap3A_2115 = tpu.vector_load %arg8[%swap3A_2114] {strides = array<i32>} : memref<48xi32, #tpu.memory_space<vmem>>, vector<16xi32>,
    %swap3A_2116 = vector.shape_cast %swap3A_2115 : vector<16xi32> to vector<16xi32>
    %swap3A_2117 = vector.shape_cast %add3A_2113 : vector<16xi32> to vector<16xi32>
    tpu.vector_store %arg8[%swap3A_2114], %swap3A_2117 {strides = array<i32>} : memref<48xi32, #tpu.memory_space<vmem>>, vector<16xi32>,
    %get3A_2118 = arith.constant 24 : index
    %get3A_2119 = tpu.vector_load %arg8[%get3A_2118] {strides = array<i32>} : memref<48xi32, #tpu.memory_space<vmem>>, vector<16xi32>,
    %get3A_2120 = vector.shape_cast %get3A_2119 : vector<16xi32> to vector<16xi32>
    %add3A_2121 = arith.addi %add3A_2113, %get3A_2120 : vector<16xi32>
    %add3A_2122 = arith.addi %add3A_2089, %add3A_2121 : vector<16xi32>
    %sub3A_2123 = arith.subi %add3A_2122, %add3A_2057 : vector<16xi32>
    %eq3A_2124 = arith.constant 7 : i32
    %eq3A_2125 = vector.broadcast %eq3A_2124 : i32 to vector<16xi32>
    %eq3A_2126 = arith.cmpi eq, %iota3A, %eq3A_2125 : vector<16xi32>
    %jit3A_2127 = arith.constant 0 : i32
    %broadcast_in_dim3A_2128 = vector.broadcast %jit3A_2127 : i32 to vector<16xi32>
    %select_n3A_2129 = arith.select %eq3A_2126, %sub3A_2123, %broadcast_in_dim3A_2128 : vector<16xi1>, vector<16xi32>
    %add3A_2130 = arith.addi %add3A_2021, %select_n3A_2129 : vector<16xi32>
    %eq3A_2131 = arith.constant 7 : i32
    %eq3A_2132 = vector.broadcast %eq3A_2131 : i32 to vector<16xi32>
    %eq3A_2133 = arith.cmpi eq, %select_n3A_1152, %eq3A_2132 : vector<16xi32>
    %jit3A_2134 = arith.constant 0.000000e+00 : f32
    %broadcast_in_dim3A_2135 = vector.broadcast %jit3A_2134 : f32 to vector<16xf32>
    %select_n3A_2136 = arith.select %eq3A_2133, %mul3A_1276, %broadcast_in_dim3A_2135 : vector<16xi1>, vector<16xf32>
    %eq3A_2137 = arith.constant 7 : i32
    %eq3A_2138 = vector.broadcast %eq3A_2137 : i32 to vector<16xi32>
    %eq3A_2139 = arith.cmpi eq, %select_n3A_1268, %eq3A_2138 : vector<16xi32>
    %jit3A_2140 = arith.constant 0.000000e+00 : f32
    %broadcast_in_dim3A_2141 = vector.broadcast %jit3A_2140 : f32 to vector<16xf32>
    %select_n3A_2142 = arith.select %eq3A_2139, %mul3A_1277, %broadcast_in_dim3A_2141 : vector<16xi1>, vector<16xf32>
    %add3A_2143 = arith.addf %select_n3A_2136, %select_n3A_2142 : vector<16xf32>
    %swap3A_2144 = arith.constant 7 : i32
    %swap3A_2145 = arith.index_cast %swap3A_2144 : i32 to index
    %swap3A_2146 = arith.constant 16 : index
    %swap3A_2147 = tpu.vector_load %arg6[%swap3A_2145, %swap3A_2146] {strides = array<i32>} : memref<8x64xf32, #tpu.memory_space<vmem>>, vector<1x16xf32>,
    %swap3A_2148 = vector.shape_cast %swap3A_2147 : vector<1x16xf32> to vector<16xf32>
    %swap3A_2149 = vector.shape_cast %add3A_2143 : vector<16xf32> to vector<1x16xf32>
    tpu.vector_store %arg6[%swap3A_2145, %swap3A_2146], %swap3A_2149 {strides = array<i32>} : memref<8x64xf32, #tpu.memory_space<vmem>>, vector<1x16xf32>,
    %get3A_2150 = arith.constant 0 : i32
    %get3A_2151 = arith.index_cast %get3A_2150 : i32 to index
    %get3A_2152 = arith.constant 32 : index
    %get3A_2153 = tpu.vector_load %arg5[%get3A_2151, %get3A_2152] {strides = array<i32>} : memref<8x64xf32, #tpu.memory_space<vmem>>, vector<1x16xf32>,
    %get3A_2154 = vector.shape_cast %get3A_2153 : vector<1x16xf32> to vector<16xf32>
    %broadcast_in_dim3A_2155 = arith.constant 0 : i32
    %broadcast_in_dim3A_2156 = vector.broadcast %broadcast_in_dim3A_2155 : i32 to vector<16xi32>
    %get3A_2157 = arith.constant 1 : i32
    %get3A_2158 = arith.index_cast %get3A_2157 : i32 to index
    %get3A_2159 = arith.constant 32 : index
    %get3A_2160 = tpu.vector_load %arg5[%get3A_2158, %get3A_2159] {strides = array<i32>} : memref<8x64xf32, #tpu.memory_space<vmem>>, vector<1x16xf32>,
    %get3A_2161 = vector.shape_cast %get3A_2160 : vector<1x16xf32> to vector<16xf32>
    %gt3A_2162 = arith.cmpf ogt, %get3A_2161, %get3A_2154 : vector<16xf32>
    %select_n3A_2163 = arith.select %gt3A_2162, %get3A_2161, %get3A_2154 : vector<16xi1>, vector<16xf32>
    %jit3A_2164 = arith.constant 1 : i32
    %broadcast_in_dim3A_2165 = vector.broadcast %jit3A_2164 : i32 to vector<16xi32>
    %select_n3A_2166 = arith.select %gt3A_2162, %broadcast_in_dim3A_2165, %broadcast_in_dim3A_2156 : vector<16xi1>, vector<16xi32>
    %get3A_2167 = arith.constant 2 : i32
    %get3A_2168 = arith.index_cast %get3A_2167 : i32 to index
    %get3A_2169 = arith.constant 32 : index
    %get3A_2170 = tpu.vector_load %arg5[%get3A_2168, %get3A_2169] {strides = array<i32>} : memref<8x64xf32, #tpu.memory_space<vmem>>, vector<1x16xf32>,
    %get3A_2171 = vector.shape_cast %get3A_2170 : vector<1x16xf32> to vector<16xf32>
    %gt3A_2172 = arith.cmpf ogt, %get3A_2171, %select_n3A_2163 : vector<16xf32>
    %select_n3A_2173 = arith.select %gt3A_2172, %get3A_2171, %select_n3A_2163 : vector<16xi1>, vector<16xf32>
    %jit3A_2174 = arith.constant 2 : i32
    %broadcast_in_dim3A_2175 = vector.broadcast %jit3A_2174 : i32 to vector<16xi32>
    %select_n3A_2176 = arith.select %gt3A_2172, %broadcast_in_dim3A_2175, %select_n3A_2166 : vector<16xi1>, vector<16xi32>
    %get3A_2177 = arith.constant 3 : i32
    %get3A_2178 = arith.index_cast %get3A_2177 : i32 to index
    %get3A_2179 = arith.constant 32 : index
    %get3A_2180 = tpu.vector_load %arg5[%get3A_2178, %get3A_2179] {strides = array<i32>} : memref<8x64xf32, #tpu.memory_space<vmem>>, vector<1x16xf32>,
    %get3A_2181 = vector.shape_cast %get3A_2180 : vector<1x16xf32> to vector<16xf32>
    %gt3A_2182 = arith.cmpf ogt, %get3A_2181, %select_n3A_2173 : vector<16xf32>
    %select_n3A_2183 = arith.select %gt3A_2182, %get3A_2181, %select_n3A_2173 : vector<16xi1>, vector<16xf32>
    %jit3A_2184 = arith.constant 3 : i32
    %broadcast_in_dim3A_2185 = vector.broadcast %jit3A_2184 : i32 to vector<16xi32>
    %select_n3A_2186 = arith.select %gt3A_2182, %broadcast_in_dim3A_2185, %select_n3A_2176 : vector<16xi1>, vector<16xi32>
    %get3A_2187 = arith.constant 4 : i32
    %get3A_2188 = arith.index_cast %get3A_2187 : i32 to index
    %get3A_2189 = arith.constant 32 : index
    %get3A_2190 = tpu.vector_load %arg5[%get3A_2188, %get3A_2189] {strides = array<i32>} : memref<8x64xf32, #tpu.memory_space<vmem>>, vector<1x16xf32>,
    %get3A_2191 = vector.shape_cast %get3A_2190 : vector<1x16xf32> to vector<16xf32>
    %gt3A_2192 = arith.cmpf ogt, %get3A_2191, %select_n3A_2183 : vector<16xf32>
    %select_n3A_2193 = arith.select %gt3A_2192, %get3A_2191, %select_n3A_2183 : vector<16xi1>, vector<16xf32>
    %jit3A_2194 = arith.constant 4 : i32
    %broadcast_in_dim3A_2195 = vector.broadcast %jit3A_2194 : i32 to vector<16xi32>
    %select_n3A_2196 = arith.select %gt3A_2192, %broadcast_in_dim3A_2195, %select_n3A_2186 : vector<16xi1>, vector<16xi32>
    %get3A_2197 = arith.constant 5 : i32
    %get3A_2198 = arith.index_cast %get3A_2197 : i32 to index
    %get3A_2199 = arith.constant 32 : index
    %get3A_2200 = tpu.vector_load %arg5[%get3A_2198, %get3A_2199] {strides = array<i32>} : memref<8x64xf32, #tpu.memory_space<vmem>>, vector<1x16xf32>,
    %get3A_2201 = vector.shape_cast %get3A_2200 : vector<1x16xf32> to vector<16xf32>
    %gt3A_2202 = arith.cmpf ogt, %get3A_2201, %select_n3A_2193 : vector<16xf32>
    %select_n3A_2203 = arith.select %gt3A_2202, %get3A_2201, %select_n3A_2193 : vector<16xi1>, vector<16xf32>
    %jit3A_2204 = arith.constant 5 : i32
    %broadcast_in_dim3A_2205 = vector.broadcast %jit3A_2204 : i32 to vector<16xi32>
    %select_n3A_2206 = arith.select %gt3A_2202, %broadcast_in_dim3A_2205, %select_n3A_2196 : vector<16xi1>, vector<16xi32>
    %get3A_2207 = arith.constant 6 : i32
    %get3A_2208 = arith.index_cast %get3A_2207 : i32 to index
    %get3A_2209 = arith.constant 32 : index
    %get3A_2210 = tpu.vector_load %arg5[%get3A_2208, %get3A_2209] {strides = array<i32>} : memref<8x64xf32, #tpu.memory_space<vmem>>, vector<1x16xf32>,
    %get3A_2211 = vector.shape_cast %get3A_2210 : vector<1x16xf32> to vector<16xf32>
    %gt3A_2212 = arith.cmpf ogt, %get3A_2211, %select_n3A_2203 : vector<16xf32>
    %select_n3A_2213 = arith.select %gt3A_2212, %get3A_2211, %select_n3A_2203 : vector<16xi1>, vector<16xf32>
    %jit3A_2214 = arith.constant 6 : i32
    %broadcast_in_dim3A_2215 = vector.broadcast %jit3A_2214 : i32 to vector<16xi32>
    %select_n3A_2216 = arith.select %gt3A_2212, %broadcast_in_dim3A_2215, %select_n3A_2206 : vector<16xi1>, vector<16xi32>
    %get3A_2217 = arith.constant 7 : i32
    %get3A_2218 = arith.index_cast %get3A_2217 : i32 to index
    %get3A_2219 = arith.constant 32 : index
    %get3A_2220 = tpu.vector_load %arg5[%get3A_2218, %get3A_2219] {strides = array<i32>} : memref<8x64xf32, #tpu.memory_space<vmem>>, vector<1x16xf32>,
    %get3A_2221 = vector.shape_cast %get3A_2220 : vector<1x16xf32> to vector<16xf32>
    %gt3A_2222 = arith.cmpf ogt, %get3A_2221, %select_n3A_2213 : vector<16xf32>
    %select_n3A_2223 = arith.select %gt3A_2222, %get3A_2221, %select_n3A_2213 : vector<16xi1>, vector<16xf32>
    %jit3A_2224 = arith.constant 7 : i32
    %broadcast_in_dim3A_2225 = vector.broadcast %jit3A_2224 : i32 to vector<16xi32>
    %select_n3A_2226 = arith.select %gt3A_2222, %broadcast_in_dim3A_2225, %select_n3A_2216 : vector<16xi1>, vector<16xi32>
    %broadcast_in_dim3A_2227 = arith.constant -3.000000e+38 : f32
    %broadcast_in_dim3A_2228 = vector.broadcast %broadcast_in_dim3A_2227 : f32 to vector<16xf32>
    %broadcast_in_dim3A_2229 = arith.constant 0 : i32
    %broadcast_in_dim3A_2230 = vector.broadcast %broadcast_in_dim3A_2229 : i32 to vector<16xi32>
    %get3A_2231 = arith.constant 0 : i32
    %get3A_2232 = arith.index_cast %get3A_2231 : i32 to index
    %get3A_2233 = arith.constant 32 : index
    %get3A_2234 = tpu.vector_load %arg5[%get3A_2232, %get3A_2233] {strides = array<i32>} : memref<8x64xf32, #tpu.memory_space<vmem>>, vector<1x16xf32>,
    %get3A_2235 = vector.shape_cast %get3A_2234 : vector<1x16xf32> to vector<16xf32>
    %gt3A_2236 = arith.cmpf ogt, %get3A_2235, %broadcast_in_dim3A_2228 : vector<16xf32>
    %ne3A_2237 = arith.constant 0 : i32
    %ne3A_2238 = vector.broadcast %ne3A_2237 : i32 to vector<16xi32>
    %ne3A_2239 = arith.cmpi ne, %select_n3A_2226, %ne3A_2238 : vector<16xi32>
    %and3A_2240 = arith.andi %gt3A_2236, %ne3A_2239 : vector<16xi1>
    %select_n3A_2241 = arith.select %and3A_2240, %get3A_2235, %broadcast_in_dim3A_2228 : vector<16xi1>, vector<16xf32>
    %jit3A_2242 = arith.constant 0 : i32
    %broadcast_in_dim3A_2243 = vector.broadcast %jit3A_2242 : i32 to vector<16xi32>
    %select_n3A_2244 = arith.select %and3A_2240, %broadcast_in_dim3A_2243, %broadcast_in_dim3A_2230 : vector<16xi1>, vector<16xi32>
    %get3A_2245 = arith.constant 1 : i32
    %get3A_2246 = arith.index_cast %get3A_2245 : i32 to index
    %get3A_2247 = arith.constant 32 : index
    %get3A_2248 = tpu.vector_load %arg5[%get3A_2246, %get3A_2247] {strides = array<i32>} : memref<8x64xf32, #tpu.memory_space<vmem>>, vector<1x16xf32>,
    %get3A_2249 = vector.shape_cast %get3A_2248 : vector<1x16xf32> to vector<16xf32>
    %gt3A_2250 = arith.cmpf ogt, %get3A_2249, %select_n3A_2241 : vector<16xf32>
    %ne3A_2251 = arith.constant 1 : i32
    %ne3A_2252 = vector.broadcast %ne3A_2251 : i32 to vector<16xi32>
    %ne3A_2253 = arith.cmpi ne, %select_n3A_2226, %ne3A_2252 : vector<16xi32>
    %and3A_2254 = arith.andi %gt3A_2250, %ne3A_2253 : vector<16xi1>
    %select_n3A_2255 = arith.select %and3A_2254, %get3A_2249, %select_n3A_2241 : vector<16xi1>, vector<16xf32>
    %jit3A_2256 = arith.constant 1 : i32
    %broadcast_in_dim3A_2257 = vector.broadcast %jit3A_2256 : i32 to vector<16xi32>
    %select_n3A_2258 = arith.select %and3A_2254, %broadcast_in_dim3A_2257, %select_n3A_2244 : vector<16xi1>, vector<16xi32>
    %get3A_2259 = arith.constant 2 : i32
    %get3A_2260 = arith.index_cast %get3A_2259 : i32 to index
    %get3A_2261 = arith.constant 32 : index
    %get3A_2262 = tpu.vector_load %arg5[%get3A_2260, %get3A_2261] {strides = array<i32>} : memref<8x64xf32, #tpu.memory_space<vmem>>, vector<1x16xf32>,
    %get3A_2263 = vector.shape_cast %get3A_2262 : vector<1x16xf32> to vector<16xf32>
    %gt3A_2264 = arith.cmpf ogt, %get3A_2263, %select_n3A_2255 : vector<16xf32>
    %ne3A_2265 = arith.constant 2 : i32
    %ne3A_2266 = vector.broadcast %ne3A_2265 : i32 to vector<16xi32>
    %ne3A_2267 = arith.cmpi ne, %select_n3A_2226, %ne3A_2266 : vector<16xi32>
    %and3A_2268 = arith.andi %gt3A_2264, %ne3A_2267 : vector<16xi1>
    %select_n3A_2269 = arith.select %and3A_2268, %get3A_2263, %select_n3A_2255 : vector<16xi1>, vector<16xf32>
    %jit3A_2270 = arith.constant 2 : i32
    %broadcast_in_dim3A_2271 = vector.broadcast %jit3A_2270 : i32 to vector<16xi32>
    %select_n3A_2272 = arith.select %and3A_2268, %broadcast_in_dim3A_2271, %select_n3A_2258 : vector<16xi1>, vector<16xi32>
    %get3A_2273 = arith.constant 3 : i32
    %get3A_2274 = arith.index_cast %get3A_2273 : i32 to index
    %get3A_2275 = arith.constant 32 : index
    %get3A_2276 = tpu.vector_load %arg5[%get3A_2274, %get3A_2275] {strides = array<i32>} : memref<8x64xf32, #tpu.memory_space<vmem>>, vector<1x16xf32>,
    %get3A_2277 = vector.shape_cast %get3A_2276 : vector<1x16xf32> to vector<16xf32>
    %gt3A_2278 = arith.cmpf ogt, %get3A_2277, %select_n3A_2269 : vector<16xf32>
    %ne3A_2279 = arith.constant 3 : i32
    %ne3A_2280 = vector.broadcast %ne3A_2279 : i32 to vector<16xi32>
    %ne3A_2281 = arith.cmpi ne, %select_n3A_2226, %ne3A_2280 : vector<16xi32>
    %and3A_2282 = arith.andi %gt3A_2278, %ne3A_2281 : vector<16xi1>
    %select_n3A_2283 = arith.select %and3A_2282, %get3A_2277, %select_n3A_2269 : vector<16xi1>, vector<16xf32>
    %jit3A_2284 = arith.constant 3 : i32
    %broadcast_in_dim3A_2285 = vector.broadcast %jit3A_2284 : i32 to vector<16xi32>
    %select_n3A_2286 = arith.select %and3A_2282, %broadcast_in_dim3A_2285, %select_n3A_2272 : vector<16xi1>, vector<16xi32>
    %get3A_2287 = arith.constant 4 : i32
    %get3A_2288 = arith.index_cast %get3A_2287 : i32 to index
    %get3A_2289 = arith.constant 32 : index
    %get3A_2290 = tpu.vector_load %arg5[%get3A_2288, %get3A_2289] {strides = array<i32>} : memref<8x64xf32, #tpu.memory_space<vmem>>, vector<1x16xf32>,
    %get3A_2291 = vector.shape_cast %get3A_2290 : vector<1x16xf32> to vector<16xf32>
    %gt3A_2292 = arith.cmpf ogt, %get3A_2291, %select_n3A_2283 : vector<16xf32>
    %ne3A_2293 = arith.constant 4 : i32
    %ne3A_2294 = vector.broadcast %ne3A_2293 : i32 to vector<16xi32>
    %ne3A_2295 = arith.cmpi ne, %select_n3A_2226, %ne3A_2294 : vector<16xi32>
    %and3A_2296 = arith.andi %gt3A_2292, %ne3A_2295 : vector<16xi1>
    %select_n3A_2297 = arith.select %and3A_2296, %get3A_2291, %select_n3A_2283 : vector<16xi1>, vector<16xf32>
    %jit3A_2298 = arith.constant 4 : i32
    %broadcast_in_dim3A_2299 = vector.broadcast %jit3A_2298 : i32 to vector<16xi32>
    %select_n3A_2300 = arith.select %and3A_2296, %broadcast_in_dim3A_2299, %select_n3A_2286 : vector<16xi1>, vector<16xi32>
    %get3A_2301 = arith.constant 5 : i32
    %get3A_2302 = arith.index_cast %get3A_2301 : i32 to index
    %get3A_2303 = arith.constant 32 : index
    %get3A_2304 = tpu.vector_load %arg5[%get3A_2302, %get3A_2303] {strides = array<i32>} : memref<8x64xf32, #tpu.memory_space<vmem>>, vector<1x16xf32>,
    %get3A_2305 = vector.shape_cast %get3A_2304 : vector<1x16xf32> to vector<16xf32>
    %gt3A_2306 = arith.cmpf ogt, %get3A_2305, %select_n3A_2297 : vector<16xf32>
    %ne3A_2307 = arith.constant 5 : i32
    %ne3A_2308 = vector.broadcast %ne3A_2307 : i32 to vector<16xi32>
    %ne3A_2309 = arith.cmpi ne, %select_n3A_2226, %ne3A_2308 : vector<16xi32>
    %and3A_2310 = arith.andi %gt3A_2306, %ne3A_2309 : vector<16xi1>
    %select_n3A_2311 = arith.select %and3A_2310, %get3A_2305, %select_n3A_2297 : vector<16xi1>, vector<16xf32>
    %jit3A_2312 = arith.constant 5 : i32
    %broadcast_in_dim3A_2313 = vector.broadcast %jit3A_2312 : i32 to vector<16xi32>
    %select_n3A_2314 = arith.select %and3A_2310, %broadcast_in_dim3A_2313, %select_n3A_2300 : vector<16xi1>, vector<16xi32>
    %get3A_2315 = arith.constant 6 : i32
    %get3A_2316 = arith.index_cast %get3A_2315 : i32 to index
    %get3A_2317 = arith.constant 32 : index
    %get3A_2318 = tpu.vector_load %arg5[%get3A_2316, %get3A_2317] {strides = array<i32>} : memref<8x64xf32, #tpu.memory_space<vmem>>, vector<1x16xf32>,
    %get3A_2319 = vector.shape_cast %get3A_2318 : vector<1x16xf32> to vector<16xf32>
    %gt3A_2320 = arith.cmpf ogt, %get3A_2319, %select_n3A_2311 : vector<16xf32>
    %ne3A_2321 = arith.constant 6 : i32
    %ne3A_2322 = vector.broadcast %ne3A_2321 : i32 to vector<16xi32>
    %ne3A_2323 = arith.cmpi ne, %select_n3A_2226, %ne3A_2322 : vector<16xi32>
    %and3A_2324 = arith.andi %gt3A_2320, %ne3A_2323 : vector<16xi1>
    %select_n3A_2325 = arith.select %and3A_2324, %get3A_2319, %select_n3A_2311 : vector<16xi1>, vector<16xf32>
    %jit3A_2326 = arith.constant 6 : i32
    %broadcast_in_dim3A_2327 = vector.broadcast %jit3A_2326 : i32 to vector<16xi32>
    %select_n3A_2328 = arith.select %and3A_2324, %broadcast_in_dim3A_2327, %select_n3A_2314 : vector<16xi1>, vector<16xi32>
    %get3A_2329 = arith.constant 7 : i32
    %get3A_2330 = arith.index_cast %get3A_2329 : i32 to index
    %get3A_2331 = arith.constant 32 : index
    %get3A_2332 = tpu.vector_load %arg5[%get3A_2330, %get3A_2331] {strides = array<i32>} : memref<8x64xf32, #tpu.memory_space<vmem>>, vector<1x16xf32>,
    %get3A_2333 = vector.shape_cast %get3A_2332 : vector<1x16xf32> to vector<16xf32>
    %gt3A_2334 = arith.cmpf ogt, %get3A_2333, %select_n3A_2325 : vector<16xf32>
    %ne3A_2335 = arith.constant 7 : i32
    %ne3A_2336 = vector.broadcast %ne3A_2335 : i32 to vector<16xi32>
    %ne3A_2337 = arith.cmpi ne, %select_n3A_2226, %ne3A_2336 : vector<16xi32>
    %and3A_2338 = arith.andi %gt3A_2334, %ne3A_2337 : vector<16xi1>
    %select_n3A_2339 = arith.select %and3A_2338, %get3A_2333, %select_n3A_2325 : vector<16xi1>, vector<16xf32>
    %jit3A_2340 = arith.constant 7 : i32
    %broadcast_in_dim3A_2341 = vector.broadcast %jit3A_2340 : i32 to vector<16xi32>
    %select_n3A_2342 = arith.select %and3A_2338, %broadcast_in_dim3A_2341, %select_n3A_2328 : vector<16xi1>, vector<16xi32>
    %add3A_2343 = arith.addf %select_n3A_2223, %select_n3A_2339 : vector<16xf32>
    %add3A_2344 = arith.constant 9.99999993E-9 : f32
    %add3A_2345 = vector.broadcast %add3A_2344 : f32 to vector<16xf32>
    %add3A_2346 = arith.addf %add3A_2343, %add3A_2345 : vector<16xf32>
    %div3A_2347 = arith.constant 1.000000e+00 : f32
    %div3A_2348 = vector.broadcast %div3A_2347 : f32 to vector<16xf32>
    %div3A_2349 = arith.divf %div3A_2348, %add3A_2346 : vector<16xf32>
    %mul3A_2350 = arith.mulf %select_n3A_2223, %div3A_2349 : vector<16xf32>
    %mul3A_2351 = arith.mulf %select_n3A_2339, %div3A_2349 : vector<16xf32>
    %eq3A_2352 = arith.constant 0 : i32
    %eq3A_2353 = vector.broadcast %eq3A_2352 : i32 to vector<16xi32>
    %eq3A_2354 = arith.cmpi eq, %select_n3A_2226, %eq3A_2353 : vector<16xi32>
    %jit3A_2355 = arith.constant 1 : i32
    %jit3A_2356 = arith.constant 0 : i32
    %broadcast_in_dim3A_2357 = vector.broadcast %jit3A_2355 : i32 to vector<16xi32>
    %broadcast_in_dim3A_2358 = vector.broadcast %jit3A_2356 : i32 to vector<16xi32>
    %select_n3A_2359 = arith.select %eq3A_2354, %broadcast_in_dim3A_2357, %broadcast_in_dim3A_2358 : vector<16xi1>, vector<16xi32>
    %eq3A_2360 = arith.constant 0 : i32
    %eq3A_2361 = vector.broadcast %eq3A_2360 : i32 to vector<16xi32>
    %eq3A_2362 = arith.cmpi eq, %select_n3A_2342, %eq3A_2361 : vector<16xi32>
    %jit3A_2363 = arith.constant 1 : i32
    %jit3A_2364 = arith.constant 0 : i32
    %broadcast_in_dim3A_2365 = vector.broadcast %jit3A_2363 : i32 to vector<16xi32>
    %broadcast_in_dim3A_2366 = vector.broadcast %jit3A_2364 : i32 to vector<16xi32>
    %select_n3A_2367 = arith.select %eq3A_2362, %broadcast_in_dim3A_2365, %broadcast_in_dim3A_2366 : vector<16xi1>, vector<16xi32>
    %add3A_2368 = arith.addi %select_n3A_2359, %select_n3A_2367 : vector<16xi32>
    %swap3A_2369 = arith.constant 16 : index
    %swap3A_2370 = tpu.vector_load %arg8[%swap3A_2369] {strides = array<i32>} : memref<48xi32, #tpu.memory_space<vmem>>, vector<16xi32>,
    %swap3A_2371 = vector.shape_cast %swap3A_2370 : vector<16xi32> to vector<16xi32>
    %swap3A_2372 = vector.shape_cast %add3A_2368 : vector<16xi32> to vector<16xi32>
    tpu.vector_store %arg8[%swap3A_2369], %swap3A_2372 {strides = array<i32>} : memref<48xi32, #tpu.memory_space<vmem>>, vector<16xi32>,
    %get3A_2373 = arith.constant 15 : index
    %get3A_2374 = tpu.vector_load %arg8[%get3A_2373] {strides = array<i32>} : memref<48xi32, #tpu.memory_space<vmem>>, vector<16xi32>,
    %get3A_2375 = vector.shape_cast %get3A_2374 : vector<16xi32> to vector<16xi32>
    %add3A_2376 = arith.addi %add3A_2368, %get3A_2375 : vector<16xi32>
    %swap3A_2377 = arith.constant 16 : index
    %swap3A_2378 = tpu.vector_load %arg8[%swap3A_2377] {strides = array<i32>} : memref<48xi32, #tpu.memory_space<vmem>>, vector<16xi32>,
    %swap3A_2379 = vector.shape_cast %swap3A_2378 : vector<16xi32> to vector<16xi32>
    %swap3A_2380 = vector.shape_cast %add3A_2376 : vector<16xi32> to vector<16xi32>
    tpu.vector_store %arg8[%swap3A_2377], %swap3A_2380 {strides = array<i32>} : memref<48xi32, #tpu.memory_space<vmem>>, vector<16xi32>,
    %get3A_2381 = arith.constant 14 : index
    %get3A_2382 = tpu.vector_load %arg8[%get3A_2381] {strides = array<i32>} : memref<48xi32, #tpu.memory_space<vmem>>, vector<16xi32>,
    %get3A_2383 = vector.shape_cast %get3A_2382 : vector<16xi32> to vector<16xi32>
    %add3A_2384 = arith.addi %add3A_2376, %get3A_2383 : vector<16xi32>
    %swap3A_2385 = arith.constant 16 : index
    %swap3A_2386 = tpu.vector_load %arg8[%swap3A_2385] {strides = array<i32>} : memref<48xi32, #tpu.memory_space<vmem>>, vector<16xi32>,
    %swap3A_2387 = vector.shape_cast %swap3A_2386 : vector<16xi32> to vector<16xi32>
    %swap3A_2388 = vector.shape_cast %add3A_2384 : vector<16xi32> to vector<16xi32>
    tpu.vector_store %arg8[%swap3A_2385], %swap3A_2388 {strides = array<i32>} : memref<48xi32, #tpu.memory_space<vmem>>, vector<16xi32>,
    %get3A_2389 = arith.constant 12 : index
    %get3A_2390 = tpu.vector_load %arg8[%get3A_2389] {strides = array<i32>} : memref<48xi32, #tpu.memory_space<vmem>>, vector<16xi32>,
    %get3A_2391 = vector.shape_cast %get3A_2390 : vector<16xi32> to vector<16xi32>
    %add3A_2392 = arith.addi %add3A_2384, %get3A_2391 : vector<16xi32>
    %swap3A_2393 = arith.constant 16 : index
    %swap3A_2394 = tpu.vector_load %arg8[%swap3A_2393] {strides = array<i32>} : memref<48xi32, #tpu.memory_space<vmem>>, vector<16xi32>,
    %swap3A_2395 = vector.shape_cast %swap3A_2394 : vector<16xi32> to vector<16xi32>
    %swap3A_2396 = vector.shape_cast %add3A_2392 : vector<16xi32> to vector<16xi32>
    tpu.vector_store %arg8[%swap3A_2393], %swap3A_2396 {strides = array<i32>} : memref<48xi32, #tpu.memory_space<vmem>>, vector<16xi32>,
    %get3A_2397 = arith.constant 8 : index
    %get3A_2398 = tpu.vector_load %arg8[%get3A_2397] {strides = array<i32>} : memref<48xi32, #tpu.memory_space<vmem>>, vector<16xi32>,
    %get3A_2399 = vector.shape_cast %get3A_2398 : vector<16xi32> to vector<16xi32>
    %add3A_2400 = arith.addi %add3A_2392, %get3A_2399 : vector<16xi32>
    %swap3A_2401 = arith.constant 16 : index
    %swap3A_2402 = tpu.vector_load %arg8[%swap3A_2401] {strides = array<i32>} : memref<48xi32, #tpu.memory_space<vmem>>, vector<16xi32>,
    %swap3A_2403 = vector.shape_cast %swap3A_2402 : vector<16xi32> to vector<16xi32>
    %swap3A_2404 = vector.shape_cast %add3A_2368 : vector<16xi32> to vector<16xi32>
    tpu.vector_store %arg8[%swap3A_2401], %swap3A_2404 {strides = array<i32>} : memref<48xi32, #tpu.memory_space<vmem>>, vector<16xi32>,
    %get3A_2405 = arith.constant 17 : index
    %get3A_2406 = tpu.vector_load %arg8[%get3A_2405] {strides = array<i32>} : memref<48xi32, #tpu.memory_space<vmem>>, vector<16xi32>,
    %get3A_2407 = vector.shape_cast %get3A_2406 : vector<16xi32> to vector<16xi32>
    %add3A_2408 = arith.addi %add3A_2368, %get3A_2407 : vector<16xi32>
    %swap3A_2409 = arith.constant 16 : index
    %swap3A_2410 = tpu.vector_load %arg8[%swap3A_2409] {strides = array<i32>} : memref<48xi32, #tpu.memory_space<vmem>>, vector<16xi32>,
    %swap3A_2411 = vector.shape_cast %swap3A_2410 : vector<16xi32> to vector<16xi32>
    %swap3A_2412 = vector.shape_cast %add3A_2408 : vector<16xi32> to vector<16xi32>
    tpu.vector_store %arg8[%swap3A_2409], %swap3A_2412 {strides = array<i32>} : memref<48xi32, #tpu.memory_space<vmem>>, vector<16xi32>,
    %get3A_2413 = arith.constant 18 : index
    %get3A_2414 = tpu.vector_load %arg8[%get3A_2413] {strides = array<i32>} : memref<48xi32, #tpu.memory_space<vmem>>, vector<16xi32>,
    %get3A_2415 = vector.shape_cast %get3A_2414 : vector<16xi32> to vector<16xi32>
    %add3A_2416 = arith.addi %add3A_2408, %get3A_2415 : vector<16xi32>
    %swap3A_2417 = arith.constant 16 : index
    %swap3A_2418 = tpu.vector_load %arg8[%swap3A_2417] {strides = array<i32>} : memref<48xi32, #tpu.memory_space<vmem>>, vector<16xi32>,
    %swap3A_2419 = vector.shape_cast %swap3A_2418 : vector<16xi32> to vector<16xi32>
    %swap3A_2420 = vector.shape_cast %add3A_2416 : vector<16xi32> to vector<16xi32>
    tpu.vector_store %arg8[%swap3A_2417], %swap3A_2420 {strides = array<i32>} : memref<48xi32, #tpu.memory_space<vmem>>, vector<16xi32>,
    %get3A_2421 = arith.constant 20 : index
    %get3A_2422 = tpu.vector_load %arg8[%get3A_2421] {strides = array<i32>} : memref<48xi32, #tpu.memory_space<vmem>>, vector<16xi32>,
    %get3A_2423 = vector.shape_cast %get3A_2422 : vector<16xi32> to vector<16xi32>
    %add3A_2424 = arith.addi %add3A_2416, %get3A_2423 : vector<16xi32>
    %swap3A_2425 = arith.constant 16 : index
    %swap3A_2426 = tpu.vector_load %arg8[%swap3A_2425] {strides = array<i32>} : memref<48xi32, #tpu.memory_space<vmem>>, vector<16xi32>,
    %swap3A_2427 = vector.shape_cast %swap3A_2426 : vector<16xi32> to vector<16xi32>
    %swap3A_2428 = vector.shape_cast %add3A_2424 : vector<16xi32> to vector<16xi32>
    tpu.vector_store %arg8[%swap3A_2425], %swap3A_2428 {strides = array<i32>} : memref<48xi32, #tpu.memory_space<vmem>>, vector<16xi32>,
    %get3A_2429 = arith.constant 24 : index
    %get3A_2430 = tpu.vector_load %arg8[%get3A_2429] {strides = array<i32>} : memref<48xi32, #tpu.memory_space<vmem>>, vector<16xi32>,
    %get3A_2431 = vector.shape_cast %get3A_2430 : vector<16xi32> to vector<16xi32>
    %add3A_2432 = arith.addi %add3A_2424, %get3A_2431 : vector<16xi32>
    %add3A_2433 = arith.addi %add3A_2400, %add3A_2432 : vector<16xi32>
    %sub3A_2434 = arith.subi %add3A_2433, %add3A_2368 : vector<16xi32>
    %eq3A_2435 = arith.constant 0 : i32
    %eq3A_2436 = vector.broadcast %eq3A_2435 : i32 to vector<16xi32>
    %eq3A_2437 = arith.cmpi eq, %iota3A, %eq3A_2436 : vector<16xi32>
    %jit3A_2438 = arith.constant 0 : i32
    %broadcast_in_dim3A_2439 = vector.broadcast %jit3A_2438 : i32 to vector<16xi32>
    %select_n3A_2440 = arith.select %eq3A_2437, %sub3A_2434, %broadcast_in_dim3A_2439 : vector<16xi1>, vector<16xi32>
    %add3A_2441 = arith.addi %add3A_2130, %select_n3A_2440 : vector<16xi32>
    %eq3A_2442 = arith.constant 0 : i32
    %eq3A_2443 = vector.broadcast %eq3A_2442 : i32 to vector<16xi32>
    %eq3A_2444 = arith.cmpi eq, %select_n3A_2226, %eq3A_2443 : vector<16xi32>
    %jit3A_2445 = arith.constant 0.000000e+00 : f32
    %broadcast_in_dim3A_2446 = vector.broadcast %jit3A_2445 : f32 to vector<16xf32>
    %select_n3A_2447 = arith.select %eq3A_2444, %mul3A_2350, %broadcast_in_dim3A_2446 : vector<16xi1>, vector<16xf32>
    %eq3A_2448 = arith.constant 0 : i32
    %eq3A_2449 = vector.broadcast %eq3A_2448 : i32 to vector<16xi32>
    %eq3A_2450 = arith.cmpi eq, %select_n3A_2342, %eq3A_2449 : vector<16xi32>
    %jit3A_2451 = arith.constant 0.000000e+00 : f32
    %broadcast_in_dim3A_2452 = vector.broadcast %jit3A_2451 : f32 to vector<16xf32>
    %select_n3A_2453 = arith.select %eq3A_2450, %mul3A_2351, %broadcast_in_dim3A_2452 : vector<16xi1>, vector<16xf32>
    %add3A_2454 = arith.addf %select_n3A_2447, %select_n3A_2453 : vector<16xf32>
    %swap3A_2455 = arith.constant 0 : i32
    %swap3A_2456 = arith.index_cast %swap3A_2455 : i32 to index
    %swap3A_2457 = arith.constant 32 : index
    %swap3A_2458 = tpu.vector_load %arg6[%swap3A_2456, %swap3A_2457] {strides = array<i32>} : memref<8x64xf32, #tpu.memory_space<vmem>>, vector<1x16xf32>,
    %swap3A_2459 = vector.shape_cast %swap3A_2458 : vector<1x16xf32> to vector<16xf32>
    %swap3A_2460 = vector.shape_cast %add3A_2454 : vector<16xf32> to vector<1x16xf32>
    tpu.vector_store %arg6[%swap3A_2456, %swap3A_2457], %swap3A_2460 {strides = array<i32>} : memref<8x64xf32, #tpu.memory_space<vmem>>, vector<1x16xf32>,
    %eq3A_2461 = arith.constant 1 : i32
    %eq3A_2462 = vector.broadcast %eq3A_2461 : i32 to vector<16xi32>
    %eq3A_2463 = arith.cmpi eq, %select_n3A_2226, %eq3A_2462 : vector<16xi32>
    %jit3A_2464 = arith.constant 1 : i32
    %jit3A_2465 = arith.constant 0 : i32
    %broadcast_in_dim3A_2466 = vector.broadcast %jit3A_2464 : i32 to vector<16xi32>
    %broadcast_in_dim3A_2467 = vector.broadcast %jit3A_2465 : i32 to vector<16xi32>
    %select_n3A_2468 = arith.select %eq3A_2463, %broadcast_in_dim3A_2466, %broadcast_in_dim3A_2467 : vector<16xi1>, vector<16xi32>
    %eq3A_2469 = arith.constant 1 : i32
    %eq3A_2470 = vector.broadcast %eq3A_2469 : i32 to vector<16xi32>
    %eq3A_2471 = arith.cmpi eq, %select_n3A_2342, %eq3A_2470 : vector<16xi32>
    %jit3A_2472 = arith.constant 1 : i32
    %jit3A_2473 = arith.constant 0 : i32
    %broadcast_in_dim3A_2474 = vector.broadcast %jit3A_2472 : i32 to vector<16xi32>
    %broadcast_in_dim3A_2475 = vector.broadcast %jit3A_2473 : i32 to vector<16xi32>
    %select_n3A_2476 = arith.select %eq3A_2471, %broadcast_in_dim3A_2474, %broadcast_in_dim3A_2475 : vector<16xi1>, vector<16xi32>
    %add3A_2477 = arith.addi %select_n3A_2468, %select_n3A_2476 : vector<16xi32>
    %swap3A_2478 = arith.constant 16 : index
    %swap3A_2479 = tpu.vector_load %arg8[%swap3A_2478] {strides = array<i32>} : memref<48xi32, #tpu.memory_space<vmem>>, vector<16xi32>,
    %swap3A_2480 = vector.shape_cast %swap3A_2479 : vector<16xi32> to vector<16xi32>
    %swap3A_2481 = vector.shape_cast %add3A_2477 : vector<16xi32> to vector<16xi32>
    tpu.vector_store %arg8[%swap3A_2478], %swap3A_2481 {strides = array<i32>} : memref<48xi32, #tpu.memory_space<vmem>>, vector<16xi32>,
    %get3A_2482 = arith.constant 15 : index
    %get3A_2483 = tpu.vector_load %arg8[%get3A_2482] {strides = array<i32>} : memref<48xi32, #tpu.memory_space<vmem>>, vector<16xi32>,
    %get3A_2484 = vector.shape_cast %get3A_2483 : vector<16xi32> to vector<16xi32>
    %add3A_2485 = arith.addi %add3A_2477, %get3A_2484 : vector<16xi32>
    %swap3A_2486 = arith.constant 16 : index
    %swap3A_2487 = tpu.vector_load %arg8[%swap3A_2486] {strides = array<i32>} : memref<48xi32, #tpu.memory_space<vmem>>, vector<16xi32>,
    %swap3A_2488 = vector.shape_cast %swap3A_2487 : vector<16xi32> to vector<16xi32>
    %swap3A_2489 = vector.shape_cast %add3A_2485 : vector<16xi32> to vector<16xi32>
    tpu.vector_store %arg8[%swap3A_2486], %swap3A_2489 {strides = array<i32>} : memref<48xi32, #tpu.memory_space<vmem>>, vector<16xi32>,
    %get3A_2490 = arith.constant 14 : index
    %get3A_2491 = tpu.vector_load %arg8[%get3A_2490] {strides = array<i32>} : memref<48xi32, #tpu.memory_space<vmem>>, vector<16xi32>,
    %get3A_2492 = vector.shape_cast %get3A_2491 : vector<16xi32> to vector<16xi32>
    %add3A_2493 = arith.addi %add3A_2485, %get3A_2492 : vector<16xi32>
    %swap3A_2494 = arith.constant 16 : index
    %swap3A_2495 = tpu.vector_load %arg8[%swap3A_2494] {strides = array<i32>} : memref<48xi32, #tpu.memory_space<vmem>>, vector<16xi32>,
    %swap3A_2496 = vector.shape_cast %swap3A_2495 : vector<16xi32> to vector<16xi32>
    %swap3A_2497 = vector.shape_cast %add3A_2493 : vector<16xi32> to vector<16xi32>
    tpu.vector_store %arg8[%swap3A_2494], %swap3A_2497 {strides = array<i32>} : memref<48xi32, #tpu.memory_space<vmem>>, vector<16xi32>,
    %get3A_2498 = arith.constant 12 : index
    %get3A_2499 = tpu.vector_load %arg8[%get3A_2498] {strides = array<i32>} : memref<48xi32, #tpu.memory_space<vmem>>, vector<16xi32>,
    %get3A_2500 = vector.shape_cast %get3A_2499 : vector<16xi32> to vector<16xi32>
    %add3A_2501 = arith.addi %add3A_2493, %get3A_2500 : vector<16xi32>
    %swap3A_2502 = arith.constant 16 : index
    %swap3A_2503 = tpu.vector_load %arg8[%swap3A_2502] {strides = array<i32>} : memref<48xi32, #tpu.memory_space<vmem>>, vector<16xi32>,
    %swap3A_2504 = vector.shape_cast %swap3A_2503 : vector<16xi32> to vector<16xi32>
    %swap3A_2505 = vector.shape_cast %add3A_2501 : vector<16xi32> to vector<16xi32>
    tpu.vector_store %arg8[%swap3A_2502], %swap3A_2505 {strides = array<i32>} : memref<48xi32, #tpu.memory_space<vmem>>, vector<16xi32>,
    %get3A_2506 = arith.constant 8 : index
    %get3A_2507 = tpu.vector_load %arg8[%get3A_2506] {strides = array<i32>} : memref<48xi32, #tpu.memory_space<vmem>>, vector<16xi32>,
    %get3A_2508 = vector.shape_cast %get3A_2507 : vector<16xi32> to vector<16xi32>
    %add3A_2509 = arith.addi %add3A_2501, %get3A_2508 : vector<16xi32>
    %swap3A_2510 = arith.constant 16 : index
    %swap3A_2511 = tpu.vector_load %arg8[%swap3A_2510] {strides = array<i32>} : memref<48xi32, #tpu.memory_space<vmem>>, vector<16xi32>,
    %swap3A_2512 = vector.shape_cast %swap3A_2511 : vector<16xi32> to vector<16xi32>
    %swap3A_2513 = vector.shape_cast %add3A_2477 : vector<16xi32> to vector<16xi32>
    tpu.vector_store %arg8[%swap3A_2510], %swap3A_2513 {strides = array<i32>} : memref<48xi32, #tpu.memory_space<vmem>>, vector<16xi32>,
    %get3A_2514 = arith.constant 17 : index
    %get3A_2515 = tpu.vector_load %arg8[%get3A_2514] {strides = array<i32>} : memref<48xi32, #tpu.memory_space<vmem>>, vector<16xi32>,
    %get3A_2516 = vector.shape_cast %get3A_2515 : vector<16xi32> to vector<16xi32>
    %add3A_2517 = arith.addi %add3A_2477, %get3A_2516 : vector<16xi32>
    %swap3A_2518 = arith.constant 16 : index
    %swap3A_2519 = tpu.vector_load %arg8[%swap3A_2518] {strides = array<i32>} : memref<48xi32, #tpu.memory_space<vmem>>, vector<16xi32>,
    %swap3A_2520 = vector.shape_cast %swap3A_2519 : vector<16xi32> to vector<16xi32>
    %swap3A_2521 = vector.shape_cast %add3A_2517 : vector<16xi32> to vector<16xi32>
    tpu.vector_store %arg8[%swap3A_2518], %swap3A_2521 {strides = array<i32>} : memref<48xi32, #tpu.memory_space<vmem>>, vector<16xi32>,
    %get3A_2522 = arith.constant 18 : index
    %get3A_2523 = tpu.vector_load %arg8[%get3A_2522] {strides = array<i32>} : memref<48xi32, #tpu.memory_space<vmem>>, vector<16xi32>,
    %get3A_2524 = vector.shape_cast %get3A_2523 : vector<16xi32> to vector<16xi32>
    %add3A_2525 = arith.addi %add3A_2517, %get3A_2524 : vector<16xi32>
    %swap3A_2526 = arith.constant 16 : index
    %swap3A_2527 = tpu.vector_load %arg8[%swap3A_2526] {strides = array<i32>} : memref<48xi32, #tpu.memory_space<vmem>>, vector<16xi32>,
    %swap3A_2528 = vector.shape_cast %swap3A_2527 : vector<16xi32> to vector<16xi32>
    %swap3A_2529 = vector.shape_cast %add3A_2525 : vector<16xi32> to vector<16xi32>
    tpu.vector_store %arg8[%swap3A_2526], %swap3A_2529 {strides = array<i32>} : memref<48xi32, #tpu.memory_space<vmem>>, vector<16xi32>,
    %get3A_2530 = arith.constant 20 : index
    %get3A_2531 = tpu.vector_load %arg8[%get3A_2530] {strides = array<i32>} : memref<48xi32, #tpu.memory_space<vmem>>, vector<16xi32>,
    %get3A_2532 = vector.shape_cast %get3A_2531 : vector<16xi32> to vector<16xi32>
    %add3A_2533 = arith.addi %add3A_2525, %get3A_2532 : vector<16xi32>
    %swap3A_2534 = arith.constant 16 : index
    %swap3A_2535 = tpu.vector_load %arg8[%swap3A_2534] {strides = array<i32>} : memref<48xi32, #tpu.memory_space<vmem>>, vector<16xi32>,
    %swap3A_2536 = vector.shape_cast %swap3A_2535 : vector<16xi32> to vector<16xi32>
    %swap3A_2537 = vector.shape_cast %add3A_2533 : vector<16xi32> to vector<16xi32>
    tpu.vector_store %arg8[%swap3A_2534], %swap3A_2537 {strides = array<i32>} : memref<48xi32, #tpu.memory_space<vmem>>, vector<16xi32>,
    %get3A_2538 = arith.constant 24 : index
    %get3A_2539 = tpu.vector_load %arg8[%get3A_2538] {strides = array<i32>} : memref<48xi32, #tpu.memory_space<vmem>>, vector<16xi32>,
    %get3A_2540 = vector.shape_cast %get3A_2539 : vector<16xi32> to vector<16xi32>
    %add3A_2541 = arith.addi %add3A_2533, %get3A_2540 : vector<16xi32>
    %add3A_2542 = arith.addi %add3A_2509, %add3A_2541 : vector<16xi32>
    %sub3A_2543 = arith.subi %add3A_2542, %add3A_2477 : vector<16xi32>
    %eq3A_2544 = arith.constant 1 : i32
    %eq3A_2545 = vector.broadcast %eq3A_2544 : i32 to vector<16xi32>
    %eq3A_2546 = arith.cmpi eq, %iota3A, %eq3A_2545 : vector<16xi32>
    %jit3A_2547 = arith.constant 0 : i32
    %broadcast_in_dim3A_2548 = vector.broadcast %jit3A_2547 : i32 to vector<16xi32>
    %select_n3A_2549 = arith.select %eq3A_2546, %sub3A_2543, %broadcast_in_dim3A_2548 : vector<16xi1>, vector<16xi32>
    %add3A_2550 = arith.addi %add3A_2441, %select_n3A_2549 : vector<16xi32>
    %eq3A_2551 = arith.constant 1 : i32
    %eq3A_2552 = vector.broadcast %eq3A_2551 : i32 to vector<16xi32>
    %eq3A_2553 = arith.cmpi eq, %select_n3A_2226, %eq3A_2552 : vector<16xi32>
    %jit3A_2554 = arith.constant 0.000000e+00 : f32
    %broadcast_in_dim3A_2555 = vector.broadcast %jit3A_2554 : f32 to vector<16xf32>
    %select_n3A_2556 = arith.select %eq3A_2553, %mul3A_2350, %broadcast_in_dim3A_2555 : vector<16xi1>, vector<16xf32>
    %eq3A_2557 = arith.constant 1 : i32
    %eq3A_2558 = vector.broadcast %eq3A_2557 : i32 to vector<16xi32>
    %eq3A_2559 = arith.cmpi eq, %select_n3A_2342, %eq3A_2558 : vector<16xi32>
    %jit3A_2560 = arith.constant 0.000000e+00 : f32
    %broadcast_in_dim3A_2561 = vector.broadcast %jit3A_2560 : f32 to vector<16xf32>
    %select_n3A_2562 = arith.select %eq3A_2559, %mul3A_2351, %broadcast_in_dim3A_2561 : vector<16xi1>, vector<16xf32>
    %add3A_2563 = arith.addf %select_n3A_2556, %select_n3A_2562 : vector<16xf32>
    %swap3A_2564 = arith.constant 1 : i32
    %swap3A_2565 = arith.index_cast %swap3A_2564 : i32 to index
    %swap3A_2566 = arith.constant 32 : index
    %swap3A_2567 = tpu.vector_load %arg6[%swap3A_2565, %swap3A_2566] {strides = array<i32>} : memref<8x64xf32, #tpu.memory_space<vmem>>, vector<1x16xf32>,
    %swap3A_2568 = vector.shape_cast %swap3A_2567 : vector<1x16xf32> to vector<16xf32>
    %swap3A_2569 = vector.shape_cast %add3A_2563 : vector<16xf32> to vector<1x16xf32>
    tpu.vector_store %arg6[%swap3A_2565, %swap3A_2566], %swap3A_2569 {strides = array<i32>} : memref<8x64xf32, #tpu.memory_space<vmem>>, vector<1x16xf32>,
    %eq3A_2570 = arith.constant 2 : i32
    %eq3A_2571 = vector.broadcast %eq3A_2570 : i32 to vector<16xi32>
    %eq3A_2572 = arith.cmpi eq, %select_n3A_2226, %eq3A_2571 : vector<16xi32>
    %jit3A_2573 = arith.constant 1 : i32
    %jit3A_2574 = arith.constant 0 : i32
    %broadcast_in_dim3A_2575 = vector.broadcast %jit3A_2573 : i32 to vector<16xi32>
    %broadcast_in_dim3A_2576 = vector.broadcast %jit3A_2574 : i32 to vector<16xi32>
    %select_n3A_2577 = arith.select %eq3A_2572, %broadcast_in_dim3A_2575, %broadcast_in_dim3A_2576 : vector<16xi1>, vector<16xi32>
    %eq3A_2578 = arith.constant 2 : i32
    %eq3A_2579 = vector.broadcast %eq3A_2578 : i32 to vector<16xi32>
    %eq3A_2580 = arith.cmpi eq, %select_n3A_2342, %eq3A_2579 : vector<16xi32>
    %jit3A_2581 = arith.constant 1 : i32
    %jit3A_2582 = arith.constant 0 : i32
    %broadcast_in_dim3A_2583 = vector.broadcast %jit3A_2581 : i32 to vector<16xi32>
    %broadcast_in_dim3A_2584 = vector.broadcast %jit3A_2582 : i32 to vector<16xi32>
    %select_n3A_2585 = arith.select %eq3A_2580, %broadcast_in_dim3A_2583, %broadcast_in_dim3A_2584 : vector<16xi1>, vector<16xi32>
    %add3A_2586 = arith.addi %select_n3A_2577, %select_n3A_2585 : vector<16xi32>
    %swap3A_2587 = arith.constant 16 : index
    %swap3A_2588 = tpu.vector_load %arg8[%swap3A_2587] {strides = array<i32>} : memref<48xi32, #tpu.memory_space<vmem>>, vector<16xi32>,
    %swap3A_2589 = vector.shape_cast %swap3A_2588 : vector<16xi32> to vector<16xi32>
    %swap3A_2590 = vector.shape_cast %add3A_2586 : vector<16xi32> to vector<16xi32>
    tpu.vector_store %arg8[%swap3A_2587], %swap3A_2590 {strides = array<i32>} : memref<48xi32, #tpu.memory_space<vmem>>, vector<16xi32>,
    %get3A_2591 = arith.constant 15 : index
    %get3A_2592 = tpu.vector_load %arg8[%get3A_2591] {strides = array<i32>} : memref<48xi32, #tpu.memory_space<vmem>>, vector<16xi32>,
    %get3A_2593 = vector.shape_cast %get3A_2592 : vector<16xi32> to vector<16xi32>
    %add3A_2594 = arith.addi %add3A_2586, %get3A_2593 : vector<16xi32>
    %swap3A_2595 = arith.constant 16 : index
    %swap3A_2596 = tpu.vector_load %arg8[%swap3A_2595] {strides = array<i32>} : memref<48xi32, #tpu.memory_space<vmem>>, vector<16xi32>,
    %swap3A_2597 = vector.shape_cast %swap3A_2596 : vector<16xi32> to vector<16xi32>
    %swap3A_2598 = vector.shape_cast %add3A_2594 : vector<16xi32> to vector<16xi32>
    tpu.vector_store %arg8[%swap3A_2595], %swap3A_2598 {strides = array<i32>} : memref<48xi32, #tpu.memory_space<vmem>>, vector<16xi32>,
    %get3A_2599 = arith.constant 14 : index
    %get3A_2600 = tpu.vector_load %arg8[%get3A_2599] {strides = array<i32>} : memref<48xi32, #tpu.memory_space<vmem>>, vector<16xi32>,
    %get3A_2601 = vector.shape_cast %get3A_2600 : vector<16xi32> to vector<16xi32>
    %add3A_2602 = arith.addi %add3A_2594, %get3A_2601 : vector<16xi32>
    %swap3A_2603 = arith.constant 16 : index
    %swap3A_2604 = tpu.vector_load %arg8[%swap3A_2603] {strides = array<i32>} : memref<48xi32, #tpu.memory_space<vmem>>, vector<16xi32>,
    %swap3A_2605 = vector.shape_cast %swap3A_2604 : vector<16xi32> to vector<16xi32>
    %swap3A_2606 = vector.shape_cast %add3A_2602 : vector<16xi32> to vector<16xi32>
    tpu.vector_store %arg8[%swap3A_2603], %swap3A_2606 {strides = array<i32>} : memref<48xi32, #tpu.memory_space<vmem>>, vector<16xi32>,
    %get3A_2607 = arith.constant 12 : index
    %get3A_2608 = tpu.vector_load %arg8[%get3A_2607] {strides = array<i32>} : memref<48xi32, #tpu.memory_space<vmem>>, vector<16xi32>,
    %get3A_2609 = vector.shape_cast %get3A_2608 : vector<16xi32> to vector<16xi32>
    %add3A_2610 = arith.addi %add3A_2602, %get3A_2609 : vector<16xi32>
    %swap3A_2611 = arith.constant 16 : index
    %swap3A_2612 = tpu.vector_load %arg8[%swap3A_2611] {strides = array<i32>} : memref<48xi32, #tpu.memory_space<vmem>>, vector<16xi32>,
    %swap3A_2613 = vector.shape_cast %swap3A_2612 : vector<16xi32> to vector<16xi32>
    %swap3A_2614 = vector.shape_cast %add3A_2610 : vector<16xi32> to vector<16xi32>
    tpu.vector_store %arg8[%swap3A_2611], %swap3A_2614 {strides = array<i32>} : memref<48xi32, #tpu.memory_space<vmem>>, vector<16xi32>,
    %get3A_2615 = arith.constant 8 : index
    %get3A_2616 = tpu.vector_load %arg8[%get3A_2615] {strides = array<i32>} : memref<48xi32, #tpu.memory_space<vmem>>, vector<16xi32>,
    %get3A_2617 = vector.shape_cast %get3A_2616 : vector<16xi32> to vector<16xi32>
    %add3A_2618 = arith.addi %add3A_2610, %get3A_2617 : vector<16xi32>
    %swap3A_2619 = arith.constant 16 : index
    %swap3A_2620 = tpu.vector_load %arg8[%swap3A_2619] {strides = array<i32>} : memref<48xi32, #tpu.memory_space<vmem>>, vector<16xi32>,
    %swap3A_2621 = vector.shape_cast %swap3A_2620 : vector<16xi32> to vector<16xi32>
    %swap3A_2622 = vector.shape_cast %add3A_2586 : vector<16xi32> to vector<16xi32>
    tpu.vector_store %arg8[%swap3A_2619], %swap3A_2622 {strides = array<i32>} : memref<48xi32, #tpu.memory_space<vmem>>, vector<16xi32>,
    %get3A_2623 = arith.constant 17 : index
    %get3A_2624 = tpu.vector_load %arg8[%get3A_2623] {strides = array<i32>} : memref<48xi32, #tpu.memory_space<vmem>>, vector<16xi32>,
    %get3A_2625 = vector.shape_cast %get3A_2624 : vector<16xi32> to vector<16xi32>
    %add3A_2626 = arith.addi %add3A_2586, %get3A_2625 : vector<16xi32>
    %swap3A_2627 = arith.constant 16 : index
    %swap3A_2628 = tpu.vector_load %arg8[%swap3A_2627] {strides = array<i32>} : memref<48xi32, #tpu.memory_space<vmem>>, vector<16xi32>,
    %swap3A_2629 = vector.shape_cast %swap3A_2628 : vector<16xi32> to vector<16xi32>
    %swap3A_2630 = vector.shape_cast %add3A_2626 : vector<16xi32> to vector<16xi32>
    tpu.vector_store %arg8[%swap3A_2627], %swap3A_2630 {strides = array<i32>} : memref<48xi32, #tpu.memory_space<vmem>>, vector<16xi32>,
    %get3A_2631 = arith.constant 18 : index
    %get3A_2632 = tpu.vector_load %arg8[%get3A_2631] {strides = array<i32>} : memref<48xi32, #tpu.memory_space<vmem>>, vector<16xi32>,
    %get3A_2633 = vector.shape_cast %get3A_2632 : vector<16xi32> to vector<16xi32>
    %add3A_2634 = arith.addi %add3A_2626, %get3A_2633 : vector<16xi32>
    %swap3A_2635 = arith.constant 16 : index
    %swap3A_2636 = tpu.vector_load %arg8[%swap3A_2635] {strides = array<i32>} : memref<48xi32, #tpu.memory_space<vmem>>, vector<16xi32>,
    %swap3A_2637 = vector.shape_cast %swap3A_2636 : vector<16xi32> to vector<16xi32>
    %swap3A_2638 = vector.shape_cast %add3A_2634 : vector<16xi32> to vector<16xi32>
    tpu.vector_store %arg8[%swap3A_2635], %swap3A_2638 {strides = array<i32>} : memref<48xi32, #tpu.memory_space<vmem>>, vector<16xi32>,
    %get3A_2639 = arith.constant 20 : index
    %get3A_2640 = tpu.vector_load %arg8[%get3A_2639] {strides = array<i32>} : memref<48xi32, #tpu.memory_space<vmem>>, vector<16xi32>,
    %get3A_2641 = vector.shape_cast %get3A_2640 : vector<16xi32> to vector<16xi32>
    %add3A_2642 = arith.addi %add3A_2634, %get3A_2641 : vector<16xi32>
    %swap3A_2643 = arith.constant 16 : index
    %swap3A_2644 = tpu.vector_load %arg8[%swap3A_2643] {strides = array<i32>} : memref<48xi32, #tpu.memory_space<vmem>>, vector<16xi32>,
    %swap3A_2645 = vector.shape_cast %swap3A_2644 : vector<16xi32> to vector<16xi32>
    %swap3A_2646 = vector.shape_cast %add3A_2642 : vector<16xi32> to vector<16xi32>
    tpu.vector_store %arg8[%swap3A_2643], %swap3A_2646 {strides = array<i32>} : memref<48xi32, #tpu.memory_space<vmem>>, vector<16xi32>,
    %get3A_2647 = arith.constant 24 : index
    %get3A_2648 = tpu.vector_load %arg8[%get3A_2647] {strides = array<i32>} : memref<48xi32, #tpu.memory_space<vmem>>, vector<16xi32>,
    %get3A_2649 = vector.shape_cast %get3A_2648 : vector<16xi32> to vector<16xi32>
    %add3A_2650 = arith.addi %add3A_2642, %get3A_2649 : vector<16xi32>
    %add3A_2651 = arith.addi %add3A_2618, %add3A_2650 : vector<16xi32>
    %sub3A_2652 = arith.subi %add3A_2651, %add3A_2586 : vector<16xi32>
    %eq3A_2653 = arith.constant 2 : i32
    %eq3A_2654 = vector.broadcast %eq3A_2653 : i32 to vector<16xi32>
    %eq3A_2655 = arith.cmpi eq, %iota3A, %eq3A_2654 : vector<16xi32>
    %jit3A_2656 = arith.constant 0 : i32
    %broadcast_in_dim3A_2657 = vector.broadcast %jit3A_2656 : i32 to vector<16xi32>
    %select_n3A_2658 = arith.select %eq3A_2655, %sub3A_2652, %broadcast_in_dim3A_2657 : vector<16xi1>, vector<16xi32>
    %add3A_2659 = arith.addi %add3A_2550, %select_n3A_2658 : vector<16xi32>
    %eq3A_2660 = arith.constant 2 : i32
    %eq3A_2661 = vector.broadcast %eq3A_2660 : i32 to vector<16xi32>
    %eq3A_2662 = arith.cmpi eq, %select_n3A_2226, %eq3A_2661 : vector<16xi32>
    %jit3A_2663 = arith.constant 0.000000e+00 : f32
    %broadcast_in_dim3A_2664 = vector.broadcast %jit3A_2663 : f32 to vector<16xf32>
    %select_n3A_2665 = arith.select %eq3A_2662, %mul3A_2350, %broadcast_in_dim3A_2664 : vector<16xi1>, vector<16xf32>
    %eq3A_2666 = arith.constant 2 : i32
    %eq3A_2667 = vector.broadcast %eq3A_2666 : i32 to vector<16xi32>
    %eq3A_2668 = arith.cmpi eq, %select_n3A_2342, %eq3A_2667 : vector<16xi32>
    %jit3A_2669 = arith.constant 0.000000e+00 : f32
    %broadcast_in_dim3A_2670 = vector.broadcast %jit3A_2669 : f32 to vector<16xf32>
    %select_n3A_2671 = arith.select %eq3A_2668, %mul3A_2351, %broadcast_in_dim3A_2670 : vector<16xi1>, vector<16xf32>
    %add3A_2672 = arith.addf %select_n3A_2665, %select_n3A_2671 : vector<16xf32>
    %swap3A_2673 = arith.constant 2 : i32
    %swap3A_2674 = arith.index_cast %swap3A_2673 : i32 to index
    %swap3A_2675 = arith.constant 32 : index
    %swap3A_2676 = tpu.vector_load %arg6[%swap3A_2674, %swap3A_2675] {strides = array<i32>} : memref<8x64xf32, #tpu.memory_space<vmem>>, vector<1x16xf32>,
    %swap3A_2677 = vector.shape_cast %swap3A_2676 : vector<1x16xf32> to vector<16xf32>
    %swap3A_2678 = vector.shape_cast %add3A_2672 : vector<16xf32> to vector<1x16xf32>
    tpu.vector_store %arg6[%swap3A_2674, %swap3A_2675], %swap3A_2678 {strides = array<i32>} : memref<8x64xf32, #tpu.memory_space<vmem>>, vector<1x16xf32>,
    %eq3A_2679 = arith.constant 3 : i32
    %eq3A_2680 = vector.broadcast %eq3A_2679 : i32 to vector<16xi32>
    %eq3A_2681 = arith.cmpi eq, %select_n3A_2226, %eq3A_2680 : vector<16xi32>
    %jit3A_2682 = arith.constant 1 : i32
    %jit3A_2683 = arith.constant 0 : i32
    %broadcast_in_dim3A_2684 = vector.broadcast %jit3A_2682 : i32 to vector<16xi32>
    %broadcast_in_dim3A_2685 = vector.broadcast %jit3A_2683 : i32 to vector<16xi32>
    %select_n3A_2686 = arith.select %eq3A_2681, %broadcast_in_dim3A_2684, %broadcast_in_dim3A_2685 : vector<16xi1>, vector<16xi32>
    %eq3A_2687 = arith.constant 3 : i32
    %eq3A_2688 = vector.broadcast %eq3A_2687 : i32 to vector<16xi32>
    %eq3A_2689 = arith.cmpi eq, %select_n3A_2342, %eq3A_2688 : vector<16xi32>
    %jit3A_2690 = arith.constant 1 : i32
    %jit3A_2691 = arith.constant 0 : i32
    %broadcast_in_dim3A_2692 = vector.broadcast %jit3A_2690 : i32 to vector<16xi32>
    %broadcast_in_dim3A_2693 = vector.broadcast %jit3A_2691 : i32 to vector<16xi32>
    %select_n3A_2694 = arith.select %eq3A_2689, %broadcast_in_dim3A_2692, %broadcast_in_dim3A_2693 : vector<16xi1>, vector<16xi32>
    %add3A_2695 = arith.addi %select_n3A_2686, %select_n3A_2694 : vector<16xi32>
    %swap3A_2696 = arith.constant 16 : index
    %swap3A_2697 = tpu.vector_load %arg8[%swap3A_2696] {strides = array<i32>} : memref<48xi32, #tpu.memory_space<vmem>>, vector<16xi32>,
    %swap3A_2698 = vector.shape_cast %swap3A_2697 : vector<16xi32> to vector<16xi32>
    %swap3A_2699 = vector.shape_cast %add3A_2695 : vector<16xi32> to vector<16xi32>
    tpu.vector_store %arg8[%swap3A_2696], %swap3A_2699 {strides = array<i32>} : memref<48xi32, #tpu.memory_space<vmem>>, vector<16xi32>,
    %get3A_2700 = arith.constant 15 : index
    %get3A_2701 = tpu.vector_load %arg8[%get3A_2700] {strides = array<i32>} : memref<48xi32, #tpu.memory_space<vmem>>, vector<16xi32>,
    %get3A_2702 = vector.shape_cast %get3A_2701 : vector<16xi32> to vector<16xi32>
    %add3A_2703 = arith.addi %add3A_2695, %get3A_2702 : vector<16xi32>
    %swap3A_2704 = arith.constant 16 : index
    %swap3A_2705 = tpu.vector_load %arg8[%swap3A_2704] {strides = array<i32>} : memref<48xi32, #tpu.memory_space<vmem>>, vector<16xi32>,
    %swap3A_2706 = vector.shape_cast %swap3A_2705 : vector<16xi32> to vector<16xi32>
    %swap3A_2707 = vector.shape_cast %add3A_2703 : vector<16xi32> to vector<16xi32>
    tpu.vector_store %arg8[%swap3A_2704], %swap3A_2707 {strides = array<i32>} : memref<48xi32, #tpu.memory_space<vmem>>, vector<16xi32>,
    %get3A_2708 = arith.constant 14 : index
    %get3A_2709 = tpu.vector_load %arg8[%get3A_2708] {strides = array<i32>} : memref<48xi32, #tpu.memory_space<vmem>>, vector<16xi32>,
    %get3A_2710 = vector.shape_cast %get3A_2709 : vector<16xi32> to vector<16xi32>
    %add3A_2711 = arith.addi %add3A_2703, %get3A_2710 : vector<16xi32>
    %swap3A_2712 = arith.constant 16 : index
    %swap3A_2713 = tpu.vector_load %arg8[%swap3A_2712] {strides = array<i32>} : memref<48xi32, #tpu.memory_space<vmem>>, vector<16xi32>,
    %swap3A_2714 = vector.shape_cast %swap3A_2713 : vector<16xi32> to vector<16xi32>
    %swap3A_2715 = vector.shape_cast %add3A_2711 : vector<16xi32> to vector<16xi32>
    tpu.vector_store %arg8[%swap3A_2712], %swap3A_2715 {strides = array<i32>} : memref<48xi32, #tpu.memory_space<vmem>>, vector<16xi32>,
    %get3A_2716 = arith.constant 12 : index
    %get3A_2717 = tpu.vector_load %arg8[%get3A_2716] {strides = array<i32>} : memref<48xi32, #tpu.memory_space<vmem>>, vector<16xi32>,
    %get3A_2718 = vector.shape_cast %get3A_2717 : vector<16xi32> to vector<16xi32>
    %add3A_2719 = arith.addi %add3A_2711, %get3A_2718 : vector<16xi32>
    %swap3A_2720 = arith.constant 16 : index
    %swap3A_2721 = tpu.vector_load %arg8[%swap3A_2720] {strides = array<i32>} : memref<48xi32, #tpu.memory_space<vmem>>, vector<16xi32>,
    %swap3A_2722 = vector.shape_cast %swap3A_2721 : vector<16xi32> to vector<16xi32>
    %swap3A_2723 = vector.shape_cast %add3A_2719 : vector<16xi32> to vector<16xi32>
    tpu.vector_store %arg8[%swap3A_2720], %swap3A_2723 {strides = array<i32>} : memref<48xi32, #tpu.memory_space<vmem>>, vector<16xi32>,
    %get3A_2724 = arith.constant 8 : index
    %get3A_2725 = tpu.vector_load %arg8[%get3A_2724] {strides = array<i32>} : memref<48xi32, #tpu.memory_space<vmem>>, vector<16xi32>,
    %get3A_2726 = vector.shape_cast %get3A_2725 : vector<16xi32> to vector<16xi32>
    %add3A_2727 = arith.addi %add3A_2719, %get3A_2726 : vector<16xi32>
    %swap3A_2728 = arith.constant 16 : index
    %swap3A_2729 = tpu.vector_load %arg8[%swap3A_2728] {strides = array<i32>} : memref<48xi32, #tpu.memory_space<vmem>>, vector<16xi32>,
    %swap3A_2730 = vector.shape_cast %swap3A_2729 : vector<16xi32> to vector<16xi32>
    %swap3A_2731 = vector.shape_cast %add3A_2695 : vector<16xi32> to vector<16xi32>
    tpu.vector_store %arg8[%swap3A_2728], %swap3A_2731 {strides = array<i32>} : memref<48xi32, #tpu.memory_space<vmem>>, vector<16xi32>,
    %get3A_2732 = arith.constant 17 : index
    %get3A_2733 = tpu.vector_load %arg8[%get3A_2732] {strides = array<i32>} : memref<48xi32, #tpu.memory_space<vmem>>, vector<16xi32>,
    %get3A_2734 = vector.shape_cast %get3A_2733 : vector<16xi32> to vector<16xi32>
    %add3A_2735 = arith.addi %add3A_2695, %get3A_2734 : vector<16xi32>
    %swap3A_2736 = arith.constant 16 : index
    %swap3A_2737 = tpu.vector_load %arg8[%swap3A_2736] {strides = array<i32>} : memref<48xi32, #tpu.memory_space<vmem>>, vector<16xi32>,
    %swap3A_2738 = vector.shape_cast %swap3A_2737 : vector<16xi32> to vector<16xi32>
    %swap3A_2739 = vector.shape_cast %add3A_2735 : vector<16xi32> to vector<16xi32>
    tpu.vector_store %arg8[%swap3A_2736], %swap3A_2739 {strides = array<i32>} : memref<48xi32, #tpu.memory_space<vmem>>, vector<16xi32>,
    %get3A_2740 = arith.constant 18 : index
    %get3A_2741 = tpu.vector_load %arg8[%get3A_2740] {strides = array<i32>} : memref<48xi32, #tpu.memory_space<vmem>>, vector<16xi32>,
    %get3A_2742 = vector.shape_cast %get3A_2741 : vector<16xi32> to vector<16xi32>
    %add3A_2743 = arith.addi %add3A_2735, %get3A_2742 : vector<16xi32>
    %swap3A_2744 = arith.constant 16 : index
    %swap3A_2745 = tpu.vector_load %arg8[%swap3A_2744] {strides = array<i32>} : memref<48xi32, #tpu.memory_space<vmem>>, vector<16xi32>,
    %swap3A_2746 = vector.shape_cast %swap3A_2745 : vector<16xi32> to vector<16xi32>
    %swap3A_2747 = vector.shape_cast %add3A_2743 : vector<16xi32> to vector<16xi32>
    tpu.vector_store %arg8[%swap3A_2744], %swap3A_2747 {strides = array<i32>} : memref<48xi32, #tpu.memory_space<vmem>>, vector<16xi32>,
    %get3A_2748 = arith.constant 20 : index
    %get3A_2749 = tpu.vector_load %arg8[%get3A_2748] {strides = array<i32>} : memref<48xi32, #tpu.memory_space<vmem>>, vector<16xi32>,
    %get3A_2750 = vector.shape_cast %get3A_2749 : vector<16xi32> to vector<16xi32>
    %add3A_2751 = arith.addi %add3A_2743, %get3A_2750 : vector<16xi32>
    %swap3A_2752 = arith.constant 16 : index
    %swap3A_2753 = tpu.vector_load %arg8[%swap3A_2752] {strides = array<i32>} : memref<48xi32, #tpu.memory_space<vmem>>, vector<16xi32>,
    %swap3A_2754 = vector.shape_cast %swap3A_2753 : vector<16xi32> to vector<16xi32>
    %swap3A_2755 = vector.shape_cast %add3A_2751 : vector<16xi32> to vector<16xi32>
    tpu.vector_store %arg8[%swap3A_2752], %swap3A_2755 {strides = array<i32>} : memref<48xi32, #tpu.memory_space<vmem>>, vector<16xi32>,
    %get3A_2756 = arith.constant 24 : index
    %get3A_2757 = tpu.vector_load %arg8[%get3A_2756] {strides = array<i32>} : memref<48xi32, #tpu.memory_space<vmem>>, vector<16xi32>,
    %get3A_2758 = vector.shape_cast %get3A_2757 : vector<16xi32> to vector<16xi32>
    %add3A_2759 = arith.addi %add3A_2751, %get3A_2758 : vector<16xi32>
    %add3A_2760 = arith.addi %add3A_2727, %add3A_2759 : vector<16xi32>
    %sub3A_2761 = arith.subi %add3A_2760, %add3A_2695 : vector<16xi32>
    %eq3A_2762 = arith.constant 3 : i32
    %eq3A_2763 = vector.broadcast %eq3A_2762 : i32 to vector<16xi32>
    %eq3A_2764 = arith.cmpi eq, %iota3A, %eq3A_2763 : vector<16xi32>
    %jit3A_2765 = arith.constant 0 : i32
    %broadcast_in_dim3A_2766 = vector.broadcast %jit3A_2765 : i32 to vector<16xi32>
    %select_n3A_2767 = arith.select %eq3A_2764, %sub3A_2761, %broadcast_in_dim3A_2766 : vector<16xi1>, vector<16xi32>
    %add3A_2768 = arith.addi %add3A_2659, %select_n3A_2767 : vector<16xi32>
    %eq3A_2769 = arith.constant 3 : i32
    %eq3A_2770 = vector.broadcast %eq3A_2769 : i32 to vector<16xi32>
    %eq3A_2771 = arith.cmpi eq, %select_n3A_2226, %eq3A_2770 : vector<16xi32>
    %jit3A_2772 = arith.constant 0.000000e+00 : f32
    %broadcast_in_dim3A_2773 = vector.broadcast %jit3A_2772 : f32 to vector<16xf32>
    %select_n3A_2774 = arith.select %eq3A_2771, %mul3A_2350, %broadcast_in_dim3A_2773 : vector<16xi1>, vector<16xf32>
    %eq3A_2775 = arith.constant 3 : i32
    %eq3A_2776 = vector.broadcast %eq3A_2775 : i32 to vector<16xi32>
    %eq3A_2777 = arith.cmpi eq, %select_n3A_2342, %eq3A_2776 : vector<16xi32>
    %jit3A_2778 = arith.constant 0.000000e+00 : f32
    %broadcast_in_dim3A_2779 = vector.broadcast %jit3A_2778 : f32 to vector<16xf32>
    %select_n3A_2780 = arith.select %eq3A_2777, %mul3A_2351, %broadcast_in_dim3A_2779 : vector<16xi1>, vector<16xf32>
    %add3A_2781 = arith.addf %select_n3A_2774, %select_n3A_2780 : vector<16xf32>
    %swap3A_2782 = arith.constant 3 : i32
    %swap3A_2783 = arith.index_cast %swap3A_2782 : i32 to index
    %swap3A_2784 = arith.constant 32 : index
    %swap3A_2785 = tpu.vector_load %arg6[%swap3A_2783, %swap3A_2784] {strides = array<i32>} : memref<8x64xf32, #tpu.memory_space<vmem>>, vector<1x16xf32>,
    %swap3A_2786 = vector.shape_cast %swap3A_2785 : vector<1x16xf32> to vector<16xf32>
    %swap3A_2787 = vector.shape_cast %add3A_2781 : vector<16xf32> to vector<1x16xf32>
    tpu.vector_store %arg6[%swap3A_2783, %swap3A_2784], %swap3A_2787 {strides = array<i32>} : memref<8x64xf32, #tpu.memory_space<vmem>>, vector<1x16xf32>,
    %eq3A_2788 = arith.constant 4 : i32
    %eq3A_2789 = vector.broadcast %eq3A_2788 : i32 to vector<16xi32>
    %eq3A_2790 = arith.cmpi eq, %select_n3A_2226, %eq3A_2789 : vector<16xi32>
    %jit3A_2791 = arith.constant 1 : i32
    %jit3A_2792 = arith.constant 0 : i32
    %broadcast_in_dim3A_2793 = vector.broadcast %jit3A_2791 : i32 to vector<16xi32>
    %broadcast_in_dim3A_2794 = vector.broadcast %jit3A_2792 : i32 to vector<16xi32>
    %select_n3A_2795 = arith.select %eq3A_2790, %broadcast_in_dim3A_2793, %broadcast_in_dim3A_2794 : vector<16xi1>, vector<16xi32>
    %eq3A_2796 = arith.constant 4 : i32
    %eq3A_2797 = vector.broadcast %eq3A_2796 : i32 to vector<16xi32>
    %eq3A_2798 = arith.cmpi eq, %select_n3A_2342, %eq3A_2797 : vector<16xi32>
    %jit3A_2799 = arith.constant 1 : i32
    %jit3A_2800 = arith.constant 0 : i32
    %broadcast_in_dim3A_2801 = vector.broadcast %jit3A_2799 : i32 to vector<16xi32>
    %broadcast_in_dim3A_2802 = vector.broadcast %jit3A_2800 : i32 to vector<16xi32>
    %select_n3A_2803 = arith.select %eq3A_2798, %broadcast_in_dim3A_2801, %broadcast_in_dim3A_2802 : vector<16xi1>, vector<16xi32>
    %add3A_2804 = arith.addi %select_n3A_2795, %select_n3A_2803 : vector<16xi32>
    %swap3A_2805 = arith.constant 16 : index
    %swap3A_2806 = tpu.vector_load %arg8[%swap3A_2805] {strides = array<i32>} : memref<48xi32, #tpu.memory_space<vmem>>, vector<16xi32>,
    %swap3A_2807 = vector.shape_cast %swap3A_2806 : vector<16xi32> to vector<16xi32>
    %swap3A_2808 = vector.shape_cast %add3A_2804 : vector<16xi32> to vector<16xi32>
    tpu.vector_store %arg8[%swap3A_2805], %swap3A_2808 {strides = array<i32>} : memref<48xi32, #tpu.memory_space<vmem>>, vector<16xi32>,
    %get3A_2809 = arith.constant 15 : index
    %get3A_2810 = tpu.vector_load %arg8[%get3A_2809] {strides = array<i32>} : memref<48xi32, #tpu.memory_space<vmem>>, vector<16xi32>,
    %get3A_2811 = vector.shape_cast %get3A_2810 : vector<16xi32> to vector<16xi32>
    %add3A_2812 = arith.addi %add3A_2804, %get3A_2811 : vector<16xi32>
    %swap3A_2813 = arith.constant 16 : index
    %swap3A_2814 = tpu.vector_load %arg8[%swap3A_2813] {strides = array<i32>} : memref<48xi32, #tpu.memory_space<vmem>>, vector<16xi32>,
    %swap3A_2815 = vector.shape_cast %swap3A_2814 : vector<16xi32> to vector<16xi32>
    %swap3A_2816 = vector.shape_cast %add3A_2812 : vector<16xi32> to vector<16xi32>
    tpu.vector_store %arg8[%swap3A_2813], %swap3A_2816 {strides = array<i32>} : memref<48xi32, #tpu.memory_space<vmem>>, vector<16xi32>,
    %get3A_2817 = arith.constant 14 : index
    %get3A_2818 = tpu.vector_load %arg8[%get3A_2817] {strides = array<i32>} : memref<48xi32, #tpu.memory_space<vmem>>, vector<16xi32>,
    %get3A_2819 = vector.shape_cast %get3A_2818 : vector<16xi32> to vector<16xi32>
    %add3A_2820 = arith.addi %add3A_2812, %get3A_2819 : vector<16xi32>
    %swap3A_2821 = arith.constant 16 : index
    %swap3A_2822 = tpu.vector_load %arg8[%swap3A_2821] {strides = array<i32>} : memref<48xi32, #tpu.memory_space<vmem>>, vector<16xi32>,
    %swap3A_2823 = vector.shape_cast %swap3A_2822 : vector<16xi32> to vector<16xi32>
    %swap3A_2824 = vector.shape_cast %add3A_2820 : vector<16xi32> to vector<16xi32>
    tpu.vector_store %arg8[%swap3A_2821], %swap3A_2824 {strides = array<i32>} : memref<48xi32, #tpu.memory_space<vmem>>, vector<16xi32>,
    %get3A_2825 = arith.constant 12 : index
    %get3A_2826 = tpu.vector_load %arg8[%get3A_2825] {strides = array<i32>} : memref<48xi32, #tpu.memory_space<vmem>>, vector<16xi32>,
    %get3A_2827 = vector.shape_cast %get3A_2826 : vector<16xi32> to vector<16xi32>
    %add3A_2828 = arith.addi %add3A_2820, %get3A_2827 : vector<16xi32>
    %swap3A_2829 = arith.constant 16 : index
    %swap3A_2830 = tpu.vector_load %arg8[%swap3A_2829] {strides = array<i32>} : memref<48xi32, #tpu.memory_space<vmem>>, vector<16xi32>,
    %swap3A_2831 = vector.shape_cast %swap3A_2830 : vector<16xi32> to vector<16xi32>
    %swap3A_2832 = vector.shape_cast %add3A_2828 : vector<16xi32> to vector<16xi32>
    tpu.vector_store %arg8[%swap3A_2829], %swap3A_2832 {strides = array<i32>} : memref<48xi32, #tpu.memory_space<vmem>>, vector<16xi32>,
    %get3A_2833 = arith.constant 8 : index
    %get3A_2834 = tpu.vector_load %arg8[%get3A_2833] {strides = array<i32>} : memref<48xi32, #tpu.memory_space<vmem>>, vector<16xi32>,
    %get3A_2835 = vector.shape_cast %get3A_2834 : vector<16xi32> to vector<16xi32>
    %add3A_2836 = arith.addi %add3A_2828, %get3A_2835 : vector<16xi32>
    %swap3A_2837 = arith.constant 16 : index
    %swap3A_2838 = tpu.vector_load %arg8[%swap3A_2837] {strides = array<i32>} : memref<48xi32, #tpu.memory_space<vmem>>, vector<16xi32>,
    %swap3A_2839 = vector.shape_cast %swap3A_2838 : vector<16xi32> to vector<16xi32>
    %swap3A_2840 = vector.shape_cast %add3A_2804 : vector<16xi32> to vector<16xi32>
    tpu.vector_store %arg8[%swap3A_2837], %swap3A_2840 {strides = array<i32>} : memref<48xi32, #tpu.memory_space<vmem>>, vector<16xi32>,
    %get3A_2841 = arith.constant 17 : index
    %get3A_2842 = tpu.vector_load %arg8[%get3A_2841] {strides = array<i32>} : memref<48xi32, #tpu.memory_space<vmem>>, vector<16xi32>,
    %get3A_2843 = vector.shape_cast %get3A_2842 : vector<16xi32> to vector<16xi32>
    %add3A_2844 = arith.addi %add3A_2804, %get3A_2843 : vector<16xi32>
    %swap3A_2845 = arith.constant 16 : index
    %swap3A_2846 = tpu.vector_load %arg8[%swap3A_2845] {strides = array<i32>} : memref<48xi32, #tpu.memory_space<vmem>>, vector<16xi32>,
    %swap3A_2847 = vector.shape_cast %swap3A_2846 : vector<16xi32> to vector<16xi32>
    %swap3A_2848 = vector.shape_cast %add3A_2844 : vector<16xi32> to vector<16xi32>
    tpu.vector_store %arg8[%swap3A_2845], %swap3A_2848 {strides = array<i32>} : memref<48xi32, #tpu.memory_space<vmem>>, vector<16xi32>,
    %get3A_2849 = arith.constant 18 : index
    %get3A_2850 = tpu.vector_load %arg8[%get3A_2849] {strides = array<i32>} : memref<48xi32, #tpu.memory_space<vmem>>, vector<16xi32>,
    %get3A_2851 = vector.shape_cast %get3A_2850 : vector<16xi32> to vector<16xi32>
    %add3A_2852 = arith.addi %add3A_2844, %get3A_2851 : vector<16xi32>
    %swap3A_2853 = arith.constant 16 : index
    %swap3A_2854 = tpu.vector_load %arg8[%swap3A_2853] {strides = array<i32>} : memref<48xi32, #tpu.memory_space<vmem>>, vector<16xi32>,
    %swap3A_2855 = vector.shape_cast %swap3A_2854 : vector<16xi32> to vector<16xi32>
    %swap3A_2856 = vector.shape_cast %add3A_2852 : vector<16xi32> to vector<16xi32>
    tpu.vector_store %arg8[%swap3A_2853], %swap3A_2856 {strides = array<i32>} : memref<48xi32, #tpu.memory_space<vmem>>, vector<16xi32>,
    %get3A_2857 = arith.constant 20 : index
    %get3A_2858 = tpu.vector_load %arg8[%get3A_2857] {strides = array<i32>} : memref<48xi32, #tpu.memory_space<vmem>>, vector<16xi32>,
    %get3A_2859 = vector.shape_cast %get3A_2858 : vector<16xi32> to vector<16xi32>
    %add3A_2860 = arith.addi %add3A_2852, %get3A_2859 : vector<16xi32>
    %swap3A_2861 = arith.constant 16 : index
    %swap3A_2862 = tpu.vector_load %arg8[%swap3A_2861] {strides = array<i32>} : memref<48xi32, #tpu.memory_space<vmem>>, vector<16xi32>,
    %swap3A_2863 = vector.shape_cast %swap3A_2862 : vector<16xi32> to vector<16xi32>
    %swap3A_2864 = vector.shape_cast %add3A_2860 : vector<16xi32> to vector<16xi32>
    tpu.vector_store %arg8[%swap3A_2861], %swap3A_2864 {strides = array<i32>} : memref<48xi32, #tpu.memory_space<vmem>>, vector<16xi32>,
    %get3A_2865 = arith.constant 24 : index
    %get3A_2866 = tpu.vector_load %arg8[%get3A_2865] {strides = array<i32>} : memref<48xi32, #tpu.memory_space<vmem>>, vector<16xi32>,
    %get3A_2867 = vector.shape_cast %get3A_2866 : vector<16xi32> to vector<16xi32>
    %add3A_2868 = arith.addi %add3A_2860, %get3A_2867 : vector<16xi32>
    %add3A_2869 = arith.addi %add3A_2836, %add3A_2868 : vector<16xi32>
    %sub3A_2870 = arith.subi %add3A_2869, %add3A_2804 : vector<16xi32>
    %eq3A_2871 = arith.constant 4 : i32
    %eq3A_2872 = vector.broadcast %eq3A_2871 : i32 to vector<16xi32>
    %eq3A_2873 = arith.cmpi eq, %iota3A, %eq3A_2872 : vector<16xi32>
    %jit3A_2874 = arith.constant 0 : i32
    %broadcast_in_dim3A_2875 = vector.broadcast %jit3A_2874 : i32 to vector<16xi32>
    %select_n3A_2876 = arith.select %eq3A_2873, %sub3A_2870, %broadcast_in_dim3A_2875 : vector<16xi1>, vector<16xi32>
    %add3A_2877 = arith.addi %add3A_2768, %select_n3A_2876 : vector<16xi32>
    %eq3A_2878 = arith.constant 4 : i32
    %eq3A_2879 = vector.broadcast %eq3A_2878 : i32 to vector<16xi32>
    %eq3A_2880 = arith.cmpi eq, %select_n3A_2226, %eq3A_2879 : vector<16xi32>
    %jit3A_2881 = arith.constant 0.000000e+00 : f32
    %broadcast_in_dim3A_2882 = vector.broadcast %jit3A_2881 : f32 to vector<16xf32>
    %select_n3A_2883 = arith.select %eq3A_2880, %mul3A_2350, %broadcast_in_dim3A_2882 : vector<16xi1>, vector<16xf32>
    %eq3A_2884 = arith.constant 4 : i32
    %eq3A_2885 = vector.broadcast %eq3A_2884 : i32 to vector<16xi32>
    %eq3A_2886 = arith.cmpi eq, %select_n3A_2342, %eq3A_2885 : vector<16xi32>
    %jit3A_2887 = arith.constant 0.000000e+00 : f32
    %broadcast_in_dim3A_2888 = vector.broadcast %jit3A_2887 : f32 to vector<16xf32>
    %select_n3A_2889 = arith.select %eq3A_2886, %mul3A_2351, %broadcast_in_dim3A_2888 : vector<16xi1>, vector<16xf32>
    %add3A_2890 = arith.addf %select_n3A_2883, %select_n3A_2889 : vector<16xf32>
    %swap3A_2891 = arith.constant 4 : i32
    %swap3A_2892 = arith.index_cast %swap3A_2891 : i32 to index
    %swap3A_2893 = arith.constant 32 : index
    %swap3A_2894 = tpu.vector_load %arg6[%swap3A_2892, %swap3A_2893] {strides = array<i32>} : memref<8x64xf32, #tpu.memory_space<vmem>>, vector<1x16xf32>,
    %swap3A_2895 = vector.shape_cast %swap3A_2894 : vector<1x16xf32> to vector<16xf32>
    %swap3A_2896 = vector.shape_cast %add3A_2890 : vector<16xf32> to vector<1x16xf32>
    tpu.vector_store %arg6[%swap3A_2892, %swap3A_2893], %swap3A_2896 {strides = array<i32>} : memref<8x64xf32, #tpu.memory_space<vmem>>, vector<1x16xf32>,
    %eq3A_2897 = arith.constant 5 : i32
    %eq3A_2898 = vector.broadcast %eq3A_2897 : i32 to vector<16xi32>
    %eq3A_2899 = arith.cmpi eq, %select_n3A_2226, %eq3A_2898 : vector<16xi32>
    %jit3A_2900 = arith.constant 1 : i32
    %jit3A_2901 = arith.constant 0 : i32
    %broadcast_in_dim3A_2902 = vector.broadcast %jit3A_2900 : i32 to vector<16xi32>
    %broadcast_in_dim3A_2903 = vector.broadcast %jit3A_2901 : i32 to vector<16xi32>
    %select_n3A_2904 = arith.select %eq3A_2899, %broadcast_in_dim3A_2902, %broadcast_in_dim3A_2903 : vector<16xi1>, vector<16xi32>
    %eq3A_2905 = arith.constant 5 : i32
    %eq3A_2906 = vector.broadcast %eq3A_2905 : i32 to vector<16xi32>
    %eq3A_2907 = arith.cmpi eq, %select_n3A_2342, %eq3A_2906 : vector<16xi32>
    %jit3A_2908 = arith.constant 1 : i32
    %jit3A_2909 = arith.constant 0 : i32
    %broadcast_in_dim3A_2910 = vector.broadcast %jit3A_2908 : i32 to vector<16xi32>
    %broadcast_in_dim3A_2911 = vector.broadcast %jit3A_2909 : i32 to vector<16xi32>
    %select_n3A_2912 = arith.select %eq3A_2907, %broadcast_in_dim3A_2910, %broadcast_in_dim3A_2911 : vector<16xi1>, vector<16xi32>
    %add3A_2913 = arith.addi %select_n3A_2904, %select_n3A_2912 : vector<16xi32>
    %swap3A_2914 = arith.constant 16 : index
    %swap3A_2915 = tpu.vector_load %arg8[%swap3A_2914] {strides = array<i32>} : memref<48xi32, #tpu.memory_space<vmem>>, vector<16xi32>,
    %swap3A_2916 = vector.shape_cast %swap3A_2915 : vector<16xi32> to vector<16xi32>
    %swap3A_2917 = vector.shape_cast %add3A_2913 : vector<16xi32> to vector<16xi32>
    tpu.vector_store %arg8[%swap3A_2914], %swap3A_2917 {strides = array<i32>} : memref<48xi32, #tpu.memory_space<vmem>>, vector<16xi32>,
    %get3A_2918 = arith.constant 15 : index
    %get3A_2919 = tpu.vector_load %arg8[%get3A_2918] {strides = array<i32>} : memref<48xi32, #tpu.memory_space<vmem>>, vector<16xi32>,
    %get3A_2920 = vector.shape_cast %get3A_2919 : vector<16xi32> to vector<16xi32>
    %add3A_2921 = arith.addi %add3A_2913, %get3A_2920 : vector<16xi32>
    %swap3A_2922 = arith.constant 16 : index
    %swap3A_2923 = tpu.vector_load %arg8[%swap3A_2922] {strides = array<i32>} : memref<48xi32, #tpu.memory_space<vmem>>, vector<16xi32>,
    %swap3A_2924 = vector.shape_cast %swap3A_2923 : vector<16xi32> to vector<16xi32>
    %swap3A_2925 = vector.shape_cast %add3A_2921 : vector<16xi32> to vector<16xi32>
    tpu.vector_store %arg8[%swap3A_2922], %swap3A_2925 {strides = array<i32>} : memref<48xi32, #tpu.memory_space<vmem>>, vector<16xi32>,
    %get3A_2926 = arith.constant 14 : index
    %get3A_2927 = tpu.vector_load %arg8[%get3A_2926] {strides = array<i32>} : memref<48xi32, #tpu.memory_space<vmem>>, vector<16xi32>,
    %get3A_2928 = vector.shape_cast %get3A_2927 : vector<16xi32> to vector<16xi32>
    %add3A_2929 = arith.addi %add3A_2921, %get3A_2928 : vector<16xi32>
    %swap3A_2930 = arith.constant 16 : index
    %swap3A_2931 = tpu.vector_load %arg8[%swap3A_2930] {strides = array<i32>} : memref<48xi32, #tpu.memory_space<vmem>>, vector<16xi32>,
    %swap3A_2932 = vector.shape_cast %swap3A_2931 : vector<16xi32> to vector<16xi32>
    %swap3A_2933 = vector.shape_cast %add3A_2929 : vector<16xi32> to vector<16xi32>
    tpu.vector_store %arg8[%swap3A_2930], %swap3A_2933 {strides = array<i32>} : memref<48xi32, #tpu.memory_space<vmem>>, vector<16xi32>,
    %get3A_2934 = arith.constant 12 : index
    %get3A_2935 = tpu.vector_load %arg8[%get3A_2934] {strides = array<i32>} : memref<48xi32, #tpu.memory_space<vmem>>, vector<16xi32>,
    %get3A_2936 = vector.shape_cast %get3A_2935 : vector<16xi32> to vector<16xi32>
    %add3A_2937 = arith.addi %add3A_2929, %get3A_2936 : vector<16xi32>
    %swap3A_2938 = arith.constant 16 : index
    %swap3A_2939 = tpu.vector_load %arg8[%swap3A_2938] {strides = array<i32>} : memref<48xi32, #tpu.memory_space<vmem>>, vector<16xi32>,
    %swap3A_2940 = vector.shape_cast %swap3A_2939 : vector<16xi32> to vector<16xi32>
    %swap3A_2941 = vector.shape_cast %add3A_2937 : vector<16xi32> to vector<16xi32>
    tpu.vector_store %arg8[%swap3A_2938], %swap3A_2941 {strides = array<i32>} : memref<48xi32, #tpu.memory_space<vmem>>, vector<16xi32>,
    %get3A_2942 = arith.constant 8 : index
    %get3A_2943 = tpu.vector_load %arg8[%get3A_2942] {strides = array<i32>} : memref<48xi32, #tpu.memory_space<vmem>>, vector<16xi32>,
    %get3A_2944 = vector.shape_cast %get3A_2943 : vector<16xi32> to vector<16xi32>
    %add3A_2945 = arith.addi %add3A_2937, %get3A_2944 : vector<16xi32>
    %swap3A_2946 = arith.constant 16 : index
    %swap3A_2947 = tpu.vector_load %arg8[%swap3A_2946] {strides = array<i32>} : memref<48xi32, #tpu.memory_space<vmem>>, vector<16xi32>,
    %swap3A_2948 = vector.shape_cast %swap3A_2947 : vector<16xi32> to vector<16xi32>
    %swap3A_2949 = vector.shape_cast %add3A_2913 : vector<16xi32> to vector<16xi32>
    tpu.vector_store %arg8[%swap3A_2946], %swap3A_2949 {strides = array<i32>} : memref<48xi32, #tpu.memory_space<vmem>>, vector<16xi32>,
    %get3A_2950 = arith.constant 17 : index
    %get3A_2951 = tpu.vector_load %arg8[%get3A_2950] {strides = array<i32>} : memref<48xi32, #tpu.memory_space<vmem>>, vector<16xi32>,
    %get3A_2952 = vector.shape_cast %get3A_2951 : vector<16xi32> to vector<16xi32>
    %add3A_2953 = arith.addi %add3A_2913, %get3A_2952 : vector<16xi32>
    %swap3A_2954 = arith.constant 16 : index
    %swap3A_2955 = tpu.vector_load %arg8[%swap3A_2954] {strides = array<i32>} : memref<48xi32, #tpu.memory_space<vmem>>, vector<16xi32>,
    %swap3A_2956 = vector.shape_cast %swap3A_2955 : vector<16xi32> to vector<16xi32>
    %swap3A_2957 = vector.shape_cast %add3A_2953 : vector<16xi32> to vector<16xi32>
    tpu.vector_store %arg8[%swap3A_2954], %swap3A_2957 {strides = array<i32>} : memref<48xi32, #tpu.memory_space<vmem>>, vector<16xi32>,
    %get3A_2958 = arith.constant 18 : index
    %get3A_2959 = tpu.vector_load %arg8[%get3A_2958] {strides = array<i32>} : memref<48xi32, #tpu.memory_space<vmem>>, vector<16xi32>,
    %get3A_2960 = vector.shape_cast %get3A_2959 : vector<16xi32> to vector<16xi32>
    %add3A_2961 = arith.addi %add3A_2953, %get3A_2960 : vector<16xi32>
    %swap3A_2962 = arith.constant 16 : index
    %swap3A_2963 = tpu.vector_load %arg8[%swap3A_2962] {strides = array<i32>} : memref<48xi32, #tpu.memory_space<vmem>>, vector<16xi32>,
    %swap3A_2964 = vector.shape_cast %swap3A_2963 : vector<16xi32> to vector<16xi32>
    %swap3A_2965 = vector.shape_cast %add3A_2961 : vector<16xi32> to vector<16xi32>
    tpu.vector_store %arg8[%swap3A_2962], %swap3A_2965 {strides = array<i32>} : memref<48xi32, #tpu.memory_space<vmem>>, vector<16xi32>,
    %get3A_2966 = arith.constant 20 : index
    %get3A_2967 = tpu.vector_load %arg8[%get3A_2966] {strides = array<i32>} : memref<48xi32, #tpu.memory_space<vmem>>, vector<16xi32>,
    %get3A_2968 = vector.shape_cast %get3A_2967 : vector<16xi32> to vector<16xi32>
    %add3A_2969 = arith.addi %add3A_2961, %get3A_2968 : vector<16xi32>
    %swap3A_2970 = arith.constant 16 : index
    %swap3A_2971 = tpu.vector_load %arg8[%swap3A_2970] {strides = array<i32>} : memref<48xi32, #tpu.memory_space<vmem>>, vector<16xi32>,
    %swap3A_2972 = vector.shape_cast %swap3A_2971 : vector<16xi32> to vector<16xi32>
    %swap3A_2973 = vector.shape_cast %add3A_2969 : vector<16xi32> to vector<16xi32>
    tpu.vector_store %arg8[%swap3A_2970], %swap3A_2973 {strides = array<i32>} : memref<48xi32, #tpu.memory_space<vmem>>, vector<16xi32>,
    %get3A_2974 = arith.constant 24 : index
    %get3A_2975 = tpu.vector_load %arg8[%get3A_2974] {strides = array<i32>} : memref<48xi32, #tpu.memory_space<vmem>>, vector<16xi32>,
    %get3A_2976 = vector.shape_cast %get3A_2975 : vector<16xi32> to vector<16xi32>
    %add3A_2977 = arith.addi %add3A_2969, %get3A_2976 : vector<16xi32>
    %add3A_2978 = arith.addi %add3A_2945, %add3A_2977 : vector<16xi32>
    %sub3A_2979 = arith.subi %add3A_2978, %add3A_2913 : vector<16xi32>
    %eq3A_2980 = arith.constant 5 : i32
    %eq3A_2981 = vector.broadcast %eq3A_2980 : i32 to vector<16xi32>
    %eq3A_2982 = arith.cmpi eq, %iota3A, %eq3A_2981 : vector<16xi32>
    %jit3A_2983 = arith.constant 0 : i32
    %broadcast_in_dim3A_2984 = vector.broadcast %jit3A_2983 : i32 to vector<16xi32>
    %select_n3A_2985 = arith.select %eq3A_2982, %sub3A_2979, %broadcast_in_dim3A_2984 : vector<16xi1>, vector<16xi32>
    %add3A_2986 = arith.addi %add3A_2877, %select_n3A_2985 : vector<16xi32>
    %eq3A_2987 = arith.constant 5 : i32
    %eq3A_2988 = vector.broadcast %eq3A_2987 : i32 to vector<16xi32>
    %eq3A_2989 = arith.cmpi eq, %select_n3A_2226, %eq3A_2988 : vector<16xi32>
    %jit3A_2990 = arith.constant 0.000000e+00 : f32
    %broadcast_in_dim3A_2991 = vector.broadcast %jit3A_2990 : f32 to vector<16xf32>
    %select_n3A_2992 = arith.select %eq3A_2989, %mul3A_2350, %broadcast_in_dim3A_2991 : vector<16xi1>, vector<16xf32>
    %eq3A_2993 = arith.constant 5 : i32
    %eq3A_2994 = vector.broadcast %eq3A_2993 : i32 to vector<16xi32>
    %eq3A_2995 = arith.cmpi eq, %select_n3A_2342, %eq3A_2994 : vector<16xi32>
    %jit3A_2996 = arith.constant 0.000000e+00 : f32
    %broadcast_in_dim3A_2997 = vector.broadcast %jit3A_2996 : f32 to vector<16xf32>
    %select_n3A_2998 = arith.select %eq3A_2995, %mul3A_2351, %broadcast_in_dim3A_2997 : vector<16xi1>, vector<16xf32>
    %add3A_2999 = arith.addf %select_n3A_2992, %select_n3A_2998 : vector<16xf32>
    %swap3A_3000 = arith.constant 5 : i32
    %swap3A_3001 = arith.index_cast %swap3A_3000 : i32 to index
    %swap3A_3002 = arith.constant 32 : index
    %swap3A_3003 = tpu.vector_load %arg6[%swap3A_3001, %swap3A_3002] {strides = array<i32>} : memref<8x64xf32, #tpu.memory_space<vmem>>, vector<1x16xf32>,
    %swap3A_3004 = vector.shape_cast %swap3A_3003 : vector<1x16xf32> to vector<16xf32>
    %swap3A_3005 = vector.shape_cast %add3A_2999 : vector<16xf32> to vector<1x16xf32>
    tpu.vector_store %arg6[%swap3A_3001, %swap3A_3002], %swap3A_3005 {strides = array<i32>} : memref<8x64xf32, #tpu.memory_space<vmem>>, vector<1x16xf32>,
    %eq3A_3006 = arith.constant 6 : i32
    %eq3A_3007 = vector.broadcast %eq3A_3006 : i32 to vector<16xi32>
    %eq3A_3008 = arith.cmpi eq, %select_n3A_2226, %eq3A_3007 : vector<16xi32>
    %jit3A_3009 = arith.constant 1 : i32
    %jit3A_3010 = arith.constant 0 : i32
    %broadcast_in_dim3A_3011 = vector.broadcast %jit3A_3009 : i32 to vector<16xi32>
    %broadcast_in_dim3A_3012 = vector.broadcast %jit3A_3010 : i32 to vector<16xi32>
    %select_n3A_3013 = arith.select %eq3A_3008, %broadcast_in_dim3A_3011, %broadcast_in_dim3A_3012 : vector<16xi1>, vector<16xi32>
    %eq3A_3014 = arith.constant 6 : i32
    %eq3A_3015 = vector.broadcast %eq3A_3014 : i32 to vector<16xi32>
    %eq3A_3016 = arith.cmpi eq, %select_n3A_2342, %eq3A_3015 : vector<16xi32>
    %jit3A_3017 = arith.constant 1 : i32
    %jit3A_3018 = arith.constant 0 : i32
    %broadcast_in_dim3A_3019 = vector.broadcast %jit3A_3017 : i32 to vector<16xi32>
    %broadcast_in_dim3A_3020 = vector.broadcast %jit3A_3018 : i32 to vector<16xi32>
    %select_n3A_3021 = arith.select %eq3A_3016, %broadcast_in_dim3A_3019, %broadcast_in_dim3A_3020 : vector<16xi1>, vector<16xi32>
    %add3A_3022 = arith.addi %select_n3A_3013, %select_n3A_3021 : vector<16xi32>
    %swap3A_3023 = arith.constant 16 : index
    %swap3A_3024 = tpu.vector_load %arg8[%swap3A_3023] {strides = array<i32>} : memref<48xi32, #tpu.memory_space<vmem>>, vector<16xi32>,
    %swap3A_3025 = vector.shape_cast %swap3A_3024 : vector<16xi32> to vector<16xi32>
    %swap3A_3026 = vector.shape_cast %add3A_3022 : vector<16xi32> to vector<16xi32>
    tpu.vector_store %arg8[%swap3A_3023], %swap3A_3026 {strides = array<i32>} : memref<48xi32, #tpu.memory_space<vmem>>, vector<16xi32>,
    %get3A_3027 = arith.constant 15 : index
    %get3A_3028 = tpu.vector_load %arg8[%get3A_3027] {strides = array<i32>} : memref<48xi32, #tpu.memory_space<vmem>>, vector<16xi32>,
    %get3A_3029 = vector.shape_cast %get3A_3028 : vector<16xi32> to vector<16xi32>
    %add3A_3030 = arith.addi %add3A_3022, %get3A_3029 : vector<16xi32>
    %swap3A_3031 = arith.constant 16 : index
    %swap3A_3032 = tpu.vector_load %arg8[%swap3A_3031] {strides = array<i32>} : memref<48xi32, #tpu.memory_space<vmem>>, vector<16xi32>,
    %swap3A_3033 = vector.shape_cast %swap3A_3032 : vector<16xi32> to vector<16xi32>
    %swap3A_3034 = vector.shape_cast %add3A_3030 : vector<16xi32> to vector<16xi32>
    tpu.vector_store %arg8[%swap3A_3031], %swap3A_3034 {strides = array<i32>} : memref<48xi32, #tpu.memory_space<vmem>>, vector<16xi32>,
    %get3A_3035 = arith.constant 14 : index
    %get3A_3036 = tpu.vector_load %arg8[%get3A_3035] {strides = array<i32>} : memref<48xi32, #tpu.memory_space<vmem>>, vector<16xi32>,
    %get3A_3037 = vector.shape_cast %get3A_3036 : vector<16xi32> to vector<16xi32>
    %add3A_3038 = arith.addi %add3A_3030, %get3A_3037 : vector<16xi32>
    %swap3A_3039 = arith.constant 16 : index
    %swap3A_3040 = tpu.vector_load %arg8[%swap3A_3039] {strides = array<i32>} : memref<48xi32, #tpu.memory_space<vmem>>, vector<16xi32>,
    %swap3A_3041 = vector.shape_cast %swap3A_3040 : vector<16xi32> to vector<16xi32>
    %swap3A_3042 = vector.shape_cast %add3A_3038 : vector<16xi32> to vector<16xi32>
    tpu.vector_store %arg8[%swap3A_3039], %swap3A_3042 {strides = array<i32>} : memref<48xi32, #tpu.memory_space<vmem>>, vector<16xi32>,
    %get3A_3043 = arith.constant 12 : index
    %get3A_3044 = tpu.vector_load %arg8[%get3A_3043] {strides = array<i32>} : memref<48xi32, #tpu.memory_space<vmem>>, vector<16xi32>,
    %get3A_3045 = vector.shape_cast %get3A_3044 : vector<16xi32> to vector<16xi32>
    %add3A_3046 = arith.addi %add3A_3038, %get3A_3045 : vector<16xi32>
    %swap3A_3047 = arith.constant 16 : index
    %swap3A_3048 = tpu.vector_load %arg8[%swap3A_3047] {strides = array<i32>} : memref<48xi32, #tpu.memory_space<vmem>>, vector<16xi32>,
    %swap3A_3049 = vector.shape_cast %swap3A_3048 : vector<16xi32> to vector<16xi32>
    %swap3A_3050 = vector.shape_cast %add3A_3046 : vector<16xi32> to vector<16xi32>
    tpu.vector_store %arg8[%swap3A_3047], %swap3A_3050 {strides = array<i32>} : memref<48xi32, #tpu.memory_space<vmem>>, vector<16xi32>,
    %get3A_3051 = arith.constant 8 : index
    %get3A_3052 = tpu.vector_load %arg8[%get3A_3051] {strides = array<i32>} : memref<48xi32, #tpu.memory_space<vmem>>, vector<16xi32>,
    %get3A_3053 = vector.shape_cast %get3A_3052 : vector<16xi32> to vector<16xi32>
    %add3A_3054 = arith.addi %add3A_3046, %get3A_3053 : vector<16xi32>
    %swap3A_3055 = arith.constant 16 : index
    %swap3A_3056 = tpu.vector_load %arg8[%swap3A_3055] {strides = array<i32>} : memref<48xi32, #tpu.memory_space<vmem>>, vector<16xi32>,
    %swap3A_3057 = vector.shape_cast %swap3A_3056 : vector<16xi32> to vector<16xi32>
    %swap3A_3058 = vector.shape_cast %add3A_3022 : vector<16xi32> to vector<16xi32>
    tpu.vector_store %arg8[%swap3A_3055], %swap3A_3058 {strides = array<i32>} : memref<48xi32, #tpu.memory_space<vmem>>, vector<16xi32>,
    %get3A_3059 = arith.constant 17 : index
    %get3A_3060 = tpu.vector_load %arg8[%get3A_3059] {strides = array<i32>} : memref<48xi32, #tpu.memory_space<vmem>>, vector<16xi32>,
    %get3A_3061 = vector.shape_cast %get3A_3060 : vector<16xi32> to vector<16xi32>
    %add3A_3062 = arith.addi %add3A_3022, %get3A_3061 : vector<16xi32>
    %swap3A_3063 = arith.constant 16 : index
    %swap3A_3064 = tpu.vector_load %arg8[%swap3A_3063] {strides = array<i32>} : memref<48xi32, #tpu.memory_space<vmem>>, vector<16xi32>,
    %swap3A_3065 = vector.shape_cast %swap3A_3064 : vector<16xi32> to vector<16xi32>
    %swap3A_3066 = vector.shape_cast %add3A_3062 : vector<16xi32> to vector<16xi32>
    tpu.vector_store %arg8[%swap3A_3063], %swap3A_3066 {strides = array<i32>} : memref<48xi32, #tpu.memory_space<vmem>>, vector<16xi32>,
    %get3A_3067 = arith.constant 18 : index
    %get3A_3068 = tpu.vector_load %arg8[%get3A_3067] {strides = array<i32>} : memref<48xi32, #tpu.memory_space<vmem>>, vector<16xi32>,
    %get3A_3069 = vector.shape_cast %get3A_3068 : vector<16xi32> to vector<16xi32>
    %add3A_3070 = arith.addi %add3A_3062, %get3A_3069 : vector<16xi32>
    %swap3A_3071 = arith.constant 16 : index
    %swap3A_3072 = tpu.vector_load %arg8[%swap3A_3071] {strides = array<i32>} : memref<48xi32, #tpu.memory_space<vmem>>, vector<16xi32>,
    %swap3A_3073 = vector.shape_cast %swap3A_3072 : vector<16xi32> to vector<16xi32>
    %swap3A_3074 = vector.shape_cast %add3A_3070 : vector<16xi32> to vector<16xi32>
    tpu.vector_store %arg8[%swap3A_3071], %swap3A_3074 {strides = array<i32>} : memref<48xi32, #tpu.memory_space<vmem>>, vector<16xi32>,
    %get3A_3075 = arith.constant 20 : index
    %get3A_3076 = tpu.vector_load %arg8[%get3A_3075] {strides = array<i32>} : memref<48xi32, #tpu.memory_space<vmem>>, vector<16xi32>,
    %get3A_3077 = vector.shape_cast %get3A_3076 : vector<16xi32> to vector<16xi32>
    %add3A_3078 = arith.addi %add3A_3070, %get3A_3077 : vector<16xi32>
    %swap3A_3079 = arith.constant 16 : index
    %swap3A_3080 = tpu.vector_load %arg8[%swap3A_3079] {strides = array<i32>} : memref<48xi32, #tpu.memory_space<vmem>>, vector<16xi32>,
    %swap3A_3081 = vector.shape_cast %swap3A_3080 : vector<16xi32> to vector<16xi32>
    %swap3A_3082 = vector.shape_cast %add3A_3078 : vector<16xi32> to vector<16xi32>
    tpu.vector_store %arg8[%swap3A_3079], %swap3A_3082 {strides = array<i32>} : memref<48xi32, #tpu.memory_space<vmem>>, vector<16xi32>,
    %get3A_3083 = arith.constant 24 : index
    %get3A_3084 = tpu.vector_load %arg8[%get3A_3083] {strides = array<i32>} : memref<48xi32, #tpu.memory_space<vmem>>, vector<16xi32>,
    %get3A_3085 = vector.shape_cast %get3A_3084 : vector<16xi32> to vector<16xi32>
    %add3A_3086 = arith.addi %add3A_3078, %get3A_3085 : vector<16xi32>
    %add3A_3087 = arith.addi %add3A_3054, %add3A_3086 : vector<16xi32>
    %sub3A_3088 = arith.subi %add3A_3087, %add3A_3022 : vector<16xi32>
    %eq3A_3089 = arith.constant 6 : i32
    %eq3A_3090 = vector.broadcast %eq3A_3089 : i32 to vector<16xi32>
    %eq3A_3091 = arith.cmpi eq, %iota3A, %eq3A_3090 : vector<16xi32>
    %jit3A_3092 = arith.constant 0 : i32
    %broadcast_in_dim3A_3093 = vector.broadcast %jit3A_3092 : i32 to vector<16xi32>
    %select_n3A_3094 = arith.select %eq3A_3091, %sub3A_3088, %broadcast_in_dim3A_3093 : vector<16xi1>, vector<16xi32>
    %add3A_3095 = arith.addi %add3A_2986, %select_n3A_3094 : vector<16xi32>
    %eq3A_3096 = arith.constant 6 : i32
    %eq3A_3097 = vector.broadcast %eq3A_3096 : i32 to vector<16xi32>
    %eq3A_3098 = arith.cmpi eq, %select_n3A_2226, %eq3A_3097 : vector<16xi32>
    %jit3A_3099 = arith.constant 0.000000e+00 : f32
    %broadcast_in_dim3A_3100 = vector.broadcast %jit3A_3099 : f32 to vector<16xf32>
    %select_n3A_3101 = arith.select %eq3A_3098, %mul3A_2350, %broadcast_in_dim3A_3100 : vector<16xi1>, vector<16xf32>
    %eq3A_3102 = arith.constant 6 : i32
    %eq3A_3103 = vector.broadcast %eq3A_3102 : i32 to vector<16xi32>
    %eq3A_3104 = arith.cmpi eq, %select_n3A_2342, %eq3A_3103 : vector<16xi32>
    %jit3A_3105 = arith.constant 0.000000e+00 : f32
    %broadcast_in_dim3A_3106 = vector.broadcast %jit3A_3105 : f32 to vector<16xf32>
    %select_n3A_3107 = arith.select %eq3A_3104, %mul3A_2351, %broadcast_in_dim3A_3106 : vector<16xi1>, vector<16xf32>
    %add3A_3108 = arith.addf %select_n3A_3101, %select_n3A_3107 : vector<16xf32>
    %swap3A_3109 = arith.constant 6 : i32
    %swap3A_3110 = arith.index_cast %swap3A_3109 : i32 to index
    %swap3A_3111 = arith.constant 32 : index
    %swap3A_3112 = tpu.vector_load %arg6[%swap3A_3110, %swap3A_3111] {strides = array<i32>} : memref<8x64xf32, #tpu.memory_space<vmem>>, vector<1x16xf32>,
    %swap3A_3113 = vector.shape_cast %swap3A_3112 : vector<1x16xf32> to vector<16xf32>
    %swap3A_3114 = vector.shape_cast %add3A_3108 : vector<16xf32> to vector<1x16xf32>
    tpu.vector_store %arg6[%swap3A_3110, %swap3A_3111], %swap3A_3114 {strides = array<i32>} : memref<8x64xf32, #tpu.memory_space<vmem>>, vector<1x16xf32>,
    %eq3A_3115 = arith.constant 7 : i32
    %eq3A_3116 = vector.broadcast %eq3A_3115 : i32 to vector<16xi32>
    %eq3A_3117 = arith.cmpi eq, %select_n3A_2226, %eq3A_3116 : vector<16xi32>
    %jit3A_3118 = arith.constant 1 : i32
    %jit3A_3119 = arith.constant 0 : i32
    %broadcast_in_dim3A_3120 = vector.broadcast %jit3A_3118 : i32 to vector<16xi32>
    %broadcast_in_dim3A_3121 = vector.broadcast %jit3A_3119 : i32 to vector<16xi32>
    %select_n3A_3122 = arith.select %eq3A_3117, %broadcast_in_dim3A_3120, %broadcast_in_dim3A_3121 : vector<16xi1>, vector<16xi32>
    %eq3A_3123 = arith.constant 7 : i32
    %eq3A_3124 = vector.broadcast %eq3A_3123 : i32 to vector<16xi32>
    %eq3A_3125 = arith.cmpi eq, %select_n3A_2342, %eq3A_3124 : vector<16xi32>
    %jit3A_3126 = arith.constant 1 : i32
    %jit3A_3127 = arith.constant 0 : i32
    %broadcast_in_dim3A_3128 = vector.broadcast %jit3A_3126 : i32 to vector<16xi32>
    %broadcast_in_dim3A_3129 = vector.broadcast %jit3A_3127 : i32 to vector<16xi32>
    %select_n3A_3130 = arith.select %eq3A_3125, %broadcast_in_dim3A_3128, %broadcast_in_dim3A_3129 : vector<16xi1>, vector<16xi32>
    %add3A_3131 = arith.addi %select_n3A_3122, %select_n3A_3130 : vector<16xi32>
    %swap3A_3132 = arith.constant 16 : index
    %swap3A_3133 = tpu.vector_load %arg8[%swap3A_3132] {strides = array<i32>} : memref<48xi32, #tpu.memory_space<vmem>>, vector<16xi32>,
    %swap3A_3134 = vector.shape_cast %swap3A_3133 : vector<16xi32> to vector<16xi32>
    %swap3A_3135 = vector.shape_cast %add3A_3131 : vector<16xi32> to vector<16xi32>
    tpu.vector_store %arg8[%swap3A_3132], %swap3A_3135 {strides = array<i32>} : memref<48xi32, #tpu.memory_space<vmem>>, vector<16xi32>,
    %get3A_3136 = arith.constant 15 : index
    %get3A_3137 = tpu.vector_load %arg8[%get3A_3136] {strides = array<i32>} : memref<48xi32, #tpu.memory_space<vmem>>, vector<16xi32>,
    %get3A_3138 = vector.shape_cast %get3A_3137 : vector<16xi32> to vector<16xi32>
    %add3A_3139 = arith.addi %add3A_3131, %get3A_3138 : vector<16xi32>
    %swap3A_3140 = arith.constant 16 : index
    %swap3A_3141 = tpu.vector_load %arg8[%swap3A_3140] {strides = array<i32>} : memref<48xi32, #tpu.memory_space<vmem>>, vector<16xi32>,
    %swap3A_3142 = vector.shape_cast %swap3A_3141 : vector<16xi32> to vector<16xi32>
    %swap3A_3143 = vector.shape_cast %add3A_3139 : vector<16xi32> to vector<16xi32>
    tpu.vector_store %arg8[%swap3A_3140], %swap3A_3143 {strides = array<i32>} : memref<48xi32, #tpu.memory_space<vmem>>, vector<16xi32>,
    %get3A_3144 = arith.constant 14 : index
    %get3A_3145 = tpu.vector_load %arg8[%get3A_3144] {strides = array<i32>} : memref<48xi32, #tpu.memory_space<vmem>>, vector<16xi32>,
    %get3A_3146 = vector.shape_cast %get3A_3145 : vector<16xi32> to vector<16xi32>
    %add3A_3147 = arith.addi %add3A_3139, %get3A_3146 : vector<16xi32>
    %swap3A_3148 = arith.constant 16 : index
    %swap3A_3149 = tpu.vector_load %arg8[%swap3A_3148] {strides = array<i32>} : memref<48xi32, #tpu.memory_space<vmem>>, vector<16xi32>,
    %swap3A_3150 = vector.shape_cast %swap3A_3149 : vector<16xi32> to vector<16xi32>
    %swap3A_3151 = vector.shape_cast %add3A_3147 : vector<16xi32> to vector<16xi32>
    tpu.vector_store %arg8[%swap3A_3148], %swap3A_3151 {strides = array<i32>} : memref<48xi32, #tpu.memory_space<vmem>>, vector<16xi32>,
    %get3A_3152 = arith.constant 12 : index
    %get3A_3153 = tpu.vector_load %arg8[%get3A_3152] {strides = array<i32>} : memref<48xi32, #tpu.memory_space<vmem>>, vector<16xi32>,
    %get3A_3154 = vector.shape_cast %get3A_3153 : vector<16xi32> to vector<16xi32>
    %add3A_3155 = arith.addi %add3A_3147, %get3A_3154 : vector<16xi32>
    %swap3A_3156 = arith.constant 16 : index
    %swap3A_3157 = tpu.vector_load %arg8[%swap3A_3156] {strides = array<i32>} : memref<48xi32, #tpu.memory_space<vmem>>, vector<16xi32>,
    %swap3A_3158 = vector.shape_cast %swap3A_3157 : vector<16xi32> to vector<16xi32>
    %swap3A_3159 = vector.shape_cast %add3A_3155 : vector<16xi32> to vector<16xi32>
    tpu.vector_store %arg8[%swap3A_3156], %swap3A_3159 {strides = array<i32>} : memref<48xi32, #tpu.memory_space<vmem>>, vector<16xi32>,
    %get3A_3160 = arith.constant 8 : index
    %get3A_3161 = tpu.vector_load %arg8[%get3A_3160] {strides = array<i32>} : memref<48xi32, #tpu.memory_space<vmem>>, vector<16xi32>,
    %get3A_3162 = vector.shape_cast %get3A_3161 : vector<16xi32> to vector<16xi32>
    %add3A_3163 = arith.addi %add3A_3155, %get3A_3162 : vector<16xi32>
    %swap3A_3164 = arith.constant 16 : index
    %swap3A_3165 = tpu.vector_load %arg8[%swap3A_3164] {strides = array<i32>} : memref<48xi32, #tpu.memory_space<vmem>>, vector<16xi32>,
    %swap3A_3166 = vector.shape_cast %swap3A_3165 : vector<16xi32> to vector<16xi32>
    %swap3A_3167 = vector.shape_cast %add3A_3131 : vector<16xi32> to vector<16xi32>
    tpu.vector_store %arg8[%swap3A_3164], %swap3A_3167 {strides = array<i32>} : memref<48xi32, #tpu.memory_space<vmem>>, vector<16xi32>,
    %get3A_3168 = arith.constant 17 : index
    %get3A_3169 = tpu.vector_load %arg8[%get3A_3168] {strides = array<i32>} : memref<48xi32, #tpu.memory_space<vmem>>, vector<16xi32>,
    %get3A_3170 = vector.shape_cast %get3A_3169 : vector<16xi32> to vector<16xi32>
    %add3A_3171 = arith.addi %add3A_3131, %get3A_3170 : vector<16xi32>
    %swap3A_3172 = arith.constant 16 : index
    %swap3A_3173 = tpu.vector_load %arg8[%swap3A_3172] {strides = array<i32>} : memref<48xi32, #tpu.memory_space<vmem>>, vector<16xi32>,
    %swap3A_3174 = vector.shape_cast %swap3A_3173 : vector<16xi32> to vector<16xi32>
    %swap3A_3175 = vector.shape_cast %add3A_3171 : vector<16xi32> to vector<16xi32>
    tpu.vector_store %arg8[%swap3A_3172], %swap3A_3175 {strides = array<i32>} : memref<48xi32, #tpu.memory_space<vmem>>, vector<16xi32>,
    %get3A_3176 = arith.constant 18 : index
    %get3A_3177 = tpu.vector_load %arg8[%get3A_3176] {strides = array<i32>} : memref<48xi32, #tpu.memory_space<vmem>>, vector<16xi32>,
    %get3A_3178 = vector.shape_cast %get3A_3177 : vector<16xi32> to vector<16xi32>
    %add3A_3179 = arith.addi %add3A_3171, %get3A_3178 : vector<16xi32>
    %swap3A_3180 = arith.constant 16 : index
    %swap3A_3181 = tpu.vector_load %arg8[%swap3A_3180] {strides = array<i32>} : memref<48xi32, #tpu.memory_space<vmem>>, vector<16xi32>,
    %swap3A_3182 = vector.shape_cast %swap3A_3181 : vector<16xi32> to vector<16xi32>
    %swap3A_3183 = vector.shape_cast %add3A_3179 : vector<16xi32> to vector<16xi32>
    tpu.vector_store %arg8[%swap3A_3180], %swap3A_3183 {strides = array<i32>} : memref<48xi32, #tpu.memory_space<vmem>>, vector<16xi32>,
    %get3A_3184 = arith.constant 20 : index
    %get3A_3185 = tpu.vector_load %arg8[%get3A_3184] {strides = array<i32>} : memref<48xi32, #tpu.memory_space<vmem>>, vector<16xi32>,
    %get3A_3186 = vector.shape_cast %get3A_3185 : vector<16xi32> to vector<16xi32>
    %add3A_3187 = arith.addi %add3A_3179, %get3A_3186 : vector<16xi32>
    %swap3A_3188 = arith.constant 16 : index
    %swap3A_3189 = tpu.vector_load %arg8[%swap3A_3188] {strides = array<i32>} : memref<48xi32, #tpu.memory_space<vmem>>, vector<16xi32>,
    %swap3A_3190 = vector.shape_cast %swap3A_3189 : vector<16xi32> to vector<16xi32>
    %swap3A_3191 = vector.shape_cast %add3A_3187 : vector<16xi32> to vector<16xi32>
    tpu.vector_store %arg8[%swap3A_3188], %swap3A_3191 {strides = array<i32>} : memref<48xi32, #tpu.memory_space<vmem>>, vector<16xi32>,
    %get3A_3192 = arith.constant 24 : index
    %get3A_3193 = tpu.vector_load %arg8[%get3A_3192] {strides = array<i32>} : memref<48xi32, #tpu.memory_space<vmem>>, vector<16xi32>,
    %get3A_3194 = vector.shape_cast %get3A_3193 : vector<16xi32> to vector<16xi32>
    %add3A_3195 = arith.addi %add3A_3187, %get3A_3194 : vector<16xi32>
    %add3A_3196 = arith.addi %add3A_3163, %add3A_3195 : vector<16xi32>
    %sub3A_3197 = arith.subi %add3A_3196, %add3A_3131 : vector<16xi32>
    %eq3A_3198 = arith.constant 7 : i32
    %eq3A_3199 = vector.broadcast %eq3A_3198 : i32 to vector<16xi32>
    %eq3A_3200 = arith.cmpi eq, %iota3A, %eq3A_3199 : vector<16xi32>
    %jit3A_3201 = arith.constant 0 : i32
    %broadcast_in_dim3A_3202 = vector.broadcast %jit3A_3201 : i32 to vector<16xi32>
    %select_n3A_3203 = arith.select %eq3A_3200, %sub3A_3197, %broadcast_in_dim3A_3202 : vector<16xi1>, vector<16xi32>
    %add3A_3204 = arith.addi %add3A_3095, %select_n3A_3203 : vector<16xi32>
    %eq3A_3205 = arith.constant 7 : i32
    %eq3A_3206 = vector.broadcast %eq3A_3205 : i32 to vector<16xi32>
    %eq3A_3207 = arith.cmpi eq, %select_n3A_2226, %eq3A_3206 : vector<16xi32>
    %jit3A_3208 = arith.constant 0.000000e+00 : f32
    %broadcast_in_dim3A_3209 = vector.broadcast %jit3A_3208 : f32 to vector<16xf32>
    %select_n3A_3210 = arith.select %eq3A_3207, %mul3A_2350, %broadcast_in_dim3A_3209 : vector<16xi1>, vector<16xf32>
    %eq3A_3211 = arith.constant 7 : i32
    %eq3A_3212 = vector.broadcast %eq3A_3211 : i32 to vector<16xi32>
    %eq3A_3213 = arith.cmpi eq, %select_n3A_2342, %eq3A_3212 : vector<16xi32>
    %jit3A_3214 = arith.constant 0.000000e+00 : f32
    %broadcast_in_dim3A_3215 = vector.broadcast %jit3A_3214 : f32 to vector<16xf32>
    %select_n3A_3216 = arith.select %eq3A_3213, %mul3A_2351, %broadcast_in_dim3A_3215 : vector<16xi1>, vector<16xf32>
    %add3A_3217 = arith.addf %select_n3A_3210, %select_n3A_3216 : vector<16xf32>
    %swap3A_3218 = arith.constant 7 : i32
    %swap3A_3219 = arith.index_cast %swap3A_3218 : i32 to index
    %swap3A_3220 = arith.constant 32 : index
    %swap3A_3221 = tpu.vector_load %arg6[%swap3A_3219, %swap3A_3220] {strides = array<i32>} : memref<8x64xf32, #tpu.memory_space<vmem>>, vector<1x16xf32>,
    %swap3A_3222 = vector.shape_cast %swap3A_3221 : vector<1x16xf32> to vector<16xf32>
    %swap3A_3223 = vector.shape_cast %add3A_3217 : vector<16xf32> to vector<1x16xf32>
    tpu.vector_store %arg6[%swap3A_3219, %swap3A_3220], %swap3A_3223 {strides = array<i32>} : memref<8x64xf32, #tpu.memory_space<vmem>>, vector<1x16xf32>,
    %get3A_3224 = arith.constant 0 : i32
    %get3A_3225 = arith.index_cast %get3A_3224 : i32 to index
    %get3A_3226 = arith.constant 48 : index
    %get3A_3227 = tpu.vector_load %arg5[%get3A_3225, %get3A_3226] {strides = array<i32>} : memref<8x64xf32, #tpu.memory_space<vmem>>, vector<1x16xf32>,
    %get3A_3228 = vector.shape_cast %get3A_3227 : vector<1x16xf32> to vector<16xf32>
    %broadcast_in_dim3A_3229 = arith.constant 0 : i32
    %broadcast_in_dim3A_3230 = vector.broadcast %broadcast_in_dim3A_3229 : i32 to vector<16xi32>
    %get3A_3231 = arith.constant 1 : i32
    %get3A_3232 = arith.index_cast %get3A_3231 : i32 to index
    %get3A_3233 = arith.constant 48 : index
    %get3A_3234 = tpu.vector_load %arg5[%get3A_3232, %get3A_3233] {strides = array<i32>} : memref<8x64xf32, #tpu.memory_space<vmem>>, vector<1x16xf32>,
    %get3A_3235 = vector.shape_cast %get3A_3234 : vector<1x16xf32> to vector<16xf32>
    %gt3A_3236 = arith.cmpf ogt, %get3A_3235, %get3A_3228 : vector<16xf32>
    %select_n3A_3237 = arith.select %gt3A_3236, %get3A_3235, %get3A_3228 : vector<16xi1>, vector<16xf32>
    %jit3A_3238 = arith.constant 1 : i32
    %broadcast_in_dim3A_3239 = vector.broadcast %jit3A_3238 : i32 to vector<16xi32>
    %select_n3A_3240 = arith.select %gt3A_3236, %broadcast_in_dim3A_3239, %broadcast_in_dim3A_3230 : vector<16xi1>, vector<16xi32>
    %get3A_3241 = arith.constant 2 : i32
    %get3A_3242 = arith.index_cast %get3A_3241 : i32 to index
    %get3A_3243 = arith.constant 48 : index
    %get3A_3244 = tpu.vector_load %arg5[%get3A_3242, %get3A_3243] {strides = array<i32>} : memref<8x64xf32, #tpu.memory_space<vmem>>, vector<1x16xf32>,
    %get3A_3245 = vector.shape_cast %get3A_3244 : vector<1x16xf32> to vector<16xf32>
    %gt3A_3246 = arith.cmpf ogt, %get3A_3245, %select_n3A_3237 : vector<16xf32>
    %select_n3A_3247 = arith.select %gt3A_3246, %get3A_3245, %select_n3A_3237 : vector<16xi1>, vector<16xf32>
    %jit3A_3248 = arith.constant 2 : i32
    %broadcast_in_dim3A_3249 = vector.broadcast %jit3A_3248 : i32 to vector<16xi32>
    %select_n3A_3250 = arith.select %gt3A_3246, %broadcast_in_dim3A_3249, %select_n3A_3240 : vector<16xi1>, vector<16xi32>
    %get3A_3251 = arith.constant 3 : i32
    %get3A_3252 = arith.index_cast %get3A_3251 : i32 to index
    %get3A_3253 = arith.constant 48 : index
    %get3A_3254 = tpu.vector_load %arg5[%get3A_3252, %get3A_3253] {strides = array<i32>} : memref<8x64xf32, #tpu.memory_space<vmem>>, vector<1x16xf32>,
    %get3A_3255 = vector.shape_cast %get3A_3254 : vector<1x16xf32> to vector<16xf32>
    %gt3A_3256 = arith.cmpf ogt, %get3A_3255, %select_n3A_3247 : vector<16xf32>
    %select_n3A_3257 = arith.select %gt3A_3256, %get3A_3255, %select_n3A_3247 : vector<16xi1>, vector<16xf32>
    %jit3A_3258 = arith.constant 3 : i32
    %broadcast_in_dim3A_3259 = vector.broadcast %jit3A_3258 : i32 to vector<16xi32>
    %select_n3A_3260 = arith.select %gt3A_3256, %broadcast_in_dim3A_3259, %select_n3A_3250 : vector<16xi1>, vector<16xi32>
    %get3A_3261 = arith.constant 4 : i32
    %get3A_3262 = arith.index_cast %get3A_3261 : i32 to index
    %get3A_3263 = arith.constant 48 : index
    %get3A_3264 = tpu.vector_load %arg5[%get3A_3262, %get3A_3263] {strides = array<i32>} : memref<8x64xf32, #tpu.memory_space<vmem>>, vector<1x16xf32>,
    %get3A_3265 = vector.shape_cast %get3A_3264 : vector<1x16xf32> to vector<16xf32>
    %gt3A_3266 = arith.cmpf ogt, %get3A_3265, %select_n3A_3257 : vector<16xf32>
    %select_n3A_3267 = arith.select %gt3A_3266, %get3A_3265, %select_n3A_3257 : vector<16xi1>, vector<16xf32>
    %jit3A_3268 = arith.constant 4 : i32
    %broadcast_in_dim3A_3269 = vector.broadcast %jit3A_3268 : i32 to vector<16xi32>
    %select_n3A_3270 = arith.select %gt3A_3266, %broadcast_in_dim3A_3269, %select_n3A_3260 : vector<16xi1>, vector<16xi32>
    %get3A_3271 = arith.constant 5 : i32
    %get3A_3272 = arith.index_cast %get3A_3271 : i32 to index
    %get3A_3273 = arith.constant 48 : index
    %get3A_3274 = tpu.vector_load %arg5[%get3A_3272, %get3A_3273] {strides = array<i32>} : memref<8x64xf32, #tpu.memory_space<vmem>>, vector<1x16xf32>,
    %get3A_3275 = vector.shape_cast %get3A_3274 : vector<1x16xf32> to vector<16xf32>
    %gt3A_3276 = arith.cmpf ogt, %get3A_3275, %select_n3A_3267 : vector<16xf32>
    %select_n3A_3277 = arith.select %gt3A_3276, %get3A_3275, %select_n3A_3267 : vector<16xi1>, vector<16xf32>
    %jit3A_3278 = arith.constant 5 : i32
    %broadcast_in_dim3A_3279 = vector.broadcast %jit3A_3278 : i32 to vector<16xi32>
    %select_n3A_3280 = arith.select %gt3A_3276, %broadcast_in_dim3A_3279, %select_n3A_3270 : vector<16xi1>, vector<16xi32>
    %get3A_3281 = arith.constant 6 : i32
    %get3A_3282 = arith.index_cast %get3A_3281 : i32 to index
    %get3A_3283 = arith.constant 48 : index
    %get3A_3284 = tpu.vector_load %arg5[%get3A_3282, %get3A_3283] {strides = array<i32>} : memref<8x64xf32, #tpu.memory_space<vmem>>, vector<1x16xf32>,
    %get3A_3285 = vector.shape_cast %get3A_3284 : vector<1x16xf32> to vector<16xf32>
    %gt3A_3286 = arith.cmpf ogt, %get3A_3285, %select_n3A_3277 : vector<16xf32>
    %select_n3A_3287 = arith.select %gt3A_3286, %get3A_3285, %select_n3A_3277 : vector<16xi1>, vector<16xf32>
    %jit3A_3288 = arith.constant 6 : i32
    %broadcast_in_dim3A_3289 = vector.broadcast %jit3A_3288 : i32 to vector<16xi32>
    %select_n3A_3290 = arith.select %gt3A_3286, %broadcast_in_dim3A_3289, %select_n3A_3280 : vector<16xi1>, vector<16xi32>
    %get3A_3291 = arith.constant 7 : i32
    %get3A_3292 = arith.index_cast %get3A_3291 : i32 to index
    %get3A_3293 = arith.constant 48 : index
    %get3A_3294 = tpu.vector_load %arg5[%get3A_3292, %get3A_3293] {strides = array<i32>} : memref<8x64xf32, #tpu.memory_space<vmem>>, vector<1x16xf32>,
    %get3A_3295 = vector.shape_cast %get3A_3294 : vector<1x16xf32> to vector<16xf32>
    %gt3A_3296 = arith.cmpf ogt, %get3A_3295, %select_n3A_3287 : vector<16xf32>
    %select_n3A_3297 = arith.select %gt3A_3296, %get3A_3295, %select_n3A_3287 : vector<16xi1>, vector<16xf32>
    %jit3A_3298 = arith.constant 7 : i32
    %broadcast_in_dim3A_3299 = vector.broadcast %jit3A_3298 : i32 to vector<16xi32>
    %select_n3A_3300 = arith.select %gt3A_3296, %broadcast_in_dim3A_3299, %select_n3A_3290 : vector<16xi1>, vector<16xi32>
    %broadcast_in_dim3A_3301 = arith.constant -3.000000e+38 : f32
    %broadcast_in_dim3A_3302 = vector.broadcast %broadcast_in_dim3A_3301 : f32 to vector<16xf32>
    %broadcast_in_dim3A_3303 = arith.constant 0 : i32
    %broadcast_in_dim3A_3304 = vector.broadcast %broadcast_in_dim3A_3303 : i32 to vector<16xi32>
    %get3A_3305 = arith.constant 0 : i32
    %get3A_3306 = arith.index_cast %get3A_3305 : i32 to index
    %get3A_3307 = arith.constant 48 : index
    %get3A_3308 = tpu.vector_load %arg5[%get3A_3306, %get3A_3307] {strides = array<i32>} : memref<8x64xf32, #tpu.memory_space<vmem>>, vector<1x16xf32>,
    %get3A_3309 = vector.shape_cast %get3A_3308 : vector<1x16xf32> to vector<16xf32>
    %gt3A_3310 = arith.cmpf ogt, %get3A_3309, %broadcast_in_dim3A_3302 : vector<16xf32>
    %ne3A_3311 = arith.constant 0 : i32
    %ne3A_3312 = vector.broadcast %ne3A_3311 : i32 to vector<16xi32>
    %ne3A_3313 = arith.cmpi ne, %select_n3A_3300, %ne3A_3312 : vector<16xi32>
    %and3A_3314 = arith.andi %gt3A_3310, %ne3A_3313 : vector<16xi1>
    %select_n3A_3315 = arith.select %and3A_3314, %get3A_3309, %broadcast_in_dim3A_3302 : vector<16xi1>, vector<16xf32>
    %jit3A_3316 = arith.constant 0 : i32
    %broadcast_in_dim3A_3317 = vector.broadcast %jit3A_3316 : i32 to vector<16xi32>
    %select_n3A_3318 = arith.select %and3A_3314, %broadcast_in_dim3A_3317, %broadcast_in_dim3A_3304 : vector<16xi1>, vector<16xi32>
    %get3A_3319 = arith.constant 1 : i32
    %get3A_3320 = arith.index_cast %get3A_3319 : i32 to index
    %get3A_3321 = arith.constant 48 : index
    %get3A_3322 = tpu.vector_load %arg5[%get3A_3320, %get3A_3321] {strides = array<i32>} : memref<8x64xf32, #tpu.memory_space<vmem>>, vector<1x16xf32>,
    %get3A_3323 = vector.shape_cast %get3A_3322 : vector<1x16xf32> to vector<16xf32>
    %gt3A_3324 = arith.cmpf ogt, %get3A_3323, %select_n3A_3315 : vector<16xf32>
    %ne3A_3325 = arith.constant 1 : i32
    %ne3A_3326 = vector.broadcast %ne3A_3325 : i32 to vector<16xi32>
    %ne3A_3327 = arith.cmpi ne, %select_n3A_3300, %ne3A_3326 : vector<16xi32>
    %and3A_3328 = arith.andi %gt3A_3324, %ne3A_3327 : vector<16xi1>
    %select_n3A_3329 = arith.select %and3A_3328, %get3A_3323, %select_n3A_3315 : vector<16xi1>, vector<16xf32>
    %jit3A_3330 = arith.constant 1 : i32
    %broadcast_in_dim3A_3331 = vector.broadcast %jit3A_3330 : i32 to vector<16xi32>
    %select_n3A_3332 = arith.select %and3A_3328, %broadcast_in_dim3A_3331, %select_n3A_3318 : vector<16xi1>, vector<16xi32>
    %get3A_3333 = arith.constant 2 : i32
    %get3A_3334 = arith.index_cast %get3A_3333 : i32 to index
    %get3A_3335 = arith.constant 48 : index
    %get3A_3336 = tpu.vector_load %arg5[%get3A_3334, %get3A_3335] {strides = array<i32>} : memref<8x64xf32, #tpu.memory_space<vmem>>, vector<1x16xf32>,
    %get3A_3337 = vector.shape_cast %get3A_3336 : vector<1x16xf32> to vector<16xf32>
    %gt3A_3338 = arith.cmpf ogt, %get3A_3337, %select_n3A_3329 : vector<16xf32>
    %ne3A_3339 = arith.constant 2 : i32
    %ne3A_3340 = vector.broadcast %ne3A_3339 : i32 to vector<16xi32>
    %ne3A_3341 = arith.cmpi ne, %select_n3A_3300, %ne3A_3340 : vector<16xi32>
    %and3A_3342 = arith.andi %gt3A_3338, %ne3A_3341 : vector<16xi1>
    %select_n3A_3343 = arith.select %and3A_3342, %get3A_3337, %select_n3A_3329 : vector<16xi1>, vector<16xf32>
    %jit3A_3344 = arith.constant 2 : i32
    %broadcast_in_dim3A_3345 = vector.broadcast %jit3A_3344 : i32 to vector<16xi32>
    %select_n3A_3346 = arith.select %and3A_3342, %broadcast_in_dim3A_3345, %select_n3A_3332 : vector<16xi1>, vector<16xi32>
    %get3A_3347 = arith.constant 3 : i32
    %get3A_3348 = arith.index_cast %get3A_3347 : i32 to index
    %get3A_3349 = arith.constant 48 : index
    %get3A_3350 = tpu.vector_load %arg5[%get3A_3348, %get3A_3349] {strides = array<i32>} : memref<8x64xf32, #tpu.memory_space<vmem>>, vector<1x16xf32>,
    %get3A_3351 = vector.shape_cast %get3A_3350 : vector<1x16xf32> to vector<16xf32>
    %gt3A_3352 = arith.cmpf ogt, %get3A_3351, %select_n3A_3343 : vector<16xf32>
    %ne3A_3353 = arith.constant 3 : i32
    %ne3A_3354 = vector.broadcast %ne3A_3353 : i32 to vector<16xi32>
    %ne3A_3355 = arith.cmpi ne, %select_n3A_3300, %ne3A_3354 : vector<16xi32>
    %and3A_3356 = arith.andi %gt3A_3352, %ne3A_3355 : vector<16xi1>
    %select_n3A_3357 = arith.select %and3A_3356, %get3A_3351, %select_n3A_3343 : vector<16xi1>, vector<16xf32>
    %jit3A_3358 = arith.constant 3 : i32
    %broadcast_in_dim3A_3359 = vector.broadcast %jit3A_3358 : i32 to vector<16xi32>
    %select_n3A_3360 = arith.select %and3A_3356, %broadcast_in_dim3A_3359, %select_n3A_3346 : vector<16xi1>, vector<16xi32>
    %get3A_3361 = arith.constant 4 : i32
    %get3A_3362 = arith.index_cast %get3A_3361 : i32 to index
    %get3A_3363 = arith.constant 48 : index
    %get3A_3364 = tpu.vector_load %arg5[%get3A_3362, %get3A_3363] {strides = array<i32>} : memref<8x64xf32, #tpu.memory_space<vmem>>, vector<1x16xf32>,
    %get3A_3365 = vector.shape_cast %get3A_3364 : vector<1x16xf32> to vector<16xf32>
    %gt3A_3366 = arith.cmpf ogt, %get3A_3365, %select_n3A_3357 : vector<16xf32>
    %ne3A_3367 = arith.constant 4 : i32
    %ne3A_3368 = vector.broadcast %ne3A_3367 : i32 to vector<16xi32>
    %ne3A_3369 = arith.cmpi ne, %select_n3A_3300, %ne3A_3368 : vector<16xi32>
    %and3A_3370 = arith.andi %gt3A_3366, %ne3A_3369 : vector<16xi1>
    %select_n3A_3371 = arith.select %and3A_3370, %get3A_3365, %select_n3A_3357 : vector<16xi1>, vector<16xf32>
    %jit3A_3372 = arith.constant 4 : i32
    %broadcast_in_dim3A_3373 = vector.broadcast %jit3A_3372 : i32 to vector<16xi32>
    %select_n3A_3374 = arith.select %and3A_3370, %broadcast_in_dim3A_3373, %select_n3A_3360 : vector<16xi1>, vector<16xi32>
    %get3A_3375 = arith.constant 5 : i32
    %get3A_3376 = arith.index_cast %get3A_3375 : i32 to index
    %get3A_3377 = arith.constant 48 : index
    %get3A_3378 = tpu.vector_load %arg5[%get3A_3376, %get3A_3377] {strides = array<i32>} : memref<8x64xf32, #tpu.memory_space<vmem>>, vector<1x16xf32>,
    %get3A_3379 = vector.shape_cast %get3A_3378 : vector<1x16xf32> to vector<16xf32>
    %gt3A_3380 = arith.cmpf ogt, %get3A_3379, %select_n3A_3371 : vector<16xf32>
    %ne3A_3381 = arith.constant 5 : i32
    %ne3A_3382 = vector.broadcast %ne3A_3381 : i32 to vector<16xi32>
    %ne3A_3383 = arith.cmpi ne, %select_n3A_3300, %ne3A_3382 : vector<16xi32>
    %and3A_3384 = arith.andi %gt3A_3380, %ne3A_3383 : vector<16xi1>
    %select_n3A_3385 = arith.select %and3A_3384, %get3A_3379, %select_n3A_3371 : vector<16xi1>, vector<16xf32>
    %jit3A_3386 = arith.constant 5 : i32
    %broadcast_in_dim3A_3387 = vector.broadcast %jit3A_3386 : i32 to vector<16xi32>
    %select_n3A_3388 = arith.select %and3A_3384, %broadcast_in_dim3A_3387, %select_n3A_3374 : vector<16xi1>, vector<16xi32>
    %get3A_3389 = arith.constant 6 : i32
    %get3A_3390 = arith.index_cast %get3A_3389 : i32 to index
    %get3A_3391 = arith.constant 48 : index
    %get3A_3392 = tpu.vector_load %arg5[%get3A_3390, %get3A_3391] {strides = array<i32>} : memref<8x64xf32, #tpu.memory_space<vmem>>, vector<1x16xf32>,
    %get3A_3393 = vector.shape_cast %get3A_3392 : vector<1x16xf32> to vector<16xf32>
    %gt3A_3394 = arith.cmpf ogt, %get3A_3393, %select_n3A_3385 : vector<16xf32>
    %ne3A_3395 = arith.constant 6 : i32
    %ne3A_3396 = vector.broadcast %ne3A_3395 : i32 to vector<16xi32>
    %ne3A_3397 = arith.cmpi ne, %select_n3A_3300, %ne3A_3396 : vector<16xi32>
    %and3A_3398 = arith.andi %gt3A_3394, %ne3A_3397 : vector<16xi1>
    %select_n3A_3399 = arith.select %and3A_3398, %get3A_3393, %select_n3A_3385 : vector<16xi1>, vector<16xf32>
    %jit3A_3400 = arith.constant 6 : i32
    %broadcast_in_dim3A_3401 = vector.broadcast %jit3A_3400 : i32 to vector<16xi32>
    %select_n3A_3402 = arith.select %and3A_3398, %broadcast_in_dim3A_3401, %select_n3A_3388 : vector<16xi1>, vector<16xi32>
    %get3A_3403 = arith.constant 7 : i32
    %get3A_3404 = arith.index_cast %get3A_3403 : i32 to index
    %get3A_3405 = arith.constant 48 : index
    %get3A_3406 = tpu.vector_load %arg5[%get3A_3404, %get3A_3405] {strides = array<i32>} : memref<8x64xf32, #tpu.memory_space<vmem>>, vector<1x16xf32>,
    %get3A_3407 = vector.shape_cast %get3A_3406 : vector<1x16xf32> to vector<16xf32>
    %gt3A_3408 = arith.cmpf ogt, %get3A_3407, %select_n3A_3399 : vector<16xf32>
    %ne3A_3409 = arith.constant 7 : i32
    %ne3A_3410 = vector.broadcast %ne3A_3409 : i32 to vector<16xi32>
    %ne3A_3411 = arith.cmpi ne, %select_n3A_3300, %ne3A_3410 : vector<16xi32>
    %and3A_3412 = arith.andi %gt3A_3408, %ne3A_3411 : vector<16xi1>
    %select_n3A_3413 = arith.select %and3A_3412, %get3A_3407, %select_n3A_3399 : vector<16xi1>, vector<16xf32>
    %jit3A_3414 = arith.constant 7 : i32
    %broadcast_in_dim3A_3415 = vector.broadcast %jit3A_3414 : i32 to vector<16xi32>
    %select_n3A_3416 = arith.select %and3A_3412, %broadcast_in_dim3A_3415, %select_n3A_3402 : vector<16xi1>, vector<16xi32>
    %add3A_3417 = arith.addf %select_n3A_3297, %select_n3A_3413 : vector<16xf32>
    %add3A_3418 = arith.constant 9.99999993E-9 : f32
    %add3A_3419 = vector.broadcast %add3A_3418 : f32 to vector<16xf32>
    %add3A_3420 = arith.addf %add3A_3417, %add3A_3419 : vector<16xf32>
    %div3A_3421 = arith.constant 1.000000e+00 : f32
    %div3A_3422 = vector.broadcast %div3A_3421 : f32 to vector<16xf32>
    %div3A_3423 = arith.divf %div3A_3422, %add3A_3420 : vector<16xf32>
    %mul3A_3424 = arith.mulf %select_n3A_3297, %div3A_3423 : vector<16xf32>
    %mul3A_3425 = arith.mulf %select_n3A_3413, %div3A_3423 : vector<16xf32>
    %eq3A_3426 = arith.constant 0 : i32
    %eq3A_3427 = vector.broadcast %eq3A_3426 : i32 to vector<16xi32>
    %eq3A_3428 = arith.cmpi eq, %select_n3A_3300, %eq3A_3427 : vector<16xi32>
    %jit3A_3429 = arith.constant 1 : i32
    %jit3A_3430 = arith.constant 0 : i32
    %broadcast_in_dim3A_3431 = vector.broadcast %jit3A_3429 : i32 to vector<16xi32>
    %broadcast_in_dim3A_3432 = vector.broadcast %jit3A_3430 : i32 to vector<16xi32>
    %select_n3A_3433 = arith.select %eq3A_3428, %broadcast_in_dim3A_3431, %broadcast_in_dim3A_3432 : vector<16xi1>, vector<16xi32>
    %eq3A_3434 = arith.constant 0 : i32
    %eq3A_3435 = vector.broadcast %eq3A_3434 : i32 to vector<16xi32>
    %eq3A_3436 = arith.cmpi eq, %select_n3A_3416, %eq3A_3435 : vector<16xi32>
    %jit3A_3437 = arith.constant 1 : i32
    %jit3A_3438 = arith.constant 0 : i32
    %broadcast_in_dim3A_3439 = vector.broadcast %jit3A_3437 : i32 to vector<16xi32>
    %broadcast_in_dim3A_3440 = vector.broadcast %jit3A_3438 : i32 to vector<16xi32>
    %select_n3A_3441 = arith.select %eq3A_3436, %broadcast_in_dim3A_3439, %broadcast_in_dim3A_3440 : vector<16xi1>, vector<16xi32>
    %add3A_3442 = arith.addi %select_n3A_3433, %select_n3A_3441 : vector<16xi32>
    %swap3A_3443 = arith.constant 16 : index
    %swap3A_3444 = tpu.vector_load %arg8[%swap3A_3443] {strides = array<i32>} : memref<48xi32, #tpu.memory_space<vmem>>, vector<16xi32>,
    %swap3A_3445 = vector.shape_cast %swap3A_3444 : vector<16xi32> to vector<16xi32>
    %swap3A_3446 = vector.shape_cast %add3A_3442 : vector<16xi32> to vector<16xi32>
    tpu.vector_store %arg8[%swap3A_3443], %swap3A_3446 {strides = array<i32>} : memref<48xi32, #tpu.memory_space<vmem>>, vector<16xi32>,
    %get3A_3447 = arith.constant 15 : index
    %get3A_3448 = tpu.vector_load %arg8[%get3A_3447] {strides = array<i32>} : memref<48xi32, #tpu.memory_space<vmem>>, vector<16xi32>,
    %get3A_3449 = vector.shape_cast %get3A_3448 : vector<16xi32> to vector<16xi32>
    %add3A_3450 = arith.addi %add3A_3442, %get3A_3449 : vector<16xi32>
    %swap3A_3451 = arith.constant 16 : index
    %swap3A_3452 = tpu.vector_load %arg8[%swap3A_3451] {strides = array<i32>} : memref<48xi32, #tpu.memory_space<vmem>>, vector<16xi32>,
    %swap3A_3453 = vector.shape_cast %swap3A_3452 : vector<16xi32> to vector<16xi32>
    %swap3A_3454 = vector.shape_cast %add3A_3450 : vector<16xi32> to vector<16xi32>
    tpu.vector_store %arg8[%swap3A_3451], %swap3A_3454 {strides = array<i32>} : memref<48xi32, #tpu.memory_space<vmem>>, vector<16xi32>,
    %get3A_3455 = arith.constant 14 : index
    %get3A_3456 = tpu.vector_load %arg8[%get3A_3455] {strides = array<i32>} : memref<48xi32, #tpu.memory_space<vmem>>, vector<16xi32>,
    %get3A_3457 = vector.shape_cast %get3A_3456 : vector<16xi32> to vector<16xi32>
    %add3A_3458 = arith.addi %add3A_3450, %get3A_3457 : vector<16xi32>
    %swap3A_3459 = arith.constant 16 : index
    %swap3A_3460 = tpu.vector_load %arg8[%swap3A_3459] {strides = array<i32>} : memref<48xi32, #tpu.memory_space<vmem>>, vector<16xi32>,
    %swap3A_3461 = vector.shape_cast %swap3A_3460 : vector<16xi32> to vector<16xi32>
    %swap3A_3462 = vector.shape_cast %add3A_3458 : vector<16xi32> to vector<16xi32>
    tpu.vector_store %arg8[%swap3A_3459], %swap3A_3462 {strides = array<i32>} : memref<48xi32, #tpu.memory_space<vmem>>, vector<16xi32>,
    %get3A_3463 = arith.constant 12 : index
    %get3A_3464 = tpu.vector_load %arg8[%get3A_3463] {strides = array<i32>} : memref<48xi32, #tpu.memory_space<vmem>>, vector<16xi32>,
    %get3A_3465 = vector.shape_cast %get3A_3464 : vector<16xi32> to vector<16xi32>
    %add3A_3466 = arith.addi %add3A_3458, %get3A_3465 : vector<16xi32>
    %swap3A_3467 = arith.constant 16 : index
    %swap3A_3468 = tpu.vector_load %arg8[%swap3A_3467] {strides = array<i32>} : memref<48xi32, #tpu.memory_space<vmem>>, vector<16xi32>,
    %swap3A_3469 = vector.shape_cast %swap3A_3468 : vector<16xi32> to vector<16xi32>
    %swap3A_3470 = vector.shape_cast %add3A_3466 : vector<16xi32> to vector<16xi32>
    tpu.vector_store %arg8[%swap3A_3467], %swap3A_3470 {strides = array<i32>} : memref<48xi32, #tpu.memory_space<vmem>>, vector<16xi32>,
    %get3A_3471 = arith.constant 8 : index
    %get3A_3472 = tpu.vector_load %arg8[%get3A_3471] {strides = array<i32>} : memref<48xi32, #tpu.memory_space<vmem>>, vector<16xi32>,
    %get3A_3473 = vector.shape_cast %get3A_3472 : vector<16xi32> to vector<16xi32>
    %add3A_3474 = arith.addi %add3A_3466, %get3A_3473 : vector<16xi32>
    %swap3A_3475 = arith.constant 16 : index
    %swap3A_3476 = tpu.vector_load %arg8[%swap3A_3475] {strides = array<i32>} : memref<48xi32, #tpu.memory_space<vmem>>, vector<16xi32>,
    %swap3A_3477 = vector.shape_cast %swap3A_3476 : vector<16xi32> to vector<16xi32>
    %swap3A_3478 = vector.shape_cast %add3A_3442 : vector<16xi32> to vector<16xi32>
    tpu.vector_store %arg8[%swap3A_3475], %swap3A_3478 {strides = array<i32>} : memref<48xi32, #tpu.memory_space<vmem>>, vector<16xi32>,
    %get3A_3479 = arith.constant 17 : index
    %get3A_3480 = tpu.vector_load %arg8[%get3A_3479] {strides = array<i32>} : memref<48xi32, #tpu.memory_space<vmem>>, vector<16xi32>,
    %get3A_3481 = vector.shape_cast %get3A_3480 : vector<16xi32> to vector<16xi32>
    %add3A_3482 = arith.addi %add3A_3442, %get3A_3481 : vector<16xi32>
    %swap3A_3483 = arith.constant 16 : index
    %swap3A_3484 = tpu.vector_load %arg8[%swap3A_3483] {strides = array<i32>} : memref<48xi32, #tpu.memory_space<vmem>>, vector<16xi32>,
    %swap3A_3485 = vector.shape_cast %swap3A_3484 : vector<16xi32> to vector<16xi32>
    %swap3A_3486 = vector.shape_cast %add3A_3482 : vector<16xi32> to vector<16xi32>
    tpu.vector_store %arg8[%swap3A_3483], %swap3A_3486 {strides = array<i32>} : memref<48xi32, #tpu.memory_space<vmem>>, vector<16xi32>,
    %get3A_3487 = arith.constant 18 : index
    %get3A_3488 = tpu.vector_load %arg8[%get3A_3487] {strides = array<i32>} : memref<48xi32, #tpu.memory_space<vmem>>, vector<16xi32>,
    %get3A_3489 = vector.shape_cast %get3A_3488 : vector<16xi32> to vector<16xi32>
    %add3A_3490 = arith.addi %add3A_3482, %get3A_3489 : vector<16xi32>
    %swap3A_3491 = arith.constant 16 : index
    %swap3A_3492 = tpu.vector_load %arg8[%swap3A_3491] {strides = array<i32>} : memref<48xi32, #tpu.memory_space<vmem>>, vector<16xi32>,
    %swap3A_3493 = vector.shape_cast %swap3A_3492 : vector<16xi32> to vector<16xi32>
    %swap3A_3494 = vector.shape_cast %add3A_3490 : vector<16xi32> to vector<16xi32>
    tpu.vector_store %arg8[%swap3A_3491], %swap3A_3494 {strides = array<i32>} : memref<48xi32, #tpu.memory_space<vmem>>, vector<16xi32>,
    %get3A_3495 = arith.constant 20 : index
    %get3A_3496 = tpu.vector_load %arg8[%get3A_3495] {strides = array<i32>} : memref<48xi32, #tpu.memory_space<vmem>>, vector<16xi32>,
    %get3A_3497 = vector.shape_cast %get3A_3496 : vector<16xi32> to vector<16xi32>
    %add3A_3498 = arith.addi %add3A_3490, %get3A_3497 : vector<16xi32>
    %swap3A_3499 = arith.constant 16 : index
    %swap3A_3500 = tpu.vector_load %arg8[%swap3A_3499] {strides = array<i32>} : memref<48xi32, #tpu.memory_space<vmem>>, vector<16xi32>,
    %swap3A_3501 = vector.shape_cast %swap3A_3500 : vector<16xi32> to vector<16xi32>
    %swap3A_3502 = vector.shape_cast %add3A_3498 : vector<16xi32> to vector<16xi32>
    tpu.vector_store %arg8[%swap3A_3499], %swap3A_3502 {strides = array<i32>} : memref<48xi32, #tpu.memory_space<vmem>>, vector<16xi32>,
    %get3A_3503 = arith.constant 24 : index
    %get3A_3504 = tpu.vector_load %arg8[%get3A_3503] {strides = array<i32>} : memref<48xi32, #tpu.memory_space<vmem>>, vector<16xi32>,
    %get3A_3505 = vector.shape_cast %get3A_3504 : vector<16xi32> to vector<16xi32>
    %add3A_3506 = arith.addi %add3A_3498, %get3A_3505 : vector<16xi32>
    %add3A_3507 = arith.addi %add3A_3474, %add3A_3506 : vector<16xi32>
    %sub3A_3508 = arith.subi %add3A_3507, %add3A_3442 : vector<16xi32>
    %eq3A_3509 = arith.constant 0 : i32
    %eq3A_3510 = vector.broadcast %eq3A_3509 : i32 to vector<16xi32>
    %eq3A_3511 = arith.cmpi eq, %iota3A, %eq3A_3510 : vector<16xi32>
    %jit3A_3512 = arith.constant 0 : i32
    %broadcast_in_dim3A_3513 = vector.broadcast %jit3A_3512 : i32 to vector<16xi32>
    %select_n3A_3514 = arith.select %eq3A_3511, %sub3A_3508, %broadcast_in_dim3A_3513 : vector<16xi1>, vector<16xi32>
    %add3A_3515 = arith.addi %add3A_3204, %select_n3A_3514 : vector<16xi32>
    %eq3A_3516 = arith.constant 0 : i32
    %eq3A_3517 = vector.broadcast %eq3A_3516 : i32 to vector<16xi32>
    %eq3A_3518 = arith.cmpi eq, %select_n3A_3300, %eq3A_3517 : vector<16xi32>
    %jit3A_3519 = arith.constant 0.000000e+00 : f32
    %broadcast_in_dim3A_3520 = vector.broadcast %jit3A_3519 : f32 to vector<16xf32>
    %select_n3A_3521 = arith.select %eq3A_3518, %mul3A_3424, %broadcast_in_dim3A_3520 : vector<16xi1>, vector<16xf32>
    %eq3A_3522 = arith.constant 0 : i32
    %eq3A_3523 = vector.broadcast %eq3A_3522 : i32 to vector<16xi32>
    %eq3A_3524 = arith.cmpi eq, %select_n3A_3416, %eq3A_3523 : vector<16xi32>
    %jit3A_3525 = arith.constant 0.000000e+00 : f32
    %broadcast_in_dim3A_3526 = vector.broadcast %jit3A_3525 : f32 to vector<16xf32>
    %select_n3A_3527 = arith.select %eq3A_3524, %mul3A_3425, %broadcast_in_dim3A_3526 : vector<16xi1>, vector<16xf32>
    %add3A_3528 = arith.addf %select_n3A_3521, %select_n3A_3527 : vector<16xf32>
    %swap3A_3529 = arith.constant 0 : i32
    %swap3A_3530 = arith.index_cast %swap3A_3529 : i32 to index
    %swap3A_3531 = arith.constant 48 : index
    %swap3A_3532 = tpu.vector_load %arg6[%swap3A_3530, %swap3A_3531] {strides = array<i32>} : memref<8x64xf32, #tpu.memory_space<vmem>>, vector<1x16xf32>,
    %swap3A_3533 = vector.shape_cast %swap3A_3532 : vector<1x16xf32> to vector<16xf32>
    %swap3A_3534 = vector.shape_cast %add3A_3528 : vector<16xf32> to vector<1x16xf32>
    tpu.vector_store %arg6[%swap3A_3530, %swap3A_3531], %swap3A_3534 {strides = array<i32>} : memref<8x64xf32, #tpu.memory_space<vmem>>, vector<1x16xf32>,
    %eq3A_3535 = arith.constant 1 : i32
    %eq3A_3536 = vector.broadcast %eq3A_3535 : i32 to vector<16xi32>
    %eq3A_3537 = arith.cmpi eq, %select_n3A_3300, %eq3A_3536 : vector<16xi32>
    %jit3A_3538 = arith.constant 1 : i32
    %jit3A_3539 = arith.constant 0 : i32
    %broadcast_in_dim3A_3540 = vector.broadcast %jit3A_3538 : i32 to vector<16xi32>
    %broadcast_in_dim3A_3541 = vector.broadcast %jit3A_3539 : i32 to vector<16xi32>
    %select_n3A_3542 = arith.select %eq3A_3537, %broadcast_in_dim3A_3540, %broadcast_in_dim3A_3541 : vector<16xi1>, vector<16xi32>
    %eq3A_3543 = arith.constant 1 : i32
    %eq3A_3544 = vector.broadcast %eq3A_3543 : i32 to vector<16xi32>
    %eq3A_3545 = arith.cmpi eq, %select_n3A_3416, %eq3A_3544 : vector<16xi32>
    %jit3A_3546 = arith.constant 1 : i32
    %jit3A_3547 = arith.constant 0 : i32
    %broadcast_in_dim3A_3548 = vector.broadcast %jit3A_3546 : i32 to vector<16xi32>
    %broadcast_in_dim3A_3549 = vector.broadcast %jit3A_3547 : i32 to vector<16xi32>
    %select_n3A_3550 = arith.select %eq3A_3545, %broadcast_in_dim3A_3548, %broadcast_in_dim3A_3549 : vector<16xi1>, vector<16xi32>
    %add3A_3551 = arith.addi %select_n3A_3542, %select_n3A_3550 : vector<16xi32>
    %swap3A_3552 = arith.constant 16 : index
    %swap3A_3553 = tpu.vector_load %arg8[%swap3A_3552] {strides = array<i32>} : memref<48xi32, #tpu.memory_space<vmem>>, vector<16xi32>,
    %swap3A_3554 = vector.shape_cast %swap3A_3553 : vector<16xi32> to vector<16xi32>
    %swap3A_3555 = vector.shape_cast %add3A_3551 : vector<16xi32> to vector<16xi32>
    tpu.vector_store %arg8[%swap3A_3552], %swap3A_3555 {strides = array<i32>} : memref<48xi32, #tpu.memory_space<vmem>>, vector<16xi32>,
    %get3A_3556 = arith.constant 15 : index
    %get3A_3557 = tpu.vector_load %arg8[%get3A_3556] {strides = array<i32>} : memref<48xi32, #tpu.memory_space<vmem>>, vector<16xi32>,
    %get3A_3558 = vector.shape_cast %get3A_3557 : vector<16xi32> to vector<16xi32>
    %add3A_3559 = arith.addi %add3A_3551, %get3A_3558 : vector<16xi32>
    %swap3A_3560 = arith.constant 16 : index
    %swap3A_3561 = tpu.vector_load %arg8[%swap3A_3560] {strides = array<i32>} : memref<48xi32, #tpu.memory_space<vmem>>, vector<16xi32>,
    %swap3A_3562 = vector.shape_cast %swap3A_3561 : vector<16xi32> to vector<16xi32>
    %swap3A_3563 = vector.shape_cast %add3A_3559 : vector<16xi32> to vector<16xi32>
    tpu.vector_store %arg8[%swap3A_3560], %swap3A_3563 {strides = array<i32>} : memref<48xi32, #tpu.memory_space<vmem>>, vector<16xi32>,
    %get3A_3564 = arith.constant 14 : index
    %get3A_3565 = tpu.vector_load %arg8[%get3A_3564] {strides = array<i32>} : memref<48xi32, #tpu.memory_space<vmem>>, vector<16xi32>,
    %get3A_3566 = vector.shape_cast %get3A_3565 : vector<16xi32> to vector<16xi32>
    %add3A_3567 = arith.addi %add3A_3559, %get3A_3566 : vector<16xi32>
    %swap3A_3568 = arith.constant 16 : index
    %swap3A_3569 = tpu.vector_load %arg8[%swap3A_3568] {strides = array<i32>} : memref<48xi32, #tpu.memory_space<vmem>>, vector<16xi32>,
    %swap3A_3570 = vector.shape_cast %swap3A_3569 : vector<16xi32> to vector<16xi32>
    %swap3A_3571 = vector.shape_cast %add3A_3567 : vector<16xi32> to vector<16xi32>
    tpu.vector_store %arg8[%swap3A_3568], %swap3A_3571 {strides = array<i32>} : memref<48xi32, #tpu.memory_space<vmem>>, vector<16xi32>,
    %get3A_3572 = arith.constant 12 : index
    %get3A_3573 = tpu.vector_load %arg8[%get3A_3572] {strides = array<i32>} : memref<48xi32, #tpu.memory_space<vmem>>, vector<16xi32>,
    %get3A_3574 = vector.shape_cast %get3A_3573 : vector<16xi32> to vector<16xi32>
    %add3A_3575 = arith.addi %add3A_3567, %get3A_3574 : vector<16xi32>
    %swap3A_3576 = arith.constant 16 : index
    %swap3A_3577 = tpu.vector_load %arg8[%swap3A_3576] {strides = array<i32>} : memref<48xi32, #tpu.memory_space<vmem>>, vector<16xi32>,
    %swap3A_3578 = vector.shape_cast %swap3A_3577 : vector<16xi32> to vector<16xi32>
    %swap3A_3579 = vector.shape_cast %add3A_3575 : vector<16xi32> to vector<16xi32>
    tpu.vector_store %arg8[%swap3A_3576], %swap3A_3579 {strides = array<i32>} : memref<48xi32, #tpu.memory_space<vmem>>, vector<16xi32>,
    %get3A_3580 = arith.constant 8 : index
    %get3A_3581 = tpu.vector_load %arg8[%get3A_3580] {strides = array<i32>} : memref<48xi32, #tpu.memory_space<vmem>>, vector<16xi32>,
    %get3A_3582 = vector.shape_cast %get3A_3581 : vector<16xi32> to vector<16xi32>
    %add3A_3583 = arith.addi %add3A_3575, %get3A_3582 : vector<16xi32>
    %swap3A_3584 = arith.constant 16 : index
    %swap3A_3585 = tpu.vector_load %arg8[%swap3A_3584] {strides = array<i32>} : memref<48xi32, #tpu.memory_space<vmem>>, vector<16xi32>,
    %swap3A_3586 = vector.shape_cast %swap3A_3585 : vector<16xi32> to vector<16xi32>
    %swap3A_3587 = vector.shape_cast %add3A_3551 : vector<16xi32> to vector<16xi32>
    tpu.vector_store %arg8[%swap3A_3584], %swap3A_3587 {strides = array<i32>} : memref<48xi32, #tpu.memory_space<vmem>>, vector<16xi32>,
    %get3A_3588 = arith.constant 17 : index
    %get3A_3589 = tpu.vector_load %arg8[%get3A_3588] {strides = array<i32>} : memref<48xi32, #tpu.memory_space<vmem>>, vector<16xi32>,
    %get3A_3590 = vector.shape_cast %get3A_3589 : vector<16xi32> to vector<16xi32>
    %add3A_3591 = arith.addi %add3A_3551, %get3A_3590 : vector<16xi32>
    %swap3A_3592 = arith.constant 16 : index
    %swap3A_3593 = tpu.vector_load %arg8[%swap3A_3592] {strides = array<i32>} : memref<48xi32, #tpu.memory_space<vmem>>, vector<16xi32>,
    %swap3A_3594 = vector.shape_cast %swap3A_3593 : vector<16xi32> to vector<16xi32>
    %swap3A_3595 = vector.shape_cast %add3A_3591 : vector<16xi32> to vector<16xi32>
    tpu.vector_store %arg8[%swap3A_3592], %swap3A_3595 {strides = array<i32>} : memref<48xi32, #tpu.memory_space<vmem>>, vector<16xi32>,
    %get3A_3596 = arith.constant 18 : index
    %get3A_3597 = tpu.vector_load %arg8[%get3A_3596] {strides = array<i32>} : memref<48xi32, #tpu.memory_space<vmem>>, vector<16xi32>,
    %get3A_3598 = vector.shape_cast %get3A_3597 : vector<16xi32> to vector<16xi32>
    %add3A_3599 = arith.addi %add3A_3591, %get3A_3598 : vector<16xi32>
    %swap3A_3600 = arith.constant 16 : index
    %swap3A_3601 = tpu.vector_load %arg8[%swap3A_3600] {strides = array<i32>} : memref<48xi32, #tpu.memory_space<vmem>>, vector<16xi32>,
    %swap3A_3602 = vector.shape_cast %swap3A_3601 : vector<16xi32> to vector<16xi32>
    %swap3A_3603 = vector.shape_cast %add3A_3599 : vector<16xi32> to vector<16xi32>
    tpu.vector_store %arg8[%swap3A_3600], %swap3A_3603 {strides = array<i32>} : memref<48xi32, #tpu.memory_space<vmem>>, vector<16xi32>,
    %get3A_3604 = arith.constant 20 : index
    %get3A_3605 = tpu.vector_load %arg8[%get3A_3604] {strides = array<i32>} : memref<48xi32, #tpu.memory_space<vmem>>, vector<16xi32>,
    %get3A_3606 = vector.shape_cast %get3A_3605 : vector<16xi32> to vector<16xi32>
    %add3A_3607 = arith.addi %add3A_3599, %get3A_3606 : vector<16xi32>
    %swap3A_3608 = arith.constant 16 : index
    %swap3A_3609 = tpu.vector_load %arg8[%swap3A_3608] {strides = array<i32>} : memref<48xi32, #tpu.memory_space<vmem>>, vector<16xi32>,
    %swap3A_3610 = vector.shape_cast %swap3A_3609 : vector<16xi32> to vector<16xi32>
    %swap3A_3611 = vector.shape_cast %add3A_3607 : vector<16xi32> to vector<16xi32>
    tpu.vector_store %arg8[%swap3A_3608], %swap3A_3611 {strides = array<i32>} : memref<48xi32, #tpu.memory_space<vmem>>, vector<16xi32>,
    %get3A_3612 = arith.constant 24 : index
    %get3A_3613 = tpu.vector_load %arg8[%get3A_3612] {strides = array<i32>} : memref<48xi32, #tpu.memory_space<vmem>>, vector<16xi32>,
    %get3A_3614 = vector.shape_cast %get3A_3613 : vector<16xi32> to vector<16xi32>
    %add3A_3615 = arith.addi %add3A_3607, %get3A_3614 : vector<16xi32>
    %add3A_3616 = arith.addi %add3A_3583, %add3A_3615 : vector<16xi32>
    %sub3A_3617 = arith.subi %add3A_3616, %add3A_3551 : vector<16xi32>
    %eq3A_3618 = arith.constant 1 : i32
    %eq3A_3619 = vector.broadcast %eq3A_3618 : i32 to vector<16xi32>
    %eq3A_3620 = arith.cmpi eq, %iota3A, %eq3A_3619 : vector<16xi32>
    %jit3A_3621 = arith.constant 0 : i32
    %broadcast_in_dim3A_3622 = vector.broadcast %jit3A_3621 : i32 to vector<16xi32>
    %select_n3A_3623 = arith.select %eq3A_3620, %sub3A_3617, %broadcast_in_dim3A_3622 : vector<16xi1>, vector<16xi32>
    %add3A_3624 = arith.addi %add3A_3515, %select_n3A_3623 : vector<16xi32>
    %eq3A_3625 = arith.constant 1 : i32
    %eq3A_3626 = vector.broadcast %eq3A_3625 : i32 to vector<16xi32>
    %eq3A_3627 = arith.cmpi eq, %select_n3A_3300, %eq3A_3626 : vector<16xi32>
    %jit3A_3628 = arith.constant 0.000000e+00 : f32
    %broadcast_in_dim3A_3629 = vector.broadcast %jit3A_3628 : f32 to vector<16xf32>
    %select_n3A_3630 = arith.select %eq3A_3627, %mul3A_3424, %broadcast_in_dim3A_3629 : vector<16xi1>, vector<16xf32>
    %eq3A_3631 = arith.constant 1 : i32
    %eq3A_3632 = vector.broadcast %eq3A_3631 : i32 to vector<16xi32>
    %eq3A_3633 = arith.cmpi eq, %select_n3A_3416, %eq3A_3632 : vector<16xi32>
    %jit3A_3634 = arith.constant 0.000000e+00 : f32
    %broadcast_in_dim3A_3635 = vector.broadcast %jit3A_3634 : f32 to vector<16xf32>
    %select_n3A_3636 = arith.select %eq3A_3633, %mul3A_3425, %broadcast_in_dim3A_3635 : vector<16xi1>, vector<16xf32>
    %add3A_3637 = arith.addf %select_n3A_3630, %select_n3A_3636 : vector<16xf32>
    %swap3A_3638 = arith.constant 1 : i32
    %swap3A_3639 = arith.index_cast %swap3A_3638 : i32 to index
    %swap3A_3640 = arith.constant 48 : index
    %swap3A_3641 = tpu.vector_load %arg6[%swap3A_3639, %swap3A_3640] {strides = array<i32>} : memref<8x64xf32, #tpu.memory_space<vmem>>, vector<1x16xf32>,
    %swap3A_3642 = vector.shape_cast %swap3A_3641 : vector<1x16xf32> to vector<16xf32>
    %swap3A_3643 = vector.shape_cast %add3A_3637 : vector<16xf32> to vector<1x16xf32>
    tpu.vector_store %arg6[%swap3A_3639, %swap3A_3640], %swap3A_3643 {strides = array<i32>} : memref<8x64xf32, #tpu.memory_space<vmem>>, vector<1x16xf32>,
    %eq3A_3644 = arith.constant 2 : i32
    %eq3A_3645 = vector.broadcast %eq3A_3644 : i32 to vector<16xi32>
    %eq3A_3646 = arith.cmpi eq, %select_n3A_3300, %eq3A_3645 : vector<16xi32>
    %jit3A_3647 = arith.constant 1 : i32
    %jit3A_3648 = arith.constant 0 : i32
    %broadcast_in_dim3A_3649 = vector.broadcast %jit3A_3647 : i32 to vector<16xi32>
    %broadcast_in_dim3A_3650 = vector.broadcast %jit3A_3648 : i32 to vector<16xi32>
    %select_n3A_3651 = arith.select %eq3A_3646, %broadcast_in_dim3A_3649, %broadcast_in_dim3A_3650 : vector<16xi1>, vector<16xi32>
    %eq3A_3652 = arith.constant 2 : i32
    %eq3A_3653 = vector.broadcast %eq3A_3652 : i32 to vector<16xi32>
    %eq3A_3654 = arith.cmpi eq, %select_n3A_3416, %eq3A_3653 : vector<16xi32>
    %jit3A_3655 = arith.constant 1 : i32
    %jit3A_3656 = arith.constant 0 : i32
    %broadcast_in_dim3A_3657 = vector.broadcast %jit3A_3655 : i32 to vector<16xi32>
    %broadcast_in_dim3A_3658 = vector.broadcast %jit3A_3656 : i32 to vector<16xi32>
    %select_n3A_3659 = arith.select %eq3A_3654, %broadcast_in_dim3A_3657, %broadcast_in_dim3A_3658 : vector<16xi1>, vector<16xi32>
    %add3A_3660 = arith.addi %select_n3A_3651, %select_n3A_3659 : vector<16xi32>
    %swap3A_3661 = arith.constant 16 : index
    %swap3A_3662 = tpu.vector_load %arg8[%swap3A_3661] {strides = array<i32>} : memref<48xi32, #tpu.memory_space<vmem>>, vector<16xi32>,
    %swap3A_3663 = vector.shape_cast %swap3A_3662 : vector<16xi32> to vector<16xi32>
    %swap3A_3664 = vector.shape_cast %add3A_3660 : vector<16xi32> to vector<16xi32>
    tpu.vector_store %arg8[%swap3A_3661], %swap3A_3664 {strides = array<i32>} : memref<48xi32, #tpu.memory_space<vmem>>, vector<16xi32>,
    %get3A_3665 = arith.constant 15 : index
    %get3A_3666 = tpu.vector_load %arg8[%get3A_3665] {strides = array<i32>} : memref<48xi32, #tpu.memory_space<vmem>>, vector<16xi32>,
    %get3A_3667 = vector.shape_cast %get3A_3666 : vector<16xi32> to vector<16xi32>
    %add3A_3668 = arith.addi %add3A_3660, %get3A_3667 : vector<16xi32>
    %swap3A_3669 = arith.constant 16 : index
    %swap3A_3670 = tpu.vector_load %arg8[%swap3A_3669] {strides = array<i32>} : memref<48xi32, #tpu.memory_space<vmem>>, vector<16xi32>,
    %swap3A_3671 = vector.shape_cast %swap3A_3670 : vector<16xi32> to vector<16xi32>
    %swap3A_3672 = vector.shape_cast %add3A_3668 : vector<16xi32> to vector<16xi32>
    tpu.vector_store %arg8[%swap3A_3669], %swap3A_3672 {strides = array<i32>} : memref<48xi32, #tpu.memory_space<vmem>>, vector<16xi32>,
    %get3A_3673 = arith.constant 14 : index
    %get3A_3674 = tpu.vector_load %arg8[%get3A_3673] {strides = array<i32>} : memref<48xi32, #tpu.memory_space<vmem>>, vector<16xi32>,
    %get3A_3675 = vector.shape_cast %get3A_3674 : vector<16xi32> to vector<16xi32>
    %add3A_3676 = arith.addi %add3A_3668, %get3A_3675 : vector<16xi32>
    %swap3A_3677 = arith.constant 16 : index
    %swap3A_3678 = tpu.vector_load %arg8[%swap3A_3677] {strides = array<i32>} : memref<48xi32, #tpu.memory_space<vmem>>, vector<16xi32>,
    %swap3A_3679 = vector.shape_cast %swap3A_3678 : vector<16xi32> to vector<16xi32>
    %swap3A_3680 = vector.shape_cast %add3A_3676 : vector<16xi32> to vector<16xi32>
    tpu.vector_store %arg8[%swap3A_3677], %swap3A_3680 {strides = array<i32>} : memref<48xi32, #tpu.memory_space<vmem>>, vector<16xi32>,
    %get3A_3681 = arith.constant 12 : index
    %get3A_3682 = tpu.vector_load %arg8[%get3A_3681] {strides = array<i32>} : memref<48xi32, #tpu.memory_space<vmem>>, vector<16xi32>,
    %get3A_3683 = vector.shape_cast %get3A_3682 : vector<16xi32> to vector<16xi32>
    %add3A_3684 = arith.addi %add3A_3676, %get3A_3683 : vector<16xi32>
    %swap3A_3685 = arith.constant 16 : index
    %swap3A_3686 = tpu.vector_load %arg8[%swap3A_3685] {strides = array<i32>} : memref<48xi32, #tpu.memory_space<vmem>>, vector<16xi32>,
    %swap3A_3687 = vector.shape_cast %swap3A_3686 : vector<16xi32> to vector<16xi32>
    %swap3A_3688 = vector.shape_cast %add3A_3684 : vector<16xi32> to vector<16xi32>
    tpu.vector_store %arg8[%swap3A_3685], %swap3A_3688 {strides = array<i32>} : memref<48xi32, #tpu.memory_space<vmem>>, vector<16xi32>,
    %get3A_3689 = arith.constant 8 : index
    %get3A_3690 = tpu.vector_load %arg8[%get3A_3689] {strides = array<i32>} : memref<48xi32, #tpu.memory_space<vmem>>, vector<16xi32>,
    %get3A_3691 = vector.shape_cast %get3A_3690 : vector<16xi32> to vector<16xi32>
    %add3A_3692 = arith.addi %add3A_3684, %get3A_3691 : vector<16xi32>
    %swap3A_3693 = arith.constant 16 : index
    %swap3A_3694 = tpu.vector_load %arg8[%swap3A_3693] {strides = array<i32>} : memref<48xi32, #tpu.memory_space<vmem>>, vector<16xi32>,
    %swap3A_3695 = vector.shape_cast %swap3A_3694 : vector<16xi32> to vector<16xi32>
    %swap3A_3696 = vector.shape_cast %add3A_3660 : vector<16xi32> to vector<16xi32>
    tpu.vector_store %arg8[%swap3A_3693], %swap3A_3696 {strides = array<i32>} : memref<48xi32, #tpu.memory_space<vmem>>, vector<16xi32>,
    %get3A_3697 = arith.constant 17 : index
    %get3A_3698 = tpu.vector_load %arg8[%get3A_3697] {strides = array<i32>} : memref<48xi32, #tpu.memory_space<vmem>>, vector<16xi32>,
    %get3A_3699 = vector.shape_cast %get3A_3698 : vector<16xi32> to vector<16xi32>
    %add3A_3700 = arith.addi %add3A_3660, %get3A_3699 : vector<16xi32>
    %swap3A_3701 = arith.constant 16 : index
    %swap3A_3702 = tpu.vector_load %arg8[%swap3A_3701] {strides = array<i32>} : memref<48xi32, #tpu.memory_space<vmem>>, vector<16xi32>,
    %swap3A_3703 = vector.shape_cast %swap3A_3702 : vector<16xi32> to vector<16xi32>
    %swap3A_3704 = vector.shape_cast %add3A_3700 : vector<16xi32> to vector<16xi32>
    tpu.vector_store %arg8[%swap3A_3701], %swap3A_3704 {strides = array<i32>} : memref<48xi32, #tpu.memory_space<vmem>>, vector<16xi32>,
    %get3A_3705 = arith.constant 18 : index
    %get3A_3706 = tpu.vector_load %arg8[%get3A_3705] {strides = array<i32>} : memref<48xi32, #tpu.memory_space<vmem>>, vector<16xi32>,
    %get3A_3707 = vector.shape_cast %get3A_3706 : vector<16xi32> to vector<16xi32>
    %add3A_3708 = arith.addi %add3A_3700, %get3A_3707 : vector<16xi32>
    %swap3A_3709 = arith.constant 16 : index
    %swap3A_3710 = tpu.vector_load %arg8[%swap3A_3709] {strides = array<i32>} : memref<48xi32, #tpu.memory_space<vmem>>, vector<16xi32>,
    %swap3A_3711 = vector.shape_cast %swap3A_3710 : vector<16xi32> to vector<16xi32>
    %swap3A_3712 = vector.shape_cast %add3A_3708 : vector<16xi32> to vector<16xi32>
    tpu.vector_store %arg8[%swap3A_3709], %swap3A_3712 {strides = array<i32>} : memref<48xi32, #tpu.memory_space<vmem>>, vector<16xi32>,
    %get3A_3713 = arith.constant 20 : index
    %get3A_3714 = tpu.vector_load %arg8[%get3A_3713] {strides = array<i32>} : memref<48xi32, #tpu.memory_space<vmem>>, vector<16xi32>,
    %get3A_3715 = vector.shape_cast %get3A_3714 : vector<16xi32> to vector<16xi32>
    %add3A_3716 = arith.addi %add3A_3708, %get3A_3715 : vector<16xi32>
    %swap3A_3717 = arith.constant 16 : index
    %swap3A_3718 = tpu.vector_load %arg8[%swap3A_3717] {strides = array<i32>} : memref<48xi32, #tpu.memory_space<vmem>>, vector<16xi32>,
    %swap3A_3719 = vector.shape_cast %swap3A_3718 : vector<16xi32> to vector<16xi32>
    %swap3A_3720 = vector.shape_cast %add3A_3716 : vector<16xi32> to vector<16xi32>
    tpu.vector_store %arg8[%swap3A_3717], %swap3A_3720 {strides = array<i32>} : memref<48xi32, #tpu.memory_space<vmem>>, vector<16xi32>,
    %get3A_3721 = arith.constant 24 : index
    %get3A_3722 = tpu.vector_load %arg8[%get3A_3721] {strides = array<i32>} : memref<48xi32, #tpu.memory_space<vmem>>, vector<16xi32>,
    %get3A_3723 = vector.shape_cast %get3A_3722 : vector<16xi32> to vector<16xi32>
    %add3A_3724 = arith.addi %add3A_3716, %get3A_3723 : vector<16xi32>
    %add3A_3725 = arith.addi %add3A_3692, %add3A_3724 : vector<16xi32>
    %sub3A_3726 = arith.subi %add3A_3725, %add3A_3660 : vector<16xi32>
    %eq3A_3727 = arith.constant 2 : i32
    %eq3A_3728 = vector.broadcast %eq3A_3727 : i32 to vector<16xi32>
    %eq3A_3729 = arith.cmpi eq, %iota3A, %eq3A_3728 : vector<16xi32>
    %jit3A_3730 = arith.constant 0 : i32
    %broadcast_in_dim3A_3731 = vector.broadcast %jit3A_3730 : i32 to vector<16xi32>
    %select_n3A_3732 = arith.select %eq3A_3729, %sub3A_3726, %broadcast_in_dim3A_3731 : vector<16xi1>, vector<16xi32>
    %add3A_3733 = arith.addi %add3A_3624, %select_n3A_3732 : vector<16xi32>
    %eq3A_3734 = arith.constant 2 : i32
    %eq3A_3735 = vector.broadcast %eq3A_3734 : i32 to vector<16xi32>
    %eq3A_3736 = arith.cmpi eq, %select_n3A_3300, %eq3A_3735 : vector<16xi32>
    %jit3A_3737 = arith.constant 0.000000e+00 : f32
    %broadcast_in_dim3A_3738 = vector.broadcast %jit3A_3737 : f32 to vector<16xf32>
    %select_n3A_3739 = arith.select %eq3A_3736, %mul3A_3424, %broadcast_in_dim3A_3738 : vector<16xi1>, vector<16xf32>
    %eq3A_3740 = arith.constant 2 : i32
    %eq3A_3741 = vector.broadcast %eq3A_3740 : i32 to vector<16xi32>
    %eq3A_3742 = arith.cmpi eq, %select_n3A_3416, %eq3A_3741 : vector<16xi32>
    %jit3A_3743 = arith.constant 0.000000e+00 : f32
    %broadcast_in_dim3A_3744 = vector.broadcast %jit3A_3743 : f32 to vector<16xf32>
    %select_n3A_3745 = arith.select %eq3A_3742, %mul3A_3425, %broadcast_in_dim3A_3744 : vector<16xi1>, vector<16xf32>
    %add3A_3746 = arith.addf %select_n3A_3739, %select_n3A_3745 : vector<16xf32>
    %swap3A_3747 = arith.constant 2 : i32
    %swap3A_3748 = arith.index_cast %swap3A_3747 : i32 to index
    %swap3A_3749 = arith.constant 48 : index
    %swap3A_3750 = tpu.vector_load %arg6[%swap3A_3748, %swap3A_3749] {strides = array<i32>} : memref<8x64xf32, #tpu.memory_space<vmem>>, vector<1x16xf32>,
    %swap3A_3751 = vector.shape_cast %swap3A_3750 : vector<1x16xf32> to vector<16xf32>
    %swap3A_3752 = vector.shape_cast %add3A_3746 : vector<16xf32> to vector<1x16xf32>
    tpu.vector_store %arg6[%swap3A_3748, %swap3A_3749], %swap3A_3752 {strides = array<i32>} : memref<8x64xf32, #tpu.memory_space<vmem>>, vector<1x16xf32>,
    %eq3A_3753 = arith.constant 3 : i32
    %eq3A_3754 = vector.broadcast %eq3A_3753 : i32 to vector<16xi32>
    %eq3A_3755 = arith.cmpi eq, %select_n3A_3300, %eq3A_3754 : vector<16xi32>
    %jit3A_3756 = arith.constant 1 : i32
    %jit3A_3757 = arith.constant 0 : i32
    %broadcast_in_dim3A_3758 = vector.broadcast %jit3A_3756 : i32 to vector<16xi32>
    %broadcast_in_dim3A_3759 = vector.broadcast %jit3A_3757 : i32 to vector<16xi32>
    %select_n3A_3760 = arith.select %eq3A_3755, %broadcast_in_dim3A_3758, %broadcast_in_dim3A_3759 : vector<16xi1>, vector<16xi32>
    %eq3A_3761 = arith.constant 3 : i32
    %eq3A_3762 = vector.broadcast %eq3A_3761 : i32 to vector<16xi32>
    %eq3A_3763 = arith.cmpi eq, %select_n3A_3416, %eq3A_3762 : vector<16xi32>
    %jit3A_3764 = arith.constant 1 : i32
    %jit3A_3765 = arith.constant 0 : i32
    %broadcast_in_dim3A_3766 = vector.broadcast %jit3A_3764 : i32 to vector<16xi32>
    %broadcast_in_dim3A_3767 = vector.broadcast %jit3A_3765 : i32 to vector<16xi32>
    %select_n3A_3768 = arith.select %eq3A_3763, %broadcast_in_dim3A_3766, %broadcast_in_dim3A_3767 : vector<16xi1>, vector<16xi32>
    %add3A_3769 = arith.addi %select_n3A_3760, %select_n3A_3768 : vector<16xi32>
    %swap3A_3770 = arith.constant 16 : index
    %swap3A_3771 = tpu.vector_load %arg8[%swap3A_3770] {strides = array<i32>} : memref<48xi32, #tpu.memory_space<vmem>>, vector<16xi32>,
    %swap3A_3772 = vector.shape_cast %swap3A_3771 : vector<16xi32> to vector<16xi32>
    %swap3A_3773 = vector.shape_cast %add3A_3769 : vector<16xi32> to vector<16xi32>
    tpu.vector_store %arg8[%swap3A_3770], %swap3A_3773 {strides = array<i32>} : memref<48xi32, #tpu.memory_space<vmem>>, vector<16xi32>,
    %get3A_3774 = arith.constant 15 : index
    %get3A_3775 = tpu.vector_load %arg8[%get3A_3774] {strides = array<i32>} : memref<48xi32, #tpu.memory_space<vmem>>, vector<16xi32>,
    %get3A_3776 = vector.shape_cast %get3A_3775 : vector<16xi32> to vector<16xi32>
    %add3A_3777 = arith.addi %add3A_3769, %get3A_3776 : vector<16xi32>
    %swap3A_3778 = arith.constant 16 : index
    %swap3A_3779 = tpu.vector_load %arg8[%swap3A_3778] {strides = array<i32>} : memref<48xi32, #tpu.memory_space<vmem>>, vector<16xi32>,
    %swap3A_3780 = vector.shape_cast %swap3A_3779 : vector<16xi32> to vector<16xi32>
    %swap3A_3781 = vector.shape_cast %add3A_3777 : vector<16xi32> to vector<16xi32>
    tpu.vector_store %arg8[%swap3A_3778], %swap3A_3781 {strides = array<i32>} : memref<48xi32, #tpu.memory_space<vmem>>, vector<16xi32>,
    %get3A_3782 = arith.constant 14 : index
    %get3A_3783 = tpu.vector_load %arg8[%get3A_3782] {strides = array<i32>} : memref<48xi32, #tpu.memory_space<vmem>>, vector<16xi32>,
    %get3A_3784 = vector.shape_cast %get3A_3783 : vector<16xi32> to vector<16xi32>
    %add3A_3785 = arith.addi %add3A_3777, %get3A_3784 : vector<16xi32>
    %swap3A_3786 = arith.constant 16 : index
    %swap3A_3787 = tpu.vector_load %arg8[%swap3A_3786] {strides = array<i32>} : memref<48xi32, #tpu.memory_space<vmem>>, vector<16xi32>,
    %swap3A_3788 = vector.shape_cast %swap3A_3787 : vector<16xi32> to vector<16xi32>
    %swap3A_3789 = vector.shape_cast %add3A_3785 : vector<16xi32> to vector<16xi32>
    tpu.vector_store %arg8[%swap3A_3786], %swap3A_3789 {strides = array<i32>} : memref<48xi32, #tpu.memory_space<vmem>>, vector<16xi32>,
    %get3A_3790 = arith.constant 12 : index
    %get3A_3791 = tpu.vector_load %arg8[%get3A_3790] {strides = array<i32>} : memref<48xi32, #tpu.memory_space<vmem>>, vector<16xi32>,
    %get3A_3792 = vector.shape_cast %get3A_3791 : vector<16xi32> to vector<16xi32>
    %add3A_3793 = arith.addi %add3A_3785, %get3A_3792 : vector<16xi32>
    %swap3A_3794 = arith.constant 16 : index
    %swap3A_3795 = tpu.vector_load %arg8[%swap3A_3794] {strides = array<i32>} : memref<48xi32, #tpu.memory_space<vmem>>, vector<16xi32>,
    %swap3A_3796 = vector.shape_cast %swap3A_3795 : vector<16xi32> to vector<16xi32>
    %swap3A_3797 = vector.shape_cast %add3A_3793 : vector<16xi32> to vector<16xi32>
    tpu.vector_store %arg8[%swap3A_3794], %swap3A_3797 {strides = array<i32>} : memref<48xi32, #tpu.memory_space<vmem>>, vector<16xi32>,
    %get3A_3798 = arith.constant 8 : index
    %get3A_3799 = tpu.vector_load %arg8[%get3A_3798] {strides = array<i32>} : memref<48xi32, #tpu.memory_space<vmem>>, vector<16xi32>,
    %get3A_3800 = vector.shape_cast %get3A_3799 : vector<16xi32> to vector<16xi32>
    %add3A_3801 = arith.addi %add3A_3793, %get3A_3800 : vector<16xi32>
    %swap3A_3802 = arith.constant 16 : index
    %swap3A_3803 = tpu.vector_load %arg8[%swap3A_3802] {strides = array<i32>} : memref<48xi32, #tpu.memory_space<vmem>>, vector<16xi32>,
    %swap3A_3804 = vector.shape_cast %swap3A_3803 : vector<16xi32> to vector<16xi32>
    %swap3A_3805 = vector.shape_cast %add3A_3769 : vector<16xi32> to vector<16xi32>
    tpu.vector_store %arg8[%swap3A_3802], %swap3A_3805 {strides = array<i32>} : memref<48xi32, #tpu.memory_space<vmem>>, vector<16xi32>,
    %get3A_3806 = arith.constant 17 : index
    %get3A_3807 = tpu.vector_load %arg8[%get3A_3806] {strides = array<i32>} : memref<48xi32, #tpu.memory_space<vmem>>, vector<16xi32>,
    %get3A_3808 = vector.shape_cast %get3A_3807 : vector<16xi32> to vector<16xi32>
    %add3A_3809 = arith.addi %add3A_3769, %get3A_3808 : vector<16xi32>
    %swap3A_3810 = arith.constant 16 : index
    %swap3A_3811 = tpu.vector_load %arg8[%swap3A_3810] {strides = array<i32>} : memref<48xi32, #tpu.memory_space<vmem>>, vector<16xi32>,
    %swap3A_3812 = vector.shape_cast %swap3A_3811 : vector<16xi32> to vector<16xi32>
    %swap3A_3813 = vector.shape_cast %add3A_3809 : vector<16xi32> to vector<16xi32>
    tpu.vector_store %arg8[%swap3A_3810], %swap3A_3813 {strides = array<i32>} : memref<48xi32, #tpu.memory_space<vmem>>, vector<16xi32>,
    %get3A_3814 = arith.constant 18 : index
    %get3A_3815 = tpu.vector_load %arg8[%get3A_3814] {strides = array<i32>} : memref<48xi32, #tpu.memory_space<vmem>>, vector<16xi32>,
    %get3A_3816 = vector.shape_cast %get3A_3815 : vector<16xi32> to vector<16xi32>
    %add3A_3817 = arith.addi %add3A_3809, %get3A_3816 : vector<16xi32>
    %swap3A_3818 = arith.constant 16 : index
    %swap3A_3819 = tpu.vector_load %arg8[%swap3A_3818] {strides = array<i32>} : memref<48xi32, #tpu.memory_space<vmem>>, vector<16xi32>,
    %swap3A_3820 = vector.shape_cast %swap3A_3819 : vector<16xi32> to vector<16xi32>
    %swap3A_3821 = vector.shape_cast %add3A_3817 : vector<16xi32> to vector<16xi32>
    tpu.vector_store %arg8[%swap3A_3818], %swap3A_3821 {strides = array<i32>} : memref<48xi32, #tpu.memory_space<vmem>>, vector<16xi32>,
    %get3A_3822 = arith.constant 20 : index
    %get3A_3823 = tpu.vector_load %arg8[%get3A_3822] {strides = array<i32>} : memref<48xi32, #tpu.memory_space<vmem>>, vector<16xi32>,
    %get3A_3824 = vector.shape_cast %get3A_3823 : vector<16xi32> to vector<16xi32>
    %add3A_3825 = arith.addi %add3A_3817, %get3A_3824 : vector<16xi32>
    %swap3A_3826 = arith.constant 16 : index
    %swap3A_3827 = tpu.vector_load %arg8[%swap3A_3826] {strides = array<i32>} : memref<48xi32, #tpu.memory_space<vmem>>, vector<16xi32>,
    %swap3A_3828 = vector.shape_cast %swap3A_3827 : vector<16xi32> to vector<16xi32>
    %swap3A_3829 = vector.shape_cast %add3A_3825 : vector<16xi32> to vector<16xi32>
    tpu.vector_store %arg8[%swap3A_3826], %swap3A_3829 {strides = array<i32>} : memref<48xi32, #tpu.memory_space<vmem>>, vector<16xi32>,
    %get3A_3830 = arith.constant 24 : index
    %get3A_3831 = tpu.vector_load %arg8[%get3A_3830] {strides = array<i32>} : memref<48xi32, #tpu.memory_space<vmem>>, vector<16xi32>,
    %get3A_3832 = vector.shape_cast %get3A_3831 : vector<16xi32> to vector<16xi32>
    %add3A_3833 = arith.addi %add3A_3825, %get3A_3832 : vector<16xi32>
    %add3A_3834 = arith.addi %add3A_3801, %add3A_3833 : vector<16xi32>
    %sub3A_3835 = arith.subi %add3A_3834, %add3A_3769 : vector<16xi32>
    %eq3A_3836 = arith.constant 3 : i32
    %eq3A_3837 = vector.broadcast %eq3A_3836 : i32 to vector<16xi32>
    %eq3A_3838 = arith.cmpi eq, %iota3A, %eq3A_3837 : vector<16xi32>
    %jit3A_3839 = arith.constant 0 : i32
    %broadcast_in_dim3A_3840 = vector.broadcast %jit3A_3839 : i32 to vector<16xi32>
    %select_n3A_3841 = arith.select %eq3A_3838, %sub3A_3835, %broadcast_in_dim3A_3840 : vector<16xi1>, vector<16xi32>
    %add3A_3842 = arith.addi %add3A_3733, %select_n3A_3841 : vector<16xi32>
    %eq3A_3843 = arith.constant 3 : i32
    %eq3A_3844 = vector.broadcast %eq3A_3843 : i32 to vector<16xi32>
    %eq3A_3845 = arith.cmpi eq, %select_n3A_3300, %eq3A_3844 : vector<16xi32>
    %jit3A_3846 = arith.constant 0.000000e+00 : f32
    %broadcast_in_dim3A_3847 = vector.broadcast %jit3A_3846 : f32 to vector<16xf32>
    %select_n3A_3848 = arith.select %eq3A_3845, %mul3A_3424, %broadcast_in_dim3A_3847 : vector<16xi1>, vector<16xf32>
    %eq3A_3849 = arith.constant 3 : i32
    %eq3A_3850 = vector.broadcast %eq3A_3849 : i32 to vector<16xi32>
    %eq3A_3851 = arith.cmpi eq, %select_n3A_3416, %eq3A_3850 : vector<16xi32>
    %jit3A_3852 = arith.constant 0.000000e+00 : f32
    %broadcast_in_dim3A_3853 = vector.broadcast %jit3A_3852 : f32 to vector<16xf32>
    %select_n3A_3854 = arith.select %eq3A_3851, %mul3A_3425, %broadcast_in_dim3A_3853 : vector<16xi1>, vector<16xf32>
    %add3A_3855 = arith.addf %select_n3A_3848, %select_n3A_3854 : vector<16xf32>
    %swap3A_3856 = arith.constant 3 : i32
    %swap3A_3857 = arith.index_cast %swap3A_3856 : i32 to index
    %swap3A_3858 = arith.constant 48 : index
    %swap3A_3859 = tpu.vector_load %arg6[%swap3A_3857, %swap3A_3858] {strides = array<i32>} : memref<8x64xf32, #tpu.memory_space<vmem>>, vector<1x16xf32>,
    %swap3A_3860 = vector.shape_cast %swap3A_3859 : vector<1x16xf32> to vector<16xf32>
    %swap3A_3861 = vector.shape_cast %add3A_3855 : vector<16xf32> to vector<1x16xf32>
    tpu.vector_store %arg6[%swap3A_3857, %swap3A_3858], %swap3A_3861 {strides = array<i32>} : memref<8x64xf32, #tpu.memory_space<vmem>>, vector<1x16xf32>,
    %eq3A_3862 = arith.constant 4 : i32
    %eq3A_3863 = vector.broadcast %eq3A_3862 : i32 to vector<16xi32>
    %eq3A_3864 = arith.cmpi eq, %select_n3A_3300, %eq3A_3863 : vector<16xi32>
    %jit3A_3865 = arith.constant 1 : i32
    %jit3A_3866 = arith.constant 0 : i32
    %broadcast_in_dim3A_3867 = vector.broadcast %jit3A_3865 : i32 to vector<16xi32>
    %broadcast_in_dim3A_3868 = vector.broadcast %jit3A_3866 : i32 to vector<16xi32>
    %select_n3A_3869 = arith.select %eq3A_3864, %broadcast_in_dim3A_3867, %broadcast_in_dim3A_3868 : vector<16xi1>, vector<16xi32>
    %eq3A_3870 = arith.constant 4 : i32
    %eq3A_3871 = vector.broadcast %eq3A_3870 : i32 to vector<16xi32>
    %eq3A_3872 = arith.cmpi eq, %select_n3A_3416, %eq3A_3871 : vector<16xi32>
    %jit3A_3873 = arith.constant 1 : i32
    %jit3A_3874 = arith.constant 0 : i32
    %broadcast_in_dim3A_3875 = vector.broadcast %jit3A_3873 : i32 to vector<16xi32>
    %broadcast_in_dim3A_3876 = vector.broadcast %jit3A_3874 : i32 to vector<16xi32>
    %select_n3A_3877 = arith.select %eq3A_3872, %broadcast_in_dim3A_3875, %broadcast_in_dim3A_3876 : vector<16xi1>, vector<16xi32>
    %add3A_3878 = arith.addi %select_n3A_3869, %select_n3A_3877 : vector<16xi32>
    %swap3A_3879 = arith.constant 16 : index
    %swap3A_3880 = tpu.vector_load %arg8[%swap3A_3879] {strides = array<i32>} : memref<48xi32, #tpu.memory_space<vmem>>, vector<16xi32>,
    %swap3A_3881 = vector.shape_cast %swap3A_3880 : vector<16xi32> to vector<16xi32>
    %swap3A_3882 = vector.shape_cast %add3A_3878 : vector<16xi32> to vector<16xi32>
    tpu.vector_store %arg8[%swap3A_3879], %swap3A_3882 {strides = array<i32>} : memref<48xi32, #tpu.memory_space<vmem>>, vector<16xi32>,
    %get3A_3883 = arith.constant 15 : index
    %get3A_3884 = tpu.vector_load %arg8[%get3A_3883] {strides = array<i32>} : memref<48xi32, #tpu.memory_space<vmem>>, vector<16xi32>,
    %get3A_3885 = vector.shape_cast %get3A_3884 : vector<16xi32> to vector<16xi32>
    %add3A_3886 = arith.addi %add3A_3878, %get3A_3885 : vector<16xi32>
    %swap3A_3887 = arith.constant 16 : index
    %swap3A_3888 = tpu.vector_load %arg8[%swap3A_3887] {strides = array<i32>} : memref<48xi32, #tpu.memory_space<vmem>>, vector<16xi32>,
    %swap3A_3889 = vector.shape_cast %swap3A_3888 : vector<16xi32> to vector<16xi32>
    %swap3A_3890 = vector.shape_cast %add3A_3886 : vector<16xi32> to vector<16xi32>
    tpu.vector_store %arg8[%swap3A_3887], %swap3A_3890 {strides = array<i32>} : memref<48xi32, #tpu.memory_space<vmem>>, vector<16xi32>,
    %get3A_3891 = arith.constant 14 : index
    %get3A_3892 = tpu.vector_load %arg8[%get3A_3891] {strides = array<i32>} : memref<48xi32, #tpu.memory_space<vmem>>, vector<16xi32>,
    %get3A_3893 = vector.shape_cast %get3A_3892 : vector<16xi32> to vector<16xi32>
    %add3A_3894 = arith.addi %add3A_3886, %get3A_3893 : vector<16xi32>
    %swap3A_3895 = arith.constant 16 : index
    %swap3A_3896 = tpu.vector_load %arg8[%swap3A_3895] {strides = array<i32>} : memref<48xi32, #tpu.memory_space<vmem>>, vector<16xi32>,
    %swap3A_3897 = vector.shape_cast %swap3A_3896 : vector<16xi32> to vector<16xi32>
    %swap3A_3898 = vector.shape_cast %add3A_3894 : vector<16xi32> to vector<16xi32>
    tpu.vector_store %arg8[%swap3A_3895], %swap3A_3898 {strides = array<i32>} : memref<48xi32, #tpu.memory_space<vmem>>, vector<16xi32>,
    %get3A_3899 = arith.constant 12 : index
    %get3A_3900 = tpu.vector_load %arg8[%get3A_3899] {strides = array<i32>} : memref<48xi32, #tpu.memory_space<vmem>>, vector<16xi32>,
    %get3A_3901 = vector.shape_cast %get3A_3900 : vector<16xi32> to vector<16xi32>
    %add3A_3902 = arith.addi %add3A_3894, %get3A_3901 : vector<16xi32>
    %swap3A_3903 = arith.constant 16 : index
    %swap3A_3904 = tpu.vector_load %arg8[%swap3A_3903] {strides = array<i32>} : memref<48xi32, #tpu.memory_space<vmem>>, vector<16xi32>,
    %swap3A_3905 = vector.shape_cast %swap3A_3904 : vector<16xi32> to vector<16xi32>
    %swap3A_3906 = vector.shape_cast %add3A_3902 : vector<16xi32> to vector<16xi32>
    tpu.vector_store %arg8[%swap3A_3903], %swap3A_3906 {strides = array<i32>} : memref<48xi32, #tpu.memory_space<vmem>>, vector<16xi32>,
    %get3A_3907 = arith.constant 8 : index
    %get3A_3908 = tpu.vector_load %arg8[%get3A_3907] {strides = array<i32>} : memref<48xi32, #tpu.memory_space<vmem>>, vector<16xi32>,
    %get3A_3909 = vector.shape_cast %get3A_3908 : vector<16xi32> to vector<16xi32>
    %add3A_3910 = arith.addi %add3A_3902, %get3A_3909 : vector<16xi32>
    %swap3A_3911 = arith.constant 16 : index
    %swap3A_3912 = tpu.vector_load %arg8[%swap3A_3911] {strides = array<i32>} : memref<48xi32, #tpu.memory_space<vmem>>, vector<16xi32>,
    %swap3A_3913 = vector.shape_cast %swap3A_3912 : vector<16xi32> to vector<16xi32>
    %swap3A_3914 = vector.shape_cast %add3A_3878 : vector<16xi32> to vector<16xi32>
    tpu.vector_store %arg8[%swap3A_3911], %swap3A_3914 {strides = array<i32>} : memref<48xi32, #tpu.memory_space<vmem>>, vector<16xi32>,
    %get3A_3915 = arith.constant 17 : index
    %get3A_3916 = tpu.vector_load %arg8[%get3A_3915] {strides = array<i32>} : memref<48xi32, #tpu.memory_space<vmem>>, vector<16xi32>,
    %get3A_3917 = vector.shape_cast %get3A_3916 : vector<16xi32> to vector<16xi32>
    %add3A_3918 = arith.addi %add3A_3878, %get3A_3917 : vector<16xi32>
    %swap3A_3919 = arith.constant 16 : index
    %swap3A_3920 = tpu.vector_load %arg8[%swap3A_3919] {strides = array<i32>} : memref<48xi32, #tpu.memory_space<vmem>>, vector<16xi32>,
    %swap3A_3921 = vector.shape_cast %swap3A_3920 : vector<16xi32> to vector<16xi32>
    %swap3A_3922 = vector.shape_cast %add3A_3918 : vector<16xi32> to vector<16xi32>
    tpu.vector_store %arg8[%swap3A_3919], %swap3A_3922 {strides = array<i32>} : memref<48xi32, #tpu.memory_space<vmem>>, vector<16xi32>,
    %get3A_3923 = arith.constant 18 : index
    %get3A_3924 = tpu.vector_load %arg8[%get3A_3923] {strides = array<i32>} : memref<48xi32, #tpu.memory_space<vmem>>, vector<16xi32>,
    %get3A_3925 = vector.shape_cast %get3A_3924 : vector<16xi32> to vector<16xi32>
    %add3A_3926 = arith.addi %add3A_3918, %get3A_3925 : vector<16xi32>
    %swap3A_3927 = arith.constant 16 : index
    %swap3A_3928 = tpu.vector_load %arg8[%swap3A_3927] {strides = array<i32>} : memref<48xi32, #tpu.memory_space<vmem>>, vector<16xi32>,
    %swap3A_3929 = vector.shape_cast %swap3A_3928 : vector<16xi32> to vector<16xi32>
    %swap3A_3930 = vector.shape_cast %add3A_3926 : vector<16xi32> to vector<16xi32>
    tpu.vector_store %arg8[%swap3A_3927], %swap3A_3930 {strides = array<i32>} : memref<48xi32, #tpu.memory_space<vmem>>, vector<16xi32>,
    %get3A_3931 = arith.constant 20 : index
    %get3A_3932 = tpu.vector_load %arg8[%get3A_3931] {strides = array<i32>} : memref<48xi32, #tpu.memory_space<vmem>>, vector<16xi32>,
    %get3A_3933 = vector.shape_cast %get3A_3932 : vector<16xi32> to vector<16xi32>
    %add3A_3934 = arith.addi %add3A_3926, %get3A_3933 : vector<16xi32>
    %swap3A_3935 = arith.constant 16 : index
    %swap3A_3936 = tpu.vector_load %arg8[%swap3A_3935] {strides = array<i32>} : memref<48xi32, #tpu.memory_space<vmem>>, vector<16xi32>,
    %swap3A_3937 = vector.shape_cast %swap3A_3936 : vector<16xi32> to vector<16xi32>
    %swap3A_3938 = vector.shape_cast %add3A_3934 : vector<16xi32> to vector<16xi32>
    tpu.vector_store %arg8[%swap3A_3935], %swap3A_3938 {strides = array<i32>} : memref<48xi32, #tpu.memory_space<vmem>>, vector<16xi32>,
    %get3A_3939 = arith.constant 24 : index
    %get3A_3940 = tpu.vector_load %arg8[%get3A_3939] {strides = array<i32>} : memref<48xi32, #tpu.memory_space<vmem>>, vector<16xi32>,
    %get3A_3941 = vector.shape_cast %get3A_3940 : vector<16xi32> to vector<16xi32>
    %add3A_3942 = arith.addi %add3A_3934, %get3A_3941 : vector<16xi32>
    %add3A_3943 = arith.addi %add3A_3910, %add3A_3942 : vector<16xi32>
    %sub3A_3944 = arith.subi %add3A_3943, %add3A_3878 : vector<16xi32>
    %eq3A_3945 = arith.constant 4 : i32
    %eq3A_3946 = vector.broadcast %eq3A_3945 : i32 to vector<16xi32>
    %eq3A_3947 = arith.cmpi eq, %iota3A, %eq3A_3946 : vector<16xi32>
    %jit3A_3948 = arith.constant 0 : i32
    %broadcast_in_dim3A_3949 = vector.broadcast %jit3A_3948 : i32 to vector<16xi32>
    %select_n3A_3950 = arith.select %eq3A_3947, %sub3A_3944, %broadcast_in_dim3A_3949 : vector<16xi1>, vector<16xi32>
    %add3A_3951 = arith.addi %add3A_3842, %select_n3A_3950 : vector<16xi32>
    %eq3A_3952 = arith.constant 4 : i32
    %eq3A_3953 = vector.broadcast %eq3A_3952 : i32 to vector<16xi32>
    %eq3A_3954 = arith.cmpi eq, %select_n3A_3300, %eq3A_3953 : vector<16xi32>
    %jit3A_3955 = arith.constant 0.000000e+00 : f32
    %broadcast_in_dim3A_3956 = vector.broadcast %jit3A_3955 : f32 to vector<16xf32>
    %select_n3A_3957 = arith.select %eq3A_3954, %mul3A_3424, %broadcast_in_dim3A_3956 : vector<16xi1>, vector<16xf32>
    %eq3A_3958 = arith.constant 4 : i32
    %eq3A_3959 = vector.broadcast %eq3A_3958 : i32 to vector<16xi32>
    %eq3A_3960 = arith.cmpi eq, %select_n3A_3416, %eq3A_3959 : vector<16xi32>
    %jit3A_3961 = arith.constant 0.000000e+00 : f32
    %broadcast_in_dim3A_3962 = vector.broadcast %jit3A_3961 : f32 to vector<16xf32>
    %select_n3A_3963 = arith.select %eq3A_3960, %mul3A_3425, %broadcast_in_dim3A_3962 : vector<16xi1>, vector<16xf32>
    %add3A_3964 = arith.addf %select_n3A_3957, %select_n3A_3963 : vector<16xf32>
    %swap3A_3965 = arith.constant 4 : i32
    %swap3A_3966 = arith.index_cast %swap3A_3965 : i32 to index
    %swap3A_3967 = arith.constant 48 : index
    %swap3A_3968 = tpu.vector_load %arg6[%swap3A_3966, %swap3A_3967] {strides = array<i32>} : memref<8x64xf32, #tpu.memory_space<vmem>>, vector<1x16xf32>,
    %swap3A_3969 = vector.shape_cast %swap3A_3968 : vector<1x16xf32> to vector<16xf32>
    %swap3A_3970 = vector.shape_cast %add3A_3964 : vector<16xf32> to vector<1x16xf32>
    tpu.vector_store %arg6[%swap3A_3966, %swap3A_3967], %swap3A_3970 {strides = array<i32>} : memref<8x64xf32, #tpu.memory_space<vmem>>, vector<1x16xf32>,
    %eq3A_3971 = arith.constant 5 : i32
    %eq3A_3972 = vector.broadcast %eq3A_3971 : i32 to vector<16xi32>
    %eq3A_3973 = arith.cmpi eq, %select_n3A_3300, %eq3A_3972 : vector<16xi32>
    %jit3A_3974 = arith.constant 1 : i32
    %jit3A_3975 = arith.constant 0 : i32
    %broadcast_in_dim3A_3976 = vector.broadcast %jit3A_3974 : i32 to vector<16xi32>
    %broadcast_in_dim3A_3977 = vector.broadcast %jit3A_3975 : i32 to vector<16xi32>
    %select_n3A_3978 = arith.select %eq3A_3973, %broadcast_in_dim3A_3976, %broadcast_in_dim3A_3977 : vector<16xi1>, vector<16xi32>
    %eq3A_3979 = arith.constant 5 : i32
    %eq3A_3980 = vector.broadcast %eq3A_3979 : i32 to vector<16xi32>
    %eq3A_3981 = arith.cmpi eq, %select_n3A_3416, %eq3A_3980 : vector<16xi32>
    %jit3A_3982 = arith.constant 1 : i32
    %jit3A_3983 = arith.constant 0 : i32
    %broadcast_in_dim3A_3984 = vector.broadcast %jit3A_3982 : i32 to vector<16xi32>
    %broadcast_in_dim3A_3985 = vector.broadcast %jit3A_3983 : i32 to vector<16xi32>
    %select_n3A_3986 = arith.select %eq3A_3981, %broadcast_in_dim3A_3984, %broadcast_in_dim3A_3985 : vector<16xi1>, vector<16xi32>
    %add3A_3987 = arith.addi %select_n3A_3978, %select_n3A_3986 : vector<16xi32>
    %swap3A_3988 = arith.constant 16 : index
    %swap3A_3989 = tpu.vector_load %arg8[%swap3A_3988] {strides = array<i32>} : memref<48xi32, #tpu.memory_space<vmem>>, vector<16xi32>,
    %swap3A_3990 = vector.shape_cast %swap3A_3989 : vector<16xi32> to vector<16xi32>
    %swap3A_3991 = vector.shape_cast %add3A_3987 : vector<16xi32> to vector<16xi32>
    tpu.vector_store %arg8[%swap3A_3988], %swap3A_3991 {strides = array<i32>} : memref<48xi32, #tpu.memory_space<vmem>>, vector<16xi32>,
    %get3A_3992 = arith.constant 15 : index
    %get3A_3993 = tpu.vector_load %arg8[%get3A_3992] {strides = array<i32>} : memref<48xi32, #tpu.memory_space<vmem>>, vector<16xi32>,
    %get3A_3994 = vector.shape_cast %get3A_3993 : vector<16xi32> to vector<16xi32>
    %add3A_3995 = arith.addi %add3A_3987, %get3A_3994 : vector<16xi32>
    %swap3A_3996 = arith.constant 16 : index
    %swap3A_3997 = tpu.vector_load %arg8[%swap3A_3996] {strides = array<i32>} : memref<48xi32, #tpu.memory_space<vmem>>, vector<16xi32>,
    %swap3A_3998 = vector.shape_cast %swap3A_3997 : vector<16xi32> to vector<16xi32>
    %swap3A_3999 = vector.shape_cast %add3A_3995 : vector<16xi32> to vector<16xi32>
    tpu.vector_store %arg8[%swap3A_3996], %swap3A_3999 {strides = array<i32>} : memref<48xi32, #tpu.memory_space<vmem>>, vector<16xi32>,
    %get3A_4000 = arith.constant 14 : index
    %get3A_4001 = tpu.vector_load %arg8[%get3A_4000] {strides = array<i32>} : memref<48xi32, #tpu.memory_space<vmem>>, vector<16xi32>,
    %get3A_4002 = vector.shape_cast %get3A_4001 : vector<16xi32> to vector<16xi32>
    %add3A_4003 = arith.addi %add3A_3995, %get3A_4002 : vector<16xi32>
    %swap3A_4004 = arith.constant 16 : index
    %swap3A_4005 = tpu.vector_load %arg8[%swap3A_4004] {strides = array<i32>} : memref<48xi32, #tpu.memory_space<vmem>>, vector<16xi32>,
    %swap3A_4006 = vector.shape_cast %swap3A_4005 : vector<16xi32> to vector<16xi32>
    %swap3A_4007 = vector.shape_cast %add3A_4003 : vector<16xi32> to vector<16xi32>
    tpu.vector_store %arg8[%swap3A_4004], %swap3A_4007 {strides = array<i32>} : memref<48xi32, #tpu.memory_space<vmem>>, vector<16xi32>,
    %get3A_4008 = arith.constant 12 : index
    %get3A_4009 = tpu.vector_load %arg8[%get3A_4008] {strides = array<i32>} : memref<48xi32, #tpu.memory_space<vmem>>, vector<16xi32>,
    %get3A_4010 = vector.shape_cast %get3A_4009 : vector<16xi32> to vector<16xi32>
    %add3A_4011 = arith.addi %add3A_4003, %get3A_4010 : vector<16xi32>
    %swap3A_4012 = arith.constant 16 : index
    %swap3A_4013 = tpu.vector_load %arg8[%swap3A_4012] {strides = array<i32>} : memref<48xi32, #tpu.memory_space<vmem>>, vector<16xi32>,
    %swap3A_4014 = vector.shape_cast %swap3A_4013 : vector<16xi32> to vector<16xi32>
    %swap3A_4015 = vector.shape_cast %add3A_4011 : vector<16xi32> to vector<16xi32>
    tpu.vector_store %arg8[%swap3A_4012], %swap3A_4015 {strides = array<i32>} : memref<48xi32, #tpu.memory_space<vmem>>, vector<16xi32>,
    %get3A_4016 = arith.constant 8 : index
    %get3A_4017 = tpu.vector_load %arg8[%get3A_4016] {strides = array<i32>} : memref<48xi32, #tpu.memory_space<vmem>>, vector<16xi32>,
    %get3A_4018 = vector.shape_cast %get3A_4017 : vector<16xi32> to vector<16xi32>
    %add3A_4019 = arith.addi %add3A_4011, %get3A_4018 : vector<16xi32>
    %swap3A_4020 = arith.constant 16 : index
    %swap3A_4021 = tpu.vector_load %arg8[%swap3A_4020] {strides = array<i32>} : memref<48xi32, #tpu.memory_space<vmem>>, vector<16xi32>,
    %swap3A_4022 = vector.shape_cast %swap3A_4021 : vector<16xi32> to vector<16xi32>
    %swap3A_4023 = vector.shape_cast %add3A_3987 : vector<16xi32> to vector<16xi32>
    tpu.vector_store %arg8[%swap3A_4020], %swap3A_4023 {strides = array<i32>} : memref<48xi32, #tpu.memory_space<vmem>>, vector<16xi32>,
    %get3A_4024 = arith.constant 17 : index
    %get3A_4025 = tpu.vector_load %arg8[%get3A_4024] {strides = array<i32>} : memref<48xi32, #tpu.memory_space<vmem>>, vector<16xi32>,
    %get3A_4026 = vector.shape_cast %get3A_4025 : vector<16xi32> to vector<16xi32>
    %add3A_4027 = arith.addi %add3A_3987, %get3A_4026 : vector<16xi32>
    %swap3A_4028 = arith.constant 16 : index
    %swap3A_4029 = tpu.vector_load %arg8[%swap3A_4028] {strides = array<i32>} : memref<48xi32, #tpu.memory_space<vmem>>, vector<16xi32>,
    %swap3A_4030 = vector.shape_cast %swap3A_4029 : vector<16xi32> to vector<16xi32>
    %swap3A_4031 = vector.shape_cast %add3A_4027 : vector<16xi32> to vector<16xi32>
    tpu.vector_store %arg8[%swap3A_4028], %swap3A_4031 {strides = array<i32>} : memref<48xi32, #tpu.memory_space<vmem>>, vector<16xi32>,
    %get3A_4032 = arith.constant 18 : index
    %get3A_4033 = tpu.vector_load %arg8[%get3A_4032] {strides = array<i32>} : memref<48xi32, #tpu.memory_space<vmem>>, vector<16xi32>,
    %get3A_4034 = vector.shape_cast %get3A_4033 : vector<16xi32> to vector<16xi32>
    %add3A_4035 = arith.addi %add3A_4027, %get3A_4034 : vector<16xi32>
    %swap3A_4036 = arith.constant 16 : index
    %swap3A_4037 = tpu.vector_load %arg8[%swap3A_4036] {strides = array<i32>} : memref<48xi32, #tpu.memory_space<vmem>>, vector<16xi32>,
    %swap3A_4038 = vector.shape_cast %swap3A_4037 : vector<16xi32> to vector<16xi32>
    %swap3A_4039 = vector.shape_cast %add3A_4035 : vector<16xi32> to vector<16xi32>
    tpu.vector_store %arg8[%swap3A_4036], %swap3A_4039 {strides = array<i32>} : memref<48xi32, #tpu.memory_space<vmem>>, vector<16xi32>,
    %get3A_4040 = arith.constant 20 : index
    %get3A_4041 = tpu.vector_load %arg8[%get3A_4040] {strides = array<i32>} : memref<48xi32, #tpu.memory_space<vmem>>, vector<16xi32>,
    %get3A_4042 = vector.shape_cast %get3A_4041 : vector<16xi32> to vector<16xi32>
    %add3A_4043 = arith.addi %add3A_4035, %get3A_4042 : vector<16xi32>
    %swap3A_4044 = arith.constant 16 : index
    %swap3A_4045 = tpu.vector_load %arg8[%swap3A_4044] {strides = array<i32>} : memref<48xi32, #tpu.memory_space<vmem>>, vector<16xi32>,
    %swap3A_4046 = vector.shape_cast %swap3A_4045 : vector<16xi32> to vector<16xi32>
    %swap3A_4047 = vector.shape_cast %add3A_4043 : vector<16xi32> to vector<16xi32>
    tpu.vector_store %arg8[%swap3A_4044], %swap3A_4047 {strides = array<i32>} : memref<48xi32, #tpu.memory_space<vmem>>, vector<16xi32>,
    %get3A_4048 = arith.constant 24 : index
    %get3A_4049 = tpu.vector_load %arg8[%get3A_4048] {strides = array<i32>} : memref<48xi32, #tpu.memory_space<vmem>>, vector<16xi32>,
    %get3A_4050 = vector.shape_cast %get3A_4049 : vector<16xi32> to vector<16xi32>
    %add3A_4051 = arith.addi %add3A_4043, %get3A_4050 : vector<16xi32>
    %add3A_4052 = arith.addi %add3A_4019, %add3A_4051 : vector<16xi32>
    %sub3A_4053 = arith.subi %add3A_4052, %add3A_3987 : vector<16xi32>
    %eq3A_4054 = arith.constant 5 : i32
    %eq3A_4055 = vector.broadcast %eq3A_4054 : i32 to vector<16xi32>
    %eq3A_4056 = arith.cmpi eq, %iota3A, %eq3A_4055 : vector<16xi32>
    %jit3A_4057 = arith.constant 0 : i32
    %broadcast_in_dim3A_4058 = vector.broadcast %jit3A_4057 : i32 to vector<16xi32>
    %select_n3A_4059 = arith.select %eq3A_4056, %sub3A_4053, %broadcast_in_dim3A_4058 : vector<16xi1>, vector<16xi32>
    %add3A_4060 = arith.addi %add3A_3951, %select_n3A_4059 : vector<16xi32>
    %eq3A_4061 = arith.constant 5 : i32
    %eq3A_4062 = vector.broadcast %eq3A_4061 : i32 to vector<16xi32>
    %eq3A_4063 = arith.cmpi eq, %select_n3A_3300, %eq3A_4062 : vector<16xi32>
    %jit3A_4064 = arith.constant 0.000000e+00 : f32
    %broadcast_in_dim3A_4065 = vector.broadcast %jit3A_4064 : f32 to vector<16xf32>
    %select_n3A_4066 = arith.select %eq3A_4063, %mul3A_3424, %broadcast_in_dim3A_4065 : vector<16xi1>, vector<16xf32>
    %eq3A_4067 = arith.constant 5 : i32
    %eq3A_4068 = vector.broadcast %eq3A_4067 : i32 to vector<16xi32>
    %eq3A_4069 = arith.cmpi eq, %select_n3A_3416, %eq3A_4068 : vector<16xi32>
    %jit3A_4070 = arith.constant 0.000000e+00 : f32
    %broadcast_in_dim3A_4071 = vector.broadcast %jit3A_4070 : f32 to vector<16xf32>
    %select_n3A_4072 = arith.select %eq3A_4069, %mul3A_3425, %broadcast_in_dim3A_4071 : vector<16xi1>, vector<16xf32>
    %add3A_4073 = arith.addf %select_n3A_4066, %select_n3A_4072 : vector<16xf32>
    %swap3A_4074 = arith.constant 5 : i32
    %swap3A_4075 = arith.index_cast %swap3A_4074 : i32 to index
    %swap3A_4076 = arith.constant 48 : index
    %swap3A_4077 = tpu.vector_load %arg6[%swap3A_4075, %swap3A_4076] {strides = array<i32>} : memref<8x64xf32, #tpu.memory_space<vmem>>, vector<1x16xf32>,
    %swap3A_4078 = vector.shape_cast %swap3A_4077 : vector<1x16xf32> to vector<16xf32>
    %swap3A_4079 = vector.shape_cast %add3A_4073 : vector<16xf32> to vector<1x16xf32>
    tpu.vector_store %arg6[%swap3A_4075, %swap3A_4076], %swap3A_4079 {strides = array<i32>} : memref<8x64xf32, #tpu.memory_space<vmem>>, vector<1x16xf32>,
    %eq3A_4080 = arith.constant 6 : i32
    %eq3A_4081 = vector.broadcast %eq3A_4080 : i32 to vector<16xi32>
    %eq3A_4082 = arith.cmpi eq, %select_n3A_3300, %eq3A_4081 : vector<16xi32>
    %jit3A_4083 = arith.constant 1 : i32
    %jit3A_4084 = arith.constant 0 : i32
    %broadcast_in_dim3A_4085 = vector.broadcast %jit3A_4083 : i32 to vector<16xi32>
    %broadcast_in_dim3A_4086 = vector.broadcast %jit3A_4084 : i32 to vector<16xi32>
    %select_n3A_4087 = arith.select %eq3A_4082, %broadcast_in_dim3A_4085, %broadcast_in_dim3A_4086 : vector<16xi1>, vector<16xi32>
    %eq3A_4088 = arith.constant 6 : i32
    %eq3A_4089 = vector.broadcast %eq3A_4088 : i32 to vector<16xi32>
    %eq3A_4090 = arith.cmpi eq, %select_n3A_3416, %eq3A_4089 : vector<16xi32>
    %jit3A_4091 = arith.constant 1 : i32
    %jit3A_4092 = arith.constant 0 : i32
    %broadcast_in_dim3A_4093 = vector.broadcast %jit3A_4091 : i32 to vector<16xi32>
    %broadcast_in_dim3A_4094 = vector.broadcast %jit3A_4092 : i32 to vector<16xi32>
    %select_n3A_4095 = arith.select %eq3A_4090, %broadcast_in_dim3A_4093, %broadcast_in_dim3A_4094 : vector<16xi1>, vector<16xi32>
    %add3A_4096 = arith.addi %select_n3A_4087, %select_n3A_4095 : vector<16xi32>
    %swap3A_4097 = arith.constant 16 : index
    %swap3A_4098 = tpu.vector_load %arg8[%swap3A_4097] {strides = array<i32>} : memref<48xi32, #tpu.memory_space<vmem>>, vector<16xi32>,
    %swap3A_4099 = vector.shape_cast %swap3A_4098 : vector<16xi32> to vector<16xi32>
    %swap3A_4100 = vector.shape_cast %add3A_4096 : vector<16xi32> to vector<16xi32>
    tpu.vector_store %arg8[%swap3A_4097], %swap3A_4100 {strides = array<i32>} : memref<48xi32, #tpu.memory_space<vmem>>, vector<16xi32>,
    %get3A_4101 = arith.constant 15 : index
    %get3A_4102 = tpu.vector_load %arg8[%get3A_4101] {strides = array<i32>} : memref<48xi32, #tpu.memory_space<vmem>>, vector<16xi32>,
    %get3A_4103 = vector.shape_cast %get3A_4102 : vector<16xi32> to vector<16xi32>
    %add3A_4104 = arith.addi %add3A_4096, %get3A_4103 : vector<16xi32>
    %swap3A_4105 = arith.constant 16 : index
    %swap3A_4106 = tpu.vector_load %arg8[%swap3A_4105] {strides = array<i32>} : memref<48xi32, #tpu.memory_space<vmem>>, vector<16xi32>,
    %swap3A_4107 = vector.shape_cast %swap3A_4106 : vector<16xi32> to vector<16xi32>
    %swap3A_4108 = vector.shape_cast %add3A_4104 : vector<16xi32> to vector<16xi32>
    tpu.vector_store %arg8[%swap3A_4105], %swap3A_4108 {strides = array<i32>} : memref<48xi32, #tpu.memory_space<vmem>>, vector<16xi32>,
    %get3A_4109 = arith.constant 14 : index
    %get3A_4110 = tpu.vector_load %arg8[%get3A_4109] {strides = array<i32>} : memref<48xi32, #tpu.memory_space<vmem>>, vector<16xi32>,
    %get3A_4111 = vector.shape_cast %get3A_4110 : vector<16xi32> to vector<16xi32>
    %add3A_4112 = arith.addi %add3A_4104, %get3A_4111 : vector<16xi32>
    %swap3A_4113 = arith.constant 16 : index
    %swap3A_4114 = tpu.vector_load %arg8[%swap3A_4113] {strides = array<i32>} : memref<48xi32, #tpu.memory_space<vmem>>, vector<16xi32>,
    %swap3A_4115 = vector.shape_cast %swap3A_4114 : vector<16xi32> to vector<16xi32>
    %swap3A_4116 = vector.shape_cast %add3A_4112 : vector<16xi32> to vector<16xi32>
    tpu.vector_store %arg8[%swap3A_4113], %swap3A_4116 {strides = array<i32>} : memref<48xi32, #tpu.memory_space<vmem>>, vector<16xi32>,
    %get3A_4117 = arith.constant 12 : index
    %get3A_4118 = tpu.vector_load %arg8[%get3A_4117] {strides = array<i32>} : memref<48xi32, #tpu.memory_space<vmem>>, vector<16xi32>,
    %get3A_4119 = vector.shape_cast %get3A_4118 : vector<16xi32> to vector<16xi32>
    %add3A_4120 = arith.addi %add3A_4112, %get3A_4119 : vector<16xi32>
    %swap3A_4121 = arith.constant 16 : index
    %swap3A_4122 = tpu.vector_load %arg8[%swap3A_4121] {strides = array<i32>} : memref<48xi32, #tpu.memory_space<vmem>>, vector<16xi32>,
    %swap3A_4123 = vector.shape_cast %swap3A_4122 : vector<16xi32> to vector<16xi32>
    %swap3A_4124 = vector.shape_cast %add3A_4120 : vector<16xi32> to vector<16xi32>
    tpu.vector_store %arg8[%swap3A_4121], %swap3A_4124 {strides = array<i32>} : memref<48xi32, #tpu.memory_space<vmem>>, vector<16xi32>,
    %get3A_4125 = arith.constant 8 : index
    %get3A_4126 = tpu.vector_load %arg8[%get3A_4125] {strides = array<i32>} : memref<48xi32, #tpu.memory_space<vmem>>, vector<16xi32>,
    %get3A_4127 = vector.shape_cast %get3A_4126 : vector<16xi32> to vector<16xi32>
    %add3A_4128 = arith.addi %add3A_4120, %get3A_4127 : vector<16xi32>
    %swap3A_4129 = arith.constant 16 : index
    %swap3A_4130 = tpu.vector_load %arg8[%swap3A_4129] {strides = array<i32>} : memref<48xi32, #tpu.memory_space<vmem>>, vector<16xi32>,
    %swap3A_4131 = vector.shape_cast %swap3A_4130 : vector<16xi32> to vector<16xi32>
    %swap3A_4132 = vector.shape_cast %add3A_4096 : vector<16xi32> to vector<16xi32>
    tpu.vector_store %arg8[%swap3A_4129], %swap3A_4132 {strides = array<i32>} : memref<48xi32, #tpu.memory_space<vmem>>, vector<16xi32>,
    %get3A_4133 = arith.constant 17 : index
    %get3A_4134 = tpu.vector_load %arg8[%get3A_4133] {strides = array<i32>} : memref<48xi32, #tpu.memory_space<vmem>>, vector<16xi32>,
    %get3A_4135 = vector.shape_cast %get3A_4134 : vector<16xi32> to vector<16xi32>
    %add3A_4136 = arith.addi %add3A_4096, %get3A_4135 : vector<16xi32>
    %swap3A_4137 = arith.constant 16 : index
    %swap3A_4138 = tpu.vector_load %arg8[%swap3A_4137] {strides = array<i32>} : memref<48xi32, #tpu.memory_space<vmem>>, vector<16xi32>,
    %swap3A_4139 = vector.shape_cast %swap3A_4138 : vector<16xi32> to vector<16xi32>
    %swap3A_4140 = vector.shape_cast %add3A_4136 : vector<16xi32> to vector<16xi32>
    tpu.vector_store %arg8[%swap3A_4137], %swap3A_4140 {strides = array<i32>} : memref<48xi32, #tpu.memory_space<vmem>>, vector<16xi32>,
    %get3A_4141 = arith.constant 18 : index
    %get3A_4142 = tpu.vector_load %arg8[%get3A_4141] {strides = array<i32>} : memref<48xi32, #tpu.memory_space<vmem>>, vector<16xi32>,
    %get3A_4143 = vector.shape_cast %get3A_4142 : vector<16xi32> to vector<16xi32>
    %add3A_4144 = arith.addi %add3A_4136, %get3A_4143 : vector<16xi32>
    %swap3A_4145 = arith.constant 16 : index
    %swap3A_4146 = tpu.vector_load %arg8[%swap3A_4145] {strides = array<i32>} : memref<48xi32, #tpu.memory_space<vmem>>, vector<16xi32>,
    %swap3A_4147 = vector.shape_cast %swap3A_4146 : vector<16xi32> to vector<16xi32>
    %swap3A_4148 = vector.shape_cast %add3A_4144 : vector<16xi32> to vector<16xi32>
    tpu.vector_store %arg8[%swap3A_4145], %swap3A_4148 {strides = array<i32>} : memref<48xi32, #tpu.memory_space<vmem>>, vector<16xi32>,
    %get3A_4149 = arith.constant 20 : index
    %get3A_4150 = tpu.vector_load %arg8[%get3A_4149] {strides = array<i32>} : memref<48xi32, #tpu.memory_space<vmem>>, vector<16xi32>,
    %get3A_4151 = vector.shape_cast %get3A_4150 : vector<16xi32> to vector<16xi32>
    %add3A_4152 = arith.addi %add3A_4144, %get3A_4151 : vector<16xi32>
    %swap3A_4153 = arith.constant 16 : index
    %swap3A_4154 = tpu.vector_load %arg8[%swap3A_4153] {strides = array<i32>} : memref<48xi32, #tpu.memory_space<vmem>>, vector<16xi32>,
    %swap3A_4155 = vector.shape_cast %swap3A_4154 : vector<16xi32> to vector<16xi32>
    %swap3A_4156 = vector.shape_cast %add3A_4152 : vector<16xi32> to vector<16xi32>
    tpu.vector_store %arg8[%swap3A_4153], %swap3A_4156 {strides = array<i32>} : memref<48xi32, #tpu.memory_space<vmem>>, vector<16xi32>,
    %get3A_4157 = arith.constant 24 : index
    %get3A_4158 = tpu.vector_load %arg8[%get3A_4157] {strides = array<i32>} : memref<48xi32, #tpu.memory_space<vmem>>, vector<16xi32>,
    %get3A_4159 = vector.shape_cast %get3A_4158 : vector<16xi32> to vector<16xi32>
    %add3A_4160 = arith.addi %add3A_4152, %get3A_4159 : vector<16xi32>
    %add3A_4161 = arith.addi %add3A_4128, %add3A_4160 : vector<16xi32>
    %sub3A_4162 = arith.subi %add3A_4161, %add3A_4096 : vector<16xi32>
    %eq3A_4163 = arith.constant 6 : i32
    %eq3A_4164 = vector.broadcast %eq3A_4163 : i32 to vector<16xi32>
    %eq3A_4165 = arith.cmpi eq, %iota3A, %eq3A_4164 : vector<16xi32>
    %jit3A_4166 = arith.constant 0 : i32
    %broadcast_in_dim3A_4167 = vector.broadcast %jit3A_4166 : i32 to vector<16xi32>
    %select_n3A_4168 = arith.select %eq3A_4165, %sub3A_4162, %broadcast_in_dim3A_4167 : vector<16xi1>, vector<16xi32>
    %add3A_4169 = arith.addi %add3A_4060, %select_n3A_4168 : vector<16xi32>
    %eq3A_4170 = arith.constant 6 : i32
    %eq3A_4171 = vector.broadcast %eq3A_4170 : i32 to vector<16xi32>
    %eq3A_4172 = arith.cmpi eq, %select_n3A_3300, %eq3A_4171 : vector<16xi32>
    %jit3A_4173 = arith.constant 0.000000e+00 : f32
    %broadcast_in_dim3A_4174 = vector.broadcast %jit3A_4173 : f32 to vector<16xf32>
    %select_n3A_4175 = arith.select %eq3A_4172, %mul3A_3424, %broadcast_in_dim3A_4174 : vector<16xi1>, vector<16xf32>
    %eq3A_4176 = arith.constant 6 : i32
    %eq3A_4177 = vector.broadcast %eq3A_4176 : i32 to vector<16xi32>
    %eq3A_4178 = arith.cmpi eq, %select_n3A_3416, %eq3A_4177 : vector<16xi32>
    %jit3A_4179 = arith.constant 0.000000e+00 : f32
    %broadcast_in_dim3A_4180 = vector.broadcast %jit3A_4179 : f32 to vector<16xf32>
    %select_n3A_4181 = arith.select %eq3A_4178, %mul3A_3425, %broadcast_in_dim3A_4180 : vector<16xi1>, vector<16xf32>
    %add3A_4182 = arith.addf %select_n3A_4175, %select_n3A_4181 : vector<16xf32>
    %swap3A_4183 = arith.constant 6 : i32
    %swap3A_4184 = arith.index_cast %swap3A_4183 : i32 to index
    %swap3A_4185 = arith.constant 48 : index
    %swap3A_4186 = tpu.vector_load %arg6[%swap3A_4184, %swap3A_4185] {strides = array<i32>} : memref<8x64xf32, #tpu.memory_space<vmem>>, vector<1x16xf32>,
    %swap3A_4187 = vector.shape_cast %swap3A_4186 : vector<1x16xf32> to vector<16xf32>
    %swap3A_4188 = vector.shape_cast %add3A_4182 : vector<16xf32> to vector<1x16xf32>
    tpu.vector_store %arg6[%swap3A_4184, %swap3A_4185], %swap3A_4188 {strides = array<i32>} : memref<8x64xf32, #tpu.memory_space<vmem>>, vector<1x16xf32>,
    %eq3A_4189 = arith.constant 7 : i32
    %eq3A_4190 = vector.broadcast %eq3A_4189 : i32 to vector<16xi32>
    %eq3A_4191 = arith.cmpi eq, %select_n3A_3300, %eq3A_4190 : vector<16xi32>
    %jit3A_4192 = arith.constant 1 : i32
    %jit3A_4193 = arith.constant 0 : i32
    %broadcast_in_dim3A_4194 = vector.broadcast %jit3A_4192 : i32 to vector<16xi32>
    %broadcast_in_dim3A_4195 = vector.broadcast %jit3A_4193 : i32 to vector<16xi32>
    %select_n3A_4196 = arith.select %eq3A_4191, %broadcast_in_dim3A_4194, %broadcast_in_dim3A_4195 : vector<16xi1>, vector<16xi32>
    %eq3A_4197 = arith.constant 7 : i32
    %eq3A_4198 = vector.broadcast %eq3A_4197 : i32 to vector<16xi32>
    %eq3A_4199 = arith.cmpi eq, %select_n3A_3416, %eq3A_4198 : vector<16xi32>
    %jit3A_4200 = arith.constant 1 : i32
    %jit3A_4201 = arith.constant 0 : i32
    %broadcast_in_dim3A_4202 = vector.broadcast %jit3A_4200 : i32 to vector<16xi32>
    %broadcast_in_dim3A_4203 = vector.broadcast %jit3A_4201 : i32 to vector<16xi32>
    %select_n3A_4204 = arith.select %eq3A_4199, %broadcast_in_dim3A_4202, %broadcast_in_dim3A_4203 : vector<16xi1>, vector<16xi32>
    %add3A_4205 = arith.addi %select_n3A_4196, %select_n3A_4204 : vector<16xi32>
    %swap3A_4206 = arith.constant 16 : index
    %swap3A_4207 = tpu.vector_load %arg8[%swap3A_4206] {strides = array<i32>} : memref<48xi32, #tpu.memory_space<vmem>>, vector<16xi32>,
    %swap3A_4208 = vector.shape_cast %swap3A_4207 : vector<16xi32> to vector<16xi32>
    %swap3A_4209 = vector.shape_cast %add3A_4205 : vector<16xi32> to vector<16xi32>
    tpu.vector_store %arg8[%swap3A_4206], %swap3A_4209 {strides = array<i32>} : memref<48xi32, #tpu.memory_space<vmem>>, vector<16xi32>,
    %get3A_4210 = arith.constant 15 : index
    %get3A_4211 = tpu.vector_load %arg8[%get3A_4210] {strides = array<i32>} : memref<48xi32, #tpu.memory_space<vmem>>, vector<16xi32>,
    %get3A_4212 = vector.shape_cast %get3A_4211 : vector<16xi32> to vector<16xi32>
    %add3A_4213 = arith.addi %add3A_4205, %get3A_4212 : vector<16xi32>
    %swap3A_4214 = arith.constant 16 : index
    %swap3A_4215 = tpu.vector_load %arg8[%swap3A_4214] {strides = array<i32>} : memref<48xi32, #tpu.memory_space<vmem>>, vector<16xi32>,
    %swap3A_4216 = vector.shape_cast %swap3A_4215 : vector<16xi32> to vector<16xi32>
    %swap3A_4217 = vector.shape_cast %add3A_4213 : vector<16xi32> to vector<16xi32>
    tpu.vector_store %arg8[%swap3A_4214], %swap3A_4217 {strides = array<i32>} : memref<48xi32, #tpu.memory_space<vmem>>, vector<16xi32>,
    %get3A_4218 = arith.constant 14 : index
    %get3A_4219 = tpu.vector_load %arg8[%get3A_4218] {strides = array<i32>} : memref<48xi32, #tpu.memory_space<vmem>>, vector<16xi32>,
    %get3A_4220 = vector.shape_cast %get3A_4219 : vector<16xi32> to vector<16xi32>
    %add3A_4221 = arith.addi %add3A_4213, %get3A_4220 : vector<16xi32>
    %swap3A_4222 = arith.constant 16 : index
    %swap3A_4223 = tpu.vector_load %arg8[%swap3A_4222] {strides = array<i32>} : memref<48xi32, #tpu.memory_space<vmem>>, vector<16xi32>,
    %swap3A_4224 = vector.shape_cast %swap3A_4223 : vector<16xi32> to vector<16xi32>
    %swap3A_4225 = vector.shape_cast %add3A_4221 : vector<16xi32> to vector<16xi32>
    tpu.vector_store %arg8[%swap3A_4222], %swap3A_4225 {strides = array<i32>} : memref<48xi32, #tpu.memory_space<vmem>>, vector<16xi32>,
    %get3A_4226 = arith.constant 12 : index
    %get3A_4227 = tpu.vector_load %arg8[%get3A_4226] {strides = array<i32>} : memref<48xi32, #tpu.memory_space<vmem>>, vector<16xi32>,
    %get3A_4228 = vector.shape_cast %get3A_4227 : vector<16xi32> to vector<16xi32>
    %add3A_4229 = arith.addi %add3A_4221, %get3A_4228 : vector<16xi32>
    %swap3A_4230 = arith.constant 16 : index
    %swap3A_4231 = tpu.vector_load %arg8[%swap3A_4230] {strides = array<i32>} : memref<48xi32, #tpu.memory_space<vmem>>, vector<16xi32>,
    %swap3A_4232 = vector.shape_cast %swap3A_4231 : vector<16xi32> to vector<16xi32>
    %swap3A_4233 = vector.shape_cast %add3A_4229 : vector<16xi32> to vector<16xi32>
    tpu.vector_store %arg8[%swap3A_4230], %swap3A_4233 {strides = array<i32>} : memref<48xi32, #tpu.memory_space<vmem>>, vector<16xi32>,
    %get3A_4234 = arith.constant 8 : index
    %get3A_4235 = tpu.vector_load %arg8[%get3A_4234] {strides = array<i32>} : memref<48xi32, #tpu.memory_space<vmem>>, vector<16xi32>,
    %get3A_4236 = vector.shape_cast %get3A_4235 : vector<16xi32> to vector<16xi32>
    %add3A_4237 = arith.addi %add3A_4229, %get3A_4236 : vector<16xi32>
    %swap3A_4238 = arith.constant 16 : index
    %swap3A_4239 = tpu.vector_load %arg8[%swap3A_4238] {strides = array<i32>} : memref<48xi32, #tpu.memory_space<vmem>>, vector<16xi32>,
    %swap3A_4240 = vector.shape_cast %swap3A_4239 : vector<16xi32> to vector<16xi32>
    %swap3A_4241 = vector.shape_cast %add3A_4205 : vector<16xi32> to vector<16xi32>
    tpu.vector_store %arg8[%swap3A_4238], %swap3A_4241 {strides = array<i32>} : memref<48xi32, #tpu.memory_space<vmem>>, vector<16xi32>,
    %get3A_4242 = arith.constant 17 : index
    %get3A_4243 = tpu.vector_load %arg8[%get3A_4242] {strides = array<i32>} : memref<48xi32, #tpu.memory_space<vmem>>, vector<16xi32>,
    %get3A_4244 = vector.shape_cast %get3A_4243 : vector<16xi32> to vector<16xi32>
    %add3A_4245 = arith.addi %add3A_4205, %get3A_4244 : vector<16xi32>
    %swap3A_4246 = arith.constant 16 : index
    %swap3A_4247 = tpu.vector_load %arg8[%swap3A_4246] {strides = array<i32>} : memref<48xi32, #tpu.memory_space<vmem>>, vector<16xi32>,
    %swap3A_4248 = vector.shape_cast %swap3A_4247 : vector<16xi32> to vector<16xi32>
    %swap3A_4249 = vector.shape_cast %add3A_4245 : vector<16xi32> to vector<16xi32>
    tpu.vector_store %arg8[%swap3A_4246], %swap3A_4249 {strides = array<i32>} : memref<48xi32, #tpu.memory_space<vmem>>, vector<16xi32>,
    %get3A_4250 = arith.constant 18 : index
    %get3A_4251 = tpu.vector_load %arg8[%get3A_4250] {strides = array<i32>} : memref<48xi32, #tpu.memory_space<vmem>>, vector<16xi32>,
    %get3A_4252 = vector.shape_cast %get3A_4251 : vector<16xi32> to vector<16xi32>
    %add3A_4253 = arith.addi %add3A_4245, %get3A_4252 : vector<16xi32>
    %swap3A_4254 = arith.constant 16 : index
    %swap3A_4255 = tpu.vector_load %arg8[%swap3A_4254] {strides = array<i32>} : memref<48xi32, #tpu.memory_space<vmem>>, vector<16xi32>,
    %swap3A_4256 = vector.shape_cast %swap3A_4255 : vector<16xi32> to vector<16xi32>
    %swap3A_4257 = vector.shape_cast %add3A_4253 : vector<16xi32> to vector<16xi32>
    tpu.vector_store %arg8[%swap3A_4254], %swap3A_4257 {strides = array<i32>} : memref<48xi32, #tpu.memory_space<vmem>>, vector<16xi32>,
    %get3A_4258 = arith.constant 20 : index
    %get3A_4259 = tpu.vector_load %arg8[%get3A_4258] {strides = array<i32>} : memref<48xi32, #tpu.memory_space<vmem>>, vector<16xi32>,
    %get3A_4260 = vector.shape_cast %get3A_4259 : vector<16xi32> to vector<16xi32>
    %add3A_4261 = arith.addi %add3A_4253, %get3A_4260 : vector<16xi32>
    %swap3A_4262 = arith.constant 16 : index
    %swap3A_4263 = tpu.vector_load %arg8[%swap3A_4262] {strides = array<i32>} : memref<48xi32, #tpu.memory_space<vmem>>, vector<16xi32>,
    %swap3A_4264 = vector.shape_cast %swap3A_4263 : vector<16xi32> to vector<16xi32>
    %swap3A_4265 = vector.shape_cast %add3A_4261 : vector<16xi32> to vector<16xi32>
    tpu.vector_store %arg8[%swap3A_4262], %swap3A_4265 {strides = array<i32>} : memref<48xi32, #tpu.memory_space<vmem>>, vector<16xi32>,
    %get3A_4266 = arith.constant 24 : index
    %get3A_4267 = tpu.vector_load %arg8[%get3A_4266] {strides = array<i32>} : memref<48xi32, #tpu.memory_space<vmem>>, vector<16xi32>,
    %get3A_4268 = vector.shape_cast %get3A_4267 : vector<16xi32> to vector<16xi32>
    %add3A_4269 = arith.addi %add3A_4261, %get3A_4268 : vector<16xi32>
    %add3A_4270 = arith.addi %add3A_4237, %add3A_4269 : vector<16xi32>
    %sub3A_4271 = arith.subi %add3A_4270, %add3A_4205 : vector<16xi32>
    %eq3A_4272 = arith.constant 7 : i32
    %eq3A_4273 = vector.broadcast %eq3A_4272 : i32 to vector<16xi32>
    %eq3A_4274 = arith.cmpi eq, %iota3A, %eq3A_4273 : vector<16xi32>
    %jit3A_4275 = arith.constant 0 : i32
    %broadcast_in_dim3A_4276 = vector.broadcast %jit3A_4275 : i32 to vector<16xi32>
    %select_n3A_4277 = arith.select %eq3A_4274, %sub3A_4271, %broadcast_in_dim3A_4276 : vector<16xi1>, vector<16xi32>
    %add3A_4278 = arith.addi %add3A_4169, %select_n3A_4277 : vector<16xi32>
    %eq3A_4279 = arith.constant 7 : i32
    %eq3A_4280 = vector.broadcast %eq3A_4279 : i32 to vector<16xi32>
    %eq3A_4281 = arith.cmpi eq, %select_n3A_3300, %eq3A_4280 : vector<16xi32>
    %jit3A_4282 = arith.constant 0.000000e+00 : f32
    %broadcast_in_dim3A_4283 = vector.broadcast %jit3A_4282 : f32 to vector<16xf32>
    %select_n3A_4284 = arith.select %eq3A_4281, %mul3A_3424, %broadcast_in_dim3A_4283 : vector<16xi1>, vector<16xf32>
    %eq3A_4285 = arith.constant 7 : i32
    %eq3A_4286 = vector.broadcast %eq3A_4285 : i32 to vector<16xi32>
    %eq3A_4287 = arith.cmpi eq, %select_n3A_3416, %eq3A_4286 : vector<16xi32>
    %jit3A_4288 = arith.constant 0.000000e+00 : f32
    %broadcast_in_dim3A_4289 = vector.broadcast %jit3A_4288 : f32 to vector<16xf32>
    %select_n3A_4290 = arith.select %eq3A_4287, %mul3A_3425, %broadcast_in_dim3A_4289 : vector<16xi1>, vector<16xf32>
    %add3A_4291 = arith.addf %select_n3A_4284, %select_n3A_4290 : vector<16xf32>
    %swap3A_4292 = arith.constant 7 : i32
    %swap3A_4293 = arith.index_cast %swap3A_4292 : i32 to index
    %swap3A_4294 = arith.constant 48 : index
    %swap3A_4295 = tpu.vector_load %arg6[%swap3A_4293, %swap3A_4294] {strides = array<i32>} : memref<8x64xf32, #tpu.memory_space<vmem>>, vector<1x16xf32>,
    %swap3A_4296 = vector.shape_cast %swap3A_4295 : vector<1x16xf32> to vector<16xf32>
    %swap3A_4297 = vector.shape_cast %add3A_4291 : vector<16xf32> to vector<1x16xf32>
    tpu.vector_store %arg6[%swap3A_4293, %swap3A_4294], %swap3A_4297 {strides = array<i32>} : memref<8x64xf32, #tpu.memory_space<vmem>>, vector<1x16xf32>,
    %swap3A_4298 = arith.constant 0 : index
    %swap3A_4299 = tpu.vector_load %arg7[%swap3A_4298] {strides = array<i32>} : memref<16xi32, #tpu.memory_space<vmem>>, vector<16xi32>,
    %swap3A_4300 = vector.shape_cast %swap3A_4299 : vector<16xi32> to vector<16xi32>
    %swap3A_4301 = vector.shape_cast %add3A_4278 : vector<16xi32> to vector<16xi32>
    tpu.vector_store %arg7[%swap3A_4298], %swap3A_4301 {strides = array<i32>} : memref<16xi32, #tpu.memory_space<vmem>>, vector<16xi32>,
    %run_scoped3A = arith.constant 0 : i32
    %run_scoped3A_4302 = arith.constant 0 : i32
    "tpu.region"() ({
      %run_scoped3A_4317 = tpu.sem_alloc : memref<!tpu.dma_semaphore, #tpu.memory_space<semaphore_mem>>
      %dma_start3A = arith.constant 0 : i32
      %dma_start3A_4318 = tpu.memref_slice %arg6[%run_scoped3A, %dma_start3A] : memref<8x64xf32, #tpu.memory_space<vmem>> -> memref<1x64xf32, #tpu.memory_space<vmem>>
      %dma_start3A_4319 = tpu.memref_squeeze %dma_start3A_4318 : memref<1x64xf32, #tpu.memory_space<vmem>> -> memref<64xf32, #tpu.memory_space<vmem>>
      %dma_start3A_4320 = tpu.memref_slice %arg3[%run_scoped3A_4302, %mul3A_2] : memref<8x2048xf32, #tpu.memory_space<hbm>> -> memref<1x64xf32, #tpu.memory_space<hbm>>
      %dma_start3A_4321 = tpu.memref_squeeze %dma_start3A_4320 : memref<1x64xf32, #tpu.memory_space<hbm>> -> memref<64xf32, #tpu.memory_space<hbm>>
      %dma_start3A_4322 = tpu.memref_slice %arg3[%run_scoped3A_4302, %mul3A_2] : memref<8x2048xf32, #tpu.memory_space<hbm>> -> memref<1x64xf32, #tpu.memory_space<hbm>>
      %dma_start3A_4323 = tpu.memref_squeeze %dma_start3A_4322 : memref<1x64xf32, #tpu.memory_space<hbm>> -> memref<64xf32, #tpu.memory_space<hbm>>
      %dma_start3A_4324 = arith.constant 0 : i32
      %dma_start3A_4325 = tpu.memref_slice %arg6[%run_scoped3A, %dma_start3A_4324] : memref<8x64xf32, #tpu.memory_space<vmem>> -> memref<1x64xf32, #tpu.memory_space<vmem>>
      %dma_start3A_4326 = tpu.memref_squeeze %dma_start3A_4325 : memref<1x64xf32, #tpu.memory_space<vmem>> -> memref<64xf32, #tpu.memory_space<vmem>>
      tpu.enqueue_dma source(%dma_start3A_4326 : memref<64xf32, #tpu.memory_space<vmem>>) target(%dma_start3A_4323 : memref<64xf32, #tpu.memory_space<hbm>>) target_semaphore(%run_scoped3A_4317 : memref<!tpu.dma_semaphore, #tpu.memory_space<semaphore_mem>>)
      %dma_wait3A = arith.constant 0 : i32
      %dma_wait3A_4327 = tpu.memref_slice %arg6[%run_scoped3A, %dma_wait3A] : memref<8x64xf32, #tpu.memory_space<vmem>> -> memref<1x64xf32, #tpu.memory_space<vmem>>
      %dma_wait3A_4328 = tpu.memref_squeeze %dma_wait3A_4327 : memref<1x64xf32, #tpu.memory_space<vmem>> -> memref<64xf32, #tpu.memory_space<vmem>>
      %dma_wait3A_4329 = tpu.memref_slice %arg3[%run_scoped3A_4302, %mul3A_2] : memref<8x2048xf32, #tpu.memory_space<hbm>> -> memref<1x64xf32, #tpu.memory_space<hbm>>
      %dma_wait3A_4330 = tpu.memref_squeeze %dma_wait3A_4329 : memref<1x64xf32, #tpu.memory_space<hbm>> -> memref<64xf32, #tpu.memory_space<hbm>>
      %dma_wait3A_4331 = tpu.memref_slice %arg3[%run_scoped3A_4302, %mul3A_2] : memref<8x2048xf32, #tpu.memory_space<hbm>> -> memref<1x64xf32, #tpu.memory_space<hbm>>
      %dma_wait3A_4332 = tpu.memref_squeeze %dma_wait3A_4331 : memref<1x64xf32, #tpu.memory_space<hbm>> -> memref<64xf32, #tpu.memory_space<hbm>>
      %dma_wait3A_4333 = arith.constant 0 : i32
      %dma_wait3A_4334 = tpu.memref_slice %arg6[%run_scoped3A, %dma_wait3A_4333] : memref<8x64xf32, #tpu.memory_space<vmem>> -> memref<1x64xf32, #tpu.memory_space<vmem>>
      %dma_wait3A_4335 = tpu.memref_squeeze %dma_wait3A_4334 : memref<1x64xf32, #tpu.memory_space<vmem>> -> memref<64xf32, #tpu.memory_space<vmem>>
      tpu.wait_dma2 semaphore(%run_scoped3A_4317 : memref<!tpu.dma_semaphore, #tpu.memory_space<semaphore_mem>>) src(%dma_wait3A_4335 : memref<64xf32, #tpu.memory_space<vmem>>) dst(%dma_wait3A_4332 : memref<64xf32, #tpu.memory_space<hbm>>)
      tpu.yield
    }) : () -> ()
    %run_scoped3A_4303 = arith.constant 1 : i32
    %run_scoped3A_4304 = arith.constant 1 : i32
    "tpu.region"() ({
      %run_scoped3A_4317 = tpu.sem_alloc : memref<!tpu.dma_semaphore, #tpu.memory_space<semaphore_mem>>
      %dma_start3A = arith.constant 0 : i32
      %dma_start3A_4318 = tpu.memref_slice %arg6[%run_scoped3A_4303, %dma_start3A] : memref<8x64xf32, #tpu.memory_space<vmem>> -> memref<1x64xf32, #tpu.memory_space<vmem>>
      %dma_start3A_4319 = tpu.memref_squeeze %dma_start3A_4318 : memref<1x64xf32, #tpu.memory_space<vmem>> -> memref<64xf32, #tpu.memory_space<vmem>>
      %dma_start3A_4320 = tpu.memref_slice %arg3[%run_scoped3A_4304, %mul3A_2] : memref<8x2048xf32, #tpu.memory_space<hbm>> -> memref<1x64xf32, #tpu.memory_space<hbm>>
      %dma_start3A_4321 = tpu.memref_squeeze %dma_start3A_4320 : memref<1x64xf32, #tpu.memory_space<hbm>> -> memref<64xf32, #tpu.memory_space<hbm>>
      %dma_start3A_4322 = tpu.memref_slice %arg3[%run_scoped3A_4304, %mul3A_2] : memref<8x2048xf32, #tpu.memory_space<hbm>> -> memref<1x64xf32, #tpu.memory_space<hbm>>
      %dma_start3A_4323 = tpu.memref_squeeze %dma_start3A_4322 : memref<1x64xf32, #tpu.memory_space<hbm>> -> memref<64xf32, #tpu.memory_space<hbm>>
      %dma_start3A_4324 = arith.constant 0 : i32
      %dma_start3A_4325 = tpu.memref_slice %arg6[%run_scoped3A_4303, %dma_start3A_4324] : memref<8x64xf32, #tpu.memory_space<vmem>> -> memref<1x64xf32, #tpu.memory_space<vmem>>
      %dma_start3A_4326 = tpu.memref_squeeze %dma_start3A_4325 : memref<1x64xf32, #tpu.memory_space<vmem>> -> memref<64xf32, #tpu.memory_space<vmem>>
      tpu.enqueue_dma source(%dma_start3A_4326 : memref<64xf32, #tpu.memory_space<vmem>>) target(%dma_start3A_4323 : memref<64xf32, #tpu.memory_space<hbm>>) target_semaphore(%run_scoped3A_4317 : memref<!tpu.dma_semaphore, #tpu.memory_space<semaphore_mem>>)
      %dma_wait3A = arith.constant 0 : i32
      %dma_wait3A_4327 = tpu.memref_slice %arg6[%run_scoped3A_4303, %dma_wait3A] : memref<8x64xf32, #tpu.memory_space<vmem>> -> memref<1x64xf32, #tpu.memory_space<vmem>>
      %dma_wait3A_4328 = tpu.memref_squeeze %dma_wait3A_4327 : memref<1x64xf32, #tpu.memory_space<vmem>> -> memref<64xf32, #tpu.memory_space<vmem>>
      %dma_wait3A_4329 = tpu.memref_slice %arg3[%run_scoped3A_4304, %mul3A_2] : memref<8x2048xf32, #tpu.memory_space<hbm>> -> memref<1x64xf32, #tpu.memory_space<hbm>>
      %dma_wait3A_4330 = tpu.memref_squeeze %dma_wait3A_4329 : memref<1x64xf32, #tpu.memory_space<hbm>> -> memref<64xf32, #tpu.memory_space<hbm>>
      %dma_wait3A_4331 = tpu.memref_slice %arg3[%run_scoped3A_4304, %mul3A_2] : memref<8x2048xf32, #tpu.memory_space<hbm>> -> memref<1x64xf32, #tpu.memory_space<hbm>>
      %dma_wait3A_4332 = tpu.memref_squeeze %dma_wait3A_4331 : memref<1x64xf32, #tpu.memory_space<hbm>> -> memref<64xf32, #tpu.memory_space<hbm>>
      %dma_wait3A_4333 = arith.constant 0 : i32
      %dma_wait3A_4334 = tpu.memref_slice %arg6[%run_scoped3A_4303, %dma_wait3A_4333] : memref<8x64xf32, #tpu.memory_space<vmem>> -> memref<1x64xf32, #tpu.memory_space<vmem>>
      %dma_wait3A_4335 = tpu.memref_squeeze %dma_wait3A_4334 : memref<1x64xf32, #tpu.memory_space<vmem>> -> memref<64xf32, #tpu.memory_space<vmem>>
      tpu.wait_dma2 semaphore(%run_scoped3A_4317 : memref<!tpu.dma_semaphore, #tpu.memory_space<semaphore_mem>>) src(%dma_wait3A_4335 : memref<64xf32, #tpu.memory_space<vmem>>) dst(%dma_wait3A_4332 : memref<64xf32, #tpu.memory_space<hbm>>)
      tpu.yield
    }) : () -> ()
    %run_scoped3A_4305 = arith.constant 2 : i32
    %run_scoped3A_4306 = arith.constant 2 : i32
    "tpu.region"() ({
      %run_scoped3A_4317 = tpu.sem_alloc : memref<!tpu.dma_semaphore, #tpu.memory_space<semaphore_mem>>
      %dma_start3A = arith.constant 0 : i32
      %dma_start3A_4318 = tpu.memref_slice %arg6[%run_scoped3A_4305, %dma_start3A] : memref<8x64xf32, #tpu.memory_space<vmem>> -> memref<1x64xf32, #tpu.memory_space<vmem>>
      %dma_start3A_4319 = tpu.memref_squeeze %dma_start3A_4318 : memref<1x64xf32, #tpu.memory_space<vmem>> -> memref<64xf32, #tpu.memory_space<vmem>>
      %dma_start3A_4320 = tpu.memref_slice %arg3[%run_scoped3A_4306, %mul3A_2] : memref<8x2048xf32, #tpu.memory_space<hbm>> -> memref<1x64xf32, #tpu.memory_space<hbm>>
      %dma_start3A_4321 = tpu.memref_squeeze %dma_start3A_4320 : memref<1x64xf32, #tpu.memory_space<hbm>> -> memref<64xf32, #tpu.memory_space<hbm>>
      %dma_start3A_4322 = tpu.memref_slice %arg3[%run_scoped3A_4306, %mul3A_2] : memref<8x2048xf32, #tpu.memory_space<hbm>> -> memref<1x64xf32, #tpu.memory_space<hbm>>
      %dma_start3A_4323 = tpu.memref_squeeze %dma_start3A_4322 : memref<1x64xf32, #tpu.memory_space<hbm>> -> memref<64xf32, #tpu.memory_space<hbm>>
      %dma_start3A_4324 = arith.constant 0 : i32
      %dma_start3A_4325 = tpu.memref_slice %arg6[%run_scoped3A_4305, %dma_start3A_4324] : memref<8x64xf32, #tpu.memory_space<vmem>> -> memref<1x64xf32, #tpu.memory_space<vmem>>
      %dma_start3A_4326 = tpu.memref_squeeze %dma_start3A_4325 : memref<1x64xf32, #tpu.memory_space<vmem>> -> memref<64xf32, #tpu.memory_space<vmem>>
      tpu.enqueue_dma source(%dma_start3A_4326 : memref<64xf32, #tpu.memory_space<vmem>>) target(%dma_start3A_4323 : memref<64xf32, #tpu.memory_space<hbm>>) target_semaphore(%run_scoped3A_4317 : memref<!tpu.dma_semaphore, #tpu.memory_space<semaphore_mem>>)
      %dma_wait3A = arith.constant 0 : i32
      %dma_wait3A_4327 = tpu.memref_slice %arg6[%run_scoped3A_4305, %dma_wait3A] : memref<8x64xf32, #tpu.memory_space<vmem>> -> memref<1x64xf32, #tpu.memory_space<vmem>>
      %dma_wait3A_4328 = tpu.memref_squeeze %dma_wait3A_4327 : memref<1x64xf32, #tpu.memory_space<vmem>> -> memref<64xf32, #tpu.memory_space<vmem>>
      %dma_wait3A_4329 = tpu.memref_slice %arg3[%run_scoped3A_4306, %mul3A_2] : memref<8x2048xf32, #tpu.memory_space<hbm>> -> memref<1x64xf32, #tpu.memory_space<hbm>>
      %dma_wait3A_4330 = tpu.memref_squeeze %dma_wait3A_4329 : memref<1x64xf32, #tpu.memory_space<hbm>> -> memref<64xf32, #tpu.memory_space<hbm>>
      %dma_wait3A_4331 = tpu.memref_slice %arg3[%run_scoped3A_4306, %mul3A_2] : memref<8x2048xf32, #tpu.memory_space<hbm>> -> memref<1x64xf32, #tpu.memory_space<hbm>>
      %dma_wait3A_4332 = tpu.memref_squeeze %dma_wait3A_4331 : memref<1x64xf32, #tpu.memory_space<hbm>> -> memref<64xf32, #tpu.memory_space<hbm>>
      %dma_wait3A_4333 = arith.constant 0 : i32
      %dma_wait3A_4334 = tpu.memref_slice %arg6[%run_scoped3A_4305, %dma_wait3A_4333] : memref<8x64xf32, #tpu.memory_space<vmem>> -> memref<1x64xf32, #tpu.memory_space<vmem>>
      %dma_wait3A_4335 = tpu.memref_squeeze %dma_wait3A_4334 : memref<1x64xf32, #tpu.memory_space<vmem>> -> memref<64xf32, #tpu.memory_space<vmem>>
      tpu.wait_dma2 semaphore(%run_scoped3A_4317 : memref<!tpu.dma_semaphore, #tpu.memory_space<semaphore_mem>>) src(%dma_wait3A_4335 : memref<64xf32, #tpu.memory_space<vmem>>) dst(%dma_wait3A_4332 : memref<64xf32, #tpu.memory_space<hbm>>)
      tpu.yield
    }) : () -> ()
    %run_scoped3A_4307 = arith.constant 3 : i32
    %run_scoped3A_4308 = arith.constant 3 : i32
    "tpu.region"() ({
      %run_scoped3A_4317 = tpu.sem_alloc : memref<!tpu.dma_semaphore, #tpu.memory_space<semaphore_mem>>
      %dma_start3A = arith.constant 0 : i32
      %dma_start3A_4318 = tpu.memref_slice %arg6[%run_scoped3A_4307, %dma_start3A] : memref<8x64xf32, #tpu.memory_space<vmem>> -> memref<1x64xf32, #tpu.memory_space<vmem>>
      %dma_start3A_4319 = tpu.memref_squeeze %dma_start3A_4318 : memref<1x64xf32, #tpu.memory_space<vmem>> -> memref<64xf32, #tpu.memory_space<vmem>>
      %dma_start3A_4320 = tpu.memref_slice %arg3[%run_scoped3A_4308, %mul3A_2] : memref<8x2048xf32, #tpu.memory_space<hbm>> -> memref<1x64xf32, #tpu.memory_space<hbm>>
      %dma_start3A_4321 = tpu.memref_squeeze %dma_start3A_4320 : memref<1x64xf32, #tpu.memory_space<hbm>> -> memref<64xf32, #tpu.memory_space<hbm>>
      %dma_start3A_4322 = tpu.memref_slice %arg3[%run_scoped3A_4308, %mul3A_2] : memref<8x2048xf32, #tpu.memory_space<hbm>> -> memref<1x64xf32, #tpu.memory_space<hbm>>
      %dma_start3A_4323 = tpu.memref_squeeze %dma_start3A_4322 : memref<1x64xf32, #tpu.memory_space<hbm>> -> memref<64xf32, #tpu.memory_space<hbm>>
      %dma_start3A_4324 = arith.constant 0 : i32
      %dma_start3A_4325 = tpu.memref_slice %arg6[%run_scoped3A_4307, %dma_start3A_4324] : memref<8x64xf32, #tpu.memory_space<vmem>> -> memref<1x64xf32, #tpu.memory_space<vmem>>
      %dma_start3A_4326 = tpu.memref_squeeze %dma_start3A_4325 : memref<1x64xf32, #tpu.memory_space<vmem>> -> memref<64xf32, #tpu.memory_space<vmem>>
      tpu.enqueue_dma source(%dma_start3A_4326 : memref<64xf32, #tpu.memory_space<vmem>>) target(%dma_start3A_4323 : memref<64xf32, #tpu.memory_space<hbm>>) target_semaphore(%run_scoped3A_4317 : memref<!tpu.dma_semaphore, #tpu.memory_space<semaphore_mem>>)
      %dma_wait3A = arith.constant 0 : i32
      %dma_wait3A_4327 = tpu.memref_slice %arg6[%run_scoped3A_4307, %dma_wait3A] : memref<8x64xf32, #tpu.memory_space<vmem>> -> memref<1x64xf32, #tpu.memory_space<vmem>>
      %dma_wait3A_4328 = tpu.memref_squeeze %dma_wait3A_4327 : memref<1x64xf32, #tpu.memory_space<vmem>> -> memref<64xf32, #tpu.memory_space<vmem>>
      %dma_wait3A_4329 = tpu.memref_slice %arg3[%run_scoped3A_4308, %mul3A_2] : memref<8x2048xf32, #tpu.memory_space<hbm>> -> memref<1x64xf32, #tpu.memory_space<hbm>>
      %dma_wait3A_4330 = tpu.memref_squeeze %dma_wait3A_4329 : memref<1x64xf32, #tpu.memory_space<hbm>> -> memref<64xf32, #tpu.memory_space<hbm>>
      %dma_wait3A_4331 = tpu.memref_slice %arg3[%run_scoped3A_4308, %mul3A_2] : memref<8x2048xf32, #tpu.memory_space<hbm>> -> memref<1x64xf32, #tpu.memory_space<hbm>>
      %dma_wait3A_4332 = tpu.memref_squeeze %dma_wait3A_4331 : memref<1x64xf32, #tpu.memory_space<hbm>> -> memref<64xf32, #tpu.memory_space<hbm>>
      %dma_wait3A_4333 = arith.constant 0 : i32
      %dma_wait3A_4334 = tpu.memref_slice %arg6[%run_scoped3A_4307, %dma_wait3A_4333] : memref<8x64xf32, #tpu.memory_space<vmem>> -> memref<1x64xf32, #tpu.memory_space<vmem>>
      %dma_wait3A_4335 = tpu.memref_squeeze %dma_wait3A_4334 : memref<1x64xf32, #tpu.memory_space<vmem>> -> memref<64xf32, #tpu.memory_space<vmem>>
      tpu.wait_dma2 semaphore(%run_scoped3A_4317 : memref<!tpu.dma_semaphore, #tpu.memory_space<semaphore_mem>>) src(%dma_wait3A_4335 : memref<64xf32, #tpu.memory_space<vmem>>) dst(%dma_wait3A_4332 : memref<64xf32, #tpu.memory_space<hbm>>)
      tpu.yield
    }) : () -> ()
    %run_scoped3A_4309 = arith.constant 4 : i32
    %run_scoped3A_4310 = arith.constant 4 : i32
    "tpu.region"() ({
      %run_scoped3A_4317 = tpu.sem_alloc : memref<!tpu.dma_semaphore, #tpu.memory_space<semaphore_mem>>
      %dma_start3A = arith.constant 0 : i32
      %dma_start3A_4318 = tpu.memref_slice %arg6[%run_scoped3A_4309, %dma_start3A] : memref<8x64xf32, #tpu.memory_space<vmem>> -> memref<1x64xf32, #tpu.memory_space<vmem>>
      %dma_start3A_4319 = tpu.memref_squeeze %dma_start3A_4318 : memref<1x64xf32, #tpu.memory_space<vmem>> -> memref<64xf32, #tpu.memory_space<vmem>>
      %dma_start3A_4320 = tpu.memref_slice %arg3[%run_scoped3A_4310, %mul3A_2] : memref<8x2048xf32, #tpu.memory_space<hbm>> -> memref<1x64xf32, #tpu.memory_space<hbm>>
      %dma_start3A_4321 = tpu.memref_squeeze %dma_start3A_4320 : memref<1x64xf32, #tpu.memory_space<hbm>> -> memref<64xf32, #tpu.memory_space<hbm>>
      %dma_start3A_4322 = tpu.memref_slice %arg3[%run_scoped3A_4310, %mul3A_2] : memref<8x2048xf32, #tpu.memory_space<hbm>> -> memref<1x64xf32, #tpu.memory_space<hbm>>
      %dma_start3A_4323 = tpu.memref_squeeze %dma_start3A_4322 : memref<1x64xf32, #tpu.memory_space<hbm>> -> memref<64xf32, #tpu.memory_space<hbm>>
      %dma_start3A_4324 = arith.constant 0 : i32
      %dma_start3A_4325 = tpu.memref_slice %arg6[%run_scoped3A_4309, %dma_start3A_4324] : memref<8x64xf32, #tpu.memory_space<vmem>> -> memref<1x64xf32, #tpu.memory_space<vmem>>
      %dma_start3A_4326 = tpu.memref_squeeze %dma_start3A_4325 : memref<1x64xf32, #tpu.memory_space<vmem>> -> memref<64xf32, #tpu.memory_space<vmem>>
      tpu.enqueue_dma source(%dma_start3A_4326 : memref<64xf32, #tpu.memory_space<vmem>>) target(%dma_start3A_4323 : memref<64xf32, #tpu.memory_space<hbm>>) target_semaphore(%run_scoped3A_4317 : memref<!tpu.dma_semaphore, #tpu.memory_space<semaphore_mem>>)
      %dma_wait3A = arith.constant 0 : i32
      %dma_wait3A_4327 = tpu.memref_slice %arg6[%run_scoped3A_4309, %dma_wait3A] : memref<8x64xf32, #tpu.memory_space<vmem>> -> memref<1x64xf32, #tpu.memory_space<vmem>>
      %dma_wait3A_4328 = tpu.memref_squeeze %dma_wait3A_4327 : memref<1x64xf32, #tpu.memory_space<vmem>> -> memref<64xf32, #tpu.memory_space<vmem>>
      %dma_wait3A_4329 = tpu.memref_slice %arg3[%run_scoped3A_4310, %mul3A_2] : memref<8x2048xf32, #tpu.memory_space<hbm>> -> memref<1x64xf32, #tpu.memory_space<hbm>>
      %dma_wait3A_4330 = tpu.memref_squeeze %dma_wait3A_4329 : memref<1x64xf32, #tpu.memory_space<hbm>> -> memref<64xf32, #tpu.memory_space<hbm>>
      %dma_wait3A_4331 = tpu.memref_slice %arg3[%run_scoped3A_4310, %mul3A_2] : memref<8x2048xf32, #tpu.memory_space<hbm>> -> memref<1x64xf32, #tpu.memory_space<hbm>>
      %dma_wait3A_4332 = tpu.memref_squeeze %dma_wait3A_4331 : memref<1x64xf32, #tpu.memory_space<hbm>> -> memref<64xf32, #tpu.memory_space<hbm>>
      %dma_wait3A_4333 = arith.constant 0 : i32
      %dma_wait3A_4334 = tpu.memref_slice %arg6[%run_scoped3A_4309, %dma_wait3A_4333] : memref<8x64xf32, #tpu.memory_space<vmem>> -> memref<1x64xf32, #tpu.memory_space<vmem>>
      %dma_wait3A_4335 = tpu.memref_squeeze %dma_wait3A_4334 : memref<1x64xf32, #tpu.memory_space<vmem>> -> memref<64xf32, #tpu.memory_space<vmem>>
      tpu.wait_dma2 semaphore(%run_scoped3A_4317 : memref<!tpu.dma_semaphore, #tpu.memory_space<semaphore_mem>>) src(%dma_wait3A_4335 : memref<64xf32, #tpu.memory_space<vmem>>) dst(%dma_wait3A_4332 : memref<64xf32, #tpu.memory_space<hbm>>)
      tpu.yield
    }) : () -> ()
    %run_scoped3A_4311 = arith.constant 5 : i32
    %run_scoped3A_4312 = arith.constant 5 : i32
    "tpu.region"() ({
      %run_scoped3A_4317 = tpu.sem_alloc : memref<!tpu.dma_semaphore, #tpu.memory_space<semaphore_mem>>
      %dma_start3A = arith.constant 0 : i32
      %dma_start3A_4318 = tpu.memref_slice %arg6[%run_scoped3A_4311, %dma_start3A] : memref<8x64xf32, #tpu.memory_space<vmem>> -> memref<1x64xf32, #tpu.memory_space<vmem>>
      %dma_start3A_4319 = tpu.memref_squeeze %dma_start3A_4318 : memref<1x64xf32, #tpu.memory_space<vmem>> -> memref<64xf32, #tpu.memory_space<vmem>>
      %dma_start3A_4320 = tpu.memref_slice %arg3[%run_scoped3A_4312, %mul3A_2] : memref<8x2048xf32, #tpu.memory_space<hbm>> -> memref<1x64xf32, #tpu.memory_space<hbm>>
      %dma_start3A_4321 = tpu.memref_squeeze %dma_start3A_4320 : memref<1x64xf32, #tpu.memory_space<hbm>> -> memref<64xf32, #tpu.memory_space<hbm>>
      %dma_start3A_4322 = tpu.memref_slice %arg3[%run_scoped3A_4312, %mul3A_2] : memref<8x2048xf32, #tpu.memory_space<hbm>> -> memref<1x64xf32, #tpu.memory_space<hbm>>
      %dma_start3A_4323 = tpu.memref_squeeze %dma_start3A_4322 : memref<1x64xf32, #tpu.memory_space<hbm>> -> memref<64xf32, #tpu.memory_space<hbm>>
      %dma_start3A_4324 = arith.constant 0 : i32
      %dma_start3A_4325 = tpu.memref_slice %arg6[%run_scoped3A_4311, %dma_start3A_4324] : memref<8x64xf32, #tpu.memory_space<vmem>> -> memref<1x64xf32, #tpu.memory_space<vmem>>
      %dma_start3A_4326 = tpu.memref_squeeze %dma_start3A_4325 : memref<1x64xf32, #tpu.memory_space<vmem>> -> memref<64xf32, #tpu.memory_space<vmem>>
      tpu.enqueue_dma source(%dma_start3A_4326 : memref<64xf32, #tpu.memory_space<vmem>>) target(%dma_start3A_4323 : memref<64xf32, #tpu.memory_space<hbm>>) target_semaphore(%run_scoped3A_4317 : memref<!tpu.dma_semaphore, #tpu.memory_space<semaphore_mem>>)
      %dma_wait3A = arith.constant 0 : i32
      %dma_wait3A_4327 = tpu.memref_slice %arg6[%run_scoped3A_4311, %dma_wait3A] : memref<8x64xf32, #tpu.memory_space<vmem>> -> memref<1x64xf32, #tpu.memory_space<vmem>>
      %dma_wait3A_4328 = tpu.memref_squeeze %dma_wait3A_4327 : memref<1x64xf32, #tpu.memory_space<vmem>> -> memref<64xf32, #tpu.memory_space<vmem>>
      %dma_wait3A_4329 = tpu.memref_slice %arg3[%run_scoped3A_4312, %mul3A_2] : memref<8x2048xf32, #tpu.memory_space<hbm>> -> memref<1x64xf32, #tpu.memory_space<hbm>>
      %dma_wait3A_4330 = tpu.memref_squeeze %dma_wait3A_4329 : memref<1x64xf32, #tpu.memory_space<hbm>> -> memref<64xf32, #tpu.memory_space<hbm>>
      %dma_wait3A_4331 = tpu.memref_slice %arg3[%run_scoped3A_4312, %mul3A_2] : memref<8x2048xf32, #tpu.memory_space<hbm>> -> memref<1x64xf32, #tpu.memory_space<hbm>>
      %dma_wait3A_4332 = tpu.memref_squeeze %dma_wait3A_4331 : memref<1x64xf32, #tpu.memory_space<hbm>> -> memref<64xf32, #tpu.memory_space<hbm>>
      %dma_wait3A_4333 = arith.constant 0 : i32
      %dma_wait3A_4334 = tpu.memref_slice %arg6[%run_scoped3A_4311, %dma_wait3A_4333] : memref<8x64xf32, #tpu.memory_space<vmem>> -> memref<1x64xf32, #tpu.memory_space<vmem>>
      %dma_wait3A_4335 = tpu.memref_squeeze %dma_wait3A_4334 : memref<1x64xf32, #tpu.memory_space<vmem>> -> memref<64xf32, #tpu.memory_space<vmem>>
      tpu.wait_dma2 semaphore(%run_scoped3A_4317 : memref<!tpu.dma_semaphore, #tpu.memory_space<semaphore_mem>>) src(%dma_wait3A_4335 : memref<64xf32, #tpu.memory_space<vmem>>) dst(%dma_wait3A_4332 : memref<64xf32, #tpu.memory_space<hbm>>)
      tpu.yield
    }) : () -> ()
    %run_scoped3A_4313 = arith.constant 6 : i32
    %run_scoped3A_4314 = arith.constant 6 : i32
    "tpu.region"() ({
      %run_scoped3A_4317 = tpu.sem_alloc : memref<!tpu.dma_semaphore, #tpu.memory_space<semaphore_mem>>
      %dma_start3A = arith.constant 0 : i32
      %dma_start3A_4318 = tpu.memref_slice %arg6[%run_scoped3A_4313, %dma_start3A] : memref<8x64xf32, #tpu.memory_space<vmem>> -> memref<1x64xf32, #tpu.memory_space<vmem>>
      %dma_start3A_4319 = tpu.memref_squeeze %dma_start3A_4318 : memref<1x64xf32, #tpu.memory_space<vmem>> -> memref<64xf32, #tpu.memory_space<vmem>>
      %dma_start3A_4320 = tpu.memref_slice %arg3[%run_scoped3A_4314, %mul3A_2] : memref<8x2048xf32, #tpu.memory_space<hbm>> -> memref<1x64xf32, #tpu.memory_space<hbm>>
      %dma_start3A_4321 = tpu.memref_squeeze %dma_start3A_4320 : memref<1x64xf32, #tpu.memory_space<hbm>> -> memref<64xf32, #tpu.memory_space<hbm>>
      %dma_start3A_4322 = tpu.memref_slice %arg3[%run_scoped3A_4314, %mul3A_2] : memref<8x2048xf32, #tpu.memory_space<hbm>> -> memref<1x64xf32, #tpu.memory_space<hbm>>
      %dma_start3A_4323 = tpu.memref_squeeze %dma_start3A_4322 : memref<1x64xf32, #tpu.memory_space<hbm>> -> memref<64xf32, #tpu.memory_space<hbm>>
      %dma_start3A_4324 = arith.constant 0 : i32
      %dma_start3A_4325 = tpu.memref_slice %arg6[%run_scoped3A_4313, %dma_start3A_4324] : memref<8x64xf32, #tpu.memory_space<vmem>> -> memref<1x64xf32, #tpu.memory_space<vmem>>
      %dma_start3A_4326 = tpu.memref_squeeze %dma_start3A_4325 : memref<1x64xf32, #tpu.memory_space<vmem>> -> memref<64xf32, #tpu.memory_space<vmem>>
      tpu.enqueue_dma source(%dma_start3A_4326 : memref<64xf32, #tpu.memory_space<vmem>>) target(%dma_start3A_4323 : memref<64xf32, #tpu.memory_space<hbm>>) target_semaphore(%run_scoped3A_4317 : memref<!tpu.dma_semaphore, #tpu.memory_space<semaphore_mem>>)
      %dma_wait3A = arith.constant 0 : i32
      %dma_wait3A_4327 = tpu.memref_slice %arg6[%run_scoped3A_4313, %dma_wait3A] : memref<8x64xf32, #tpu.memory_space<vmem>> -> memref<1x64xf32, #tpu.memory_space<vmem>>
      %dma_wait3A_4328 = tpu.memref_squeeze %dma_wait3A_4327 : memref<1x64xf32, #tpu.memory_space<vmem>> -> memref<64xf32, #tpu.memory_space<vmem>>
      %dma_wait3A_4329 = tpu.memref_slice %arg3[%run_scoped3A_4314, %mul3A_2] : memref<8x2048xf32, #tpu.memory_space<hbm>> -> memref<1x64xf32, #tpu.memory_space<hbm>>
      %dma_wait3A_4330 = tpu.memref_squeeze %dma_wait3A_4329 : memref<1x64xf32, #tpu.memory_space<hbm>> -> memref<64xf32, #tpu.memory_space<hbm>>
      %dma_wait3A_4331 = tpu.memref_slice %arg3[%run_scoped3A_4314, %mul3A_2] : memref<8x2048xf32, #tpu.memory_space<hbm>> -> memref<1x64xf32, #tpu.memory_space<hbm>>
      %dma_wait3A_4332 = tpu.memref_squeeze %dma_wait3A_4331 : memref<1x64xf32, #tpu.memory_space<hbm>> -> memref<64xf32, #tpu.memory_space<hbm>>
      %dma_wait3A_4333 = arith.constant 0 : i32
      %dma_wait3A_4334 = tpu.memref_slice %arg6[%run_scoped3A_4313, %dma_wait3A_4333] : memref<8x64xf32, #tpu.memory_space<vmem>> -> memref<1x64xf32, #tpu.memory_space<vmem>>
      %dma_wait3A_4335 = tpu.memref_squeeze %dma_wait3A_4334 : memref<1x64xf32, #tpu.memory_space<vmem>> -> memref<64xf32, #tpu.memory_space<vmem>>
      tpu.wait_dma2 semaphore(%run_scoped3A_4317 : memref<!tpu.dma_semaphore, #tpu.memory_space<semaphore_mem>>) src(%dma_wait3A_4335 : memref<64xf32, #tpu.memory_space<vmem>>) dst(%dma_wait3A_4332 : memref<64xf32, #tpu.memory_space<hbm>>)
      tpu.yield
    }) : () -> ()
    %run_scoped3A_4315 = arith.constant 7 : i32
    %run_scoped3A_4316 = arith.constant 7 : i32
    "tpu.region"() ({
      %run_scoped3A_4317 = tpu.sem_alloc : memref<!tpu.dma_semaphore, #tpu.memory_space<semaphore_mem>>
      %dma_start3A = arith.constant 0 : i32
      %dma_start3A_4318 = tpu.memref_slice %arg6[%run_scoped3A_4315, %dma_start3A] : memref<8x64xf32, #tpu.memory_space<vmem>> -> memref<1x64xf32, #tpu.memory_space<vmem>>
      %dma_start3A_4319 = tpu.memref_squeeze %dma_start3A_4318 : memref<1x64xf32, #tpu.memory_space<vmem>> -> memref<64xf32, #tpu.memory_space<vmem>>
      %dma_start3A_4320 = tpu.memref_slice %arg3[%run_scoped3A_4316, %mul3A_2] : memref<8x2048xf32, #tpu.memory_space<hbm>> -> memref<1x64xf32, #tpu.memory_space<hbm>>
      %dma_start3A_4321 = tpu.memref_squeeze %dma_start3A_4320 : memref<1x64xf32, #tpu.memory_space<hbm>> -> memref<64xf32, #tpu.memory_space<hbm>>
      %dma_start3A_4322 = tpu.memref_slice %arg3[%run_scoped3A_4316, %mul3A_2] : memref<8x2048xf32, #tpu.memory_space<hbm>> -> memref<1x64xf32, #tpu.memory_space<hbm>>
      %dma_start3A_4323 = tpu.memref_squeeze %dma_start3A_4322 : memref<1x64xf32, #tpu.memory_space<hbm>> -> memref<64xf32, #tpu.memory_space<hbm>>
      %dma_start3A_4324 = arith.constant 0 : i32
      %dma_start3A_4325 = tpu.memref_slice %arg6[%run_scoped3A_4315, %dma_start3A_4324] : memref<8x64xf32, #tpu.memory_space<vmem>> -> memref<1x64xf32, #tpu.memory_space<vmem>>
      %dma_start3A_4326 = tpu.memref_squeeze %dma_start3A_4325 : memref<1x64xf32, #tpu.memory_space<vmem>> -> memref<64xf32, #tpu.memory_space<vmem>>
      tpu.enqueue_dma source(%dma_start3A_4326 : memref<64xf32, #tpu.memory_space<vmem>>) target(%dma_start3A_4323 : memref<64xf32, #tpu.memory_space<hbm>>) target_semaphore(%run_scoped3A_4317 : memref<!tpu.dma_semaphore, #tpu.memory_space<semaphore_mem>>)
      %dma_wait3A = arith.constant 0 : i32
      %dma_wait3A_4327 = tpu.memref_slice %arg6[%run_scoped3A_4315, %dma_wait3A] : memref<8x64xf32, #tpu.memory_space<vmem>> -> memref<1x64xf32, #tpu.memory_space<vmem>>
      %dma_wait3A_4328 = tpu.memref_squeeze %dma_wait3A_4327 : memref<1x64xf32, #tpu.memory_space<vmem>> -> memref<64xf32, #tpu.memory_space<vmem>>
      %dma_wait3A_4329 = tpu.memref_slice %arg3[%run_scoped3A_4316, %mul3A_2] : memref<8x2048xf32, #tpu.memory_space<hbm>> -> memref<1x64xf32, #tpu.memory_space<hbm>>
      %dma_wait3A_4330 = tpu.memref_squeeze %dma_wait3A_4329 : memref<1x64xf32, #tpu.memory_space<hbm>> -> memref<64xf32, #tpu.memory_space<hbm>>
      %dma_wait3A_4331 = tpu.memref_slice %arg3[%run_scoped3A_4316, %mul3A_2] : memref<8x2048xf32, #tpu.memory_space<hbm>> -> memref<1x64xf32, #tpu.memory_space<hbm>>
      %dma_wait3A_4332 = tpu.memref_squeeze %dma_wait3A_4331 : memref<1x64xf32, #tpu.memory_space<hbm>> -> memref<64xf32, #tpu.memory_space<hbm>>
      %dma_wait3A_4333 = arith.constant 0 : i32
      %dma_wait3A_4334 = tpu.memref_slice %arg6[%run_scoped3A_4315, %dma_wait3A_4333] : memref<8x64xf32, #tpu.memory_space<vmem>> -> memref<1x64xf32, #tpu.memory_space<vmem>>
      %dma_wait3A_4335 = tpu.memref_squeeze %dma_wait3A_4334 : memref<1x64xf32, #tpu.memory_space<vmem>> -> memref<64xf32, #tpu.memory_space<vmem>>
      tpu.wait_dma2 semaphore(%run_scoped3A_4317 : memref<!tpu.dma_semaphore, #tpu.memory_space<semaphore_mem>>) src(%dma_wait3A_4335 : memref<64xf32, #tpu.memory_space<vmem>>) dst(%dma_wait3A_4332 : memref<64xf32, #tpu.memory_space<hbm>>)
      tpu.yield
    }) : () -> ()
    "tpu.region"() ({
      %run_scoped3A_4317 = tpu.sem_alloc : memref<!tpu.dma_semaphore, #tpu.memory_space<semaphore_mem>>
      %dma_start3A = arith.constant 0 : i32
      %dma_start3A_4318 = tpu.memref_slice %arg4[%add3A, %dma_start3A] : memref<32x16xi32, #tpu.memory_space<hbm>> -> memref<1x16xi32, #tpu.memory_space<hbm>>
      %dma_start3A_4319 = tpu.memref_squeeze %dma_start3A_4318 : memref<1x16xi32, #tpu.memory_space<hbm>> -> memref<16xi32, #tpu.memory_space<hbm>>
      %dma_start3A_4320 = arith.constant 0 : i32
      %dma_start3A_4321 = tpu.memref_slice %arg4[%add3A, %dma_start3A_4320] : memref<32x16xi32, #tpu.memory_space<hbm>> -> memref<1x16xi32, #tpu.memory_space<hbm>>
      %dma_start3A_4322 = tpu.memref_squeeze %dma_start3A_4321 : memref<1x16xi32, #tpu.memory_space<hbm>> -> memref<16xi32, #tpu.memory_space<hbm>>
      tpu.enqueue_dma source(%arg7 : memref<16xi32, #tpu.memory_space<vmem>>) target(%dma_start3A_4322 : memref<16xi32, #tpu.memory_space<hbm>>) target_semaphore(%run_scoped3A_4317 : memref<!tpu.dma_semaphore, #tpu.memory_space<semaphore_mem>>)
      %dma_wait3A = arith.constant 0 : i32
      %dma_wait3A_4323 = tpu.memref_slice %arg4[%add3A, %dma_wait3A] : memref<32x16xi32, #tpu.memory_space<hbm>> -> memref<1x16xi32, #tpu.memory_space<hbm>>
      %dma_wait3A_4324 = tpu.memref_squeeze %dma_wait3A_4323 : memref<1x16xi32, #tpu.memory_space<hbm>> -> memref<16xi32, #tpu.memory_space<hbm>>
      %dma_wait3A_4325 = arith.constant 0 : i32
      %dma_wait3A_4326 = tpu.memref_slice %arg4[%add3A, %dma_wait3A_4325] : memref<32x16xi32, #tpu.memory_space<hbm>> -> memref<1x16xi32, #tpu.memory_space<hbm>>
      %dma_wait3A_4327 = tpu.memref_squeeze %dma_wait3A_4326 : memref<1x16xi32, #tpu.memory_space<hbm>> -> memref<16xi32, #tpu.memory_space<hbm>>
      tpu.wait_dma2 semaphore(%run_scoped3A_4317 : memref<!tpu.dma_semaphore, #tpu.memory_space<semaphore_mem>>) src(%arg7 : memref<16xi32, #tpu.memory_space<vmem>>) dst(%dma_wait3A_4327 : memref<16xi32, #tpu.memory_space<hbm>>)
      tpu.yield
    }) : () -> ()
    return
  }
}

module attributes {stable_mosaic.version = 14 : i64} {
  func.func @_tc_moe_body(%arg0: i32, %arg1: memref<2048x8xf32, #tpu.memory_space<vmem>>, %arg2: memref<2048x1024xf32, #tpu.memory_space<vmem>>, %arg3: memref<1x1024x1024xf32, #tpu.memory_space<vmem>>, %arg4: memref<1x1x1024xf32, #tpu.memory_space<vmem>>, %arg5: memref<2048x1024xf32, #tpu.memory_space<vmem>>) attributes {dimension_semantics = [#tpu.dimension_semantics<arbitrary>], iteration_bounds = array<i64: 8>, scalar_prefetch = 0 : i64, scratch_operands = 0 : i64, tpu.core_type = #tpu.core_type<tc>, window_params = [{pipeline_mode = #tpu.pipeline_mode<synchronous>, transform_indices = @transform_0, window_bounds = array<i64: 2048, 8>}, {pipeline_mode = #tpu.pipeline_mode<synchronous>, transform_indices = @transform_1, window_bounds = array<i64: 2048, 1024>}, {transform_indices = @transform_2, window_bounds = array<i64: 1, 1024, 1024>}, {transform_indices = @transform_3, window_bounds = array<i64: 1, 1, 1024>}, {pipeline_mode = #tpu.pipeline_mode<synchronous>, transform_indices = @transform_4, window_bounds = array<i64: 2048, 1024>}]} {
    %get3A = arith.constant 0 : index
    %get3A_0 = arith.constant 0 : index
    %get3A_1 = vector.load %arg2[%get3A, %get3A_0] : memref<2048x1024xf32, #tpu.memory_space<vmem>>, vector<2048x1024xf32>
    %get3A_2 = arith.constant 0 : index
    %get3A_3 = arith.constant 0 : index
    %get3A_4 = arith.constant 0 : index
    %get3A_5 = vector.load %arg3[%get3A_2, %get3A_3, %get3A_4] : memref<1x1024x1024xf32, #tpu.memory_space<vmem>>, vector<1x1024x1024xf32>
    %get3A_6 = vector.shape_cast %get3A_5 : vector<1x1024x1024xf32> to vector<1024x1024xf32>
    %dot_general3A = arith.constant dense<0.000000e+00> : vector<2048x1024xf32>
    %dot_general3A_7 = tpu.matmul %get3A_1, %get3A_6, %dot_general3A {dimension_numbers = #tpu.dot_dimension_numbers<[1], [0], [0], [1], [0, 0, 1, 1], [], []>, transpose_lhs_hint = false} : vector<2048x1024xf32>, vector<1024x1024xf32>, vector<2048x1024xf32> -> vector<2048x1024xf32>
    %get3A_8 = arith.constant 0 : index
    %get3A_9 = arith.constant 0 : index
    %get3A_10 = vector.load %arg1[%get3A_8, %get3A_9] : memref<2048x8xf32, #tpu.memory_space<vmem>>, vector<2048x8xf32>
    %iota3A = tpu.iota {dimensions = array<i32: 1>} : vector<2048x8xi32>
    %eq3A = vector.broadcast %arg0 : i32 to vector<2048x8xi32>
    %eq3A_11 = arith.cmpi eq, %iota3A, %eq3A : vector<2048x8xi32>
    %jit3A = arith.constant 0.000000e+00 : f32
    %broadcast_in_dim3A = vector.broadcast %jit3A : f32 to vector<2048x8xf32>
    %select_n3A = arith.select %eq3A_11, %get3A_10, %broadcast_in_dim3A : vector<2048x8xi1>, vector<2048x8xf32>
    %reduce_sum3A = arith.constant dense<0.000000e+00> : vector<2048xf32>
    %reduce_sum3A_12 = vector.multi_reduction <add>, %select_n3A, %reduce_sum3A [1] : vector<2048x8xf32> to vector<2048xf32>
    %broadcast_in_dim3A_13 = vector.shape_cast %reduce_sum3A_12 : vector<2048xf32> to vector<2048x1xf32>
    %get3A_14 = arith.constant 0 : index
    %get3A_15 = arith.constant 0 : index
    %get3A_16 = arith.constant 0 : index
    %get3A_17 = vector.load %arg4[%get3A_14, %get3A_15, %get3A_16] : memref<1x1x1024xf32, #tpu.memory_space<vmem>>, vector<1x1x1024xf32>
    %get3A_18 = vector.shape_cast %get3A_17 : vector<1x1x1024xf32> to vector<1x1024xf32>
    %add3A = vector.broadcast %get3A_18 : vector<1x1024xf32> to vector<2048x1024xf32>
    %add3A_19 = arith.addf %dot_general3A_7, %add3A : vector<2048x1024xf32>
    %mul3A = vector.broadcast %broadcast_in_dim3A_13 : vector<2048x1xf32> to vector<2048x1024xf32>
    %mul3A_20 = arith.mulf %mul3A, %add3A_19 : vector<2048x1024xf32>
    %eq3A_21 = arith.constant 0 : i32
    %eq3A_22 = arith.cmpi eq, %arg0, %eq3A_21 : i32
    %convert_element_type3A = arith.extui %eq3A_22 : i1 to i32
    %cond3A = arith.constant 0 : i32
    %cond3A_23 = arith.cmpi ne, %convert_element_type3A, %cond3A : i32
    scf.if %cond3A_23 {
      %swap3A = arith.constant 0 : index
      %swap3A_28 = arith.constant 0 : index
      %swap3A_29 = vector.load %arg5[%swap3A, %swap3A_28] : memref<2048x1024xf32, #tpu.memory_space<vmem>>, vector<2048x1024xf32>
      tpu.vector_store %arg5[%swap3A, %swap3A_28], %mul3A_20 {strides = array<i32>} : memref<2048x1024xf32, #tpu.memory_space<vmem>>, vector<2048x1024xf32>,
    } else {
    }
    %ne3A = arith.constant 0 : i32
    %ne3A_24 = arith.cmpi ne, %arg0, %ne3A : i32
    %convert_element_type3A_25 = arith.extui %ne3A_24 : i1 to i32
    %cond3A_26 = arith.constant 0 : i32
    %cond3A_27 = arith.cmpi ne, %convert_element_type3A_25, %cond3A_26 : i32
    scf.if %cond3A_27 {
      %get3A_28 = arith.constant 0 : index
      %get3A_29 = arith.constant 0 : index
      %get3A_30 = vector.load %arg5[%get3A_28, %get3A_29] : memref<2048x1024xf32, #tpu.memory_space<vmem>>, vector<2048x1024xf32>
      %add3A_31 = arith.addf %get3A_30, %mul3A_20 : vector<2048x1024xf32>
      %swap3A = arith.constant 0 : index
      %swap3A_32 = arith.constant 0 : index
      %swap3A_33 = vector.load %arg5[%swap3A, %swap3A_32] : memref<2048x1024xf32, #tpu.memory_space<vmem>>, vector<2048x1024xf32>
      tpu.vector_store %arg5[%swap3A, %swap3A_32], %add3A_31 {strides = array<i32>} : memref<2048x1024xf32, #tpu.memory_space<vmem>>, vector<2048x1024xf32>,
    } else {
    }
    return
  }
  func.func @transform_0(%arg0: i32) -> (i32, i32) {
    %c0_i32 = arith.constant 0 : i32
    %c0_i32_0 = arith.constant 0 : i32
    %c0_i32_1 = arith.constant 0 : i32
    return %c0_i32, %c0_i32_0 : i32, i32
  }
  func.func @transform_1(%arg0: i32) -> (i32, i32) {
    %c0_i32 = arith.constant 0 : i32
    %c0_i32_0 = arith.constant 0 : i32
    %c0_i32_1 = arith.constant 0 : i32
    return %c0_i32, %c0_i32_0 : i32, i32
  }
  func.func @transform_2(%arg0: i32) -> (i32, i32, i32) {
    %c0_i32 = arith.constant 0 : i32
    %c0_i32_0 = arith.constant 0 : i32
    %c0_i32_1 = arith.constant 0 : i32
    return %arg0, %c0_i32, %c0_i32_0 : i32, i32, i32
  }
  func.func @transform_3(%arg0: i32) -> (i32, i32, i32) {
    %c0_i32 = arith.constant 0 : i32
    %c0_i32_0 = arith.constant 0 : i32
    %c0_i32_1 = arith.constant 0 : i32
    return %arg0, %c0_i32, %c0_i32_0 : i32, i32, i32
  }
  func.func @transform_4(%arg0: i32) -> (i32, i32) {
    %c0_i32 = arith.constant 0 : i32
    %c0_i32_0 = arith.constant 0 : i32
    %c0_i32_1 = arith.constant 0 : i32
    return %c0_i32, %c0_i32_0 : i32, i32
  }
}

</mosaic_0001>

<sc_bundles>
// kernel: kernel.4.cloned.1.call-start
scs
__scs_entry_jumppad:
0x0: {  	(pc) =	sbr.rel $0x88, $3  }
0x1: {  	(tag) =	ssettag $0x0;
	lr =	simm.s32 $0x1  }
0x2: {  	[smem:$0x3F9D] =	sst lr;
	_ =	strace $0xD0000000  }
0x3: {  	_ = 	snop  }
0x4: {  	_ = 	snop  }
0x5: {  	_ = 	snop  }
0x6: {  	_ = 	snop  }
0x7: {  	_ = 	snop  }
__scs_overlays_trampoline_lowered:
0x8: {  	[smem:$0x3FAC] =	sst s0  }
0x9: {  	[smem:$0x3FAD] =	sst s1  }
0xa: {  	[smem:$0x3FAE] =	sst s2  }
0xb: {  	[smem:$0x3FAF] =	sst s3  }
0xc: {  	[smem:$0x3FB0] =	sst s4  }
0xd: {  	[smem:$0x3FB1] =	sst s5  }
0xe: {  	[smem:$0x3FB2] =	sst s6  }
0xf: {  	[smem:$0x3FB3] =	sst s7  }
0x10: {  	[smem:$0x3FB4] =	sst s8  }
0x11: {  	[smem:$0x3FB5] =	sst s9;
	s0 =	simm.s32 @!p0 $0x0  }
0x12: {  	s1 =	sld [smem:$0x3F9B];
	s0 =	simm.s32 @p0 $0x1  }
0x13: {  	[smem:$0x3FB6] =	sst s0;
	s0 =	simm.s32 @!p1 $0x0  }
0x14: {  	s2 =	sld [smem:$0x3F9A];
	s0 =	simm.s32 @p1 $0x1  }
0x15: {  	[smem:$0x3FB7] =	sst s0;
	s0 =	simm.s32 @!p2 $0x0  }
0x16: {  	s3 =	sld [smem:$0x3FDB];
	s0 =	simm.s32 @p2 $0x1  }
0x17: {  	s4 =	simm.s32 $0x1BF5;
	[smem:$0x3FB9] =	sst s0  }
0x18: {  	s0 =	sld [smem:$0x3F9C];
	_ =	swait.ge [sflag:s4], $0x0  }
0x19: {  	s7 =	sld [smem:$0x3F9D]  }
0x1a: {  	s8 =	sadd.s32 $0xFFFFE003, lr  }
0x1b: {  	s9 =	sadd.s32 $0xFFFFFEF7, lr;
	s5 =	simm.s32 $0xFFFFFFFF;
	p2 =	slt.u32 s8, $0xFFFFF086  }
0x1c: {  	p1 =	slt.u32 s9, $0xF7A;
	s5 =	simm.s32 @!p2 $0x0  }
0x1d: {  	s5 =	simm.s32 @p1 $0x1;
	p0 =	seq.s32 s7, s2  }
0x1e: {  	s7 =	smul.u32 @!p0 $0xF7A, s2;
	p2 =	seq.s32 @!p0 s5, $0x0  }
0x1f: {  	s9 =	smul.u32 $0xF7A, s1;
	s8 =	simm.s32 @!p0 $0x1BF5;
	p2 =	por !p2, p0  }
0x20: {  	[sflag:s8] =	ssyncset.s32 @!p0 $0xFFFFF086;
	s6 =	sadd.s32 @!p0 s3, s7;
	s7 =	simm.s32 @!p0 $0x108  }
0x21: {  	s3 =	sadd.s32 s3, s9;
	s6 =	sadd.s32 @!p0 $0x88, s6;
	s7 =	simm.s32 @p2 $0x1082  }
0x22: {  	[simem:s7], [sflag:s8] =	dma.local @!p0 [hbm:s6], $0xF7A  }
0x23: {  	s9 =	sor.u32 $0xD0000000, s2;
	s6 =	simm.s32 $0x108;
	_ =	swait.ge @!p0 [sflag:s8], $0x0  }
0x24: {  	s3 =	sadd.s32 $0x88, s3;
	s6 =	simm.s32 @!p1 $0x1082;
	[sflag:s4] =	ssyncset.s32 $0xFFFFF086  }
0x25: {  	[simem:s6], [sflag:s4] =	dma.local [hbm:s3], $0xF7A  }
0x26: {  	[smem:$0x3F9D] =	sst s1;
	(tag) =	ssettag s2;
	_ =	strace s9  }
0x27: {  	s1 =	sld [smem:$0x3FAD]  }
0x28: {  	s2 =	sld [smem:$0x3FAE]  }
0x29: {  	s4 =	sld [smem:$0x3FB0]  }
0x2a: {  	p0 =	seq.s32 s5, $0x0;
	s5 =	sld [smem:$0x3FB1]  }
0x2b: {  	s6 =	sld [smem:$0x3FB2]  }
0x2c: {  	s7 =	sld [smem:$0x3FB3]  }
0x2d: {  	s3 =	simm.s32 $0x108;
	s8 =	sld [smem:$0x3FB4]  }
0x2e: {  	s3 =	simm.s32 @!p0 $0x1082;
	s9 =	sld [smem:$0x3FB5]  }
0x2f: {  	lr =	sadd.s32 s0, s3;
	s0 =	sld [smem:$0x3FAC]  }
0x30: {  	s3 =	sld [smem:$0x3FAF]  }
0x31: {  	[smem:$0x3FB8] =	sst s10  }
0x32: {  	s10 =	sld [smem:$0x3FB6];
	_ =	sdelay $0x3  }
0x33: {  	p0 =	seq.s32 s10, $0x1;
	s10 =	sld [smem:$0x3FB8];
	_ =	sdelay $0x3  }
0x34: {  	[smem:$0x3FB8] =	sst s10  }
0x35: {  	s10 =	sld [smem:$0x3FB7];
	_ =	sdelay $0x3  }
0x36: {  	p1 =	seq.s32 s10, $0x1;
	s10 =	sld [smem:$0x3FB8];
	_ =	sdelay $0x3  }
0x37: {  	[smem:$0x3FB8] =	sst s10  }
0x38: {  	s10 =	sld [smem:$0x3FB9]  }
0x39: {  	_ = 	snop;
	(pc) =	sbr.ind lr, $3  }
0x3a: {  	_ = 	snop  }
0x3b: {  	_ = 	snop  }
0x3c: {  	p2 =	seq.s32 s10, $0x1;
	s10 =	sld [smem:$0x3FB8]  }
0x3d: {  	_ =	shalt  }
0x3e: {  	_ =	shalt  }
0x3f: {  	_ =	shalt  }
0x40: {  	_ =	shalt  }
0x41: {  	_ =	shalt  }
0x42: {  	_ =	shalt  }
0x43: {  	_ =	shalt  }
0x44: {  	_ =	shalt  }
0x45: {  	_ =	shalt  }
0x46: {  	_ =	shalt  }
0x47: {  	_ =	shalt  }
0x48: {  	_ =	shalt  }
0x49: {  	_ =	shalt  }
0x4a: {  	_ =	shalt  }
0x4b: {  	_ =	shalt  }
0x4c: {  	_ =	shalt  }
0x4d: {  	_ =	shalt  }
0x4e: {  	_ =	shalt  }
0x4f: {  	_ =	shalt  }
0x50: {  	_ =	shalt  }
0x51: {  	_ =	shalt  }
0x52: {  	_ =	shalt  }
0x53: {  	_ =	shalt  }
0x54: {  	_ =	shalt  }
0x55: {  	_ =	shalt  }
0x56: {  	_ =	shalt  }
0x57: {  	_ =	shalt  }
0x58: {  	_ =	shalt  }
0x59: {  	_ =	shalt  }
0x5a: {  	_ =	shalt  }
0x5b: {  	_ =	shalt  }
0x5c: {  	_ =	shalt  }
0x5d: {  	_ =	shalt  }
0x5e: {  	_ =	shalt  }
0x5f: {  	_ =	shalt  }
0x60: {  	_ =	shalt  }
0x61: {  	_ =	shalt  }
0x62: {  	_ =	shalt  }
0x63: {  	_ =	shalt  }
0x64: {  	_ =	shalt  }
0x65: {  	_ =	shalt  }
0x66: {  	_ =	shalt  }
0x67: {  	_ =	shalt  }
0x68: {  	_ =	shalt  }
0x69: {  	_ =	shalt  }
0x6a: {  	_ =	shalt  }
0x6b: {  	_ =	shalt  }
0x6c: {  	_ =	shalt  }
0x6d: {  	_ =	shalt  }
0x6e: {  	_ =	shalt  }
0x6f: {  	_ =	shalt  }
0x70: {  	_ =	shalt  }
0x71: {  	_ =	shalt  }
0x72: {  	_ =	shalt  }
0x73: {  	_ =	shalt  }
0x74: {  	_ =	shalt  }
0x75: {  	_ =	shalt  }
0x76: {  	_ =	shalt  }
0x77: {  	_ =	shalt  }
0x78: {  	_ =	shalt  }
0x79: {  	_ =	shalt  }
0x7a: {  	_ =	shalt  }
0x7b: {  	_ =	shalt  }
0x7c: {  	_ =	shalt  }
0x7d: {  	_ =	shalt  }
0x7e: {  	_ =	shalt  }
0x7f: {  	_ =	shalt  }
0x80: {  	_ =	shalt  }
0x81: {  	_ =	shalt  }
0x82: {  	_ =	shalt  }
0x83: {  	_ =	shalt  }
0x84: {  	_ =	shalt  }
0x85: {  	_ =	shalt  }
0x86: {  	_ =	shalt  }
0x87: {  	_ =	shalt  }
.Lfunc_end0:
.L_simem_size_0:
called_computation_lowered:
.L_overlay_start_0:
0x88: {  	s2 =	sld [smem:$0x3FD9]  }
0x89: {  	s3 =	sld [smem:$0x3FFE];
	_ =	sdelay $0x1  }
0x8a: {  	s1 =	srdreg.scid  }
0x8b: {  	s0 =	sand.u32 $0x1, s1  }
0x8c: {  	s14 =	sshll.u32 s0, $0xA;
	s2 =	sadd.s32 s3, s2  }
0x8d: {  	s2 =	sadd.s32 s2, s14  }
0x8e: {  	[smem:$0x3FC4] =	sst s2  }
0x8f: {  	_ = 	snop  }
0x90: {  	s2 =	sld [smem:$0x3FD0];
	_ =	sdelay $0x2  }
0x91: {  	s15 =	simm.s32 $0xA;
	s4 =	simm.s32 $0x10  }
0x92: {  	[smem:s4], [sflag:s15] =	dma.local [hbm:s2], $0x1  }
0x93: {  	_ =	swait.eq [sflag:s15], $0x1  }
0x94: {  	[sflag:s15] =	ssyncset.done $0x0  }
0x95: {  	[sflag:s15] =	ssyncadd.s32 $0xFFFFFFFF  }
0x96: {  	s16 =	sld [smem:$0x10];
	(tm) =	ssettm $0x1  }
0x97: {  	s17 =	sld [smem:$0x3FFB];
	_ =	sdelay $0x3  }
0x98: {  	_ =	strace s17  }
0x99: {  	s3 =	sld [smem:$0x3FFC];
	_ =	sdelay $0x3  }
0x9a: {  	_ =	strace s3  }
0x9b: {  	s3 =	sld [smem:$0x3FFD];
	_ =	sdelay $0x3  }
0x9c: {  	_ =	strace s3  }
0x9d: {  	_ =	strace $0x8FFFFFFF  }
0x9e: {  	s18 =	sld [smem:$0x3FDB];
	_ =	sdelay $0x1  }
0x9f: {  	s19 =	simm.s32 $_scs_section_size  }
0xa0: {  	s5 =	simm.s32 $_size__tile_overlayer_lowered;
	s6 =	simm.s32 $_tile_overlayer_lowered  }
0xa1: {  	s22 =	simm.s32 $0x1BFF;
	s21 =	sshll.u32 s6, $0x1;
	s3 =	sadd.s32 s19, s18  }
0xa2: {  	s7 =	simm.s32 $0x0;
	s20 =	sshll.u32 s5, $0x1;
	s5 =	sadd.s32 s21, s3  }
0xa3: {  	[timem:s7], [sflag:s22] =	dma.local [hbm:s5], s20  }
0xa4: {  	_ =	swait.ge [sflag:s22], s20  }
0xa5: {  	s4 =	ssub.s32 $0x0, s20;
	[sflag:s22] =	ssyncset.done $0x0  }
0xa6: {  	[sflag:s22] =	ssyncadd.s32 s4;
	_ =	sdelay $0x1  }
0xa7: {  	s23 =	simm.s32 $0x1B8B  }
0xa8: {  	_ =	swait.ge [sflag:s23], $0x1  }
0xa9: {  	[sflag:s23] =	ssyncset.done $0x0  }
0xaa: {  	s25 =	simm.s32 $0x1B8E;
	s24 =	sld [smem:$0x3FFE];
	[sflag:s23] =	ssyncadd.s32 $0xFFFFFFFF  }
0xab: {  	s26 =	simm.s32 $execute0_lowered;
	[smem:$0x3FD2] =	sst s25  }
0xac: {  	s5 =	sshll.u32 s26, $0x1;
	_ =	strace $0x80000046;
	[dreg:$0x1] =	wrdreg $0xFFFFFFFF  }
0xad: {  	s28 =	simm.s32 $_size_execute0_lowered;
	s3 =	sadd.s32 s3, s5;
	[dreg:$0x0] =	wrdreg $0x0  }
0xae: {  	s5 =	sshll.u32 s28, $0x1;
	[dreg:$0x2] =	wrdreg s3  }
0xaf: {  	[dreg:$0x3] =	wrdreg s5  }
0xb0: {  	[dreg:$0x4] =	wrdreg $0xC0  }
0xb1: {  	_ =	task [dreg:s7], $0x5FFFF  }
0xb2: {  	[dreg:$0x1] =	wrdreg $0xFFFFFFFF  }
0xb3: {  	[dreg:$0x0] =	wrdreg $0x60  }
0xb4: {  	[dreg:$0x2] =	wrdreg s16  }
0xb5: {  	[dreg:$0x3] =	wrdreg s24  }
0xb6: {  	[dreg:$0x4] =	wrdreg $0x9  }
0xb7: {  	_ =	task.clear_ibuf [dreg:s7], $0x5FFFF;
	_ =	strace $0x90000046  }
0xb8: {  	s29 =	simm.s32 $0x9;
	_ =	strace $0x80000048  }
0xb9: {  	_ =	swait.ge [sflag:s29], $0x1  }
0xba: {  	[sflag:s29] =	ssyncadd.s32 $0xFFFFFFFF  }
0xbb: {  	_ =	strace $0x90000048  }
0xbc: {  	_ =	sfence  }
0xbd: {  	s30 =	sld [smem:$0x0];
	_ =	sdelay $0x2  }
0xbe: {  	s31 =	sshll.u32 s1, $0xD;
	s1 =	sshrl.u32 s1, $0x2  }
0xbf: {  	s3 =	sand.u32 $0x4000, s31;
	s1 =	sadd.s32 s1, s30  }
0xc0: {  	s0 =	sor.u32 s3, s0;
	s1 =	sshll.u32 s1, $0x11  }
0xc1: {  	s0 =	sor.u32 s1, s0  }
0xc2: {  	s0 =	sadd.s32 $0x8F2B, s0  }
0xc3: {  	[sflag:s0] =	ssyncadd.remote.s32 $0x1  }
0xc4: {  	_ =	sfence.sel $0xFFFF  }
0xc5: {  	[dreg:$0x0] =	wrdreg $0xFFFFFFFF;
	(pc) =	sbr.abs _section_cstart, $3  }
0xc6: {  	[dreg:$0x1] =	wrdreg $0xFFFFFFFF  }
0xc7: {  	_ =	task.clear_ibuf [dreg:s7], $0x2FFFF;
	_ =	strace $0x9FFFFFFF  }
0xc8: {  	(tm) =	ssettm $0x7FFFFFFF  }
0xc9: {  	_ =	shalt  }
tec
execute0_lowered:
.L_overlay_start_1:
0x0: {  	(tag) =	ssettag $0x1  }
0x1: {  	s4 =	rddreg [dreg:$0x0]  }
0x2: {  	s3 =	rddreg [dreg:$0x1]  }
0x3: {  	s0 =	rddreg [dreg:$0x2];
	s2 =	simm.s32 $0x0;
	s5 =	srdreg.scid  }
0x4: {  	s1 =	stileid.u32;
	s16 =	simm.s32 $0x480;
	s17 =	simm.s32 $0x500  }
0x5: {  	s18 =	simm.s32 $0x580;
	s19 =	simm.s32 $0x600;
	s20 =	simm.s32 $0x680  }
0x6: {  	s21 =	simm.s32 $0x700;
	s22 =	simm.s32 $0x780;
	s23 =	simm.s32 $0x800  }
0x7: {  	[smem:$0x7FF] =	sst s2;
	s5 =	sand.u32 $0x1, s5;
	s6 =	sshll.u32 s1, $0x1  }
0x8: {  	s11 =	sadd.s32 $0x600, s3;
	_ =	strace $0x80000047;
	s6 =	sor.u32 s5, s6  }
0x9: {  	s9 =	ssub.s32 $0x2, s5;
	s5 =	sshll.u32 s5, $0x6;
	s7 =	sshll.u32 s6, $0x4  }
0xa: {  	s8 =	sshll.u32 s6, $0x9;
	s25 =	sshrl.u32 s9, $0x1;
	s6 =	sshll.u32 s6, $0x7  }
0xb: {  	s10 =	sand.u32 $0x3C00, s8;
	s12 =	sadd.s32 s7, s3;
	s13 =	ssub.s32 s9, s25  }
0xc: {  	s4 =	sadd.s32 s4, s6;
	s26 =	sor.u32 s5, s10;
	s5 =	sor.u32 s5, s8  }
0xd: {  	s12 =	sadd.s32 $0xE00, s12;
	s28 =	sshrl.u32 s26, $0x3;
	s29 =	sshrl.u32 s5, $0x3  }
0xe: {  	s13 =	smax.u32 s13, $0x1;
	s3 =	sadd.s32 s11, s28;
	s30 =	sor.u32 $0x40, s29  }
0xf: {  	s31 =	sor.u32 $0x50, s29;
	s14 =	sor.u32 $0x60, s29;
	s15 =	sor.u32 $0x70, s29  }
0x10: {  	vm0 =	vmmov $0x1;
	v0 =	vimm.s32 $0x0;
	s5 =	sadd.s32 $0x10, s3;
	s6 =	sadd.s32 $0x20, s3;
	s7 =	sadd.s32 $0x30, s3  }
0x11: {  	v0 =	vsel vm0, $0xFFFFFFFF, v0;
	s8 =	sadd.s32 s11, s30;
	s9 =	sadd.s32 s11, s31;
	s10 =	sadd.s32 s11, s14  }
0x12: {  	v60 =	vimm.s32 $0x0;
	[tilespmem:$0x1FFF0] =	vst v0;
	s11 =	sadd.s32 s11, s15;
	s14 =	simm.s32 $0x1;
	s15 =	simm.s32 $0x400  }
.LBB2_1:
0x13: {  	[tilespmem:s2], [sflag:$0x1] =	stream.linear.gather [hbm4b:s4+s2], $0x400, $0x38;
	[tilespmem:$0x900] =	vst v63  }
0x14: {  	_ =	swait.ge [sflag:s14], $0x400  }
0x15: {  	[sflag:s14] =	ssyncset.done $0x0  }
0x16: {  	[sflag:s14] =	ssyncadd.s32 $0xFFFFFC00  }
0x17: {  	v4 =	vld [tilespmem:$0x0]  }
0x18: {  	v5 =	vld [tilespmem:$0x80];
	_ =	sdelay $0x1  }
0x19: {  	v6 =	vld [tilespmem:$0x100];
	_ =	sdelay $0x1  }
0x1a: {  	v7 =	vld [tilespmem:$0x180]  }
0x1b: {  	vm0 =	vgt.f32 v5, v4  }
0x1c: {  	v8 =	vld [tilespmem:$0x200];
	v1 =	vsel vm0, v5, v4  }
0x1d: {  	vm1 =	vgt.f32 v6, v1  }
0x1e: {  	v9 =	vld [tilespmem:$0x280];
	v1 =	vsel vm1, v6, v1  }
0x1f: {  	vm2 =	vgt.f32 v7, v1  }
0x20: {  	v10 =	vld [tilespmem:$0x300];
	v1 =	vsel vm2, v7, v1  }
0x21: {  	vm3 =	vgt.f32 v8, v1  }
0x22: {  	v2 =	vsel vm3, v8, v1;
	v1 =	vld [tilespmem:$0x380]  }
0x23: {  	v3 =	vsel vm0, $0x1, v60;
	vm5 =	vgt.f32 v9, v2  }
0x24: {  	v3 =	vsel vm1, $0x2, v3;
	v2 =	vsel vm5, v9, v2  }
0x25: {  	v3 =	vsel vm2, $0x3, v3;
	vm1 =	vgt.f32 v10, v2  }
0x26: {  	v3 =	vsel vm3, $0x4, v3;
	v2 =	vsel vm1, v10, v2  }
0x27: {  	v3 =	vsel vm5, $0x5, v3;
	vm6 =	vgt.f32 v1, v2  }
0x28: {  	v3 =	vsel vm1, $0x6, v3;
	vm15 =	vmneg vm6  }
0x29: {  	v3 =	vnsel vm15, $0x7, v3  }
0x2a: {  	vm7 =	vgt.f32 v4, $-3.000000010e+38;
	vm8 =	vne.s32 v3, $0x0  }
0x2b: {  	vm2 =	vmand vm7, vm8  }
0x2c: {  	v4 =	vnsel vm2, $0xFF61B1E6, v4  }
0x2d: {  	vm9 =	vne.s32 v3, $0x1;
	vm2 =	vgt.f32 v5, v4  }
0x2e: {  	vm2 =	vmand vm9, vm2  }
0x2f: {  	v4 =	vsel vm2, v5, v4  }
0x30: {  	vm4 =	vne.s32 v3, $0x2;
	vm10 =	vgt.f32 v6, v4  }
0x31: {  	vm3 =	vmand vm4, vm10  }
0x32: {  	v4 =	vsel vm3, v6, v4  }
0x33: {  	vm5 =	vne.s32 v3, $0x3;
	vm11 =	vgt.f32 v7, v4  }
0x34: {  	vm4 =	vmand vm5, vm11  }
0x35: {  	v0 =	vimm.s32 $0x0;
	v4 =	vsel vm4, v7, v4  }
0x36: {  	v0 =	vsel vm6, $0xFFFFFFFF, v0;
	vm6 =	vne.s32 v3, $0x4;
	vm12 =	vgt.f32 v8, v4  }
0x37: {  	vm5 =	vmand vm6, vm12  }
0x38: {  	v4 =	vsel vm5, v8, v4  }
0x39: {  	vm7 =	vne.s32 v3, $0x5;
	vm13 =	vgt.f32 v9, v4  }
0x3a: {  	vm6 =	vmand vm7, vm13  }
0x3b: {  	v4 =	vsel vm6, v9, v4  }
0x3c: {  	v50 =	vsel vm2, $0x1, v60;
	vm14 =	vgt.f32 v10, v4  }
0x3d: {  	v5 =	vsel vm3, $0x2, v50;
	vm2 =	vmneg vm14;
	vm14 =	vmand vm1, vm15  }
0x3e: {  	v5 =	vsel vm4, $0x3, v5;
	vm1 =	vmor vm14, vm2  }
0x3f: {  	v5 =	vsel vm5, $0x4, v5;
	v4 =	vsel vm1, v4, v10  }
0x40: {  	v5 =	vsel vm6, $0x5, v5;
	vm5 =	vgt.f32 v1, v4  }
0x41: {  	v5 =	vnsel vm1, $0x6, v5;
	vm0 =	vmand vm15, vm5  }
0x42: {  	v5 =	vsel vm0, $0x7, v5  }
0x43: {  	vm2 =	veq.s32 v3, $0x0;
	vm3 =	veq.s32 v5, $0x0  }
0x44: {  	v53 =	vsel vm2, $0x1, v60;
	v54 =	vsel vm3, $0x1, v60  }
0x45: {  	[tilespmem:$0x880] =	vst v60;
	v59 =	vadd.s32 v53, v54  }
0x46: {  	[tilespmem:$0x890] =	vst v59  }
0x47: {  	v55 =	vld [tilespmem:$0x88F];
	_ =	sdelay $0x4  }
0x48: {  	v6 =	vadd.s32 v55, v59  }
0x49: {  	[tilespmem:$0x890] =	vst v6  }
0x4a: {  	v56 =	vld [tilespmem:$0x88E];
	_ =	sdelay $0x4  }
0x4b: {  	v6 =	vadd.s32 v56, v6  }
0x4c: {  	[tilespmem:$0x890] =	vst v6  }
0x4d: {  	v57 =	vld [tilespmem:$0x88C];
	_ =	sdelay $0x4  }
0x4e: {  	[tilespmem:$0x8A0] =	vst v60;
	v63 =	vadd.s32 v57, v6  }
0x4f: {  	[tilespmem:$0x890] =	vst v63  }
0x50: {  	v62 =	vld [tilespmem:$0x888];
	[tilespmem:$0x890] =	vst v59  }
0x51: {  	v58 =	vld [tilespmem:$0x891];
	_ =	sdelay $0x4  }
0x52: {  	v6 =	vadd.s32 v58, v59  }
0x53: {  	[tilespmem:$0x890] =	vst v6  }
0x54: {  	v61 =	vld [tilespmem:$0x892];
	_ =	sdelay $0x2  }
0x55: {  	v51 =	vimm.s32 $0x0  }
0x56: {  	[tilespmem:$0x1F520] =	vst v0;
	v0 =	vsel vm14, $0xFFFFFFFF, v51  }
0x57: {  	v52 =	vimm.s32 $0x0;
	[tilespmem:$0x1F540] =	vst v0;
	v6 =	vadd.s32 v61, v6  }
0x58: {  	v0 =	vsel vm15, $0xFFFFFFFF, v52;
	[tilespmem:$0x890] =	vst v6  }
0x59: {  	[tilespmem:$0x1F560] =	vst v0;
	v0 =	vld [tilespmem:$0x894];
	_ =	sdelay $0x3  }
0x5a: {  	vm4 =	veq.s32 v3, $0x1;
	vm5 =	veq.s32 v5, $0x1  }
0x5b: {  	v10 =	vsel vm4, $0x1, v60;
	v11 =	vsel vm5, $0x1, v60;
	v9 =	vadd.s32 v0, v6  }
0x5c: {  	v12 =	vadd.s32 v10, v11;
	[tilespmem:$0x890] =	vst v9  }
0x5d: {  	v0 =	vld [tilespmem:$0x898];
	[tilespmem:$0x890] =	vst v12  }
0x5e: {  	v13 =	vld [tilespmem:$0x88F];
	_ =	sdelay $0x4  }
0x5f: {  	v6 =	vadd.s32 v13, v12  }
0x60: {  	[tilespmem:$0x890] =	vst v6  }
0x61: {  	v14 =	vld [tilespmem:$0x88E];
	_ =	sdelay $0x4  }
0x62: {  	v6 =	vadd.s32 v14, v6  }
0x63: {  	[tilespmem:$0x890] =	vst v6  }
0x64: {  	v15 =	vld [tilespmem:$0x88C];
	_ =	sdelay $0x4  }
0x65: {  	v6 =	vadd.s32 v15, v6  }
0x66: {  	[tilespmem:$0x1F790] =	vst v6  }
0x67: {  	[tilespmem:$0x890] =	vst v6  }
0x68: {  	v6 =	vld [tilespmem:$0x888];
	[tilespmem:$0x890] =	vst v12  }
0x69: {  	v16 =	vld [tilespmem:$0x891];
	_ =	sdelay $0x4  }
0x6a: {  	[tilespmem:$0x1F730] =	vst v6;
	v6 =	vadd.s32 v16, v12  }
0x6b: {  	[tilespmem:$0x890] =	vst v6  }
0x6c: {  	v17 =	vld [tilespmem:$0x892];
	_ =	sdelay $0x4  }
0x6d: {  	v6 =	vadd.s32 v17, v6  }
0x6e: {  	[tilespmem:$0x890] =	vst v6  }
0x6f: {  	v18 =	vld [tilespmem:$0x894];
	_ =	sdelay $0x3  }
0x70: {  	vm6 =	veq.s32 v3, $0x2;
	vm7 =	veq.s32 v5, $0x2  }
0x71: {  	v20 =	vsel vm6, $0x1, v60;
	v21 =	vsel vm7, $0x1, v60;
	[tilespmem:$0x1F720] =	vst v0;
	v19 =	vadd.s32 v18, v6  }
0x72: {  	v22 =	vadd.s32 v20, v21;
	[tilespmem:$0x890] =	vst v19  }
0x73: {  	v0 =	vld [tilespmem:$0x898];
	[tilespmem:$0x890] =	vst v22  }
0x74: {  	v23 =	vld [tilespmem:$0x88F];
	_ =	sdelay $0x4  }
0x75: {  	v6 =	vadd.s32 v22, v23  }
0x76: {  	[tilespmem:$0x890] =	vst v6  }
0x77: {  	v24 =	vld [tilespmem:$0x88E];
	_ =	sdelay $0x4  }
0x78: {  	v6 =	vadd.s32 v6, v24  }
0x79: {  	[tilespmem:$0x890] =	vst v6  }
0x7a: {  	v25 =	vld [tilespmem:$0x88C];
	_ =	sdelay $0x4  }
0x7b: {  	v6 =	vadd.s32 v6, v25  }
0x7c: {  	[tilespmem:$0x1F760] =	vst v6  }
0x7d: {  	[tilespmem:$0x890] =	vst v6  }
0x7e: {  	v6 =	vld [tilespmem:$0x888];
	[tilespmem:$0x890] =	vst v22  }
0x7f: {  	v26 =	vld [tilespmem:$0x891];
	_ =	sdelay $0x4  }
0x80: {  	[tilespmem:$0x1F7A0] =	vst v6;
	v6 =	vadd.s32 v22, v26  }
0x81: {  	[tilespmem:$0x890] =	vst v6  }
0x82: {  	v27 =	vld [tilespmem:$0x892];
	_ =	sdelay $0x4  }
0x83: {  	v6 =	vadd.s32 v6, v27  }
0x84: {  	[tilespmem:$0x890] =	vst v6  }
0x85: {  	v28 =	vld [tilespmem:$0x894];
	_ =	sdelay $0x3  }
0x86: {  	vm8 =	veq.s32 v3, $0x3;
	vm9 =	veq.s32 v5, $0x3  }
0x87: {  	v30 =	vsel vm8, $0x1, v60;
	v31 =	vsel vm9, $0x1, v60;
	[tilespmem:$0x1F740] =	vst v0;
	v29 =	vadd.s32 v6, v28  }
0x88: {  	v32 =	vadd.s32 v30, v31;
	[tilespmem:$0x890] =	vst v29  }
0x89: {  	v0 =	vld [tilespmem:$0x898];
	[tilespmem:$0x890] =	vst v32  }
0x8a: {  	v33 =	vld [tilespmem:$0x88F];
	_ =	sdelay $0x4  }
0x8b: {  	v6 =	vadd.s32 v32, v33  }
0x8c: {  	[tilespmem:$0x890] =	vst v6  }
0x8d: {  	v34 =	vld [tilespmem:$0x88E];
	_ =	sdelay $0x4  }
0x8e: {  	v6 =	vadd.s32 v6, v34  }
0x8f: {  	[tilespmem:$0x890] =	vst v6  }
0x90: {  	v35 =	vld [tilespmem:$0x88C];
	_ =	sdelay $0x4  }
0x91: {  	v57 =	vadd.s32 v6, v35  }
0x92: {  	[tilespmem:$0x890] =	vst v57  }
0x93: {  	v36 =	vld [tilespmem:$0x888];
	[tilespmem:$0x890] =	vst v32  }
0x94: {  	v37 =	vld [tilespmem:$0x891];
	_ =	sdelay $0x4  }
0x95: {  	v6 =	vadd.s32 v32, v37  }
0x96: {  	[tilespmem:$0x890] =	vst v6  }
0x97: {  	v38 =	vld [tilespmem:$0x892];
	_ =	sdelay $0x4  }
0x98: {  	v6 =	vadd.s32 v6, v38  }
0x99: {  	[tilespmem:$0x890] =	vst v6  }
0x9a: {  	v39 =	vld [tilespmem:$0x894];
	_ =	sdelay $0x3  }
0x9b: {  	vm10 =	veq.s32 v3, $0x4;
	vm11 =	veq.s32 v5, $0x4  }
0x9c: {  	v41 =	vsel vm10, $0x1, v60;
	v42 =	vsel vm11, $0x1, v60;
	[tilespmem:$0x1F7F0] =	vst v0;
	v40 =	vadd.s32 v6, v39  }
0x9d: {  	v43 =	vadd.s32 v41, v42;
	[tilespmem:$0x890] =	vst v40  }
0x9e: {  	v0 =	vld [tilespmem:$0x898];
	[tilespmem:$0x890] =	vst v43  }
0x9f: {  	v44 =	vld [tilespmem:$0x88F];
	_ =	sdelay $0x4  }
0xa0: {  	v6 =	vadd.s32 v43, v44  }
0xa1: {  	[tilespmem:$0x890] =	vst v6  }
0xa2: {  	v45 =	vld [tilespmem:$0x88E];
	_ =	sdelay $0x4  }
0xa3: {  	v6 =	vadd.s32 v6, v45  }
0xa4: {  	[tilespmem:$0x890] =	vst v6  }
0xa5: {  	v46 =	vld [tilespmem:$0x88C];
	_ =	sdelay $0x4  }
0xa6: {  	v6 =	vadd.s32 v6, v46  }
0xa7: {  	[tilespmem:$0x1F820] =	vst v6  }
0xa8: {  	[tilespmem:$0x890] =	vst v6  }
0xa9: {  	v6 =	vld [tilespmem:$0x888];
	[tilespmem:$0x890] =	vst v43  }
0xaa: {  	v47 =	vld [tilespmem:$0x891];
	_ =	sdelay $0x4  }
0xab: {  	[tilespmem:$0x1F840] =	vst v6;
	v6 =	vadd.s32 v43, v47  }
0xac: {  	[tilespmem:$0x890] =	vst v6  }
0xad: {  	v48 =	vld [tilespmem:$0x892];
	_ =	sdelay $0x4  }
0xae: {  	v6 =	vadd.s32 v6, v48  }
0xaf: {  	[tilespmem:$0x890] =	vst v6  }
0xb0: {  	v49 =	vld [tilespmem:$0x894];
	_ =	sdelay $0x3  }
0xb1: {  	vm12 =	veq.s32 v3, $0x5;
	vm13 =	veq.s32 v5, $0x5  }
0xb2: {  	v3 =	vsel vm12, $0x1, v60;
	v5 =	vsel vm13, $0x1, v60;
	[tilespmem:$0x1F810] =	vst v0;
	v50 =	vadd.s32 v6, v49  }
0xb3: {  	v51 =	vadd.s32 v3, v5;
	[tilespmem:$0x890] =	vst v50  }
0xb4: {  	v0 =	vld [tilespmem:$0x898];
	[tilespmem:$0x890] =	vst v51  }
0xb5: {  	v52 =	vld [tilespmem:$0x88F];
	_ =	sdelay $0x4  }
0xb6: {  	v3 =	vadd.s32 v51, v52  }
0xb7: {  	[tilespmem:$0x890] =	vst v3  }
0xb8: {  	v53 =	vld [tilespmem:$0x88E];
	_ =	sdelay $0x4  }
0xb9: {  	v3 =	vadd.s32 v3, v53  }
0xba: {  	[tilespmem:$0x890] =	vst v3  }
0xbb: {  	v54 =	vld [tilespmem:$0x88C];
	_ =	sdelay $0x4  }
0xbc: {  	v3 =	vadd.s32 v3, v54  }
0xbd: {  	[tilespmem:$0x890] =	vst v3  }
0xbe: {  	v56 =	vld [tilespmem:$0x888];
	[tilespmem:$0x890] =	vst v51  }
0xbf: {  	v2 =	vsel vm15, v2, v1;
	v1 =	vsel vm0, v1, v4;
	v58 =	vld [tilespmem:$0x891]  }
0xc0: {  	v4 =	vadd.f32 v1, v2;
	_ =	sdelay $0x1  }
0xc1: {  	v55 =	vadd.f32 $9.999999930e-09, v4;
	_ =	sdelay $0x1  }
0xc2: {  	(erf) = vrcp.f32 v55;
	[tilespmem:$0x1F850] =	vst v3;
	v3 =	vadd.s32 v51, v58  }
0xc3: {  	[tilespmem:$0x890] =	vst v3  }
0xc4: {  	v61 =	vld [tilespmem:$0x892];
	_ =	sdelay $0x4  }
0xc5: {  	v3 =	vadd.s32 v3, v61  }
0xc6: {  	[tilespmem:$0x890] =	vst v3  }
0xc7: {  	[tilespmem:$0x1F8B0] =	vst v0;
	v0 =	vpop (erf);
	v13 =	vld [tilespmem:$0x894]  }
0xc8: {  	v37 =	vmul.f32 v0, v2;
	v0 =	vmul.f32 v0, v1;
	_ =	sdelay $0x1  }
0xc9: {  	[tilespmem:$0x1F750] =	vst v12;
	v12 =	vnsel vm6, $0x0, v37;
	v5 =	vnsel vm7, $0x0, v0  }
0xca: {  	vm1 =	vmor vm0, vm1;
	v23 =	vimm.s32 $0x0;
	v14 =	vadd.f32 v5, v12  }
0xcb: {  	v5 =	vsel vm1, $0xFFFFFFFF, v23;
	vm1 =	vmneg vm1;
	v3 =	vadd.s32 v3, v13  }
0xcc: {  	v26 =	vsel vm14, $0x1, v60;
	v27 =	vsel vm1, $0x1, v60;
	[tilespmem:$0x1F8C0] =	vst v3  }
0xcd: {  	[tilespmem:$0x890] =	vst v3;
	v3 =	vadd.s32 v26, v27  }
0xce: {  	v28 =	vld [tilespmem:$0x898];
	[tilespmem:$0x890] =	vst v3  }
0xcf: {  	[tilespmem:$0x1F7C0] =	vst v29;
	v29 =	vld [tilespmem:$0x88F];
	_ =	sdelay $0x1  }
0xd0: {  	[tilespmem:$0x1F780] =	vst v9;
	v8 =	vnsel vm2, $0x0, v37;
	v9 =	vnsel vm3, $0x0, v0  }
0xd1: {  	v1 =	vadd.f32 v9, v8;
	_ =	sdelay $0x1  }
0xd2: {  	[tilespmem:$0x400] =	vst v1;
	v1 =	vadd.s32 v3, v29  }
0xd3: {  	[tilespmem:$0x890] =	vst v1  }
0xd4: {  	v30 =	vld [tilespmem:$0x88E];
	_ =	sdelay $0x4  }
0xd5: {  	v1 =	vadd.s32 v1, v30  }
0xd6: {  	[tilespmem:$0x890] =	vst v1  }
0xd7: {  	v31 =	vld [tilespmem:$0x88C];
	_ =	sdelay $0x4  }
0xd8: {  	v1 =	vadd.s32 v1, v31  }
0xd9: {  	[tilespmem:$0x1F890] =	vst v1  }
0xda: {  	[tilespmem:$0x890] =	vst v1  }
0xdb: {  	v1 =	vld [tilespmem:$0x888];
	[tilespmem:$0x890] =	vst v3  }
0xdc: {  	[tilespmem:$0x1F7D0] =	vst v32;
	v32 =	vld [tilespmem:$0x891];
	_ =	sdelay $0x4  }
0xdd: {  	[tilespmem:$0x1F8D0] =	vst v1;
	v1 =	vadd.s32 v3, v32  }
0xde: {  	[tilespmem:$0x890] =	vst v1  }
0xdf: {  	v33 =	vld [tilespmem:$0x892];
	_ =	sdelay $0x4  }
0xe0: {  	v1 =	vadd.s32 v1, v33  }
0xe1: {  	[tilespmem:$0x890] =	vst v1  }
0xe2: {  	v34 =	vld [tilespmem:$0x894];
	_ =	sdelay $0x4  }
0xe3: {  	v1 =	vadd.s32 v1, v34  }
0xe4: {  	v35 =	vld [tilespmem:$0x1F520];
	[tilespmem:$0x890] =	vst v1  }
0xe5: {  	[tilespmem:$0x1F8F0] =	vst v1;
	v1 =	vld [tilespmem:$0x898];
	_ =	sdelay $0x2  }
0xe6: {  	v38 =	vld [tilespmem:$0x10]  }
0xe7: {  	[tilespmem:$0x1F7E0] =	vst v36;
	v39 =	vld [tilespmem:$0x90];
	vm6 =	vnez.u8 v35  }
0xe8: {  	v36 =	vsel vm0, $0x1, v60;
	[tilespmem:$0x1F900] =	vst v1;
	v1 =	vsel vm6, $0x1, v60  }
0xe9: {  	v41 =	vld [tilespmem:$0x110];
	v12 =	vadd.s32 v1, v36  }
0xea: {  	v42 =	vld [tilespmem:$0x190];
	[tilespmem:$0x890] =	vst v12  }
0xeb: {  	[tilespmem:$0x1F800] =	vst v40;
	v40 =	vld [tilespmem:$0x88F]  }
0xec: {  	vm7 =	vgt.f32 v39, v38  }
0xed: {  	[tilespmem:$0x1F830] =	vst v43;
	v44 =	vld [tilespmem:$0x210];
	v43 =	vsel vm7, v39, v38  }
0xee: {  	v15 =	vnsel vm8, $0x0, v37;
	vm8 =	vgt.f32 v41, v43  }
0xef: {  	v45 =	vld [tilespmem:$0x290];
	v6 =	vsel vm8, v41, v43  }
0xf0: {  	v16 =	vnsel vm9, $0x0, v0;
	vm9 =	vgt.f32 v42, v6;
	v1 =	vadd.s32 v12, v40  }
0xf1: {  	v47 =	vld [tilespmem:$0x310];
	v10 =	vnsel vm4, $0x0, v37;
	v6 =	vsel vm9, v42, v6;
	[tilespmem:$0x890] =	vst v1  }
0xf2: {  	v11 =	vnsel vm5, $0x0, v0;
	v18 =	vnsel vm10, $0x0, v37;
	vm10 =	vgt.f32 v44, v6;
	v46 =	vld [tilespmem:$0x88E]  }
0xf3: {  	[tilespmem:$0x1F7B0] =	vst v19;
	v19 =	vnsel vm11, $0x0, v0;
	v17 =	vadd.f32 v16, v15;
	v15 =	vld [tilespmem:$0x390];
	v6 =	vsel vm10, v44, v6  }
0xf4: {  	v2 =	vadd.f32 v11, v10;
	v11 =	vsel vm7, $0x1, v60;
	vm11 =	vgt.f32 v45, v6  }
0xf5: {  	v11 =	vsel vm8, $0x2, v11;
	v6 =	vsel vm11, v45, v6  }
0xf6: {  	v24 =	vimm.s32 $0x0;
	v48 =	vsel vm9, $0x3, v11;
	vm1 =	vgt.f32 v47, v6  }
0xf7: {  	[tilespmem:$0x1F550] =	vst v5;
	v16 =	vsel vm1, v47, v6;
	v9 =	vadd.s32 v1, v46;
	v1 =	vsel vm10, $0x4, v48  }
0xf8: {  	v5 =	vsel vm0, $0xFFFFFFFF, v24;
	vm0 =	vgt.f32 v15, v16;
	[tilespmem:$0x890] =	vst v9;
	v1 =	vsel vm11, $0x5, v1  }
0xf9: {  	vm8 =	vmneg vm0;
	v49 =	vld [tilespmem:$0x88C];
	v1 =	vsel vm1, $0x6, v1  }
0xfa: {  	v21 =	vnsel vm12, $0x0, v37;
	v1 =	vnsel vm8, $0x7, v1  }
0xfb: {  	[tilespmem:$0x1F770] =	vst v22;
	v22 =	vnsel vm13, $0x0, v0;
	vm12 =	vgt.f32 v38, $-3.000000010e+38;
	vm13 =	vne.s32 v1, $0x0  }
0xfc: {  	vm2 =	vmand vm12, vm13  }
0xfd: {  	[tilespmem:$0x480] =	vst v2;
	v2 =	vnsel vm2, $0xFF61B1E6, v38  }
0xfe: {  	vm14 =	vne.s32 v1, $0x1;
	v6 =	vadd.s32 v9, v49;
	vm2 =	vgt.f32 v39, v2  }
0xff: {  	[tilespmem:$0x1F910] =	vst v6;
	vm2 =	vmand vm14, vm2  }
0x100: {  	[tilespmem:$0x890] =	vst v6;
	v2 =	vsel vm2, v39, v2  }
0x101: {  	vm9 =	vne.s32 v1, $0x2;
	v6 =	vld [tilespmem:$0x888];
	[tilespmem:$0x890] =	vst v12;
	vm15 =	vgt.f32 v41, v2  }
0x102: {  	[tilespmem:$0x1F870] =	vst v50;
	v50 =	vld [tilespmem:$0x891];
	vm3 =	vmand vm9, vm15  }
0x103: {  	v2 =	vsel vm3, v41, v2  }
0x104: {  	vm11 =	vne.s32 v1, $0x3;
	vm10 =	vgt.f32 v42, v2  }
0x105: {  	vm4 =	vmand vm11, vm10  }
0x106: {  	v2 =	vsel vm4, v42, v2  }
0x107: {  	[tilespmem:$0x1F8A0] =	vst v3;
	vm13 =	vne.s32 v1, $0x4;
	v3 =	vadd.s32 v12, v50;
	vm12 =	vgt.f32 v44, v2  }
0x108: {  	[tilespmem:$0x890] =	vst v3;
	vm5 =	vmand vm13, vm12  }
0x109: {  	[tilespmem:$0x1F860] =	vst v51;
	v51 =	vld [tilespmem:$0x892];
	v2 =	vsel vm5, v44, v2  }
0x10a: {  	vm15 =	vne.s32 v1, $0x5;
	vm14 =	vgt.f32 v45, v2  }
0x10b: {  	vm6 =	vmand vm15, vm14  }
0x10c: {  	v52 =	vsel vm2, $0x1, v60;
	v2 =	vsel vm6, v45, v2  }
0x10d: {  	v4 =	vsel vm3, $0x2, v52;
	vm7 =	vgt.f32 v47, v2  }
0x10e: {  	vm3 =	vmand vm1, vm8;
	v3 =	vadd.s32 v3, v51;
	vm2 =	vmneg vm7  }
0x10f: {  	v4 =	vsel vm4, $0x3, v4;
	[tilespmem:$0x890] =	vst v3;
	vm1 =	vmor vm3, vm2  }
0x110: {  	v20 =	vadd.f32 v19, v18;
	v4 =	vsel vm5, $0x4, v4;
	v54 =	vld [tilespmem:$0x894];
	v18 =	vsel vm1, v2, v47  }
0x111: {  	[tilespmem:$0x1F880] =	vst v56;
	v56 =	vsel vm6, $0x5, v4;
	vm9 =	vgt.f32 v15, v18  }
0x112: {  	v2 =	vnsel vm1, $0x6, v56;
	vm15 =	vmand vm8, vm9  }
0x113: {  	v2 =	vsel vm15, $0x7, v2  }
0x114: {  	vm10 =	veq.s32 v1, $0x0;
	vm11 =	veq.s32 v2, $0x0  }
0x115: {  	v8 =	vsel vm10, $0x1, v60;
	v3 =	vadd.s32 v3, v54;
	v9 =	vsel vm11, $0x1, v60  }
0x116: {  	[tilespmem:$0x890] =	vst v3;
	v11 =	vadd.s32 v8, v9  }
0x117: {  	v10 =	vld [tilespmem:$0x898];
	[tilespmem:$0x890] =	vst v11  }
0x118: {  	[tilespmem:$0x1F920] =	vst v12;
	v12 =	vld [tilespmem:$0x88F];
	_ =	sdelay $0x4  }
0x119: {  	[tilespmem:$0x1F940] =	vst v3;
	v3 =	vadd.s32 v12, v11  }
0x11a: {  	[tilespmem:$0x890] =	vst v3  }
0x11b: {  	v13 =	vld [tilespmem:$0x88E];
	_ =	sdelay $0x4  }
0x11c: {  	v3 =	vadd.s32 v13, v3  }
0x11d: {  	[tilespmem:$0x890] =	vst v3  }
0x11e: {  	[tilespmem:$0x500] =	vst v14;
	v14 =	vld [tilespmem:$0x88C];
	_ =	sdelay $0x4  }
0x11f: {  	v3 =	vadd.s32 v14, v3  }
0x120: {  	[tilespmem:$0x1F9B0] =	vst v3  }
0x121: {  	[tilespmem:$0x890] =	vst v3  }
0x122: {  	v3 =	vld [tilespmem:$0x888];
	[tilespmem:$0x890] =	vst v11  }
0x123: {  	[tilespmem:$0x580] =	vst v17;
	v17 =	vld [tilespmem:$0x891];
	_ =	sdelay $0x4  }
0x124: {  	[tilespmem:$0x1F950] =	vst v3;
	v3 =	vadd.s32 v17, v11  }
0x125: {  	[tilespmem:$0x890] =	vst v3  }
0x126: {  	v19 =	vld [tilespmem:$0x892];
	_ =	sdelay $0x4  }
0x127: {  	v3 =	vadd.s32 v19, v3  }
0x128: {  	[tilespmem:$0x890] =	vst v3  }
0x129: {  	[tilespmem:$0x600] =	vst v20;
	v20 =	vld [tilespmem:$0x894];
	_ =	sdelay $0x2  }
0x12a: {  	v25 =	vadd.f32 v22, v21  }
0x12b: {  	vm12 =	veq.s32 v1, $0x1;
	vm13 =	veq.s32 v2, $0x1  }
0x12c: {  	[tilespmem:$0x680] =	vst v25;
	v23 =	vsel vm12, $0x1, v60;
	v24 =	vsel vm13, $0x1, v60;
	v3 =	vadd.s32 v20, v3  }
0x12d: {  	v26 =	vadd.s32 v23, v24;
	[tilespmem:$0x890] =	vst v3  }
0x12e: {  	v25 =	vld [tilespmem:$0x898];
	[tilespmem:$0x890] =	vst v26  }
0x12f: {  	v27 =	vld [tilespmem:$0x88F];
	_ =	sdelay $0x4  }
0x130: {  	[tilespmem:$0x1F9D0] =	vst v3;
	v3 =	vadd.s32 v27, v26  }
0x131: {  	[tilespmem:$0x890] =	vst v3  }
0x132: {  	[tilespmem:$0x1F8E0] =	vst v28;
	v28 =	vld [tilespmem:$0x88E];
	_ =	sdelay $0x4  }
0x133: {  	v3 =	vadd.s32 v28, v3  }
0x134: {  	[tilespmem:$0x890] =	vst v3  }
0x135: {  	v29 =	vld [tilespmem:$0x88C];
	_ =	sdelay $0x4  }
0x136: {  	v3 =	vadd.s32 v29, v3  }
0x137: {  	[tilespmem:$0x1F9E0] =	vst v3  }
0x138: {  	[tilespmem:$0x890] =	vst v3  }
0x139: {  	v3 =	vld [tilespmem:$0x888];
	[tilespmem:$0x890] =	vst v26  }
0x13a: {  	v30 =	vld [tilespmem:$0x891];
	_ =	sdelay $0x4  }
0x13b: {  	[tilespmem:$0x1F990] =	vst v3;
	v3 =	vadd.s32 v30, v26  }
0x13c: {  	[tilespmem:$0x890] =	vst v3  }
0x13d: {  	v31 =	vld [tilespmem:$0x892];
	_ =	sdelay $0x4  }
0x13e: {  	v3 =	vadd.s32 v31, v3  }
0x13f: {  	[tilespmem:$0x890] =	vst v3  }
0x140: {  	v32 =	vld [tilespmem:$0x894];
	_ =	sdelay $0x2  }
0x141: {  	v53 =	vimm.s32 $0x0  }
0x142: {  	[tilespmem:$0x1F570] =	vst v5;
	v5 =	vsel vm8, $0xFFFFFFFF, v53;
	vm14 =	veq.s32 v1, $0x2;
	vm8 =	veq.s32 v2, $0x2  }
0x143: {  	v35 =	vsel vm14, $0x1, v60;
	v36 =	vsel vm8, $0x1, v60;
	v3 =	vadd.s32 v32, v3  }
0x144: {  	v39 =	vadd.s32 v35, v36;
	[tilespmem:$0x890] =	vst v3  }
0x145: {  	v38 =	vld [tilespmem:$0x898];
	[tilespmem:$0x890] =	vst v39  }
0x146: {  	v40 =	vld [tilespmem:$0x88F];
	_ =	sdelay $0x4  }
0x147: {  	[tilespmem:$0x1F9F0] =	vst v3;
	v3 =	vadd.s32 v39, v40  }
0x148: {  	[tilespmem:$0x890] =	vst v3  }
0x149: {  	v41 =	vld [tilespmem:$0x88E];
	_ =	sdelay $0x4  }
0x14a: {  	v3 =	vadd.s32 v3, v41  }
0x14b: {  	[tilespmem:$0x890] =	vst v3  }
0x14c: {  	v42 =	vld [tilespmem:$0x88C];
	_ =	sdelay $0x4  }
0x14d: {  	v3 =	vadd.s32 v3, v42  }
0x14e: {  	[tilespmem:$0x1FA00] =	vst v3  }
0x14f: {  	[tilespmem:$0x890] =	vst v3  }
0x150: {  	v3 =	vld [tilespmem:$0x888];
	[tilespmem:$0x890] =	vst v39  }
0x151: {  	v43 =	vld [tilespmem:$0x891];
	_ =	sdelay $0x4  }
0x152: {  	[tilespmem:$0x1FA20] =	vst v3;
	v3 =	vadd.s32 v39, v43  }
0x153: {  	[tilespmem:$0x890] =	vst v3  }
0x154: {  	v44 =	vld [tilespmem:$0x892];
	_ =	sdelay $0x4  }
0x155: {  	v3 =	vadd.s32 v3, v44  }
0x156: {  	[tilespmem:$0x890] =	vst v3  }
0x157: {  	v45 =	vld [tilespmem:$0x894];
	_ =	sdelay $0x2  }
0x158: {  	v58 =	vimm.s32 $0x0  }
0x159: {  	v4 =	vsel vm10, $0xFFFFFFFF, v58;
	vm9 =	veq.s32 v1, $0x3;
	vm10 =	veq.s32 v2, $0x3  }
0x15a: {  	v48 =	vsel vm9, $0x1, v60;
	v49 =	vsel vm10, $0x1, v60;
	v3 =	vadd.s32 v3, v45  }
0x15b: {  	v51 =	vadd.s32 v48, v49;
	[tilespmem:$0x890] =	vst v3  }
0x15c: {  	v50 =	vld [tilespmem:$0x898];
	[tilespmem:$0x890] =	vst v51  }
0x15d: {  	v52 =	vld [tilespmem:$0x88F];
	_ =	sdelay $0x4  }
0x15e: {  	[tilespmem:$0x1FA30] =	vst v3;
	v3 =	vadd.s32 v51, v52  }
0x15f: {  	[tilespmem:$0x890] =	vst v3  }
0x160: {  	v53 =	vld [tilespmem:$0x88E];
	_ =	sdelay $0x4  }
0x161: {  	v3 =	vadd.s32 v3, v53  }
0x162: {  	[tilespmem:$0x890] =	vst v3  }
0x163: {  	v54 =	vld [tilespmem:$0x88C];
	_ =	sdelay $0x4  }
0x164: {  	v3 =	vadd.s32 v3, v54  }
0x165: {  	[tilespmem:$0x1FA40] =	vst v3  }
0x166: {  	[tilespmem:$0x890] =	vst v3  }
0x167: {  	v55 =	vimm.s32 $0x0;
	v3 =	vld [tilespmem:$0x888];
	[tilespmem:$0x890] =	vst v51  }
0x168: {  	[tilespmem:$0x1F930] =	vst v6;
	v6 =	vsel vm3, $0xFFFFFFFF, v55;
	v55 =	vld [tilespmem:$0x891];
	_ =	sdelay $0x4  }
0x169: {  	[tilespmem:$0x1FA70] =	vst v3;
	v3 =	vadd.s32 v51, v55  }
0x16a: {  	[tilespmem:$0x890] =	vst v3  }
0x16b: {  	v56 =	vld [tilespmem:$0x892];
	_ =	sdelay $0x4  }
0x16c: {  	v3 =	vadd.s32 v3, v56  }
0x16d: {  	[tilespmem:$0x890] =	vst v3  }
0x16e: {  	v58 =	vld [tilespmem:$0x894]  }
0x16f: {  	v61 =	vimm.s32 $0x0  }
0x170: {  	[tilespmem:$0x1F580] =	vst v4;
	v4 =	vsel vm11, $0xFFFFFFFF, v61  }
0x171: {  	v21 =	vimm.s32 $0x0;
	[tilespmem:$0x1F590] =	vst v4  }
0x172: {  	vm11 =	veq.s32 v1, $0x4;
	v4 =	vsel vm12, $0xFFFFFFFF, v21;
	vm12 =	veq.s32 v2, $0x4;
	[tilespmem:$0x1F980] =	vst v11  }
0x173: {  	v9 =	vsel vm11, $0x1, v60;
	[tilespmem:$0x1F970] =	vst v10;
	v10 =	vsel vm12, $0x1, v60;
	v3 =	vadd.s32 v3, v58  }
0x174: {  	v11 =	vadd.s32 v9, v10;
	[tilespmem:$0x890] =	vst v3  }
0x175: {  	v12 =	vld [tilespmem:$0x898];
	[tilespmem:$0x890] =	vst v11  }
0x176: {  	v13 =	vld [tilespmem:$0x88F];
	_ =	sdelay $0x4  }
0x177: {  	[tilespmem:$0x1FA80] =	vst v3;
	v3 =	vadd.s32 v11, v13  }
0x178: {  	[tilespmem:$0x890] =	vst v3  }
0x179: {  	v14 =	vld [tilespmem:$0x88E];
	_ =	sdelay $0x4  }
0x17a: {  	v3 =	vadd.s32 v3, v14  }
0x17b: {  	[tilespmem:$0x890] =	vst v3  }
0x17c: {  	v17 =	vld [tilespmem:$0x88C];
	_ =	sdelay $0x4  }
0x17d: {  	v3 =	vadd.s32 v3, v17  }
0x17e: {  	[tilespmem:$0x1FA90] =	vst v3  }
0x17f: {  	[tilespmem:$0x890] =	vst v3  }
0x180: {  	v3 =	vld [tilespmem:$0x888];
	[tilespmem:$0x890] =	vst v11  }
0x181: {  	v19 =	vld [tilespmem:$0x891];
	_ =	sdelay $0x4  }
0x182: {  	[tilespmem:$0x1FAC0] =	vst v3;
	v3 =	vadd.s32 v11, v19  }
0x183: {  	[tilespmem:$0x890] =	vst v3  }
0x184: {  	v20 =	vld [tilespmem:$0x892];
	_ =	sdelay $0x4  }
0x185: {  	v3 =	vadd.s32 v3, v20  }
0x186: {  	[tilespmem:$0x890] =	vst v3  }
0x187: {  	v21 =	vld [tilespmem:$0x894];
	_ =	sdelay $0x1  }
0x188: {  	v22 =	vimm.s32 $0x0  }
0x189: {  	v33 =	vimm.s32 $0x0;
	[tilespmem:$0x1F5A0] =	vst v4;
	v4 =	vsel vm13, $0xFFFFFFFF, v22  }
0x18a: {  	vm13 =	veq.s32 v1, $0x5;
	[tilespmem:$0x1F5B0] =	vst v4;
	v4 =	vsel vm14, $0xFFFFFFFF, v33;
	vm14 =	veq.s32 v2, $0x5  }
0x18b: {  	v24 =	vsel vm13, $0x1, v60;
	v2 =	vsel vm14, $0x1, v60;
	[tilespmem:$0x1F960] =	vst v25;
	v3 =	vadd.s32 v3, v21  }
0x18c: {  	v28 =	vadd.s32 v24, v2;
	[tilespmem:$0x890] =	vst v3  }
0x18d: {  	v25 =	vld [tilespmem:$0x898];
	[tilespmem:$0x890] =	vst v28  }
0x18e: {  	[tilespmem:$0x1F9C0] =	vst v26;
	v26 =	vld [tilespmem:$0x88F];
	_ =	sdelay $0x1  }
0x18f: {  	v22 =	vimm.s32 $0x0  }
0x190: {  	v23 =	vimm.s32 $0x0;
	v1 =	vsel vm13, $0xFFFFFFFF, v22  }
0x191: {  	[tilespmem:$0x1F620] =	vst v1;
	v1 =	vsel vm14, $0xFFFFFFFF, v23  }
0x192: {  	[tilespmem:$0x1F630] =	vst v1;
	v1 =	vadd.s32 v28, v26  }
0x193: {  	[tilespmem:$0x890] =	vst v1  }
0x194: {  	v27 =	vld [tilespmem:$0x88E];
	_ =	sdelay $0x4  }
0x195: {  	v1 =	vadd.s32 v1, v27  }
0x196: {  	[tilespmem:$0x890] =	vst v1  }
0x197: {  	v29 =	vld [tilespmem:$0x88C];
	_ =	sdelay $0x4  }
0x198: {  	v1 =	vadd.s32 v1, v29  }
0x199: {  	[tilespmem:$0x1FAF0] =	vst v1  }
0x19a: {  	[tilespmem:$0x890] =	vst v1  }
0x19b: {  	v1 =	vld [tilespmem:$0x888];
	[tilespmem:$0x890] =	vst v28  }
0x19c: {  	v30 =	vld [tilespmem:$0x891];
	_ =	sdelay $0x4  }
0x19d: {  	[tilespmem:$0x1FB00] =	vst v1;
	v1 =	vadd.s32 v28, v30  }
0x19e: {  	[tilespmem:$0x890] =	vst v1  }
0x19f: {  	v31 =	vld [tilespmem:$0x892];
	_ =	sdelay $0x4  }
0x1a0: {  	v1 =	vadd.s32 v1, v31  }
0x1a1: {  	[tilespmem:$0x890] =	vst v1  }
0x1a2: {  	v32 =	vld [tilespmem:$0x894];
	_ =	sdelay $0x2  }
0x1a3: {  	v34 =	vimm.s32 $0x0;
	vm1 =	vmor vm15, vm1;
	v33 =	vimm.s32 $0x0  }
0x1a4: {  	v35 =	vsel vm3, $0x1, v60;
	[tilespmem:$0x1FAD0] =	vst v3;
	v3 =	vsel vm1, $0xFFFFFFFF, v33;
	vm1 =	vmneg vm1  }
0x1a5: {  	[tilespmem:$0x1F5C0] =	vst v4;
	v4 =	vsel vm8, $0xFFFFFFFF, v34;
	v34 =	vsel vm1, $0x1, v60;
	v2 =	vadd.s32 v1, v32  }
0x1a6: {  	v29 =	vadd.s32 v35, v34;
	[tilespmem:$0x890] =	vst v2  }
0x1a7: {  	v36 =	vld [tilespmem:$0x898];
	[tilespmem:$0x890] =	vst v29  }
0x1a8: {  	[tilespmem:$0x1F9A0] =	vst v38;
	v38 =	vld [tilespmem:$0x88F];
	_ =	sdelay $0x4  }
0x1a9: {  	v1 =	vadd.s32 v29, v38  }
0x1aa: {  	[tilespmem:$0x890] =	vst v1  }
0x1ab: {  	[tilespmem:$0x1FA10] =	vst v39;
	v39 =	vld [tilespmem:$0x88E];
	_ =	sdelay $0x4  }
0x1ac: {  	v1 =	vadd.s32 v1, v39  }
0x1ad: {  	[tilespmem:$0x890] =	vst v1  }
0x1ae: {  	v40 =	vld [tilespmem:$0x88C];
	_ =	sdelay $0x4  }
0x1af: {  	v1 =	vadd.s32 v1, v40  }
0x1b0: {  	[tilespmem:$0x1FB30] =	vst v1  }
0x1b1: {  	[tilespmem:$0x890] =	vst v1  }
0x1b2: {  	v1 =	vld [tilespmem:$0x888];
	[tilespmem:$0x890] =	vst v29  }
0x1b3: {  	v41 =	vld [tilespmem:$0x891];
	_ =	sdelay $0x4  }
0x1b4: {  	[tilespmem:$0x1FB40] =	vst v1;
	v1 =	vadd.s32 v29, v41  }
0x1b5: {  	[tilespmem:$0x890] =	vst v1  }
0x1b6: {  	v42 =	vld [tilespmem:$0x892];
	_ =	sdelay $0x4  }
0x1b7: {  	v1 =	vadd.s32 v1, v42  }
0x1b8: {  	[tilespmem:$0x890] =	vst v1  }
0x1b9: {  	v43 =	vld [tilespmem:$0x894];
	_ =	sdelay $0x1  }
0x1ba: {  	v46 =	vimm.s32 $0x0;
	[tilespmem:$0x1FA50] =	vst v51  }
0x1bb: {  	v47 =	vimm.s32 $0x0;
	v48 =	vld [tilespmem:$0xA0];
	[tilespmem:$0x1F5D0] =	vst v4;
	v4 =	vsel vm9, $0xFFFFFFFF, v46  }
0x1bc: {  	[tilespmem:$0x1F5E0] =	vst v4;
	v4 =	vsel vm10, $0xFFFFFFFF, v47;
	v47 =	vld [tilespmem:$0x20]  }
0x1bd: {  	v46 =	vsel vm15, $0x1, v60;
	v44 =	vsel vm0, $0x1, v60;
	[tilespmem:$0x1FA60] =	vst v50;
	v50 =	vld [tilespmem:$0x120];
	v1 =	vadd.s32 v1, v43  }
0x1be: {  	v51 =	vld [tilespmem:$0x1A0];
	v14 =	vadd.s32 v44, v46;
	[tilespmem:$0x890] =	vst v1  }
0x1bf: {  	v45 =	vld [tilespmem:$0x898];
	[tilespmem:$0x890] =	vst v14  }
0x1c0: {  	v49 =	vld [tilespmem:$0x88F]  }
0x1c1: {  	vm7 =	vgt.f32 v48, v47  }
0x1c2: {  	v52 =	vsel vm7, v48, v47;
	v53 =	vld [tilespmem:$0x220]  }
0x1c3: {  	vm8 =	vgt.f32 v50, v52  }
0x1c4: {  	[tilespmem:$0x1F640] =	vst v6;
	v6 =	vsel vm8, v50, v52;
	v54 =	vld [tilespmem:$0x2A0]  }
0x1c5: {  	vm9 =	vgt.f32 v51, v6;
	[tilespmem:$0x1FB70] =	vst v1;
	v1 =	vadd.s32 v14, v49  }
0x1c6: {  	v6 =	vsel vm9, v51, v6;
	v56 =	vld [tilespmem:$0x320];
	[tilespmem:$0x890] =	vst v1  }
0x1c7: {  	vm10 =	vgt.f32 v53, v6;
	v55 =	vld [tilespmem:$0x88E]  }
0x1c8: {  	v61 =	vimm.s32 $0x0;
	v9 =	vld [tilespmem:$0x3A0];
	v6 =	vsel vm10, v53, v6  }
0x1c9: {  	[tilespmem:$0x1F5F0] =	vst v4;
	v4 =	vsel vm11, $0xFFFFFFFF, v61;
	vm11 =	vgt.f32 v54, v6;
	v58 =	vsel vm7, $0x1, v60  }
0x1ca: {  	v8 =	vimm.s32 $0x0;
	v6 =	vsel vm11, v54, v6;
	[tilespmem:$0x1FAB0] =	vst v12;
	v12 =	vsel vm8, $0x2, v58  }
0x1cb: {  	[tilespmem:$0x1F600] =	vst v4;
	v4 =	vsel vm12, $0xFFFFFFFF, v8;
	vm0 =	vgt.f32 v56, v6;
	v12 =	vsel vm9, $0x3, v12  }
0x1cc: {  	v8 =	vsel vm0, v56, v6;
	v61 =	vsel vm10, $0x4, v12;
	v13 =	vadd.s32 v1, v55  }
0x1cd: {  	vm1 =	vgt.f32 v9, v8;
	v1 =	vsel vm11, $0x5, v61;
	[tilespmem:$0x890] =	vst v13  }
0x1ce: {  	vm10 =	vmneg vm1;
	v1 =	vsel vm0, $0x6, v1;
	v12 =	vld [tilespmem:$0x88C]  }
0x1cf: {  	v1 =	vnsel vm10, $0x7, v1  }
0x1d0: {  	vm12 =	vgt.f32 v47, $-3.000000010e+38;
	vm13 =	vne.s32 v1, $0x0  }
0x1d1: {  	vm3 =	vmand vm12, vm13  }
0x1d2: {  	[tilespmem:$0x1FB10] =	vst v2;
	v2 =	vnsel vm3, $0xFF61B1E6, v47  }
0x1d3: {  	vm14 =	vne.s32 v1, $0x1;
	vm3 =	vgt.f32 v48, v2;
	v6 =	vadd.s32 v13, v12  }
0x1d4: {  	vm3 =	vmand vm14, vm3;
	[tilespmem:$0x1FB50] =	vst v6  }
0x1d5: {  	[tilespmem:$0x890] =	vst v6;
	v2 =	vsel vm3, v48, v2  }
0x1d6: {  	vm8 =	vne.s32 v1, $0x2;
	v6 =	vld [tilespmem:$0x888];
	[tilespmem:$0x890] =	vst v14;
	vm2 =	vgt.f32 v50, v2  }
0x1d7: {  	v13 =	vld [tilespmem:$0x891];
	vm4 =	vmand vm8, vm2  }
0x1d8: {  	v2 =	vsel vm4, v50, v2  }
0x1d9: {  	vm11 =	vne.s32 v1, $0x3;
	vm9 =	vgt.f32 v51, v2  }
0x1da: {  	vm5 =	vmand vm11, vm9  }
0x1db: {  	v2 =	vsel vm5, v51, v2  }
0x1dc: {  	[tilespmem:$0x1F650] =	vst v3;
	vm13 =	vne.s32 v1, $0x4;
	v3 =	vadd.s32 v14, v13;
	vm12 =	vgt.f32 v53, v2  }
0x1dd: {  	[tilespmem:$0x890] =	vst v3;
	vm6 =	vmand vm13, vm12  }
0x1de: {  	v17 =	vld [tilespmem:$0x892];
	v2 =	vsel vm6, v53, v2  }
0x1df: {  	vm2 =	vne.s32 v1, $0x5;
	vm14 =	vgt.f32 v54, v2  }
0x1e0: {  	vm7 =	vmand vm2, vm14  }
0x1e1: {  	v19 =	vsel vm3, $0x1, v60;
	v2 =	vsel vm7, v54, v2  }
0x1e2: {  	v20 =	vsel vm4, $0x2, v19;
	vm9 =	vgt.f32 v56, v2  }
0x1e3: {  	[tilespmem:$0x1F610] =	vst v4;
	vm2 =	vmand vm0, vm10;
	v3 =	vadd.s32 v3, v17;
	vm3 =	vmneg vm9  }
0x1e4: {  	v4 =	vsel vm5, $0x3, v20;
	[tilespmem:$0x890] =	vst v3;
	vm3 =	vmor vm2, vm3  }
0x1e5: {  	[tilespmem:$0x1FB20] =	vst v36;
	v4 =	vsel vm6, $0x4, v4;
	v22 =	vld [tilespmem:$0x894];
	v36 =	vsel vm3, v2, v56  }
0x1e6: {  	v23 =	vsel vm7, $0x5, v4;
	vm11 =	vgt.f32 v9, v36  }
0x1e7: {  	v2 =	vnsel vm3, $0x6, v23;
	vm6 =	vmand vm10, vm11  }
0x1e8: {  	v2 =	vsel vm6, $0x7, v2  }
0x1e9: {  	vm12 =	veq.s32 v1, $0x0;
	vm13 =	veq.s32 v2, $0x0  }
0x1ea: {  	v26 =	vsel vm12, $0x1, v60;
	v3 =	vadd.s32 v3, v22;
	v27 =	vsel vm13, $0x1, v60  }
0x1eb: {  	[tilespmem:$0x890] =	vst v3;
	v53 =	vadd.s32 v26, v27  }
0x1ec: {  	v30 =	vld [tilespmem:$0x898];
	[tilespmem:$0x890] =	vst v53  }
0x1ed: {  	v31 =	vld [tilespmem:$0x88F];
	_ =	sdelay $0x4  }
0x1ee: {  	[tilespmem:$0x1FBA0] =	vst v3;
	v3 =	vadd.s32 v31, v53  }
0x1ef: {  	[tilespmem:$0x890] =	vst v3  }
0x1f0: {  	v32 =	vld [tilespmem:$0x88E];
	_ =	sdelay $0x4  }
0x1f1: {  	v3 =	vadd.s32 v32, v3  }
0x1f2: {  	[tilespmem:$0x890] =	vst v3  }
0x1f3: {  	v33 =	vld [tilespmem:$0x88C];
	_ =	sdelay $0x4  }
0x1f4: {  	v3 =	vadd.s32 v33, v3  }
0x1f5: {  	[tilespmem:$0x1FBE0] =	vst v3  }
0x1f6: {  	[tilespmem:$0x890] =	vst v3  }
0x1f7: {  	v3 =	vld [tilespmem:$0x888];
	[tilespmem:$0x890] =	vst v53  }
0x1f8: {  	v34 =	vld [tilespmem:$0x891];
	_ =	sdelay $0x4  }
0x1f9: {  	[tilespmem:$0x1FBB0] =	vst v3;
	v3 =	vadd.s32 v34, v53  }
0x1fa: {  	[tilespmem:$0x890] =	vst v3  }
0x1fb: {  	v35 =	vld [tilespmem:$0x892];
	_ =	sdelay $0x4  }
0x1fc: {  	v3 =	vadd.s32 v35, v3  }
0x1fd: {  	[tilespmem:$0x890] =	vst v3  }
0x1fe: {  	v38 =	vld [tilespmem:$0x894];
	_ =	sdelay $0x3  }
0x1ff: {  	vm14 =	veq.s32 v1, $0x1;
	vm7 =	veq.s32 v2, $0x1  }
0x200: {  	v41 =	vsel vm14, $0x1, v60;
	v42 =	vsel vm7, $0x1, v60;
	v3 =	vadd.s32 v38, v3  }
0x201: {  	v49 =	vadd.s32 v41, v42;
	[tilespmem:$0x890] =	vst v3  }
0x202: {  	v43 =	vld [tilespmem:$0x898];
	[tilespmem:$0x890] =	vst v49  }
0x203: {  	v44 =	vld [tilespmem:$0x88F];
	_ =	sdelay $0x4  }
0x204: {  	[tilespmem:$0x1FBF0] =	vst v3;
	v3 =	vadd.s32 v44, v49  }
0x205: {  	[tilespmem:$0x890] =	vst v3  }
0x206: {  	[tilespmem:$0x1FB90] =	vst v45;
	v45 =	vld [tilespmem:$0x88E];
	_ =	sdelay $0x4  }
0x207: {  	v3 =	vadd.s32 v45, v3  }
0x208: {  	[tilespmem:$0x890] =	vst v3  }
0x209: {  	v46 =	vld [tilespmem:$0x88C];
	_ =	sdelay $0x4  }
0x20a: {  	v3 =	vadd.s32 v46, v3  }
0x20b: {  	[tilespmem:$0x1FC20] =	vst v3  }
0x20c: {  	[tilespmem:$0x890] =	vst v3  }
0x20d: {  	v3 =	vld [tilespmem:$0x888];
	[tilespmem:$0x890] =	vst v49  }
0x20e: {  	v47 =	vld [tilespmem:$0x891];
	_ =	sdelay $0x4  }
0x20f: {  	[tilespmem:$0x1FC00] =	vst v3;
	v3 =	vadd.s32 v47, v49  }
0x210: {  	[tilespmem:$0x890] =	vst v3  }
0x211: {  	v48 =	vld [tilespmem:$0x892];
	_ =	sdelay $0x4  }
0x212: {  	v3 =	vadd.s32 v48, v3  }
0x213: {  	[tilespmem:$0x890] =	vst v3  }
0x214: {  	v50 =	vld [tilespmem:$0x894];
	_ =	sdelay $0x3  }
0x215: {  	vm8 =	veq.s32 v1, $0x2;
	vm9 =	veq.s32 v2, $0x2  }
0x216: {  	v54 =	vsel vm8, $0x1, v60;
	v55 =	vsel vm9, $0x1, v60;
	v3 =	vadd.s32 v50, v3  }
0x217: {  	v47 =	vadd.s32 v54, v55;
	[tilespmem:$0x890] =	vst v3  }
0x218: {  	v56 =	vld [tilespmem:$0x898];
	[tilespmem:$0x890] =	vst v47  }
0x219: {  	v58 =	vld [tilespmem:$0x88F];
	_ =	sdelay $0x4  }
0x21a: {  	[tilespmem:$0x1FC60] =	vst v3;
	v3 =	vadd.s32 v47, v58  }
0x21b: {  	[tilespmem:$0x890] =	vst v3  }
0x21c: {  	v61 =	vld [tilespmem:$0x88E];
	_ =	sdelay $0x4  }
0x21d: {  	v3 =	vadd.s32 v3, v61  }
0x21e: {  	[tilespmem:$0x890] =	vst v3  }
0x21f: {  	v10 =	vld [tilespmem:$0x88C];
	_ =	sdelay $0x4  }
0x220: {  	v3 =	vadd.s32 v3, v10  }
0x221: {  	[tilespmem:$0x1FC70] =	vst v3  }
0x222: {  	[tilespmem:$0x890] =	vst v3  }
0x223: {  	v3 =	vld [tilespmem:$0x888];
	[tilespmem:$0x890] =	vst v47  }
0x224: {  	[tilespmem:$0x1FAA0] =	vst v11;
	v11 =	vld [tilespmem:$0x891];
	_ =	sdelay $0x4  }
0x225: {  	[tilespmem:$0x1FC80] =	vst v3;
	v3 =	vadd.s32 v47, v11  }
0x226: {  	[tilespmem:$0x890] =	vst v3  }
0x227: {  	v12 =	vld [tilespmem:$0x892];
	_ =	sdelay $0x4  }
0x228: {  	v3 =	vadd.s32 v3, v12  }
0x229: {  	[tilespmem:$0x890] =	vst v3  }
0x22a: {  	v13 =	vld [tilespmem:$0x894];
	_ =	sdelay $0x2  }
0x22b: {  	v24 =	vimm.s32 $0x0  }
0x22c: {  	v4 =	vsel vm12, $0xFFFFFFFF, v24;
	vm11 =	veq.s32 v1, $0x3;
	vm12 =	veq.s32 v2, $0x3  }
0x22d: {  	[tilespmem:$0x1F530] =	vst v5;
	v19 =	vsel vm11, $0x1, v60;
	v20 =	vsel vm12, $0x1, v60;
	v3 =	vadd.s32 v3, v13  }
0x22e: {  	v21 =	vimm.s32 $0x0;
	v42 =	vadd.s32 v19, v20;
	[tilespmem:$0x890] =	vst v3  }
0x22f: {  	v5 =	vsel vm2, $0xFFFFFFFF, v21;
	v21 =	vld [tilespmem:$0x898];
	[tilespmem:$0x890] =	vst v42  }
0x230: {  	v22 =	vld [tilespmem:$0x88F]  }
0x231: {  	[tilespmem:$0x1FB60] =	vst v14  }
0x232: {  	[tilespmem:$0x1FAE0] =	vst v25  }
0x233: {  	[tilespmem:$0x1FB80] =	vst v6  }
0x234: {  	[tilespmem:$0x1F710] =	vst v5  }
0x235: {  	[tilespmem:$0x1FC90] =	vst v3;
	v3 =	vadd.s32 v42, v22  }
0x236: {  	v25 =	vimm.s32 $0x0;
	[tilespmem:$0x890] =	vst v3  }
0x237: {  	v39 =	vimm.s32 $0x0;
	[tilespmem:$0x1F660] =	vst v4;
	v4 =	vsel vm13, $0xFFFFFFFF, v25;
	v23 =	vld [tilespmem:$0x88E]  }
0x238: {  	v40 =	vimm.s32 $0x0;
	[tilespmem:$0x1F670] =	vst v4;
	v4 =	vsel vm14, $0xFFFFFFFF, v39  }
0x239: {  	v51 =	vimm.s32 $0x0;
	[tilespmem:$0x1F680] =	vst v4;
	v4 =	vsel vm7, $0xFFFFFFFF, v40  }
0x23a: {  	v52 =	vimm.s32 $0x0;
	[tilespmem:$0x1F690] =	vst v4;
	v4 =	vsel vm8, $0xFFFFFFFF, v51  }
0x23b: {  	[tilespmem:$0x1F6A0] =	vst v4;
	v4 =	vsel vm9, $0xFFFFFFFF, v52  }
0x23c: {  	v14 =	vimm.s32 $0x0;
	[tilespmem:$0x1F6B0] =	vst v4;
	v3 =	vadd.s32 v3, v23  }
0x23d: {  	v4 =	vsel vm11, $0xFFFFFFFF, v14;
	[tilespmem:$0x890] =	vst v3  }
0x23e: {  	v17 =	vimm.s32 $0x0;
	[tilespmem:$0x1F6C0] =	vst v4;
	v24 =	vld [tilespmem:$0x88C]  }
0x23f: {  	v4 =	vsel vm12, $0xFFFFFFFF, v17;
	[tilespmem:$0x1FBD0] =	vst v30  }
0x240: {  	[tilespmem:$0x1F6D0] =	vst v4  }
0x241: {  	[tilespmem:$0x1FBC0] =	vst v43  }
0x242: {  	[tilespmem:$0x1FC10] =	vst v56  }
0x243: {  	[tilespmem:$0x1FCA0] =	vst v21;
	v3 =	vadd.s32 v3, v24  }
0x244: {  	[tilespmem:$0x1FCB0] =	vst v3  }
0x245: {  	[tilespmem:$0x890] =	vst v3  }
0x246: {  	v3 =	vld [tilespmem:$0x888];
	[tilespmem:$0x890] =	vst v42  }
0x247: {  	v25 =	vld [tilespmem:$0x891];
	_ =	sdelay $0x4  }
0x248: {  	[tilespmem:$0x1FCC0] =	vst v3;
	v3 =	vadd.s32 v42, v25  }
0x249: {  	[tilespmem:$0x890] =	vst v3  }
0x24a: {  	v26 =	vld [tilespmem:$0x892];
	_ =	sdelay $0x4  }
0x24b: {  	v3 =	vadd.s32 v3, v26  }
0x24c: {  	[tilespmem:$0x890] =	vst v3  }
0x24d: {  	v27 =	vld [tilespmem:$0x894];
	_ =	sdelay $0x3  }
0x24e: {  	vm13 =	veq.s32 v1, $0x4;
	vm14 =	veq.s32 v2, $0x4  }
0x24f: {  	v32 =	vsel vm13, $0x1, v60;
	v33 =	vsel vm14, $0x1, v60;
	v3 =	vadd.s32 v3, v27  }
0x250: {  	v41 =	vadd.s32 v32, v33;
	[tilespmem:$0x890] =	vst v3  }
0x251: {  	v34 =	vld [tilespmem:$0x898];
	[tilespmem:$0x890] =	vst v41  }
0x252: {  	v35 =	vld [tilespmem:$0x88F];
	_ =	sdelay $0x4  }
0x253: {  	[tilespmem:$0x1FCD0] =	vst v3;
	v3 =	vadd.s32 v41, v35  }
0x254: {  	[tilespmem:$0x890] =	vst v3  }
0x255: {  	v38 =	vld [tilespmem:$0x88E];
	_ =	sdelay $0x4  }
0x256: {  	v3 =	vadd.s32 v3, v38  }
0x257: {  	[tilespmem:$0x890] =	vst v3  }
0x258: {  	v39 =	vld [tilespmem:$0x88C];
	_ =	sdelay $0x4  }
0x259: {  	v3 =	vadd.s32 v3, v39  }
0x25a: {  	[tilespmem:$0x1FCE0] =	vst v3  }
0x25b: {  	[tilespmem:$0x890] =	vst v3  }
0x25c: {  	v3 =	vld [tilespmem:$0x888];
	[tilespmem:$0x890] =	vst v41  }
0x25d: {  	v40 =	vld [tilespmem:$0x891];
	_ =	sdelay $0x4  }
0x25e: {  	[tilespmem:$0x1FD00] =	vst v3;
	v3 =	vadd.s32 v41, v40  }
0x25f: {  	[tilespmem:$0x890] =	vst v3  }
0x260: {  	v43 =	vld [tilespmem:$0x892];
	_ =	sdelay $0x4  }
0x261: {  	v3 =	vadd.s32 v3, v43  }
0x262: {  	[tilespmem:$0x890] =	vst v3  }
0x263: {  	v44 =	vld [tilespmem:$0x894];
	_ =	sdelay $0x1  }
0x264: {  	v30 =	vimm.s32 $0x0  }
0x265: {  	v4 =	vsel vm13, $0xFFFFFFFF, v30;
	v31 =	vimm.s32 $0x0  }
0x266: {  	vm7 =	veq.s32 v2, $0x5;
	[tilespmem:$0x1F6E0] =	vst v4;
	v4 =	vsel vm14, $0xFFFFFFFF, v31;
	vm14 =	veq.s32 v1, $0x5  }
0x267: {  	v2 =	vsel vm7, $0x1, v60;
	v46 =	vsel vm14, $0x1, v60;
	v3 =	vadd.s32 v3, v44  }
0x268: {  	v39 =	vadd.s32 v46, v2;
	[tilespmem:$0x890] =	vst v3  }
0x269: {  	v48 =	vld [tilespmem:$0x898];
	[tilespmem:$0x890] =	vst v39  }
0x26a: {  	v50 =	vld [tilespmem:$0x88F];
	_ =	sdelay $0x2  }
0x26b: {  	v45 =	vimm.s32 $0x0  }
0x26c: {  	v1 =	vsel vm7, $0xFFFFFFFF, v45  }
0x26d: {  	[tilespmem:$0x1F700] =	vst v1;
	v1 =	vadd.s32 v39, v50  }
0x26e: {  	[tilespmem:$0x890] =	vst v1  }
0x26f: {  	v51 =	vld [tilespmem:$0x88E];
	_ =	sdelay $0x4  }
0x270: {  	v1 =	vadd.s32 v1, v51  }
0x271: {  	[tilespmem:$0x890] =	vst v1  }
0x272: {  	v52 =	vld [tilespmem:$0x88C];
	_ =	sdelay $0x4  }
0x273: {  	v1 =	vadd.s32 v1, v52  }
0x274: {  	[tilespmem:$0x1FD30] =	vst v1  }
0x275: {  	[tilespmem:$0x890] =	vst v1  }
0x276: {  	v1 =	vld [tilespmem:$0x888];
	[tilespmem:$0x890] =	vst v39  }
0x277: {  	v54 =	vld [tilespmem:$0x891];
	_ =	sdelay $0x4  }
0x278: {  	[tilespmem:$0x1FD40] =	vst v1;
	v1 =	vadd.s32 v39, v54  }
0x279: {  	[tilespmem:$0x890] =	vst v1  }
0x27a: {  	v55 =	vld [tilespmem:$0x892];
	_ =	sdelay $0x4  }
0x27b: {  	v1 =	vadd.s32 v1, v55  }
0x27c: {  	[tilespmem:$0x890] =	vst v1  }
0x27d: {  	v56 =	vld [tilespmem:$0x894];
	_ =	sdelay $0x2  }
0x27e: {  	vm11 =	vmor vm6, vm3  }
0x27f: {  	vm3 =	vmneg vm11;
	[tilespmem:$0x1F6F0] =	vst v4  }
0x280: {  	v58 =	vsel vm3, $0x1, v60;
	v61 =	vsel vm2, $0x1, v60;
	[tilespmem:$0x1FCF0] =	vst v34;
	v2 =	vadd.s32 v1, v56  }
0x281: {  	v34 =	vadd.s32 v61, v58;
	[tilespmem:$0x890] =	vst v2  }
0x282: {  	v4 =	vld [tilespmem:$0x898];
	[tilespmem:$0x890] =	vst v34  }
0x283: {  	v5 =	vld [tilespmem:$0x88F];
	_ =	sdelay $0x4  }
0x284: {  	v1 =	vadd.s32 v34, v5  }
0x285: {  	[tilespmem:$0x890] =	vst v1  }
0x286: {  	v6 =	vld [tilespmem:$0x88E];
	_ =	sdelay $0x4  }
0x287: {  	v1 =	vadd.s32 v1, v6  }
0x288: {  	[tilespmem:$0x890] =	vst v1  }
0x289: {  	v7 =	vld [tilespmem:$0x88C];
	_ =	sdelay $0x4  }
0x28a: {  	v1 =	vadd.s32 v1, v7  }
0x28b: {  	[tilespmem:$0x1FD60] =	vst v1  }
0x28c: {  	[tilespmem:$0x890] =	vst v1  }
0x28d: {  	v1 =	vld [tilespmem:$0x888];
	[tilespmem:$0x890] =	vst v34  }
0x28e: {  	v10 =	vld [tilespmem:$0x891];
	_ =	sdelay $0x4  }
0x28f: {  	[tilespmem:$0x1FD80] =	vst v1;
	v1 =	vadd.s32 v34, v10  }
0x290: {  	[tilespmem:$0x890] =	vst v1  }
0x291: {  	v11 =	vld [tilespmem:$0x892];
	_ =	sdelay $0x4  }
0x292: {  	v1 =	vadd.s32 v1, v11  }
0x293: {  	[tilespmem:$0x890] =	vst v1  }
0x294: {  	v12 =	vld [tilespmem:$0x894];
	_ =	sdelay $0x2  }
0x295: {  	v19 =	vld [tilespmem:$0x30]  }
0x296: {  	v20 =	vld [tilespmem:$0xB0]  }
0x297: {  	v17 =	vsel vm6, $0x1, v60;
	v13 =	vsel vm1, $0x1, v60;
	v22 =	vld [tilespmem:$0x130];
	v1 =	vadd.s32 v1, v12  }
0x298: {  	v33 =	vadd.s32 v13, v17;
	v23 =	vld [tilespmem:$0x1B0];
	[tilespmem:$0x890] =	vst v1  }
0x299: {  	v14 =	vld [tilespmem:$0x898];
	[tilespmem:$0x890] =	vst v33  }
0x29a: {  	v21 =	vld [tilespmem:$0x88F]  }
0x29b: {  	vm8 =	vgt.f32 v20, v19  }
0x29c: {  	v24 =	vsel vm8, v20, v19;
	v25 =	vld [tilespmem:$0x230]  }
0x29d: {  	vm3 =	vgt.f32 v22, v24  }
0x29e: {  	v26 =	vld [tilespmem:$0x2B0];
	v6 =	vsel vm3, v22, v24  }
0x29f: {  	vm9 =	vgt.f32 v23, v6;
	[tilespmem:$0x1FD90] =	vst v1;
	v1 =	vadd.s32 v33, v21  }
0x2a0: {  	v30 =	vld [tilespmem:$0x330];
	v6 =	vsel vm9, v23, v6;
	[tilespmem:$0x890] =	vst v1  }
0x2a1: {  	vm12 =	vgt.f32 v25, v6;
	v27 =	vld [tilespmem:$0x88E]  }
0x2a2: {  	v38 =	vld [tilespmem:$0x3B0];
	v6 =	vsel vm12, v25, v6  }
0x2a3: {  	v31 =	vsel vm8, $0x1, v60;
	vm13 =	vgt.f32 v26, v6  }
0x2a4: {  	v6 =	vsel vm13, v26, v6;
	[tilespmem:$0x1FDA0] =	vst v14;
	v14 =	vsel vm3, $0x2, v31  }
0x2a5: {  	vm1 =	vgt.f32 v30, v6;
	v14 =	vsel vm9, $0x3, v14  }
0x2a6: {  	v35 =	vsel vm1, v30, v6;
	v32 =	vsel vm12, $0x4, v14;
	v11 =	vadd.s32 v1, v27  }
0x2a7: {  	vm4 =	vgt.f32 v38, v35;
	v1 =	vsel vm13, $0x5, v32;
	[tilespmem:$0x890] =	vst v11  }
0x2a8: {  	vm0 =	vmneg vm4;
	v1 =	vsel vm1, $0x6, v1;
	v40 =	vld [tilespmem:$0x88C]  }
0x2a9: {  	v1 =	vnsel vm0, $0x7, v1  }
0x2aa: {  	vm9 =	vgt.f32 v19, $-3.000000010e+38;
	vm12 =	vne.s32 v1, $0x0  }
0x2ab: {  	vm5 =	vmand vm9, vm12  }
0x2ac: {  	[tilespmem:$0x1FD50] =	vst v2;
	v2 =	vnsel vm5, $0xFF61B1E6, v19  }
0x2ad: {  	vm13 =	vne.s32 v1, $0x1;
	vm5 =	vgt.f32 v20, v2;
	v6 =	vadd.s32 v11, v40  }
0x2ae: {  	vm5 =	vmand vm13, vm5;
	[tilespmem:$0x1FDB0] =	vst v6  }
0x2af: {  	[tilespmem:$0x890] =	vst v6;
	v2 =	vsel vm5, v20, v2  }
0x2b0: {  	vm3 =	vne.s32 v1, $0x2;
	v6 =	vld [tilespmem:$0x888];
	[tilespmem:$0x890] =	vst v33;
	vm2 =	vgt.f32 v22, v2  }
0x2b1: {  	v43 =	vld [tilespmem:$0x891];
	vm7 =	vmand vm3, vm2  }
0x2b2: {  	v2 =	vsel vm7, v22, v2  }
0x2b3: {  	vm13 =	vne.s32 v1, $0x3;
	vm12 =	vgt.f32 v23, v2  }
0x2b4: {  	vm8 =	vmand vm13, vm12  }
0x2b5: {  	v2 =	vsel vm8, v23, v2  }
0x2b6: {  	[tilespmem:$0x1FD10] =	vst v3;
	vm3 =	vne.s32 v1, $0x4;
	v3 =	vadd.s32 v33, v43;
	vm2 =	vgt.f32 v25, v2  }
0x2b7: {  	[tilespmem:$0x890] =	vst v3;
	vm9 =	vmand vm3, vm2  }
0x2b8: {  	v44 =	vld [tilespmem:$0x892];
	v2 =	vsel vm9, v25, v2  }
0x2b9: {  	vm3 =	vne.s32 v1, $0x5;
	vm2 =	vgt.f32 v26, v2  }
0x2ba: {  	vm12 =	vmand vm3, vm2  }
0x2bb: {  	v45 =	vsel vm5, $0x1, v60;
	v2 =	vsel vm12, v26, v2  }
0x2bc: {  	v46 =	vsel vm7, $0x2, v45;
	vm2 =	vgt.f32 v30, v2  }
0x2bd: {  	[tilespmem:$0x1FD70] =	vst v4;
	v3 =	vadd.s32 v3, v44;
	vm5 =	vmneg vm2;
	vm2 =	vmand vm1, vm0  }
0x2be: {  	v4 =	vsel vm8, $0x3, v46;
	[tilespmem:$0x890] =	vst v3;
	vm7 =	vmor vm2, vm5  }
0x2bf: {  	v4 =	vsel vm9, $0x4, v4;
	v51 =	vld [tilespmem:$0x894];
	v52 =	vsel vm7, v2, v30  }
0x2c0: {  	v54 =	vsel vm12, $0x5, v4;
	vm8 =	vgt.f32 v38, v52  }
0x2c1: {  	[tilespmem:$0x1FD20] =	vst v48;
	v48 =	vimm.s32 $0x0;
	v2 =	vnsel vm7, $0x6, v54;
	vm3 =	vmand vm0, vm8  }
0x2c2: {  	v50 =	vimm.s32 $0x0;
	v5 =	vsel vm0, $0xFFFFFFFF, v48;
	v7 =	vsel vm3, $0x7, v2  }
0x2c3: {  	[tilespmem:$0x1FC30] =	vst v5;
	vm12 =	veq.s32 v1, $0x0;
	v5 =	vsel vm2, $0xFFFFFFFF, v50;
	vm9 =	veq.s32 v7, $0x0  }
0x2c4: {  	v58 =	vsel vm12, $0x1, v60;
	[tilespmem:$0x1FFE0] =	vst v5;
	v55 =	vadd.s32 v3, v51;
	v61 =	vsel vm9, $0x1, v60  }
0x2c5: {  	[tilespmem:$0x890] =	vst v55;
	v25 =	vadd.s32 v58, v61  }
0x2c6: {  	v5 =	vld [tilespmem:$0x898];
	[tilespmem:$0x890] =	vst v25  }
0x2c7: {  	[tilespmem:$0x1FDC0] =	vst v6;
	v6 =	vld [tilespmem:$0x88F];
	_ =	sdelay $0x4  }
0x2c8: {  	v2 =	vadd.s32 v6, v25  }
0x2c9: {  	[tilespmem:$0x890] =	vst v2  }
0x2ca: {  	v10 =	vld [tilespmem:$0x88E];
	_ =	sdelay $0x4  }
0x2cb: {  	v2 =	vadd.s32 v10, v2  }
0x2cc: {  	[tilespmem:$0x890] =	vst v2  }
0x2cd: {  	v11 =	vld [tilespmem:$0x88C];
	_ =	sdelay $0x4  }
0x2ce: {  	v2 =	vadd.s32 v11, v2  }
0x2cf: {  	[tilespmem:$0x1FE60] =	vst v2  }
0x2d0: {  	[tilespmem:$0x890] =	vst v2  }
0x2d1: {  	v2 =	vld [tilespmem:$0x888];
	[tilespmem:$0x890] =	vst v25  }
0x2d2: {  	v12 =	vld [tilespmem:$0x891];
	_ =	sdelay $0x4  }
0x2d3: {  	[tilespmem:$0x1FE40] =	vst v2;
	v2 =	vadd.s32 v12, v25  }
0x2d4: {  	[tilespmem:$0x890] =	vst v2  }
0x2d5: {  	v13 =	vld [tilespmem:$0x892];
	_ =	sdelay $0x4  }
0x2d6: {  	v2 =	vadd.s32 v13, v2  }
0x2d7: {  	[tilespmem:$0x890] =	vst v2  }
0x2d8: {  	v14 =	vld [tilespmem:$0x894];
	_ =	sdelay $0x1  }
0x2d9: {  	v56 =	vimm.s32 $0x0  }
0x2da: {  	v17 =	vimm.s32 $0x0;
	vm13 =	veq.s32 v1, $0x1;
	v3 =	vsel vm9, $0xFFFFFFFF, v56  }
0x2db: {  	v19 =	vimm.s32 $0x0;
	vm5 =	veq.s32 v7, $0x1;
	[tilespmem:$0x1FDD0] =	vst v3;
	v3 =	vsel vm13, $0xFFFFFFFF, v17  }
0x2dc: {  	v20 =	vsel vm13, $0x1, v60;
	v21 =	vsel vm5, $0x1, v60;
	[tilespmem:$0x1FDE0] =	vst v3;
	v2 =	vadd.s32 v14, v2  }
0x2dd: {  	v3 =	vsel vm5, $0xFFFFFFFF, v19;
	v19 =	vadd.s32 v20, v21;
	[tilespmem:$0x890] =	vst v2  }
0x2de: {  	v22 =	vld [tilespmem:$0x898];
	[tilespmem:$0x890] =	vst v19  }
0x2df: {  	v23 =	vld [tilespmem:$0x88F];
	_ =	sdelay $0x4  }
0x2e0: {  	[tilespmem:$0x1FE90] =	vst v2;
	v2 =	vadd.s32 v23, v19  }
0x2e1: {  	[tilespmem:$0x890] =	vst v2  }
0x2e2: {  	v24 =	vld [tilespmem:$0x88E];
	_ =	sdelay $0x4  }
0x2e3: {  	v2 =	vadd.s32 v24, v2  }
0x2e4: {  	[tilespmem:$0x890] =	vst v2  }
0x2e5: {  	v26 =	vld [tilespmem:$0x88C];
	_ =	sdelay $0x4  }
0x2e6: {  	v2 =	vadd.s32 v26, v2  }
0x2e7: {  	[tilespmem:$0x1FEB0] =	vst v2  }
0x2e8: {  	[tilespmem:$0x890] =	vst v2  }
0x2e9: {  	v2 =	vld [tilespmem:$0x888];
	[tilespmem:$0x890] =	vst v19  }
0x2ea: {  	v27 =	vld [tilespmem:$0x891];
	_ =	sdelay $0x4  }
0x2eb: {  	[tilespmem:$0x1FE70] =	vst v2;
	v2 =	vadd.s32 v27, v19  }
0x2ec: {  	[tilespmem:$0x890] =	vst v2  }
0x2ed: {  	v30 =	vld [tilespmem:$0x892];
	_ =	sdelay $0x4  }
0x2ee: {  	v2 =	vadd.s32 v30, v2  }
0x2ef: {  	[tilespmem:$0x890] =	vst v2  }
0x2f0: {  	v31 =	vld [tilespmem:$0x894];
	_ =	sdelay $0x3  }
0x2f1: {  	vm8 =	veq.s32 v1, $0x2;
	vm9 =	veq.s32 v7, $0x2  }
0x2f2: {  	v40 =	vsel vm8, $0x1, v60;
	v43 =	vsel vm9, $0x1, v60;
	v2 =	vadd.s32 v31, v2  }
0x2f3: {  	v17 =	vadd.s32 v40, v43;
	[tilespmem:$0x890] =	vst v2  }
0x2f4: {  	v44 =	vld [tilespmem:$0x898];
	[tilespmem:$0x890] =	vst v17  }
0x2f5: {  	v45 =	vld [tilespmem:$0x88F];
	_ =	sdelay $0x4  }
0x2f6: {  	[tilespmem:$0x1FEC0] =	vst v2;
	v2 =	vadd.s32 v17, v45  }
0x2f7: {  	[tilespmem:$0x890] =	vst v2  }
0x2f8: {  	v46 =	vld [tilespmem:$0x88E];
	_ =	sdelay $0x4  }
0x2f9: {  	v2 =	vadd.s32 v2, v46  }
0x2fa: {  	[tilespmem:$0x890] =	vst v2  }
0x2fb: {  	v48 =	vld [tilespmem:$0x88C];
	_ =	sdelay $0x4  }
0x2fc: {  	v2 =	vadd.s32 v2, v48  }
0x2fd: {  	[tilespmem:$0x1FED0] =	vst v2  }
0x2fe: {  	[tilespmem:$0x890] =	vst v2  }
0x2ff: {  	v2 =	vld [tilespmem:$0x888];
	[tilespmem:$0x890] =	vst v17  }
0x300: {  	v50 =	vld [tilespmem:$0x891];
	_ =	sdelay $0x4  }
0x301: {  	[tilespmem:$0x1FEE0] =	vst v2;
	v2 =	vadd.s32 v17, v50  }
0x302: {  	[tilespmem:$0x890] =	vst v2  }
0x303: {  	v51 =	vld [tilespmem:$0x892];
	_ =	sdelay $0x4  }
0x304: {  	v2 =	vadd.s32 v2, v51  }
0x305: {  	[tilespmem:$0x890] =	vst v2  }
0x306: {  	[tilespmem:$0x1FC50] =	vst v52;
	v52 =	vld [tilespmem:$0x894];
	_ =	sdelay $0x1  }
0x307: {  	[tilespmem:$0x1FC40] =	vst v35;
	v32 =	vimm.s32 $0x0  }
0x308: {  	v35 =	vimm.s32 $0x0;
	[tilespmem:$0x1FE00] =	vst v3;
	v3 =	vsel vm8, $0xFFFFFFFF, v32  }
0x309: {  	vm8 =	veq.s32 v1, $0x3;
	[tilespmem:$0x1FE10] =	vst v3;
	v3 =	vsel vm9, $0xFFFFFFFF, v35;
	vm9 =	veq.s32 v7, $0x3  }
0x30a: {  	[tilespmem:$0x1FDF0] =	vst v55;
	v54 =	vsel vm8, $0x1, v60;
	v55 =	vsel vm9, $0x1, v60;
	v2 =	vadd.s32 v2, v52  }
0x30b: {  	v13 =	vadd.s32 v54, v55;
	[tilespmem:$0x890] =	vst v2  }
0x30c: {  	v56 =	vld [tilespmem:$0x898];
	[tilespmem:$0x890] =	vst v13  }
0x30d: {  	v58 =	vld [tilespmem:$0x88F];
	_ =	sdelay $0x4  }
0x30e: {  	[tilespmem:$0x1FEF0] =	vst v2;
	v2 =	vadd.s32 v13, v58  }
0x30f: {  	[tilespmem:$0x890] =	vst v2  }
0x310: {  	v61 =	vld [tilespmem:$0x88E];
	_ =	sdelay $0x4  }
0x311: {  	v2 =	vadd.s32 v2, v61  }
0x312: {  	[tilespmem:$0x890] =	vst v2  }
0x313: {  	[tilespmem:$0x1FE30] =	vst v3;
	v3 =	vld [tilespmem:$0x88C];
	_ =	sdelay $0x4  }
0x314: {  	v2 =	vadd.s32 v2, v3  }
0x315: {  	[tilespmem:$0x1FF10] =	vst v2  }
0x316: {  	[tilespmem:$0x890] =	vst v2  }
0x317: {  	v2 =	vld [tilespmem:$0x888];
	[tilespmem:$0x890] =	vst v13  }
0x318: {  	v4 =	vld [tilespmem:$0x891];
	_ =	sdelay $0x4  }
0x319: {  	[tilespmem:$0x1FF20] =	vst v2;
	v2 =	vadd.s32 v13, v4  }
0x31a: {  	[tilespmem:$0x890] =	vst v2  }
0x31b: {  	[tilespmem:$0x1FE20] =	vst v5;
	v5 =	vld [tilespmem:$0x892];
	_ =	sdelay $0x4  }
0x31c: {  	v2 =	vadd.s32 v2, v5  }
0x31d: {  	[tilespmem:$0x890] =	vst v2  }
0x31e: {  	v6 =	vld [tilespmem:$0x894];
	_ =	sdelay $0x3  }
0x31f: {  	vm13 =	veq.s32 v7, $0x4;
	vm5 =	veq.s32 v1, $0x4  }
0x320: {  	v20 =	vsel vm13, $0x1, v60;
	v14 =	vsel vm5, $0x1, v60;
	v2 =	vadd.s32 v2, v6  }
0x321: {  	v5 =	vadd.s32 v14, v20;
	[tilespmem:$0x890] =	vst v2  }
0x322: {  	v21 =	vld [tilespmem:$0x898];
	[tilespmem:$0x890] =	vst v5  }
0x323: {  	[tilespmem:$0x1FE50] =	vst v22;
	v22 =	vld [tilespmem:$0x88F];
	_ =	sdelay $0x4  }
0x324: {  	v10 =	vadd.s32 v5, v22  }
0x325: {  	[tilespmem:$0x890] =	vst v10  }
0x326: {  	v23 =	vld [tilespmem:$0x88E];
	_ =	sdelay $0x4  }
0x327: {  	v10 =	vadd.s32 v10, v23  }
0x328: {  	[tilespmem:$0x890] =	vst v10  }
0x329: {  	v24 =	vld [tilespmem:$0x88C];
	_ =	sdelay $0x4  }
0x32a: {  	[tilespmem:$0x1FF40] =	vst v2;
	v26 =	vadd.s32 v10, v24  }
0x32b: {  	[tilespmem:$0x890] =	vst v26  }
0x32c: {  	v2 =	vld [tilespmem:$0x888];
	[tilespmem:$0x890] =	vst v5  }
0x32d: {  	v27 =	vld [tilespmem:$0x891];
	_ =	sdelay $0x4  }
0x32e: {  	v10 =	vadd.s32 v5, v27  }
0x32f: {  	[tilespmem:$0x890] =	vst v10  }
0x330: {  	v30 =	vld [tilespmem:$0x892];
	_ =	sdelay $0x4  }
0x331: {  	v10 =	vadd.s32 v10, v30  }
0x332: {  	[tilespmem:$0x890] =	vst v10  }
0x333: {  	v31 =	vld [tilespmem:$0x894];
	_ =	sdelay $0x2  }
0x334: {  	v12 =	vimm.s32 $0x0  }
0x335: {  	vm0 =	veq.s32 v1, $0x5;
	v3 =	vsel vm13, $0xFFFFFFFF, v12;
	vm13 =	veq.s32 v7, $0x5  }
0x336: {  	v40 =	vsel vm0, $0x1, v60;
	v7 =	vsel vm13, $0x1, v60;
	v32 =	vadd.s32 v10, v31  }
0x337: {  	v4 =	vadd.s32 v40, v7;
	[tilespmem:$0x890] =	vst v32  }
0x338: {  	v43 =	vld [tilespmem:$0x898];
	[tilespmem:$0x890] =	vst v4  }
0x339: {  	[tilespmem:$0x1FE80] =	vst v44;
	v44 =	vld [tilespmem:$0x88F];
	_ =	sdelay $0x4  }
0x33a: {  	v7 =	vadd.s32 v4, v44  }
0x33b: {  	[tilespmem:$0x890] =	vst v7  }
0x33c: {  	v45 =	vld [tilespmem:$0x88E];
	_ =	sdelay $0x4  }
0x33d: {  	v7 =	vadd.s32 v7, v45  }
0x33e: {  	[tilespmem:$0x890] =	vst v7  }
0x33f: {  	v46 =	vld [tilespmem:$0x88C];
	_ =	sdelay $0x4  }
0x340: {  	v51 =	vld [tilespmem:$0x1F530];
	v58 =	vadd.s32 v7, v46  }
0x341: {  	[tilespmem:$0x890] =	vst v58  }
0x342: {  	v48 =	vld [tilespmem:$0x888];
	[tilespmem:$0x890] =	vst v4  }
0x343: {  	v50 =	vld [tilespmem:$0x891]  }
0x344: {  	v35 =	vimm.s32 $0x0  }
0x345: {  	v1 =	vsel vm0, $0xFFFFFFFF, v35;
	vm0 =	vnez.u8 v51  }
0x346: {  	v52 =	vsel vm0, v16, v15;
	v61 =	vsel vm15, v15, v18  }
0x347: {  	v20 =	vadd.f32 v61, v52;
	v30 =	vld [tilespmem:$0x1F540]  }
0x348: {  	v31 =	vld [tilespmem:$0x1F550];
	[tilespmem:$0x1FF70] =	vst v32;
	v7 =	vadd.s32 v4, v50  }
0x349: {  	v12 =	vadd.f32 $9.999999930e-09, v20;
	v32 =	vld [tilespmem:$0x1F560];
	[tilespmem:$0x890] =	vst v7  }
0x34a: {  	[tilespmem:$0x1FF60] =	vst v21;
	v21 =	vld [tilespmem:$0x892]  }
0x34b: {  	v15 =	vsel vm6, v9, v36;
	(erf) = vrcp.f32 v12;
	v12 =	vsel vm10, v8, v9  }
0x34c: {  	v8 =	vadd.f32 v15, v12  }
0x34d: {  	[tilespmem:$0x1FF30] =	vst v26;
	v26 =	vsel vm2, $0x1, v60;
	vm2 =	vnez.u8 v30  }
0x34e: {  	v35 =	vld [tilespmem:$0x1F570];
	[tilespmem:$0x1FFB0] =	vst v3;
	v8 =	vadd.f32 $9.999999930e-09, v8;
	v3 =	vnsel vm2, $0x0, v37;
	vm2 =	vnez.u8 v31  }
0x34f: {  	v54 =	vld [tilespmem:$0x1F610];
	[tilespmem:$0x1FF50] =	vst v2;
	v2 =	vsel vm2, $0x0, v0;
	vm2 =	vnez.u8 v32;
	v7 =	vadd.s32 v7, v21  }
0x350: {  	(erf) = vrcp.f32 v8;
	v8 =	vsel vm2, $0x0, v37;
	v37 =	vld [tilespmem:$0x1F580];
	[tilespmem:$0x890] =	vst v7  }
0x351: {  	v22 =	vld [tilespmem:$0x894]  }
0x352: {  	[tilespmem:$0x1FF80] =	vst v43;
	v43 =	vld [tilespmem:$0x1F590]  }
0x353: {  	v44 =	vld [tilespmem:$0x1F5A0]  }
0x354: {  	v24 =	vpop (erf);
	v45 =	vld [tilespmem:$0x1F5B0]  }
0x355: {  	[tilespmem:$0x1FF00] =	vst v56;
	v18 =	vmul.f32 v24, v52;
	vm2 =	vnez.u8 v35;
	v46 =	vld [tilespmem:$0x1F5C0];
	v21 =	vmul.f32 v24, v61  }
0x356: {  	[tilespmem:$0x1FF90] =	vst v48;
	v48 =	vld [tilespmem:$0x1F5D0];
	v56 =	vadd.s32 v7, v22;
	v7 =	vnsel vm2, $0x0, v0;
	vm2 =	vnez.u8 v37  }
0x357: {  	v50 =	vld [tilespmem:$0x1F5E0];
	v10 =	vnsel vm2, $0x0, v18;
	vm2 =	vnez.u8 v43  }
0x358: {  	vm1 =	vmmov vm15;
	v51 =	vld [tilespmem:$0x1F5F0];
	v9 =	vnsel vm2, $0x0, v21;
	vm2 =	vnez.u8 v44  }
0x359: {  	vm7 =	vmor vm3, vm7;
	v52 =	vld [tilespmem:$0x1F600];
	[tilespmem:$0x890] =	vst v56;
	v16 =	vnsel vm2, $0x0, v18;
	vm2 =	vnez.u8 v45  }
0x35a: {  	vm15 =	vmneg vm7;
	v27 =	vld [tilespmem:$0x898];
	v11 =	vnsel vm2, $0x0, v21;
	vm2 =	vnez.u8 v46  }
0x35b: {  	v55 =	vld [tilespmem:$0x1F620];
	v23 =	vsel vm15, $0x1, v60;
	v22 =	vnsel vm2, $0x0, v18;
	vm2 =	vnez.u8 v48  }
0x35c: {  	v36 =	vadd.s32 v26, v23;
	v61 =	vld [tilespmem:$0x1F630];
	v20 =	vnsel vm2, $0x0, v21;
	vm2 =	vnez.u8 v50  }
0x35d: {  	[tilespmem:$0x890] =	vst v36;
	v24 =	vnsel vm2, $0x0, v18;
	vm2 =	vnez.u8 v51  }
0x35e: {  	v40 =	vld [tilespmem:$0x88F];
	v23 =	vnsel vm2, $0x0, v21;
	vm2 =	vnez.u8 v52  }
0x35f: {  	[tilespmem:$0x1FFA0] =	vst v27;
	v27 =	vnsel vm2, $0x0, v18;
	vm2 =	vnez.u8 v54  }
0x360: {  	v6 =	vld [tilespmem:$0x1F640];
	v35 =	vpop (erf);
	v26 =	vnsel vm2, $0x0, v21;
	vm2 =	vnez.u8 v55  }
0x361: {  	v31 =	vnsel vm2, $0x0, v18;
	vm2 =	vnez.u8 v61;
	v61 =	vmul.f32 v35, v15;
	v15 =	vld [tilespmem:$0x1F650]  }
0x362: {  	v37 =	vmul.f32 v35, v12;
	v35 =	vld [tilespmem:$0x1F660]  }
0x363: {  	v0 =	vadd.s32 v36, v40;
	v40 =	vld [tilespmem:$0x1F670]  }
0x364: {  	v43 =	vld [tilespmem:$0x1F680]  }
0x365: {  	v44 =	vld [tilespmem:$0x1F690]  }
0x366: {  	v14 =	vnsel vm1, $0x0, v21;
	v45 =	vld [tilespmem:$0x1F6A0];
	v30 =	vnsel vm2, $0x0, v21;
	vm2 =	vnez.u8 v6  }
0x367: {  	v46 =	vld [tilespmem:$0x1F6B0];
	v32 =	vnsel vm2, $0x0, v18;
	vm2 =	vnez.u8 v15;
	vm15 =	vnez.u8 v35  }
0x368: {  	v48 =	vld [tilespmem:$0x1F6C0];
	v12 =	vsel vm2, $0x0, v21;
	v21 =	vnsel vm15, $0x0, v37;
	vm15 =	vnez.u8 v40  }
0x369: {  	v50 =	vld [tilespmem:$0x1F6D0];
	v15 =	vsel vm0, $0x0, v18;
	v18 =	vnsel vm15, $0x0, v61;
	vm15 =	vnez.u8 v43  }
0x36a: {  	v51 =	vld [tilespmem:$0x1F6E0];
	v40 =	vnsel vm15, $0x0, v37;
	vm15 =	vnez.u8 v44  }
0x36b: {  	v52 =	vld [tilespmem:$0x1F6F0];
	v35 =	vnsel vm15, $0x0, v61;
	vm15 =	vnez.u8 v45  }
0x36c: {  	v55 =	vld [tilespmem:$0x1F710];
	v44 =	vnsel vm15, $0x0, v37;
	vm15 =	vnez.u8 v46  }
0x36d: {  	v43 =	vnsel vm15, $0x0, v61;
	vm15 =	vnez.u8 v48  }
0x36e: {  	v46 =	vnsel vm15, $0x0, v37;
	vm15 =	vnez.u8 v50  }
0x36f: {  	v45 =	vnsel vm15, $0x0, v61;
	vm15 =	vnez.u8 v51  }
0x370: {  	v50 =	vnsel vm15, $0x0, v37;
	vm15 =	vnez.u8 v52  }
0x371: {  	[tilespmem:$0x890] =	vst v0;
	v48 =	vnsel vm15, $0x0, v61;
	vm15 =	vnez.u8 v55  }
0x372: {  	[tilespmem:$0x1FFC0] =	vst v1;
	v1 =	vld [tilespmem:$0x88E];
	v52 =	vnsel vm14, $0x0, v37;
	v55 =	vnsel vm15, $0x0, v37;
	v37 =	vsel vm10, $0x0, v37  }
0x373: {  	[tilespmem:$0x1FEA0] =	vst v37;
	v37 =	vld [tilespmem:$0x1F720];
	_ =	sdelay $0x4  }
0x374: {  	v0 =	vadd.s32 v0, v1;
	v1 =	vld [tilespmem:$0x1F730];
	v62 =	vadd.s32 v62, v37  }
0x375: {  	v37 =	vsub.s32 v62, v59;
	v62 =	vld [tilespmem:$0x1F740];
	_ =	sdelay $0x2  }
0x376: {  	v59 =	vld [tilespmem:$0x1F750]  }
0x377: {  	v37 =	vadd.s32 v63, v37;
	v63 =	vld [tilespmem:$0x1F770]  }
0x378: {  	v62 =	vadd.s32 v1, v62;
	v1 =	vld [tilespmem:$0x1F760];
	_ =	sdelay $0x4  }
0x379: {  	v62 =	vsub.s32 v62, v59;
	v59 =	vsub.s32 v1, v63;
	v63 =	vld [tilespmem:$0x1F780];
	_ =	sdelay $0x4  }
0x37a: {  	v37 =	vadd.s32 v63, v37;
	v63 =	vld [tilespmem:$0x1F790];
	_ =	sdelay $0x4  }
0x37b: {  	v62 =	vadd.s32 v63, v62;
	v63 =	vld [tilespmem:$0x1F7A0];
	_ =	sdelay $0x4  }
0x37c: {  	v59 =	vadd.s32 v63, v59;
	v63 =	vld [tilespmem:$0x1F7B0];
	_ =	sdelay $0x4  }
0x37d: {  	v62 =	vadd.s32 v63, v62;
	v63 =	vld [tilespmem:$0x1F7C0];
	_ =	sdelay $0x4  }
0x37e: {  	v59 =	vadd.s32 v63, v59;
	v63 =	vld [tilespmem:$0x1F7D0];
	_ =	sdelay $0x4  }
0x37f: {  	v63 =	vsub.s32 v57, v63;
	v57 =	vld [tilespmem:$0x1F7E0];
	_ =	sdelay $0x4  }
0x380: {  	v63 =	vadd.s32 v57, v63;
	v57 =	vld [tilespmem:$0x1FFF0];
	_ =	sdelay $0x4  }
0x381: {  	vm0 =	vnez.u8 v57;
	v57 =	vld [tilespmem:$0x1F7F0];
	_ =	sdelay $0x4  }
0x382: {  	v59 =	vadd.s32 v57, v59;
	v57 =	vld [tilespmem:$0x1F800];
	_ =	sdelay $0x2  }
0x383: {  	[tilespmem:$0x890] =	vst v0;
	vm2 =	vcmask $0x308  }
0x384: {  	v1 =	vld [tilespmem:$0x88C];
	v62 =	vsel vm2, $0x0, v62;
	v37 =	vnsel vm0, $0x0, v37  }
0x385: {  	v62 =	vadd.s32 v62, v37;
	v37 =	vadd.s32 v57, v63;
	v63 =	vld [tilespmem:$0x1F810];
	_ =	sdelay $0x3  }
0x386: {  	v54 =	vld [tilespmem:$0x1F700];
	v6 =	vsel vm4, $0x1, v60;
	vm4 =	vcmask $0x70C  }
0x387: {  	v59 =	vsel vm4, $0x0, v59;
	v63 =	vadd.s32 v63, v37;
	v37 =	vadd.s32 v0, v1;
	v1 =	vld [tilespmem:$0x1F820]  }
0x388: {  	v0 =	vadd.s32 v59, v62;
	v62 =	vld [tilespmem:$0x1F830];
	_ =	sdelay $0x2  }
0x389: {  	vm14 =	vnez.u8 v54;
	v54 =	vsel vm11, $0x0, v61  }
0x38a: {  	v51 =	vnsel vm14, $0x0, v61;
	v61 =	vnsel vm6, $0x0, v61;
	vm6 =	vcmask $0xB10  }
0x38b: {  	v1 =	vsub.s32 v1, v62;
	v62 =	vsel vm6, $0x0, v63;
	v63 =	vld [tilespmem:$0x1F840];
	_ =	sdelay $0x3  }
0x38c: {  	v0 =	vadd.s32 v62, v0;
	v62 =	vld [tilespmem:$0x1F850]  }
0x38d: {  	v1 =	vadd.s32 v63, v1;
	v63 =	vld [tilespmem:$0x1F860];
	_ =	sdelay $0x3  }
0x38e: {  	[tilespmem:$0x890] =	vst v37  }
0x38f: {  	v59 =	vsub.s32 v62, v63;
	v62 =	vld [tilespmem:$0x888];
	_ =	sdelay $0x3  }
0x390: {  	v63 =	vld [tilespmem:$0x1F870]  }
0x391: {  	[tilespmem:$0x1FFD0] =	vst v62;
	v62 =	vld [tilespmem:$0x1F880];
	_ =	sdelay $0x2  }
0x392: {  	v57 =	vld [tilespmem:$0x1F890]  }
0x393: {  	v1 =	vadd.s32 v63, v1;
	v63 =	vld [tilespmem:$0x1F8B0]  }
0x394: {  	v59 =	vadd.s32 v62, v59;
	v62 =	vld [tilespmem:$0x1F8A0];
	_ =	sdelay $0x3  }
0x395: {  	v1 =	vadd.s32 v63, v1;
	v63 =	vld [tilespmem:$0x1F8C0]  }
0x396: {  	v62 =	vsub.s32 v57, v62;
	v57 =	vld [tilespmem:$0x1F8E0];
	_ =	sdelay $0x3  }
0x397: {  	v59 =	vadd.s32 v63, v59;
	v63 =	vld [tilespmem:$0x1F8D0]  }
0x398: {  	v59 =	vadd.s32 v57, v59;
	v57 =	vld [tilespmem:$0x1F8F0];
	_ =	sdelay $0x3  }
0x399: {  	v62 =	vadd.s32 v63, v62  }
0x39a: {  	v62 =	vadd.s32 v57, v62;
	v57 =	vld [tilespmem:$0x1F900];
	_ =	sdelay $0x2  }
0x39b: {  	vm10 =	vcmask $0xF14  }
0x39c: {  	v1 =	vsel vm10, $0x0, v1  }
0x39d: {  	v0 =	vadd.s32 v1, v0;
	v1 =	vadd.s32 v57, v62;
	v57 =	vld [tilespmem:$0x1F910]  }
0x39e: {  	v62 =	vld [tilespmem:$0x1F920];
	_ =	sdelay $0x2  }
0x39f: {  	vm11 =	vcmask $0x1318  }
0x3a0: {  	v59 =	vsel vm11, $0x0, v59  }
0x3a1: {  	v0 =	vadd.s32 v59, v0;
	v59 =	vsub.s32 v57, v62;
	v57 =	vld [tilespmem:$0x1F930];
	_ =	sdelay $0x2  }
0x3a2: {  	vm14 =	vcmask $0x171C;
	[tilespmem:$0x890] =	vst v36  }
0x3a3: {  	v63 =	vld [tilespmem:$0x891];
	v1 =	vsel vm14, $0x0, v1  }
0x3a4: {  	v0 =	vadd.s32 v1, v0;
	v1 =	vadd.f32 v2, v3;
	v2 =	vadd.s32 v57, v59;
	v59 =	vld [tilespmem:$0x1F940];
	_ =	sdelay $0x2  }
0x3a5: {  	v3 =	vld [tilespmem:$0x1F950]  }
0x3a6: {  	v62 =	vld [tilespmem:$0x1F960]  }
0x3a7: {  	v2 =	vadd.s32 v59, v2;
	v59 =	vadd.s32 v36, v63;
	v63 =	vld [tilespmem:$0x1F970];
	_ =	sdelay $0x3  }
0x3a8: {  	v3 =	vadd.s32 v3, v62;
	v62 =	vld [tilespmem:$0x1F980]  }
0x3a9: {  	v2 =	vadd.s32 v63, v2;
	v63 =	vld [tilespmem:$0x1F9B0];
	_ =	sdelay $0x2  }
0x3aa: {  	v57 =	vld [tilespmem:$0x1F990]  }
0x3ab: {  	v3 =	vsub.s32 v3, v62;
	v62 =	vld [tilespmem:$0x1F9A0]  }
0x3ac: {  	v3 =	vadd.s32 v63, v3;
	v63 =	vld [tilespmem:$0x1F9C0];
	_ =	sdelay $0x3  }
0x3ad: {  	v62 =	vadd.s32 v57, v62  }
0x3ae: {  	v57 =	vsub.s32 v62, v63;
	v63 =	vld [tilespmem:$0x1F9D0];
	_ =	sdelay $0x2  }
0x3af: {  	vm15 =	vcmask $0x1B20  }
0x3b0: {  	v2 =	vsel vm15, $0x0, v2  }
0x3b1: {  	v0 =	vadd.s32 v2, v0;
	v2 =	vadd.s32 v63, v3;
	v63 =	vld [tilespmem:$0x1F9E0];
	_ =	sdelay $0x4  }
0x3b2: {  	v3 =	vadd.s32 v63, v57;
	v63 =	vld [tilespmem:$0x1F9F0];
	_ =	sdelay $0x2  }
0x3b3: {  	v2 =	vnsel vm0, $0x0, v2  }
0x3b4: {  	v0 =	vadd.s32 v2, v0;
	v2 =	vld [tilespmem:$0x1FA00]  }
0x3b5: {  	v3 =	vadd.s32 v63, v3;
	v63 =	vld [tilespmem:$0x1FA10];
	_ =	sdelay $0x1  }
0x3b6: {  	[tilespmem:$0x890] =	vst v59  }
0x3b7: {  	v62 =	vld [tilespmem:$0x892];
	v3 =	vsel vm2, $0x0, v3  }
0x3b8: {  	v0 =	vadd.s32 v3, v0;
	v3 =	vld [tilespmem:$0x1FA40]  }
0x3b9: {  	v2 =	vsub.s32 v2, v63;
	v63 =	vld [tilespmem:$0x1FA50]  }
0x3ba: {  	v57 =	vadd.f32 v7, v8;
	v7 =	vadd.f32 v9, v10;
	v9 =	vld [tilespmem:$0x1FA20];
	_ =	sdelay $0x1  }
0x3bb: {  	v10 =	vld [tilespmem:$0x1FA30]  }
0x3bc: {  	v8 =	vadd.s32 v59, v62;
	v62 =	vld [tilespmem:$0x1FA60]  }
0x3bd: {  	v3 =	vsub.s32 v3, v63;
	v63 =	vld [tilespmem:$0x1FA70]  }
0x3be: {  	v2 =	vadd.s32 v9, v2;
	v9 =	vadd.f32 v11, v16;
	v16 =	vld [tilespmem:$0x1FA80]  }
0x3bf: {  	v12 =	vadd.f32 v12, v32;
	v32 =	vld [tilespmem:$0x1FC60]  }
0x3c0: {  	v59 =	vld [tilespmem:$0x1FA90];
	v2 =	vadd.s32 v10, v2  }
0x3c1: {  	v18 =	vadd.f32 v18, v21;
	v2 =	vadd.s32 v62, v2;
	v62 =	vld [tilespmem:$0x1FAA0]  }
0x3c2: {  	v3 =	vadd.s32 v63, v3;
	v63 =	vld [tilespmem:$0x1FAB0]  }
0x3c3: {  	[tilespmem:$0x420] =	vst v18;
	v3 =	vadd.s32 v16, v3;
	v16 =	vld [tilespmem:$0x1FAC0]  }
0x3c4: {  	v18 =	vld [tilespmem:$0x1FF00];
	[tilespmem:$0x890] =	vst v8  }
0x3c5: {  	[tilespmem:$0x780] =	vst v57;
	v57 =	vld [tilespmem:$0x1FEC0]  }
0x3c6: {  	v11 =	vld [tilespmem:$0x894];
	v2 =	vsel vm4, $0x0, v2  }
0x3c7: {  	v0 =	vadd.s32 v2, v0;
	v10 =	vsub.s32 v59, v62;
	v59 =	vld [tilespmem:$0x1FAF0]  }
0x3c8: {  	v2 =	vadd.s32 v63, v3;
	v3 =	vadd.s32 v16, v10;
	v10 =	vadd.f32 v20, v22;
	v20 =	vld [tilespmem:$0x1FAD0]  }
0x3c9: {  	v22 =	vld [tilespmem:$0x1FAE0]  }
0x3ca: {  	v62 =	vld [tilespmem:$0x1FB00]  }
0x3cb: {  	v63 =	vld [tilespmem:$0x1FB10]  }
0x3cc: {  	v16 =	vadd.f32 v23, v24;
	v23 =	vld [tilespmem:$0x1FB30]  }
0x3cd: {  	v2 =	vsel vm6, $0x0, v2;
	v3 =	vadd.s32 v20, v3;
	v20 =	vld [tilespmem:$0x1FB20]  }
0x3ce: {  	v0 =	vadd.s32 v2, v0;
	v2 =	vadd.s32 v22, v3;
	v3 =	vsub.s32 v59, v28;
	v59 =	vld [tilespmem:$0x1FB60]  }
0x3cf: {  	v3 =	vadd.s32 v62, v3;
	v2 =	vsel vm10, $0x0, v2;
	v62 =	vld [tilespmem:$0x1FB70]  }
0x3d0: {  	v2 =	vadd.s32 v2, v0;
	v0 =	vadd.s32 v63, v3;
	v3 =	vadd.f32 v26, v27;
	v26 =	vld [tilespmem:$0x1FB40]  }
0x3d1: {  	v28 =	vadd.s32 v8, v11;
	v22 =	vsel vm3, $0x1, v60;
	v27 =	vld [tilespmem:$0x1FB50]  }
0x3d2: {  	v11 =	vsub.s32 v23, v29;
	[tilespmem:$0x890] =	vst v28;
	v29 =	vadd.s32 v6, v22;
	v63 =	vld [tilespmem:$0x1FB80];
	v0 =	vadd.s32 v20, v0  }
0x3d3: {  	v24 =	vsel vm11, $0x0, v0;
	v0 =	vld [tilespmem:$0x898];
	[tilespmem:$0x890] =	vst v29  }
0x3d4: {  	v20 =	vld [tilespmem:$0x88F]  }
0x3d5: {  	v2 =	vadd.s32 v24, v2;
	v24 =	vld [tilespmem:$0x1FB90]  }
0x3d6: {  	v6 =	vadd.s32 v26, v11;
	v26 =	vld [tilespmem:$0x1FBA0]  }
0x3d7: {  	v8 =	vsub.s32 v27, v59;
	v27 =	vld [tilespmem:$0x1FBB0]  }
0x3d8: {  	v11 =	vadd.f32 v30, v31;
	v30 =	vld [tilespmem:$0x1FBC0]  }
0x3d9: {  	v31 =	vld [tilespmem:$0x1FBD0]  }
0x3da: {  	v59 =	vld [tilespmem:$0x1FBF0]  }
0x3db: {  	v6 =	vadd.s32 v62, v6;
	v62 =	vld [tilespmem:$0x1FC00]  }
0x3dc: {  	v8 =	vadd.s32 v63, v8;
	v63 =	vld [tilespmem:$0x1FC10]  }
0x3dd: {  	v6 =	vadd.s32 v24, v6;
	v24 =	vld [tilespmem:$0x1FC20]  }
0x3de: {  	v8 =	vadd.s32 v26, v8;
	v26 =	vld [tilespmem:$0x1FC30]  }
0x3df: {  	v22 =	vadd.s32 v27, v30;
	v27 =	vld [tilespmem:$0x1FC40]  }
0x3e0: {  	v20 =	vadd.s32 v29, v20;
	v30 =	vld [tilespmem:$0x1FC50]  }
0x3e1: {  	v6 =	vsel vm14, $0x0, v6;
	[tilespmem:$0x890] =	vst v20;
	v8 =	vadd.s32 v31, v8;
	v22 =	vsub.s32 v22, v53;
	v53 =	vld [tilespmem:$0x1FBE0]  }
0x3e2: {  	v2 =	vadd.s32 v6, v2;
	v31 =	vld [tilespmem:$0x88E];
	v8 =	vsel vm15, $0x0, v8  }
0x3e3: {  	v2 =	vadd.s32 v8, v2;
	v8 =	vadd.s32 v62, v63;
	v62 =	vld [tilespmem:$0x1FCA0]  }
0x3e4: {  	v63 =	vld [tilespmem:$0x1FCB0]  }
0x3e5: {  	v23 =	vsub.s32 v8, v49;
	v49 =	vld [tilespmem:$0x1FC80]  }
0x3e6: {  	v14 =	vadd.f32 v14, v15;
	v15 =	vsel vm3, v38, v30;
	v30 =	vld [tilespmem:$0x1FCC0]  }
0x3e7: {  	vm1 =	vnez.u8 v26;
	v26 =	vadd.f32 v45, v46;
	v45 =	vld [tilespmem:$0x1FD50]  }
0x3e8: {  	v46 =	vld [tilespmem:$0x1FD60]  }
0x3e9: {  	v6 =	vadd.s32 v53, v22;
	v8 =	vsel vm1, v27, v38;
	v38 =	vld [tilespmem:$0x1FC70]  }
0x3ea: {  	v53 =	vld [tilespmem:$0x1FC90];
	v6 =	vadd.s32 v59, v6  }
0x3eb: {  	v20 =	vadd.s32 v20, v31;
	v31 =	vld [tilespmem:$0x1FCD0];
	v6 =	vnsel vm0, $0x0, v6  }
0x3ec: {  	v2 =	vadd.s32 v6, v2;
	v6 =	vadd.s32 v24, v23;
	v24 =	vsub.s32 v63, v42;
	v42 =	vld [tilespmem:$0x1FD20]  }
0x3ed: {  	v63 =	vld [tilespmem:$0x1FDD0]  }
0x3ee: {  	v6 =	vadd.s32 v32, v6;
	v32 =	vld [tilespmem:$0x1FCE0]  }
0x3ef: {  	v23 =	vsub.s32 v38, v47;
	v38 =	vld [tilespmem:$0x1FD00]  }
0x3f0: {  	[tilespmem:$0x890] =	vst v20;
	v21 =	vadd.s32 v49, v23;
	v23 =	vadd.f32 v35, v40;
	v35 =	vld [tilespmem:$0x1FCF0]  }
0x3f1: {  	v6 =	vsel vm2, $0x0, v6;
	v40 =	vld [tilespmem:$0x88C]  }
0x3f2: {  	v24 =	vadd.s32 v30, v24;
	v47 =	vadd.f32 v15, v8;
	v2 =	vadd.s32 v6, v2;
	v49 =	vld [tilespmem:$0x1FD80]  }
0x3f3: {  	v6 =	vadd.s32 v53, v21;
	v21 =	vadd.s32 v31, v24;
	v24 =	vadd.f32 v43, v44;
	v43 =	vld [tilespmem:$0x1FD30]  }
0x3f4: {  	v44 =	vld [tilespmem:$0x1FD40]  }
0x3f5: {  	v59 =	vadd.f32 $9.999999930e-09, v47;
	v47 =	vld [tilespmem:$0x1FD70];
	v6 =	vadd.s32 v62, v6  }
0x3f6: {  	v62 =	vld [tilespmem:$0x1FDC0];
	v6 =	vsel vm4, $0x0, v6  }
0x3f7: {  	v22 =	vsub.s32 v32, v41;
	v41 =	vld [tilespmem:$0x1FD10];
	v2 =	vadd.s32 v6, v2  }
0x3f8: {  	v6 =	vadd.s32 v35, v21;
	v21 =	vadd.s32 v38, v22;
	v22 =	vadd.f32 v48, v50;
	v50 =	vld [tilespmem:$0x1FD90]  }
0x3f9: {  	v20 =	vadd.s32 v20, v40;
	v38 =	vld [tilespmem:$0x1FDE0]  }
0x3fa: {  	v40 =	vld [tilespmem:$0x1FE00];
	[tilespmem:$0x890] =	vst v20  }
0x3fb: {  	v30 =	vld [tilespmem:$0x888];
	[tilespmem:$0x890] =	vst v29  }
0x3fc: {  	(erf) = vrcp.f32 v59;
	v6 =	vsel vm6, $0x0, v6;
	v21 =	vadd.s32 v41, v21;
	v59 =	vld [tilespmem:$0x891]  }
0x3fd: {  	v2 =	vadd.s32 v6, v2;
	v41 =	vld [tilespmem:$0x1FE10];
	v6 =	vadd.s32 v42, v21;
	v21 =	vsub.s32 v43, v39  }
0x3fe: {  	v39 =	vld [tilespmem:$0x1FDF0];
	v21 =	vadd.s32 v44, v21;
	v6 =	vsel vm10, $0x0, v6  }
0x3ff: {  	v42 =	vld [tilespmem:$0x1FE20];
	v2 =	vadd.s32 v6, v2;
	v6 =	vadd.s32 v45, v21  }
0x400: {  	v43 =	vld [tilespmem:$0x1FE30];
	v6 =	vadd.s32 v47, v6  }
0x401: {  	v45 =	vld [tilespmem:$0x1FE40];
	v6 =	vsel vm11, $0x0, v6  }
0x402: {  	v2 =	vadd.s32 v6, v2;
	v6 =	vadd.f32 v51, v52;
	v51 =	vld [tilespmem:$0x1FDA0]  }
0x403: {  	v21 =	vsub.s32 v46, v34;
	v46 =	vld [tilespmem:$0x1FE50]  }
0x404: {  	v21 =	vadd.s32 v49, v21;
	v49 =	vld [tilespmem:$0x1FE60]  }
0x405: {  	v21 =	vadd.s32 v50, v21;
	v50 =	vld [tilespmem:$0x1FE70]  }
0x406: {  	v27 =	vadd.s32 v29, v59;
	v59 =	vld [tilespmem:$0x1FED0];
	v52 =	vpop (erf)  }
0x407: {  	v8 =	vmul.f32 v52, v8;
	v15 =	vmul.f32 v52, v15;
	v52 =	vld [tilespmem:$0x1FE90];
	v21 =	vadd.s32 v51, v21  }
0x408: {  	v51 =	vld [tilespmem:$0x1FE80];
	v21 =	vsel vm14, $0x0, v21  }
0x409: {  	v53 =	vadd.s32 v21, v2;
	v2 =	vadd.f32 v54, v55;
	v55 =	vld [tilespmem:$0x1FDB0]  }
0x40a: {  	v4 =	vsub.s32 v58, v4;
	v35 =	vadd.s32 v45, v46;
	v45 =	vld [tilespmem:$0x1FFB0]  }
0x40b: {  	[tilespmem:$0x710] =	vst v12;
	v31 =	vnsel vm12, $0x0, v8;
	vm12 =	vnez.u8 v63;
	v12 =	vsub.s32 v59, v17;
	v17 =	vld [tilespmem:$0x1FEF0]  }
0x40c: {  	v25 =	vsub.s32 v35, v25;
	v32 =	vnsel vm12, $0x0, v15;
	vm12 =	vnez.u8 v38;
	v54 =	vld [tilespmem:$0x1FEA0]  }
0x40d: {  	[tilespmem:$0x410] =	vst v7;
	v25 =	vadd.s32 v49, v25;
	v7 =	vnsel vm12, $0x0, v8;
	vm12 =	vnez.u8 v40;
	v40 =	vld [tilespmem:$0x1FF80]  }
0x40e: {  	[tilespmem:$0x610] =	vst v3;
	v3 =	vadd.s32 v52, v25;
	v25 =	vld [tilespmem:$0x1FF20];
	v35 =	vadd.s32 v50, v51;
	v21 =	vsub.s32 v55, v33  }
0x40f: {  	v46 =	vsub.s32 v37, v36;
	v19 =	vsub.s32 v35, v19;
	v35 =	vld [tilespmem:$0x1FF60];
	v21 =	vadd.s32 v62, v21  }
0x410: {  	v44 =	vnsel vm8, $0x0, v8;
	v47 =	vnsel vm9, $0x0, v15;
	v55 =	vld [tilespmem:$0x1FEB0];
	v21 =	vadd.s32 v39, v21  }
0x411: {  	[tilespmem:$0x690] =	vst v11;
	v11 =	vadd.f32 v61, v54;
	v61 =	vadd.f32 v32, v31;
	v31 =	vld [tilespmem:$0x1FF40];
	v21 =	vadd.s32 v42, v21  }
0x412: {  	[tilespmem:$0x890] =	vst v27;
	v33 =	vnsel vm12, $0x0, v15;
	vm12 =	vnez.u8 v41;
	v41 =	vld [tilespmem:$0x1FF90];
	v21 =	vsel vm15, $0x0, v21  }
0x413: {  	[tilespmem:$0x700] =	vst v1;
	v48 =	vnsel vm5, $0x0, v8;
	v58 =	vsel vm1, $0x0, v8;
	v1 =	vadd.s32 v21, v53;
	v53 =	vld [tilespmem:$0x892]  }
0x414: {  	[tilespmem:$0x490] =	vst v9;
	v59 =	vnsel vm3, $0x0, v15;
	v3 =	vnsel vm0, $0x0, v3;
	v9 =	vnsel vm12, $0x0, v8;
	v62 =	vld [tilespmem:$0x1FEE0]  }
0x415: {  	[tilespmem:$0x790] =	vst v14;
	vm12 =	vnez.u8 v43;
	v63 =	vadd.f32 v33, v7;
	v43 =	vld [tilespmem:$0x1FFA0];
	v19 =	vadd.s32 v55, v19  }
0x416: {  	[tilespmem:$0x510] =	vst v10;
	v34 =	vnsel vm12, $0x0, v15;
	v1 =	vadd.s32 v3, v1;
	v3 =	vadd.s32 v57, v19;
	v19 =	vld [tilespmem:$0x1FF10]  }
0x417: {  	[tilespmem:$0x590] =	vst v16;
	v32 =	vld [tilespmem:$0x1FF50];
	v54 =	vsub.s32 v20, v29;
	v9 =	vadd.f32 v34, v9;
	v42 =	vadd.f32 v47, v44  }
0x418: {  	[tilespmem:$0x4A0] =	vst v23;
	v4 =	vadd.s32 v41, v4;
	v55 =	vsel vm7, $0x0, v15;
	v23 =	vadd.s32 v27, v53;
	v27 =	vld [tilespmem:$0x1FF30]  }
0x419: {  	v39 =	vld [tilespmem:$0x1FF70];
	v12 =	vadd.s32 v62, v12;
	v4 =	vadd.s32 v56, v4;
	v57 =	vadd.s32 v30, v54;
	[tilespmem:$0x890] =	vst v23  }
0x41a: {  	[tilespmem:$0x5A0] =	vst v26;
	v62 =	vadd.f32 v59, v58;
	v3 =	vsel vm2, $0x0, v3;
	v7 =	vadd.s32 v17, v12;
	v33 =	vld [tilespmem:$0x894]  }
0x41b: {  	[tilespmem:$0x520] =	vst v24;
	v47 =	vld [tilespmem:$0x1FFC0];
	v4 =	vadd.s32 v43, v4;
	v7 =	vadd.s32 v18, v7;
	v12 =	vsub.s32 v19, v13  }
0x41c: {  	[tilespmem:$0x620] =	vst v22;
	v49 =	vld [tilespmem:$0x1FFD0];
	v1 =	vadd.s32 v3, v1;
	v7 =	vsel vm4, $0x0, v7;
	v12 =	vadd.s32 v25, v12  }
0x41d: {  	[tilespmem:$0x6A0] =	vst v6;
	v1 =	vadd.s32 v7, v1;
	v7 =	vadd.s32 v31, v12;
	v5 =	vsub.s32 v27, v5  }
0x41e: {  	[tilespmem:$0x720] =	vst v2;
	v4 =	vsel vm11, $0x0, v4;
	v7 =	vadd.s32 v35, v7;
	v5 =	vadd.s32 v32, v5  }
0x41f: {  	[tilespmem:$0x7A0] =	vst v11;
	v53 =	vld [tilespmem:$0x1FFE0];
	v7 =	vsel vm6, $0x0, v7;
	v5 =	vadd.s32 v39, v5;
	v44 =	vadd.s32 v23, v33  }
0x420: {  	vm12 =	vnez.u8 v47;
	v1 =	vadd.s32 v7, v1;
	v5 =	vadd.s32 v40, v5;
	[tilespmem:$0x890] =	vst v44  }
0x421: {  	[tilespmem:$0x430] =	vst v61;
	v7 =	vadd.s32 v49, v46;
	v5 =	vsel vm10, $0x0, v5;
	vm10 =	vnez.u8 v45;
	v50 =	vld [tilespmem:$0x898]  }
0x422: {  	[tilespmem:$0x4B0] =	vst v63;
	v10 =	vnsel vm12, $0x0, v8;
	v52 =	vadd.s32 v28, v7;
	v6 =	vnsel vm10, $0x0, v15  }
0x423: {  	[tilespmem:$0x530] =	vst v9;
	v0 =	vadd.s32 v0, v52;
	v1 =	vadd.s32 v5, v1;
	v6 =	vadd.f32 v6, v48  }
0x424: {  	[tilespmem:$0x5B0] =	vst v42;
	v48 =	vnsel vm13, $0x0, v15;
	v1 =	vadd.s32 v4, v1;
	vm13 =	vnez.u8 v53  }
0x425: {  	[tilespmem:$0x7B0] =	vst v62;
	v4 =	vadd.s32 v44, v57;
	v51 =	vadd.f32 v48, v10;
	v7 =	vnsel vm13, $0x0, v8  }
0x426: {  	v0 =	vsel vm14, $0x0, v0;
	v56 =	vadd.f32 v55, v7;
	[tilespmem:$0x630] =	vst v6;
	v61 =	vadd.s32 v50, v4  }
0x427: {  	v0 =	vadd.s32 v0, v1;
	[tilespmem:$0x6B0] =	vst v51;
	v63 =	vsel vm15, $0x0, v61  }
0x428: {  	[tilespmem:$0x730] =	vst v56;
	v0 =	vadd.s32 v63, v0  }
0x429: {  	[tilespmem:$0x800] =	vst v0  }
0x42a: {  	[hbm4b:s3+s2] =	stream.linear.scatter [tilespmem:s15], [sflag:$0x1], $0x40, $0x38;
	[tilespmem:$0x900] =	vst v63  }
0x42b: {  	_ =	swait.ge [sflag:s14], $0x40  }
0x42c: {  	[sflag:s14] =	ssyncset.done $0x0  }
0x42d: {  	[sflag:s14] =	ssyncadd.s32 $0xFFFFFFC0  }
0x42e: {  	[hbm4b:s5+s2] =	stream.linear.scatter [tilespmem:s16], [sflag:$0x1], $0x40, $0x38;
	[tilespmem:$0x900] =	vst v63  }
0x42f: {  	_ =	swait.ge [sflag:s14], $0x40  }
0x430: {  	[sflag:s14] =	ssyncset.done $0x0  }
0x431: {  	[sflag:s14] =	ssyncadd.s32 $0xFFFFFFC0  }
0x432: {  	[hbm4b:s6+s2] =	stream.linear.scatter [tilespmem:s17], [sflag:$0x1], $0x40, $0x38;
	[tilespmem:$0x900] =	vst v63  }
0x433: {  	_ =	swait.ge [sflag:s14], $0x40  }
0x434: {  	[sflag:s14] =	ssyncset.done $0x0  }
0x435: {  	[sflag:s14] =	ssyncadd.s32 $0xFFFFFFC0  }
0x436: {  	[hbm4b:s7+s2] =	stream.linear.scatter [tilespmem:s18], [sflag:$0x1], $0x40, $0x38;
	[tilespmem:$0x900] =	vst v63  }
0x437: {  	_ =	swait.ge [sflag:s14], $0x40  }
0x438: {  	[sflag:s14] =	ssyncset.done $0x0  }
0x439: {  	[sflag:s14] =	ssyncadd.s32 $0xFFFFFFC0  }
0x43a: {  	[hbm4b:s8+s2] =	stream.linear.scatter [tilespmem:s19], [sflag:$0x1], $0x40, $0x38;
	[tilespmem:$0x900] =	vst v63  }
0x43b: {  	_ =	swait.ge [sflag:s14], $0x40  }
0x43c: {  	[sflag:s14] =	ssyncset.done $0x0  }
0x43d: {  	[sflag:s14] =	ssyncadd.s32 $0xFFFFFFC0  }
0x43e: {  	[hbm4b:s9+s2] =	stream.linear.scatter [tilespmem:s20], [sflag:$0x1], $0x40, $0x38;
	[tilespmem:$0x900] =	vst v63  }
0x43f: {  	_ =	swait.ge [sflag:s14], $0x40  }
0x440: {  	[sflag:s14] =	ssyncset.done $0x0  }
0x441: {  	[sflag:s14] =	ssyncadd.s32 $0xFFFFFFC0  }
0x442: {  	[hbm4b:s10+s2] =	stream.linear.scatter [tilespmem:s21], [sflag:$0x1], $0x40, $0x38;
	[tilespmem:$0x900] =	vst v63  }
0x443: {  	_ =	swait.ge [sflag:s14], $0x40  }
0x444: {  	[sflag:s14] =	ssyncset.done $0x0  }
0x445: {  	[sflag:s14] =	ssyncadd.s32 $0xFFFFFFC0  }
0x446: {  	[hbm4b:s11+s2] =	stream.linear.scatter [tilespmem:s22], [sflag:$0x1], $0x40, $0x38;
	[tilespmem:$0x900] =	vst v63  }
0x447: {  	_ =	swait.ge [sflag:s14], $0x40  }
0x448: {  	p0 =	sne.s32 s13, $0x1;
	[sflag:s14] =	ssyncset.done $0x0  }
.Ltmp0:
0x449: {  	[sflag:s14] =	ssyncadd.s32 $0xFFFFFFC0;
	(pc) =	sbr.rel @p0 .LBB2_1-.Ltmp0, $4  }
0x44a: {  	[hbm4b:s12+s2] =	stream.linear.scatter [tilespmem:s23], [sflag:$0x1], $0x80, $0x38;
	[tilespmem:$0x900] =	vst v63  }
0x44b: {  	_ =	swait.ge [sflag:s14], $0x80  }
0x44c: {  	[sflag:s14] =	ssyncset.done $0x0  }
0x44d: {  	s13 =	sadd.s32 $0xFFFFFFFF, s13;
	[sflag:s14] =	ssyncadd.s32 $0xFFFFFF80  }
0x44e: {  	_ =	sfence.sel $0x180000  }
0x44f: {  	[bflag:$0x0] =	sbarrier.arrive $0xFFFF  }
0x450: {  	p0 =	sne.s32 s1, $0x0;
	_ =	strace $0x90000047  }
0x451: {  	s0 =	sadd.s32 @!p0 $0x100000, s0;
	[bflag:$0x2] =	sbarrier.arrive $0xFFFF  }
0x452: {  	[sflag:s0] =	ssyncadd.tile.s32 @!p0 $0x1;
	_ =	shalt  }
.Lfunc_end2:
_tile_overlayer_lowered:
.L_overlay_start_2:
0x453: {  	(tag) =	ssettag $0x2  }
0x454: {  	s0 =	rddreg [dreg:$0x0];
	s2 =	stileid.u32  }
0x455: {  	s1 =	rddreg [dreg:$0x1];
	p0 =	sne.s32 s2, $0x0  }
0x456: {  	s3 =	rddreg [dreg:$0x2];
	[bflag:$0x3] =	sbarrier.arrive $0xFFFF;
	s2 =	simm.s32 @!p0 $0x1C01  }
0x457: {  	[timem:s3], [sflag:s2] =	dma.local @!p0 [hbm:s0], s1  }
0x458: {  	s0 =	simm.s32 @!p0 $0x1  }
0x459: {  	_ =	swait.ge @!p0 [sflag:s0], s1  }
0x45a: {  	s1 =	ssub.s32 @!p0 $0x0, s1;
	[sflag:s0] =	ssyncset.done @!p0 $0x0  }
0x45b: {  	[sflag:s0] =	ssyncadd.s32 @!p0 s1  }
0x45c: {  	[bflag:$0x3] =	sbarrier.arrive $0xFFFF  }
0x45d: {  	_ =	shalt  }

</sc_bundles>
